<compile_context>
chip_gen: v7x
topology: tpu7x:2x2x1
jax: 0.10.2.dev20260603
libtpu: 0.0.44.dev20260713+nightly
codegen_flags: <defaults>
</compile_context>

<pallas_src>
import functools

import jax
import jax.numpy as jnp
from jax import lax
from jax.experimental import pallas as pl
from jax.experimental.pallas import tpu as pltpu
from jax.experimental.pallas import tpu_sc as plsc

_NC = 2
_NS = 16
_LANES = 16
_NW = _NC * _NS


def _row_sums_sc(ids_flat, table, b, s, d, row_base):
  bpw = b // _NW
  half = bpw // 2
  chunks = []
  off = 0
  while off < s:
    sz = min(128, s - off)
    chunks.append((off, sz))
    off += sz
  nacc = d // _LANES
  inv_s = 1.0 / s
  nfull = s // _LANES
  tail = s - nfull * _LANES
  spad = s + (_LANES - tail if tail else 0)

  mesh = plsc.VectorSubcoreMesh(
      core_axis_name="c", subcore_axis_name="s", num_cores=_NC,
      num_subcores=_NS)

  @functools.partial(
      pl.kernel,
      out_type=(jax.ShapeDtypeStruct((b, d), jnp.float32),
                jax.ShapeDtypeStruct((b, d), jnp.float32),
                jax.ShapeDtypeStruct((b, _LANES), jnp.float32)),
      mesh=mesh,
      scratch_types=[
          pltpu.VMEM((spad,), jnp.int32),
          pltpu.VMEM((spad,), jnp.int32),
          pltpu.VMEM((s, d), jnp.float32),
          pltpu.VMEM((s, d), jnp.float32),
          pltpu.VMEM((2, d), jnp.float32),
          pltpu.VMEM((2, d), jnp.float32),
          pltpu.VMEM((bpw, _LANES), jnp.float32),
          pltpu.SemaphoreType.DMA,
          pltpu.SemaphoreType.DMA,
          pltpu.SemaphoreType.DMA,
          pltpu.SemaphoreType.DMA,
          pltpu.SemaphoreType.DMA,
          pltpu.SemaphoreType.DMA,
      ],
  )
  def sums_kernel(ids_hbm, table_hbm, out_hbm, amp_hbm, nz_hbm, idx_a,
                  idx_b, buf0, buf1, acc, amp_acc, nz_buf, sem0, sem1,
                  sem_ia, sem_ib, sem_out, sem_amp):
    wid = lax.axis_index("s") * _NC + lax.axis_index("c")
    row0 = wid * bpw
    grow0 = row_base + row0

    lane = lax.iota(jnp.int32, _LANES)
    zvec = jnp.zeros((_LANES,), jnp.float32)
    one = jnp.ones((_LANES,), jnp.float32)

    def fire_idx(local_row, idxref, sem):
      base = pl.multiple_of((grow0 + local_row) * s, 8)
      pltpu.async_copy(ids_hbm.at[pl.ds(base, s)], idxref.at[pl.ds(0, s)],
                       sem)

    def drain_idx(idxref, sem):
      pltpu.make_async_copy(ids_hbm.at[pl.ds(0, s)], idxref.at[pl.ds(0, s)],
                            sem).wait()

    def fire_gather(idxref, bufref, sem):
      for coff, csz in chunks:
        pltpu.async_copy(
            table_hbm.at[idxref.at[pl.ds(coff, csz)]],
            bufref.at[pl.ds(coff, csz)], sem)

    def drain_gather(bufref, sem):
      for coff, csz in chunks:
        pltpu.make_async_copy(
            table_hbm.at[idx_a.at[pl.ds(coff, csz)]],
            bufref.at[pl.ds(coff, csz)], sem).wait()

    def accumulate(bufref, slot):
      def acc_body(j, accs):
        j2 = j * 2
        mid = tuple(accs[h] + bufref[j2, pl.ds(h * _LANES, _LANES)]
                    for h in range(nacc))
        return tuple(mid[h] + bufref[j2 + 1, pl.ds(h * _LANES, _LANES)]
                     for h in range(nacc))

      accs = lax.fori_loop(
          0, s // 2, acc_body,
          tuple(jnp.zeros((_LANES,), jnp.float32) for _ in range(nacc)))
      for h in range(nacc):
        acc[slot, pl.ds(h * _LANES, _LANES)] = accs[h]
        amp_acc[slot, pl.ds(h * _LANES, _LANES)] = accs[h] * inv_s

    def count_zeros(idxref):
      cnt = zvec
      for k in range(nfull):
        vals = idxref[pl.ds(k * _LANES, _LANES)]
        cnt = cnt + jnp.where(vals == 0, one, zvec)
      if tail:
        vals = idxref[pl.ds(nfull * _LANES, _LANES)]
        cnt = cnt + (jnp.where(vals == 0, one, zvec)
                     * jnp.where(lane < tail, one, zvec))
      return cnt

    fire_idx(0, idx_a, sem_ia)
    drain_idx(idx_a, sem_ia)
    fire_gather(idx_a, buf0, sem0)
    fire_idx(1, idx_b, sem_ib)

    def pair_body(g, carry):
      r0 = g * 2
      more = g < half - 1
      drain_idx(idx_b, sem_ib)
      fire_gather(idx_b, buf1, sem1)

      drain_gather(buf0, sem0)
      nz_buf[r0, pl.ds(0, _LANES)] = count_zeros(idx_a)

      @pl.when(more)
      def _():
        fire_idx(r0 + 2, idx_a, sem_ia)

      @pl.when(g > 0)
      def _():
        pltpu.make_async_copy(acc, out_hbm.at[pl.ds(0, 2)], sem_out).wait()
        pltpu.make_async_copy(amp_acc, amp_hbm.at[pl.ds(0, 2)],
                              sem_amp).wait()

      accumulate(buf0, 0)

      @pl.when(more)
      def _():
        drain_idx(idx_a, sem_ia)
        fire_gather(idx_a, buf0, sem0)

      drain_gather(buf1, sem1)
      nz_buf[r0 + 1, pl.ds(0, _LANES)] = count_zeros(idx_b)

      @pl.when(more)
      def _():
        fire_idx(r0 + 3, idx_b, sem_ib)

      accumulate(buf1, 1)
      pltpu.async_copy(acc, out_hbm.at[pl.ds(row0 + r0, 2)], sem_out)
      pltpu.async_copy(amp_acc, amp_hbm.at[pl.ds(row0 + r0, 2)], sem_amp)
      return carry

    lax.fori_loop(0, half, pair_body, 0)
    pltpu.make_async_copy(acc, out_hbm.at[pl.ds(0, 2)], sem_out).wait()
    pltpu.make_async_copy(amp_acc, amp_hbm.at[pl.ds(0, 2)], sem_amp).wait()
    pltpu.sync_copy(nz_buf, nz_hbm.at[pl.ds(row0, bpw)])

  return sums_kernel(ids_flat, table)


def _post_tc(sums, nz16, t0, b, s, h):
  bb = 512
  grid = (b // bb,)
  inv_s = 1.0 / s

  def post_kernel(sums_ref, nz_ref, t0_ref, outr_ref, outi_ref, prob_ref,
                  phase_ref):
    nz = jnp.sum(nz_ref[...], axis=1, keepdims=True)
    cnt = s - nz
    tot = sums_ref[...]
    tr = tot[:, :h]
    ti = tot[:, h:]
    t0v = t0_ref[...]
    t0r = t0v[:, :h]
    t0i = t0v[:, h:]
    good = (cnt > 0.0).astype(jnp.float32)
    scale = good / (cnt + 1e-9)
    pr = (tr - nz * t0r) * scale
    pi = (ti - nz * t0i) * scale
    s2 = jnp.sum(pr * pr + pi * pi, axis=1, keepdims=True)
    norm = jnp.sqrt(s2) + 1e-9
    outr = pr / norm
    outi = pi / norm
    outr_ref[...] = outr
    outi_ref[...] = outi
    prob_ref[...] = outr * outr + outi * outi
    phase_ref[...] = jnp.arctan2(outi, outr)

  d = 2 * h
  out_spec = pl.BlockSpec((bb, h), lambda i: (i, 0))
  return pl.pallas_call(
      post_kernel,
      grid=grid,
      in_specs=[
          pl.BlockSpec((bb, d), lambda i: (i, 0)),
          pl.BlockSpec((bb, 16), lambda i: (i, 0)),
          pl.BlockSpec((1, d), lambda i: (0, 0)),
      ],
      out_specs=[out_spec] * 4,
      out_shape=[jax.ShapeDtypeStruct((b, h), jnp.float32)] * 4,
  )(sums, nz16, t0)


def kernel(input_ids, word_table):
  b, s = input_ids.shape
  v, d = word_table.shape
  h = d // 2
  t0 = word_table[0:1]
  splits = (3 * b // 4, b // 4)
  states, probs, phases, amps = [], [], [], []
  base = 0
  for nb in splits:
    ids_part = input_ids[base:base + nb].reshape(-1).astype(jnp.int32)
    sums, amp_flat, nz = _row_sums_sc(ids_part, word_table, nb, s, d, 0)
    outr, outi, prob, phase = _post_tc(sums, nz, t0, nb, s, h)
    states.append(jax.lax.complex(outr, outi))
    probs.append(prob)
    phases.append(phase)
    amps.append(amp_flat)
    base += nb
  state = jnp.concatenate(states, axis=0)
  amplitudes = jnp.concatenate(amps, axis=0).reshape(b, 2, h).transpose(
      0, 2, 1)
  return (state, amplitudes, jnp.concatenate(probs, axis=0),
          jnp.concatenate(phases, axis=0))

# --- scband reference (transcript-rebuilt; emitter-appended) ---
"""Pipeline reference for scband-hilbert-space-embedding-12463995093791 (READ-ONLY COPY).

The authoritative reference and input builder live on the scoring server;
editing this copy changes nothing except your own understanding.
"""

import jax, jax.numpy as jnp
import numpy as np

VOCAB = 100000
H = 128
B = 4096
S = 200

def setup_inputs(seed: int = 0) -> dict:
    key = jax.random.key(seed)
    k1, k2 = jax.random.split(key)
    input_ids = jax.random.randint(k1, (B, S), 0, VOCAB)
    word_table = jax.random.normal(k2, (VOCAB, 2 * H), dtype=jnp.float32) * 0.02
    return {"input_ids": input_ids, "word_table": word_table}

def reference(input_ids, word_table):
    # word_embed lookup -> [B, S, 2H]
    word_emb = jnp.take(word_table, input_ids, axis=0)
    real = word_emb[:, :, :H]
    imag = word_emb[:, :, H:]
    state_vector = jax.lax.complex(real, imag)
    # mask padding (token id 0)
    mask = (input_ids != 0)[:, :, None].astype(jnp.float32)
    state_pooled = jnp.sum(state_vector * mask, axis=1) / (jnp.sum(mask, axis=1) + 1e-9)
    # torch.norm on complex = Frobenius norm = sqrt(sum |z|^2)
    norm = jnp.sqrt(jnp.sum(jnp.abs(state_pooled) ** 2, axis=-1, keepdims=True)) + 1e-9
    state_normalized = state_pooled / norm
    probabilities = jnp.abs(state_normalized) ** 2
    phase = jnp.angle(state_normalized)
    amplitudes = jnp.stack([jnp.mean(real, axis=1), jnp.mean(imag, axis=1)], axis=-1)
    # basis_states are python strings ['|0>', ...]; omitted from array outputs
    return (state_normalized, amplitudes, probabilities, phase)

if __name__ == "__main__":
    import jax
    _d = setup_inputs()
    print(jax.jit(kernel)(*tuple(_d.values())))

</pallas_src>

<mosaic_0001>
#map = affine_map<(d0, d1) -> (0)>
#map1 = affine_map<(d0, d1) -> (0, 0)>
module attributes {stable_mosaic.version = 14 : i64} {
  func.func @sums_kernel(%arg0: i32, %arg1: i32, %arg2: memref<204800xi32, #tpu.memory_space<hbm>>, %arg3: memref<100000x256xf32, #tpu.memory_space<hbm>>, %arg4: memref<1024x256xf32, #tpu.memory_space<hbm>>, %arg5: memref<1024x256xf32, #tpu.memory_space<hbm>>, %arg6: memref<1024x16xf32, #tpu.memory_space<hbm>>, %arg7: memref<208xi32, #tpu.memory_space<vmem>>, %arg8: memref<208xi32, #tpu.memory_space<vmem>>, %arg9: memref<200x256xf32, #tpu.memory_space<vmem>>, %arg10: memref<200x256xf32, #tpu.memory_space<vmem>>, %arg11: memref<2x256xf32, #tpu.memory_space<vmem>>, %arg12: memref<2x256xf32, #tpu.memory_space<vmem>>, %arg13: memref<32x16xf32, #tpu.memory_space<vmem>>, %arg14: memref<!tpu.dma_semaphore, #tpu.memory_space<semaphore_mem>>, %arg15: memref<!tpu.dma_semaphore, #tpu.memory_space<semaphore_mem>>, %arg16: memref<!tpu.dma_semaphore, #tpu.memory_space<semaphore_mem>>, %arg17: memref<!tpu.dma_semaphore, #tpu.memory_space<semaphore_mem>>, %arg18: memref<!tpu.dma_semaphore, #tpu.memory_space<semaphore_mem>>, %arg19: memref<!tpu.dma_semaphore, #tpu.memory_space<semaphore_mem>>) attributes {dimension_semantics = [#tpu.dimension_semantics<core_parallel>, #tpu.dimension_semantics<subcore_parallel>], iteration_bounds = array<i64: 2, 16>, scalar_prefetch = 0 : i64, scratch_operands = 13 : i64, tpu.core_type = #tpu.core_type<sc_vector_subcore>, window_params = [{transform_indices = #map}, {transform_indices = #map1}, {transform_indices = #map1}, {transform_indices = #map1}, {transform_indices = #map1}]} {
    %mul3A = arith.constant 2 : i32
    %mul3A_0 = arith.muli %arg1, %mul3A : i32
    %add3A = arith.addi %mul3A_0, %arg0 : i32
    %mul3A_1 = arith.constant 32 : i32
    %mul3A_2 = arith.muli %add3A, %mul3A_1 : i32
    %add3A_3 = arith.constant 0 : i32
    %add3A_4 = arith.addi %add3A_3, %mul3A_2 : i32
    %iota3A = tpu.iota {dimensions = array<i32: 0>} : vector<16xi32>
    %broadcast_in_dim3A = arith.constant 0.000000e+00 : f32
    %broadcast_in_dim3A_5 = vector.broadcast %broadcast_in_dim3A : f32 to vector<16xf32>
    %broadcast_in_dim3A_6 = arith.constant 1.000000e+00 : f32
    %broadcast_in_dim3A_7 = vector.broadcast %broadcast_in_dim3A_6 : f32 to vector<16xf32>
    %add3A_8 = arith.constant 0 : i32
    %add3A_9 = arith.addi %add3A_4, %add3A_8 : i32
    %mul3A_10 = arith.constant 200 : i32
    %mul3A_11 = arith.muli %add3A_9, %mul3A_10 : i32
    %multiple_of3A = tpu.assume_multiple %mul3A_11, 8 : i32
    %dma_start3A = arith.constant 0 : i32
    %dma_start3A_12 = tpu.memref_slice %arg7[%dma_start3A] : memref<208xi32, #tpu.memory_space<vmem>> -> memref<200xi32, #tpu.memory_space<vmem>>
    %dma_start3A_13 = tpu.memref_slice %arg2[%multiple_of3A] : memref<204800xi32, #tpu.memory_space<hbm>> -> memref<200xi32, #tpu.memory_space<hbm>>
    %dma_start3A_14 = arith.constant 0 : i32
    %dma_start3A_15 = tpu.memref_slice %arg7[%dma_start3A_14] : memref<208xi32, #tpu.memory_space<vmem>> -> memref<200xi32, #tpu.memory_space<vmem>>
    %dma_start3A_16 = tpu.memref_slice %arg2[%multiple_of3A] : memref<204800xi32, #tpu.memory_space<hbm>> -> memref<200xi32, #tpu.memory_space<hbm>>
    tpu.enqueue_dma source(%dma_start3A_16 : memref<200xi32, #tpu.memory_space<hbm>>) target(%dma_start3A_15 : memref<200xi32, #tpu.memory_space<vmem>>) target_semaphore(%arg16 : memref<!tpu.dma_semaphore, #tpu.memory_space<semaphore_mem>>)
    %dma_wait3A = arith.constant 0 : i32
    %dma_wait3A_17 = tpu.memref_slice %arg7[%dma_wait3A] : memref<208xi32, #tpu.memory_space<vmem>> -> memref<200xi32, #tpu.memory_space<vmem>>
    %dma_wait3A_18 = arith.constant 0 : i32
    %dma_wait3A_19 = tpu.memref_slice %arg2[%dma_wait3A_18] : memref<204800xi32, #tpu.memory_space<hbm>> -> memref<200xi32, #tpu.memory_space<hbm>>
    %dma_wait3A_20 = arith.constant 0 : i32
    %dma_wait3A_21 = tpu.memref_slice %arg7[%dma_wait3A_20] : memref<208xi32, #tpu.memory_space<vmem>> -> memref<200xi32, #tpu.memory_space<vmem>>
    %dma_wait3A_22 = arith.constant 0 : i32
    %dma_wait3A_23 = tpu.memref_slice %arg2[%dma_wait3A_22] : memref<204800xi32, #tpu.memory_space<hbm>> -> memref<200xi32, #tpu.memory_space<hbm>>
    tpu.wait_dma2 semaphore(%arg16 : memref<!tpu.dma_semaphore, #tpu.memory_space<semaphore_mem>>) src(%dma_wait3A_23 : memref<200xi32, #tpu.memory_space<hbm>>) dst(%dma_wait3A_21 : memref<200xi32, #tpu.memory_space<vmem>>)
    %dma_start3A_24 = arith.constant 0 : i32
    %dma_start3A_25 = arith.constant 0 : i32
    %dma_start3A_26 = tpu.memref_slice %arg9[%dma_start3A_24, %dma_start3A_25] : memref<200x256xf32, #tpu.memory_space<vmem>> -> memref<128x256xf32, #tpu.memory_space<vmem>>
    %dma_start3A_27 = arith.constant 0 : i32
    %dma_start3A_28 = tpu.memref_slice %arg7[%dma_start3A_27] : memref<208xi32, #tpu.memory_space<vmem>> -> memref<128xi32, #tpu.memory_space<vmem>>
    %dma_start3A_29 = arith.constant 0 : i32
    %dma_start3A_30 = arith.constant 0 : i32
    %dma_start3A_31 = tpu.memref_slice %arg3[%dma_start3A_29, %dma_start3A_30] : memref<100000x256xf32, #tpu.memory_space<hbm>> -> memref<100000x256xf32, #tpu.memory_space<hbm>>
    tpu.enqueue_indirect_dma source(%dma_start3A_31 : memref<100000x256xf32, #tpu.memory_space<hbm>>) target(%dma_start3A_26 : memref<128x256xf32, #tpu.memory_space<vmem>>) offsets(%dma_start3A_28 : memref<128xi32, #tpu.memory_space<vmem>>) semaphore(%arg14 : memref<!tpu.dma_semaphore, #tpu.memory_space<semaphore_mem>>)
    %dma_start3A_32 = arith.constant 128 : i32
    %dma_start3A_33 = arith.constant 0 : i32
    %dma_start3A_34 = tpu.memref_slice %arg9[%dma_start3A_32, %dma_start3A_33] : memref<200x256xf32, #tpu.memory_space<vmem>> -> memref<72x256xf32, #tpu.memory_space<vmem>>
    %dma_start3A_35 = arith.constant 128 : i32
    %dma_start3A_36 = tpu.memref_slice %arg7[%dma_start3A_35] : memref<208xi32, #tpu.memory_space<vmem>> -> memref<72xi32, #tpu.memory_space<vmem>>
    %dma_start3A_37 = arith.constant 0 : i32
    %dma_start3A_38 = arith.constant 0 : i32
    %dma_start3A_39 = tpu.memref_slice %arg3[%dma_start3A_37, %dma_start3A_38] : memref<100000x256xf32, #tpu.memory_space<hbm>> -> memref<100000x256xf32, #tpu.memory_space<hbm>>
    tpu.enqueue_indirect_dma source(%dma_start3A_39 : memref<100000x256xf32, #tpu.memory_space<hbm>>) target(%dma_start3A_34 : memref<72x256xf32, #tpu.memory_space<vmem>>) offsets(%dma_start3A_36 : memref<72xi32, #tpu.memory_space<vmem>>) semaphore(%arg14 : memref<!tpu.dma_semaphore, #tpu.memory_space<semaphore_mem>>)
    %add3A_40 = arith.constant 1 : i32
    %add3A_41 = arith.addi %add3A_4, %add3A_40 : i32
    %mul3A_42 = arith.constant 200 : i32
    %mul3A_43 = arith.muli %add3A_41, %mul3A_42 : i32
    %multiple_of3A_44 = tpu.assume_multiple %mul3A_43, 8 : i32
    %dma_start3A_45 = arith.constant 0 : i32
    %dma_start3A_46 = tpu.memref_slice %arg8[%dma_start3A_45] : memref<208xi32, #tpu.memory_space<vmem>> -> memref<200xi32, #tpu.memory_space<vmem>>
    %dma_start3A_47 = tpu.memref_slice %arg2[%multiple_of3A_44] : memref<204800xi32, #tpu.memory_space<hbm>> -> memref<200xi32, #tpu.memory_space<hbm>>
    %dma_start3A_48 = arith.constant 0 : i32
    %dma_start3A_49 = tpu.memref_slice %arg8[%dma_start3A_48] : memref<208xi32, #tpu.memory_space<vmem>> -> memref<200xi32, #tpu.memory_space<vmem>>
    %dma_start3A_50 = tpu.memref_slice %arg2[%multiple_of3A_44] : memref<204800xi32, #tpu.memory_space<hbm>> -> memref<200xi32, #tpu.memory_space<hbm>>
    tpu.enqueue_dma source(%dma_start3A_50 : memref<200xi32, #tpu.memory_space<hbm>>) target(%dma_start3A_49 : memref<200xi32, #tpu.memory_space<vmem>>) target_semaphore(%arg17 : memref<!tpu.dma_semaphore, #tpu.memory_space<semaphore_mem>>)
    %scan3A = arith.constant 0 : i32
    %scan3A_51 = arith.constant 0 : i32
    %scan3A_52 = arith.constant 16 : i32
    %scan3A_53 = arith.addi %scan3A_51, %scan3A_52 : i32
    %scan3A_54 = arith.constant 1 : i32
    scf.for %scan3A_68 = %scan3A_51 to %scan3A_53 step %scan3A_54  : i32 {
      %mul3A_69 = arith.constant 2 : i32
      %mul3A_70 = arith.muli %scan3A_68, %mul3A_69 : i32
      %lt3A = arith.constant 15 : i32
      %lt3A_71 = arith.cmpi slt, %scan3A_68, %lt3A : i32
      %dma_wait3A_72 = arith.constant 0 : i32
      %dma_wait3A_73 = tpu.memref_slice %arg8[%dma_wait3A_72] : memref<208xi32, #tpu.memory_space<vmem>> -> memref<200xi32, #tpu.memory_space<vmem>>
      %dma_wait3A_74 = arith.constant 0 : i32
      %dma_wait3A_75 = tpu.memref_slice %arg2[%dma_wait3A_74] : memref<204800xi32, #tpu.memory_space<hbm>> -> memref<200xi32, #tpu.memory_space<hbm>>
      %dma_wait3A_76 = arith.constant 0 : i32
      %dma_wait3A_77 = tpu.memref_slice %arg8[%dma_wait3A_76] : memref<208xi32, #tpu.memory_space<vmem>> -> memref<200xi32, #tpu.memory_space<vmem>>
      %dma_wait3A_78 = arith.constant 0 : i32
      %dma_wait3A_79 = tpu.memref_slice %arg2[%dma_wait3A_78] : memref<204800xi32, #tpu.memory_space<hbm>> -> memref<200xi32, #tpu.memory_space<hbm>>
      tpu.wait_dma2 semaphore(%arg17 : memref<!tpu.dma_semaphore, #tpu.memory_space<semaphore_mem>>) src(%dma_wait3A_79 : memref<200xi32, #tpu.memory_space<hbm>>) dst(%dma_wait3A_77 : memref<200xi32, #tpu.memory_space<vmem>>)
      %dma_start3A_80 = arith.constant 0 : i32
      %dma_start3A_81 = arith.constant 0 : i32
      %dma_start3A_82 = tpu.memref_slice %arg10[%dma_start3A_80, %dma_start3A_81] : memref<200x256xf32, #tpu.memory_space<vmem>> -> memref<128x256xf32, #tpu.memory_space<vmem>>
      %dma_start3A_83 = arith.constant 0 : i32
      %dma_start3A_84 = tpu.memref_slice %arg8[%dma_start3A_83] : memref<208xi32, #tpu.memory_space<vmem>> -> memref<128xi32, #tpu.memory_space<vmem>>
      %dma_start3A_85 = arith.constant 0 : i32
      %dma_start3A_86 = arith.constant 0 : i32
      %dma_start3A_87 = tpu.memref_slice %arg3[%dma_start3A_85, %dma_start3A_86] : memref<100000x256xf32, #tpu.memory_space<hbm>> -> memref<100000x256xf32, #tpu.memory_space<hbm>>
      tpu.enqueue_indirect_dma source(%dma_start3A_87 : memref<100000x256xf32, #tpu.memory_space<hbm>>) target(%dma_start3A_82 : memref<128x256xf32, #tpu.memory_space<vmem>>) offsets(%dma_start3A_84 : memref<128xi32, #tpu.memory_space<vmem>>) semaphore(%arg15 : memref<!tpu.dma_semaphore, #tpu.memory_space<semaphore_mem>>)
      %dma_start3A_88 = arith.constant 128 : i32
      %dma_start3A_89 = arith.constant 0 : i32
      %dma_start3A_90 = tpu.memref_slice %arg10[%dma_start3A_88, %dma_start3A_89] : memref<200x256xf32, #tpu.memory_space<vmem>> -> memref<72x256xf32, #tpu.memory_space<vmem>>
      %dma_start3A_91 = arith.constant 128 : i32
      %dma_start3A_92 = tpu.memref_slice %arg8[%dma_start3A_91] : memref<208xi32, #tpu.memory_space<vmem>> -> memref<72xi32, #tpu.memory_space<vmem>>
      %dma_start3A_93 = arith.constant 0 : i32
      %dma_start3A_94 = arith.constant 0 : i32
      %dma_start3A_95 = tpu.memref_slice %arg3[%dma_start3A_93, %dma_start3A_94] : memref<100000x256xf32, #tpu.memory_space<hbm>> -> memref<100000x256xf32, #tpu.memory_space<hbm>>
      tpu.enqueue_indirect_dma source(%dma_start3A_95 : memref<100000x256xf32, #tpu.memory_space<hbm>>) target(%dma_start3A_90 : memref<72x256xf32, #tpu.memory_space<vmem>>) offsets(%dma_start3A_92 : memref<72xi32, #tpu.memory_space<vmem>>) semaphore(%arg15 : memref<!tpu.dma_semaphore, #tpu.memory_space<semaphore_mem>>)
      %dma_wait3A_96 = arith.constant 0 : i32
      %dma_wait3A_97 = arith.constant 0 : i32
      %dma_wait3A_98 = tpu.memref_slice %arg9[%dma_wait3A_96, %dma_wait3A_97] : memref<200x256xf32, #tpu.memory_space<vmem>> -> memref<128x256xf32, #tpu.memory_space<vmem>>
      %dma_wait3A_99 = arith.constant 0 : i32
      %dma_wait3A_100 = tpu.memref_slice %arg7[%dma_wait3A_99] : memref<208xi32, #tpu.memory_space<vmem>> -> memref<128xi32, #tpu.memory_space<vmem>>
      %dma_wait3A_101 = arith.constant 0 : i32
      %dma_wait3A_102 = arith.constant 0 : i32
      %dma_wait3A_103 = tpu.memref_slice %arg3[%dma_wait3A_101, %dma_wait3A_102] : memref<100000x256xf32, #tpu.memory_space<hbm>> -> memref<100000x256xf32, #tpu.memory_space<hbm>>
      tpu.wait_indirect_dma semaphore(%arg14 : memref<!tpu.dma_semaphore, #tpu.memory_space<semaphore_mem>>) src(%dma_wait3A_103 : memref<100000x256xf32, #tpu.memory_space<hbm>>) dst(%dma_wait3A_98 : memref<128x256xf32, #tpu.memory_space<vmem>>)
      %dma_wait3A_104 = arith.constant 128 : i32
      %dma_wait3A_105 = arith.constant 0 : i32
      %dma_wait3A_106 = tpu.memref_slice %arg9[%dma_wait3A_104, %dma_wait3A_105] : memref<200x256xf32, #tpu.memory_space<vmem>> -> memref<72x256xf32, #tpu.memory_space<vmem>>
      %dma_wait3A_107 = arith.constant 128 : i32
      %dma_wait3A_108 = tpu.memref_slice %arg7[%dma_wait3A_107] : memref<208xi32, #tpu.memory_space<vmem>> -> memref<72xi32, #tpu.memory_space<vmem>>
      %dma_wait3A_109 = arith.constant 0 : i32
      %dma_wait3A_110 = arith.constant 0 : i32
      %dma_wait3A_111 = tpu.memref_slice %arg3[%dma_wait3A_109, %dma_wait3A_110] : memref<100000x256xf32, #tpu.memory_space<hbm>> -> memref<100000x256xf32, #tpu.memory_space<hbm>>
      tpu.wait_indirect_dma semaphore(%arg14 : memref<!tpu.dma_semaphore, #tpu.memory_space<semaphore_mem>>) src(%dma_wait3A_111 : memref<100000x256xf32, #tpu.memory_space<hbm>>) dst(%dma_wait3A_106 : memref<72x256xf32, #tpu.memory_space<vmem>>)
      %get3A = arith.constant 0 : index
      %get3A_112 = tpu.vector_load %arg7[%get3A] {strides = array<i32>} : memref<208xi32, #tpu.memory_space<vmem>>, vector<16xi32>,
      %get3A_113 = vector.shape_cast %get3A_112 : vector<16xi32> to vector<16xi32>
      %eq3A = arith.constant 0 : i32
      %eq3A_114 = vector.broadcast %eq3A : i32 to vector<16xi32>
      %eq3A_115 = arith.cmpi eq, %get3A_113, %eq3A_114 : vector<16xi32>
      %select_n3A = arith.select %eq3A_115, %broadcast_in_dim3A_7, %broadcast_in_dim3A_5 : vector<16xi1>, vector<16xf32>
      %add3A_116 = arith.addf %broadcast_in_dim3A_5, %select_n3A : vector<16xf32>
      %get3A_117 = arith.constant 16 : index
      %get3A_118 = tpu.vector_load %arg7[%get3A_117] {strides = array<i32>} : memref<208xi32, #tpu.memory_space<vmem>>, vector<16xi32>,
      %get3A_119 = vector.shape_cast %get3A_118 : vector<16xi32> to vector<16xi32>
      %eq3A_120 = arith.constant 0 : i32
      %eq3A_121 = vector.broadcast %eq3A_120 : i32 to vector<16xi32>
      %eq3A_122 = arith.cmpi eq, %get3A_119, %eq3A_121 : vector<16xi32>
      %select_n3A_123 = arith.select %eq3A_122, %broadcast_in_dim3A_7, %broadcast_in_dim3A_5 : vector<16xi1>, vector<16xf32>
      %add3A_124 = arith.addf %add3A_116, %select_n3A_123 : vector<16xf32>
      %get3A_125 = arith.constant 32 : index
      %get3A_126 = tpu.vector_load %arg7[%get3A_125] {strides = array<i32>} : memref<208xi32, #tpu.memory_space<vmem>>, vector<16xi32>,
      %get3A_127 = vector.shape_cast %get3A_126 : vector<16xi32> to vector<16xi32>
      %eq3A_128 = arith.constant 0 : i32
      %eq3A_129 = vector.broadcast %eq3A_128 : i32 to vector<16xi32>
      %eq3A_130 = arith.cmpi eq, %get3A_127, %eq3A_129 : vector<16xi32>
      %select_n3A_131 = arith.select %eq3A_130, %broadcast_in_dim3A_7, %broadcast_in_dim3A_5 : vector<16xi1>, vector<16xf32>
      %add3A_132 = arith.addf %add3A_124, %select_n3A_131 : vector<16xf32>
      %get3A_133 = arith.constant 48 : index
      %get3A_134 = tpu.vector_load %arg7[%get3A_133] {strides = array<i32>} : memref<208xi32, #tpu.memory_space<vmem>>, vector<16xi32>,
      %get3A_135 = vector.shape_cast %get3A_134 : vector<16xi32> to vector<16xi32>
      %eq3A_136 = arith.constant 0 : i32
      %eq3A_137 = vector.broadcast %eq3A_136 : i32 to vector<16xi32>
      %eq3A_138 = arith.cmpi eq, %get3A_135, %eq3A_137 : vector<16xi32>
      %select_n3A_139 = arith.select %eq3A_138, %broadcast_in_dim3A_7, %broadcast_in_dim3A_5 : vector<16xi1>, vector<16xf32>
      %add3A_140 = arith.addf %add3A_132, %select_n3A_139 : vector<16xf32>
      %get3A_141 = arith.constant 64 : index
      %get3A_142 = tpu.vector_load %arg7[%get3A_141] {strides = array<i32>} : memref<208xi32, #tpu.memory_space<vmem>>, vector<16xi32>,
      %get3A_143 = vector.shape_cast %get3A_142 : vector<16xi32> to vector<16xi32>
      %eq3A_144 = arith.constant 0 : i32
      %eq3A_145 = vector.broadcast %eq3A_144 : i32 to vector<16xi32>
      %eq3A_146 = arith.cmpi eq, %get3A_143, %eq3A_145 : vector<16xi32>
      %select_n3A_147 = arith.select %eq3A_146, %broadcast_in_dim3A_7, %broadcast_in_dim3A_5 : vector<16xi1>, vector<16xf32>
      %add3A_148 = arith.addf %add3A_140, %select_n3A_147 : vector<16xf32>
      %get3A_149 = arith.constant 80 : index
      %get3A_150 = tpu.vector_load %arg7[%get3A_149] {strides = array<i32>} : memref<208xi32, #tpu.memory_space<vmem>>, vector<16xi32>,
      %get3A_151 = vector.shape_cast %get3A_150 : vector<16xi32> to vector<16xi32>
      %eq3A_152 = arith.constant 0 : i32
      %eq3A_153 = vector.broadcast %eq3A_152 : i32 to vector<16xi32>
      %eq3A_154 = arith.cmpi eq, %get3A_151, %eq3A_153 : vector<16xi32>
      %select_n3A_155 = arith.select %eq3A_154, %broadcast_in_dim3A_7, %broadcast_in_dim3A_5 : vector<16xi1>, vector<16xf32>
      %add3A_156 = arith.addf %add3A_148, %select_n3A_155 : vector<16xf32>
      %get3A_157 = arith.constant 96 : index
      %get3A_158 = tpu.vector_load %arg7[%get3A_157] {strides = array<i32>} : memref<208xi32, #tpu.memory_space<vmem>>, vector<16xi32>,
      %get3A_159 = vector.shape_cast %get3A_158 : vector<16xi32> to vector<16xi32>
      %eq3A_160 = arith.constant 0 : i32
      %eq3A_161 = vector.broadcast %eq3A_160 : i32 to vector<16xi32>
      %eq3A_162 = arith.cmpi eq, %get3A_159, %eq3A_161 : vector<16xi32>
      %select_n3A_163 = arith.select %eq3A_162, %broadcast_in_dim3A_7, %broadcast_in_dim3A_5 : vector<16xi1>, vector<16xf32>
      %add3A_164 = arith.addf %add3A_156, %select_n3A_163 : vector<16xf32>
      %get3A_165 = arith.constant 112 : index
      %get3A_166 = tpu.vector_load %arg7[%get3A_165] {strides = array<i32>} : memref<208xi32, #tpu.memory_space<vmem>>, vector<16xi32>,
      %get3A_167 = vector.shape_cast %get3A_166 : vector<16xi32> to vector<16xi32>
      %eq3A_168 = arith.constant 0 : i32
      %eq3A_169 = vector.broadcast %eq3A_168 : i32 to vector<16xi32>
      %eq3A_170 = arith.cmpi eq, %get3A_167, %eq3A_169 : vector<16xi32>
      %select_n3A_171 = arith.select %eq3A_170, %broadcast_in_dim3A_7, %broadcast_in_dim3A_5 : vector<16xi1>, vector<16xf32>
      %add3A_172 = arith.addf %add3A_164, %select_n3A_171 : vector<16xf32>
      %get3A_173 = arith.constant 128 : index
      %get3A_174 = tpu.vector_load %arg7[%get3A_173] {strides = array<i32>} : memref<208xi32, #tpu.memory_space<vmem>>, vector<16xi32>,
      %get3A_175 = vector.shape_cast %get3A_174 : vector<16xi32> to vector<16xi32>
      %eq3A_176 = arith.constant 0 : i32
      %eq3A_177 = vector.broadcast %eq3A_176 : i32 to vector<16xi32>
      %eq3A_178 = arith.cmpi eq, %get3A_175, %eq3A_177 : vector<16xi32>
      %select_n3A_179 = arith.select %eq3A_178, %broadcast_in_dim3A_7, %broadcast_in_dim3A_5 : vector<16xi1>, vector<16xf32>
      %add3A_180 = arith.addf %add3A_172, %select_n3A_179 : vector<16xf32>
      %get3A_181 = arith.constant 144 : index
      %get3A_182 = tpu.vector_load %arg7[%get3A_181] {strides = array<i32>} : memref<208xi32, #tpu.memory_space<vmem>>, vector<16xi32>,
      %get3A_183 = vector.shape_cast %get3A_182 : vector<16xi32> to vector<16xi32>
      %eq3A_184 = arith.constant 0 : i32
      %eq3A_185 = vector.broadcast %eq3A_184 : i32 to vector<16xi32>
      %eq3A_186 = arith.cmpi eq, %get3A_183, %eq3A_185 : vector<16xi32>
      %select_n3A_187 = arith.select %eq3A_186, %broadcast_in_dim3A_7, %broadcast_in_dim3A_5 : vector<16xi1>, vector<16xf32>
      %add3A_188 = arith.addf %add3A_180, %select_n3A_187 : vector<16xf32>
      %get3A_189 = arith.constant 160 : index
      %get3A_190 = tpu.vector_load %arg7[%get3A_189] {strides = array<i32>} : memref<208xi32, #tpu.memory_space<vmem>>, vector<16xi32>,
      %get3A_191 = vector.shape_cast %get3A_190 : vector<16xi32> to vector<16xi32>
      %eq3A_192 = arith.constant 0 : i32
      %eq3A_193 = vector.broadcast %eq3A_192 : i32 to vector<16xi32>
      %eq3A_194 = arith.cmpi eq, %get3A_191, %eq3A_193 : vector<16xi32>
      %select_n3A_195 = arith.select %eq3A_194, %broadcast_in_dim3A_7, %broadcast_in_dim3A_5 : vector<16xi1>, vector<16xf32>
      %add3A_196 = arith.addf %add3A_188, %select_n3A_195 : vector<16xf32>
      %get3A_197 = arith.constant 176 : index
      %get3A_198 = tpu.vector_load %arg7[%get3A_197] {strides = array<i32>} : memref<208xi32, #tpu.memory_space<vmem>>, vector<16xi32>,
      %get3A_199 = vector.shape_cast %get3A_198 : vector<16xi32> to vector<16xi32>
      %eq3A_200 = arith.constant 0 : i32
      %eq3A_201 = vector.broadcast %eq3A_200 : i32 to vector<16xi32>
      %eq3A_202 = arith.cmpi eq, %get3A_199, %eq3A_201 : vector<16xi32>
      %select_n3A_203 = arith.select %eq3A_202, %broadcast_in_dim3A_7, %broadcast_in_dim3A_5 : vector<16xi1>, vector<16xf32>
      %add3A_204 = arith.addf %add3A_196, %select_n3A_203 : vector<16xf32>
      %get3A_205 = arith.constant 192 : index
      %get3A_206 = tpu.vector_load %arg7[%get3A_205] {strides = array<i32>} : memref<208xi32, #tpu.memory_space<vmem>>, vector<16xi32>,
      %get3A_207 = vector.shape_cast %get3A_206 : vector<16xi32> to vector<16xi32>
      %eq3A_208 = arith.constant 0 : i32
      %eq3A_209 = vector.broadcast %eq3A_208 : i32 to vector<16xi32>
      %eq3A_210 = arith.cmpi eq, %get3A_207, %eq3A_209 : vector<16xi32>
      %select_n3A_211 = arith.select %eq3A_210, %broadcast_in_dim3A_7, %broadcast_in_dim3A_5 : vector<16xi1>, vector<16xf32>
      %lt3A_212 = arith.constant 8 : i32
      %lt3A_213 = vector.broadcast %lt3A_212 : i32 to vector<16xi32>
      %lt3A_214 = arith.cmpi slt, %iota3A, %lt3A_213 : vector<16xi32>
      %select_n3A_215 = arith.select %lt3A_214, %broadcast_in_dim3A_7, %broadcast_in_dim3A_5 : vector<16xi1>, vector<16xf32>
      %mul3A_216 = arith.mulf %select_n3A_211, %select_n3A_215 : vector<16xf32>
      %add3A_217 = arith.addf %add3A_204, %mul3A_216 : vector<16xf32>
      %swap3A = arith.index_cast %mul3A_70 : i32 to index
      %swap3A_218 = arith.constant 0 : index
      %swap3A_219 = tpu.vector_load %arg13[%swap3A, %swap3A_218] {strides = array<i32>} : memref<32x16xf32, #tpu.memory_space<vmem>>, vector<1x16xf32>,
      %swap3A_220 = vector.shape_cast %swap3A_219 : vector<1x16xf32> to vector<16xf32>
      %swap3A_221 = vector.shape_cast %add3A_217 : vector<16xf32> to vector<1x16xf32>
      tpu.vector_store %arg13[%swap3A, %swap3A_218], %swap3A_221 {strides = array<i32>} : memref<32x16xf32, #tpu.memory_space<vmem>>, vector<1x16xf32>,
      %convert_element_type3A = arith.extui %lt3A_71 : i1 to i32
      %cond3A = arith.constant 0 : i32
      %cond3A_222 = arith.cmpi ne, %convert_element_type3A, %cond3A : i32
      scf.if %cond3A_222 {
        %add3A_931 = arith.constant 2 : i32
        %add3A_932 = arith.addi %mul3A_70, %add3A_931 : i32
        %add3A_933 = arith.addi %add3A_4, %add3A_932 : i32
        %mul3A_934 = arith.constant 200 : i32
        %mul3A_935 = arith.muli %add3A_933, %mul3A_934 : i32
        %multiple_of3A_936 = tpu.assume_multiple %mul3A_935, 8 : i32
        %dma_start3A_937 = arith.constant 0 : i32
        %dma_start3A_938 = tpu.memref_slice %arg7[%dma_start3A_937] : memref<208xi32, #tpu.memory_space<vmem>> -> memref<200xi32, #tpu.memory_space<vmem>>
        %dma_start3A_939 = tpu.memref_slice %arg2[%multiple_of3A_936] : memref<204800xi32, #tpu.memory_space<hbm>> -> memref<200xi32, #tpu.memory_space<hbm>>
        %dma_start3A_940 = arith.constant 0 : i32
        %dma_start3A_941 = tpu.memref_slice %arg7[%dma_start3A_940] : memref<208xi32, #tpu.memory_space<vmem>> -> memref<200xi32, #tpu.memory_space<vmem>>
        %dma_start3A_942 = tpu.memref_slice %arg2[%multiple_of3A_936] : memref<204800xi32, #tpu.memory_space<hbm>> -> memref<200xi32, #tpu.memory_space<hbm>>
        tpu.enqueue_dma source(%dma_start3A_942 : memref<200xi32, #tpu.memory_space<hbm>>) target(%dma_start3A_941 : memref<200xi32, #tpu.memory_space<vmem>>) target_semaphore(%arg16 : memref<!tpu.dma_semaphore, #tpu.memory_space<semaphore_mem>>)
      } else {
      }
      %gt3A = arith.constant 0 : i32
      %gt3A_223 = arith.cmpi sgt, %scan3A_68, %gt3A : i32
      %convert_element_type3A_224 = arith.extui %gt3A_223 : i1 to i32
      %cond3A_225 = arith.constant 0 : i32
      %cond3A_226 = arith.cmpi ne, %convert_element_type3A_224, %cond3A_225 : i32
      scf.if %cond3A_226 {
        %dma_wait3A_931 = arith.constant 0 : i32
        %dma_wait3A_932 = arith.constant 0 : i32
        %dma_wait3A_933 = tpu.memref_slice %arg4[%dma_wait3A_931, %dma_wait3A_932] : memref<1024x256xf32, #tpu.memory_space<hbm>> -> memref<2x256xf32, #tpu.memory_space<hbm>>
        %dma_wait3A_934 = arith.constant 0 : i32
        %dma_wait3A_935 = arith.constant 0 : i32
        %dma_wait3A_936 = tpu.memref_slice %arg4[%dma_wait3A_934, %dma_wait3A_935] : memref<1024x256xf32, #tpu.memory_space<hbm>> -> memref<2x256xf32, #tpu.memory_space<hbm>>
        tpu.wait_dma2 semaphore(%arg18 : memref<!tpu.dma_semaphore, #tpu.memory_space<semaphore_mem>>) src(%arg11 : memref<2x256xf32, #tpu.memory_space<vmem>>) dst(%dma_wait3A_936 : memref<2x256xf32, #tpu.memory_space<hbm>>)
        %dma_wait3A_937 = arith.constant 0 : i32
        %dma_wait3A_938 = arith.constant 0 : i32
        %dma_wait3A_939 = tpu.memref_slice %arg5[%dma_wait3A_937, %dma_wait3A_938] : memref<1024x256xf32, #tpu.memory_space<hbm>> -> memref<2x256xf32, #tpu.memory_space<hbm>>
        %dma_wait3A_940 = arith.constant 0 : i32
        %dma_wait3A_941 = arith.constant 0 : i32
        %dma_wait3A_942 = tpu.memref_slice %arg5[%dma_wait3A_940, %dma_wait3A_941] : memref<1024x256xf32, #tpu.memory_space<hbm>> -> memref<2x256xf32, #tpu.memory_space<hbm>>
        tpu.wait_dma2 semaphore(%arg19 : memref<!tpu.dma_semaphore, #tpu.memory_space<semaphore_mem>>) src(%arg12 : memref<2x256xf32, #tpu.memory_space<vmem>>) dst(%dma_wait3A_942 : memref<2x256xf32, #tpu.memory_space<hbm>>)
      } else {
      }
      %broadcast_in_dim3A_227 = arith.constant 0.000000e+00 : f32
      %broadcast_in_dim3A_228 = vector.broadcast %broadcast_in_dim3A_227 : f32 to vector<16xf32>
      %broadcast_in_dim3A_229 = arith.constant 0.000000e+00 : f32
      %broadcast_in_dim3A_230 = vector.broadcast %broadcast_in_dim3A_229 : f32 to vector<16xf32>
      %broadcast_in_dim3A_231 = arith.constant 0.000000e+00 : f32
      %broadcast_in_dim3A_232 = vector.broadcast %broadcast_in_dim3A_231 : f32 to vector<16xf32>
      %broadcast_in_dim3A_233 = arith.constant 0.000000e+00 : f32
      %broadcast_in_dim3A_234 = vector.broadcast %broadcast_in_dim3A_233 : f32 to vector<16xf32>
      %broadcast_in_dim3A_235 = arith.constant 0.000000e+00 : f32
      %broadcast_in_dim3A_236 = vector.broadcast %broadcast_in_dim3A_235 : f32 to vector<16xf32>
      %broadcast_in_dim3A_237 = arith.constant 0.000000e+00 : f32
      %broadcast_in_dim3A_238 = vector.broadcast %broadcast_in_dim3A_237 : f32 to vector<16xf32>
      %broadcast_in_dim3A_239 = arith.constant 0.000000e+00 : f32
      %broadcast_in_dim3A_240 = vector.broadcast %broadcast_in_dim3A_239 : f32 to vector<16xf32>
      %broadcast_in_dim3A_241 = arith.constant 0.000000e+00 : f32
      %broadcast_in_dim3A_242 = vector.broadcast %broadcast_in_dim3A_241 : f32 to vector<16xf32>
      %broadcast_in_dim3A_243 = arith.constant 0.000000e+00 : f32
      %broadcast_in_dim3A_244 = vector.broadcast %broadcast_in_dim3A_243 : f32 to vector<16xf32>
      %broadcast_in_dim3A_245 = arith.constant 0.000000e+00 : f32
      %broadcast_in_dim3A_246 = vector.broadcast %broadcast_in_dim3A_245 : f32 to vector<16xf32>
      %broadcast_in_dim3A_247 = arith.constant 0.000000e+00 : f32
      %broadcast_in_dim3A_248 = vector.broadcast %broadcast_in_dim3A_247 : f32 to vector<16xf32>
      %broadcast_in_dim3A_249 = arith.constant 0.000000e+00 : f32
      %broadcast_in_dim3A_250 = vector.broadcast %broadcast_in_dim3A_249 : f32 to vector<16xf32>
      %broadcast_in_dim3A_251 = arith.constant 0.000000e+00 : f32
      %broadcast_in_dim3A_252 = vector.broadcast %broadcast_in_dim3A_251 : f32 to vector<16xf32>
      %broadcast_in_dim3A_253 = arith.constant 0.000000e+00 : f32
      %broadcast_in_dim3A_254 = vector.broadcast %broadcast_in_dim3A_253 : f32 to vector<16xf32>
      %broadcast_in_dim3A_255 = arith.constant 0.000000e+00 : f32
      %broadcast_in_dim3A_256 = vector.broadcast %broadcast_in_dim3A_255 : f32 to vector<16xf32>
      %broadcast_in_dim3A_257 = arith.constant 0.000000e+00 : f32
      %broadcast_in_dim3A_258 = vector.broadcast %broadcast_in_dim3A_257 : f32 to vector<16xf32>
      %scan3A_259 = arith.constant 0 : i32
      %scan3A_260 = arith.constant 100 : i32
      %scan3A_261 = arith.addi %scan3A_259, %scan3A_260 : i32
      %scan3A_262 = arith.constant 1 : i32
      %scan3A_263:16 = scf.for %scan3A_931 = %scan3A_259 to %scan3A_261 step %scan3A_262 iter_args(%scan3A_932 = %broadcast_in_dim3A_228, %scan3A_933 = %broadcast_in_dim3A_230, %scan3A_934 = %broadcast_in_dim3A_232, %scan3A_935 = %broadcast_in_dim3A_234, %scan3A_936 = %broadcast_in_dim3A_236, %scan3A_937 = %broadcast_in_dim3A_238, %scan3A_938 = %broadcast_in_dim3A_240, %scan3A_939 = %broadcast_in_dim3A_242, %scan3A_940 = %broadcast_in_dim3A_244, %scan3A_941 = %broadcast_in_dim3A_246, %scan3A_942 = %broadcast_in_dim3A_248, %scan3A_943 = %broadcast_in_dim3A_250, %scan3A_944 = %broadcast_in_dim3A_252, %scan3A_945 = %broadcast_in_dim3A_254, %scan3A_946 = %broadcast_in_dim3A_256, %scan3A_947 = %broadcast_in_dim3A_258) -> (vector<16xf32>, vector<16xf32>, vector<16xf32>, vector<16xf32>, vector<16xf32>, vector<16xf32>, vector<16xf32>, vector<16xf32>, vector<16xf32>, vector<16xf32>, vector<16xf32>, vector<16xf32>, vector<16xf32>, vector<16xf32>, vector<16xf32>, vector<16xf32>)  : i32 {
        %mul3A_948 = arith.constant 2 : i32
        %mul3A_949 = arith.muli %scan3A_931, %mul3A_948 : i32
        %get3A_950 = arith.index_cast %mul3A_949 : i32 to index
        %get3A_951 = arith.constant 0 : index
        %get3A_952 = tpu.vector_load %arg9[%get3A_950, %get3A_951] {strides = array<i32>} : memref<200x256xf32, #tpu.memory_space<vmem>>, vector<1x16xf32>,
        %get3A_953 = vector.shape_cast %get3A_952 : vector<1x16xf32> to vector<16xf32>
        %add3A_954 = arith.addf %scan3A_932, %get3A_953 : vector<16xf32>
        %get3A_955 = arith.index_cast %mul3A_949 : i32 to index
        %get3A_956 = arith.constant 16 : index
        %get3A_957 = tpu.vector_load %arg9[%get3A_955, %get3A_956] {strides = array<i32>} : memref<200x256xf32, #tpu.memory_space<vmem>>, vector<1x16xf32>,
        %get3A_958 = vector.shape_cast %get3A_957 : vector<1x16xf32> to vector<16xf32>
        %add3A_959 = arith.addf %scan3A_933, %get3A_958 : vector<16xf32>
        %get3A_960 = arith.index_cast %mul3A_949 : i32 to index
        %get3A_961 = arith.constant 32 : index
        %get3A_962 = tpu.vector_load %arg9[%get3A_960, %get3A_961] {strides = array<i32>} : memref<200x256xf32, #tpu.memory_space<vmem>>, vector<1x16xf32>,
        %get3A_963 = vector.shape_cast %get3A_962 : vector<1x16xf32> to vector<16xf32>
        %add3A_964 = arith.addf %scan3A_934, %get3A_963 : vector<16xf32>
        %get3A_965 = arith.index_cast %mul3A_949 : i32 to index
        %get3A_966 = arith.constant 48 : index
        %get3A_967 = tpu.vector_load %arg9[%get3A_965, %get3A_966] {strides = array<i32>} : memref<200x256xf32, #tpu.memory_space<vmem>>, vector<1x16xf32>,
        %get3A_968 = vector.shape_cast %get3A_967 : vector<1x16xf32> to vector<16xf32>
        %add3A_969 = arith.addf %scan3A_935, %get3A_968 : vector<16xf32>
        %get3A_970 = arith.index_cast %mul3A_949 : i32 to index
        %get3A_971 = arith.constant 64 : index
        %get3A_972 = tpu.vector_load %arg9[%get3A_970, %get3A_971] {strides = array<i32>} : memref<200x256xf32, #tpu.memory_space<vmem>>, vector<1x16xf32>,
        %get3A_973 = vector.shape_cast %get3A_972 : vector<1x16xf32> to vector<16xf32>
        %add3A_974 = arith.addf %scan3A_936, %get3A_973 : vector<16xf32>
        %get3A_975 = arith.index_cast %mul3A_949 : i32 to index
        %get3A_976 = arith.constant 80 : index
        %get3A_977 = tpu.vector_load %arg9[%get3A_975, %get3A_976] {strides = array<i32>} : memref<200x256xf32, #tpu.memory_space<vmem>>, vector<1x16xf32>,
        %get3A_978 = vector.shape_cast %get3A_977 : vector<1x16xf32> to vector<16xf32>
        %add3A_979 = arith.addf %scan3A_937, %get3A_978 : vector<16xf32>
        %get3A_980 = arith.index_cast %mul3A_949 : i32 to index
        %get3A_981 = arith.constant 96 : index
        %get3A_982 = tpu.vector_load %arg9[%get3A_980, %get3A_981] {strides = array<i32>} : memref<200x256xf32, #tpu.memory_space<vmem>>, vector<1x16xf32>,
        %get3A_983 = vector.shape_cast %get3A_982 : vector<1x16xf32> to vector<16xf32>
        %add3A_984 = arith.addf %scan3A_938, %get3A_983 : vector<16xf32>
        %get3A_985 = arith.index_cast %mul3A_949 : i32 to index
        %get3A_986 = arith.constant 112 : index
        %get3A_987 = tpu.vector_load %arg9[%get3A_985, %get3A_986] {strides = array<i32>} : memref<200x256xf32, #tpu.memory_space<vmem>>, vector<1x16xf32>,
        %get3A_988 = vector.shape_cast %get3A_987 : vector<1x16xf32> to vector<16xf32>
        %add3A_989 = arith.addf %scan3A_939, %get3A_988 : vector<16xf32>
        %get3A_990 = arith.index_cast %mul3A_949 : i32 to index
        %get3A_991 = arith.constant 128 : index
        %get3A_992 = tpu.vector_load %arg9[%get3A_990, %get3A_991] {strides = array<i32>} : memref<200x256xf32, #tpu.memory_space<vmem>>, vector<1x16xf32>,
        %get3A_993 = vector.shape_cast %get3A_992 : vector<1x16xf32> to vector<16xf32>
        %add3A_994 = arith.addf %scan3A_940, %get3A_993 : vector<16xf32>
        %get3A_995 = arith.index_cast %mul3A_949 : i32 to index
        %get3A_996 = arith.constant 144 : index
        %get3A_997 = tpu.vector_load %arg9[%get3A_995, %get3A_996] {strides = array<i32>} : memref<200x256xf32, #tpu.memory_space<vmem>>, vector<1x16xf32>,
        %get3A_998 = vector.shape_cast %get3A_997 : vector<1x16xf32> to vector<16xf32>
        %add3A_999 = arith.addf %scan3A_941, %get3A_998 : vector<16xf32>
        %get3A_1000 = arith.index_cast %mul3A_949 : i32 to index
        %get3A_1001 = arith.constant 160 : index
        %get3A_1002 = tpu.vector_load %arg9[%get3A_1000, %get3A_1001] {strides = array<i32>} : memref<200x256xf32, #tpu.memory_space<vmem>>, vector<1x16xf32>,
        %get3A_1003 = vector.shape_cast %get3A_1002 : vector<1x16xf32> to vector<16xf32>
        %add3A_1004 = arith.addf %scan3A_942, %get3A_1003 : vector<16xf32>
        %get3A_1005 = arith.index_cast %mul3A_949 : i32 to index
        %get3A_1006 = arith.constant 176 : index
        %get3A_1007 = tpu.vector_load %arg9[%get3A_1005, %get3A_1006] {strides = array<i32>} : memref<200x256xf32, #tpu.memory_space<vmem>>, vector<1x16xf32>,
        %get3A_1008 = vector.shape_cast %get3A_1007 : vector<1x16xf32> to vector<16xf32>
        %add3A_1009 = arith.addf %scan3A_943, %get3A_1008 : vector<16xf32>
        %get3A_1010 = arith.index_cast %mul3A_949 : i32 to index
        %get3A_1011 = arith.constant 192 : index
        %get3A_1012 = tpu.vector_load %arg9[%get3A_1010, %get3A_1011] {strides = array<i32>} : memref<200x256xf32, #tpu.memory_space<vmem>>, vector<1x16xf32>,
        %get3A_1013 = vector.shape_cast %get3A_1012 : vector<1x16xf32> to vector<16xf32>
        %add3A_1014 = arith.addf %scan3A_944, %get3A_1013 : vector<16xf32>
        %get3A_1015 = arith.index_cast %mul3A_949 : i32 to index
        %get3A_1016 = arith.constant 208 : index
        %get3A_1017 = tpu.vector_load %arg9[%get3A_1015, %get3A_1016] {strides = array<i32>} : memref<200x256xf32, #tpu.memory_space<vmem>>, vector<1x16xf32>,
        %get3A_1018 = vector.shape_cast %get3A_1017 : vector<1x16xf32> to vector<16xf32>
        %add3A_1019 = arith.addf %scan3A_945, %get3A_1018 : vector<16xf32>
        %get3A_1020 = arith.index_cast %mul3A_949 : i32 to index
        %get3A_1021 = arith.constant 224 : index
        %get3A_1022 = tpu.vector_load %arg9[%get3A_1020, %get3A_1021] {strides = array<i32>} : memref<200x256xf32, #tpu.memory_space<vmem>>, vector<1x16xf32>,
        %get3A_1023 = vector.shape_cast %get3A_1022 : vector<1x16xf32> to vector<16xf32>
        %add3A_1024 = arith.addf %scan3A_946, %get3A_1023 : vector<16xf32>
        %get3A_1025 = arith.index_cast %mul3A_949 : i32 to index
        %get3A_1026 = arith.constant 240 : index
        %get3A_1027 = tpu.vector_load %arg9[%get3A_1025, %get3A_1026] {strides = array<i32>} : memref<200x256xf32, #tpu.memory_space<vmem>>, vector<1x16xf32>,
        %get3A_1028 = vector.shape_cast %get3A_1027 : vector<1x16xf32> to vector<16xf32>
        %add3A_1029 = arith.addf %scan3A_947, %get3A_1028 : vector<16xf32>
        %add3A_1030 = arith.constant 1 : i32
        %add3A_1031 = arith.addi %mul3A_949, %add3A_1030 : i32
        %get3A_1032 = arith.index_cast %add3A_1031 : i32 to index
        %get3A_1033 = arith.constant 0 : index
        %get3A_1034 = tpu.vector_load %arg9[%get3A_1032, %get3A_1033] {strides = array<i32>} : memref<200x256xf32, #tpu.memory_space<vmem>>, vector<1x16xf32>,
        %get3A_1035 = vector.shape_cast %get3A_1034 : vector<1x16xf32> to vector<16xf32>
        %add3A_1036 = arith.addf %add3A_954, %get3A_1035 : vector<16xf32>
        %add3A_1037 = arith.constant 1 : i32
        %add3A_1038 = arith.addi %mul3A_949, %add3A_1037 : i32
        %get3A_1039 = arith.index_cast %add3A_1038 : i32 to index
        %get3A_1040 = arith.constant 16 : index
        %get3A_1041 = tpu.vector_load %arg9[%get3A_1039, %get3A_1040] {strides = array<i32>} : memref<200x256xf32, #tpu.memory_space<vmem>>, vector<1x16xf32>,
        %get3A_1042 = vector.shape_cast %get3A_1041 : vector<1x16xf32> to vector<16xf32>
        %add3A_1043 = arith.addf %add3A_959, %get3A_1042 : vector<16xf32>
        %add3A_1044 = arith.constant 1 : i32
        %add3A_1045 = arith.addi %mul3A_949, %add3A_1044 : i32
        %get3A_1046 = arith.index_cast %add3A_1045 : i32 to index
        %get3A_1047 = arith.constant 32 : index
        %get3A_1048 = tpu.vector_load %arg9[%get3A_1046, %get3A_1047] {strides = array<i32>} : memref<200x256xf32, #tpu.memory_space<vmem>>, vector<1x16xf32>,
        %get3A_1049 = vector.shape_cast %get3A_1048 : vector<1x16xf32> to vector<16xf32>
        %add3A_1050 = arith.addf %add3A_964, %get3A_1049 : vector<16xf32>
        %add3A_1051 = arith.constant 1 : i32
        %add3A_1052 = arith.addi %mul3A_949, %add3A_1051 : i32
        %get3A_1053 = arith.index_cast %add3A_1052 : i32 to index
        %get3A_1054 = arith.constant 48 : index
        %get3A_1055 = tpu.vector_load %arg9[%get3A_1053, %get3A_1054] {strides = array<i32>} : memref<200x256xf32, #tpu.memory_space<vmem>>, vector<1x16xf32>,
        %get3A_1056 = vector.shape_cast %get3A_1055 : vector<1x16xf32> to vector<16xf32>
        %add3A_1057 = arith.addf %add3A_969, %get3A_1056 : vector<16xf32>
        %add3A_1058 = arith.constant 1 : i32
        %add3A_1059 = arith.addi %mul3A_949, %add3A_1058 : i32
        %get3A_1060 = arith.index_cast %add3A_1059 : i32 to index
        %get3A_1061 = arith.constant 64 : index
        %get3A_1062 = tpu.vector_load %arg9[%get3A_1060, %get3A_1061] {strides = array<i32>} : memref<200x256xf32, #tpu.memory_space<vmem>>, vector<1x16xf32>,
        %get3A_1063 = vector.shape_cast %get3A_1062 : vector<1x16xf32> to vector<16xf32>
        %add3A_1064 = arith.addf %add3A_974, %get3A_1063 : vector<16xf32>
        %add3A_1065 = arith.constant 1 : i32
        %add3A_1066 = arith.addi %mul3A_949, %add3A_1065 : i32
        %get3A_1067 = arith.index_cast %add3A_1066 : i32 to index
        %get3A_1068 = arith.constant 80 : index
        %get3A_1069 = tpu.vector_load %arg9[%get3A_1067, %get3A_1068] {strides = array<i32>} : memref<200x256xf32, #tpu.memory_space<vmem>>, vector<1x16xf32>,
        %get3A_1070 = vector.shape_cast %get3A_1069 : vector<1x16xf32> to vector<16xf32>
        %add3A_1071 = arith.addf %add3A_979, %get3A_1070 : vector<16xf32>
        %add3A_1072 = arith.constant 1 : i32
        %add3A_1073 = arith.addi %mul3A_949, %add3A_1072 : i32
        %get3A_1074 = arith.index_cast %add3A_1073 : i32 to index
        %get3A_1075 = arith.constant 96 : index
        %get3A_1076 = tpu.vector_load %arg9[%get3A_1074, %get3A_1075] {strides = array<i32>} : memref<200x256xf32, #tpu.memory_space<vmem>>, vector<1x16xf32>,
        %get3A_1077 = vector.shape_cast %get3A_1076 : vector<1x16xf32> to vector<16xf32>
        %add3A_1078 = arith.addf %add3A_984, %get3A_1077 : vector<16xf32>
        %add3A_1079 = arith.constant 1 : i32
        %add3A_1080 = arith.addi %mul3A_949, %add3A_1079 : i32
        %get3A_1081 = arith.index_cast %add3A_1080 : i32 to index
        %get3A_1082 = arith.constant 112 : index
        %get3A_1083 = tpu.vector_load %arg9[%get3A_1081, %get3A_1082] {strides = array<i32>} : memref<200x256xf32, #tpu.memory_space<vmem>>, vector<1x16xf32>,
        %get3A_1084 = vector.shape_cast %get3A_1083 : vector<1x16xf32> to vector<16xf32>
        %add3A_1085 = arith.addf %add3A_989, %get3A_1084 : vector<16xf32>
        %add3A_1086 = arith.constant 1 : i32
        %add3A_1087 = arith.addi %mul3A_949, %add3A_1086 : i32
        %get3A_1088 = arith.index_cast %add3A_1087 : i32 to index
        %get3A_1089 = arith.constant 128 : index
        %get3A_1090 = tpu.vector_load %arg9[%get3A_1088, %get3A_1089] {strides = array<i32>} : memref<200x256xf32, #tpu.memory_space<vmem>>, vector<1x16xf32>,
        %get3A_1091 = vector.shape_cast %get3A_1090 : vector<1x16xf32> to vector<16xf32>
        %add3A_1092 = arith.addf %add3A_994, %get3A_1091 : vector<16xf32>
        %add3A_1093 = arith.constant 1 : i32
        %add3A_1094 = arith.addi %mul3A_949, %add3A_1093 : i32
        %get3A_1095 = arith.index_cast %add3A_1094 : i32 to index
        %get3A_1096 = arith.constant 144 : index
        %get3A_1097 = tpu.vector_load %arg9[%get3A_1095, %get3A_1096] {strides = array<i32>} : memref<200x256xf32, #tpu.memory_space<vmem>>, vector<1x16xf32>,
        %get3A_1098 = vector.shape_cast %get3A_1097 : vector<1x16xf32> to vector<16xf32>
        %add3A_1099 = arith.addf %add3A_999, %get3A_1098 : vector<16xf32>
        %add3A_1100 = arith.constant 1 : i32
        %add3A_1101 = arith.addi %mul3A_949, %add3A_1100 : i32
        %get3A_1102 = arith.index_cast %add3A_1101 : i32 to index
        %get3A_1103 = arith.constant 160 : index
        %get3A_1104 = tpu.vector_load %arg9[%get3A_1102, %get3A_1103] {strides = array<i32>} : memref<200x256xf32, #tpu.memory_space<vmem>>, vector<1x16xf32>,
        %get3A_1105 = vector.shape_cast %get3A_1104 : vector<1x16xf32> to vector<16xf32>
        %add3A_1106 = arith.addf %add3A_1004, %get3A_1105 : vector<16xf32>
        %add3A_1107 = arith.constant 1 : i32
        %add3A_1108 = arith.addi %mul3A_949, %add3A_1107 : i32
        %get3A_1109 = arith.index_cast %add3A_1108 : i32 to index
        %get3A_1110 = arith.constant 176 : index
        %get3A_1111 = tpu.vector_load %arg9[%get3A_1109, %get3A_1110] {strides = array<i32>} : memref<200x256xf32, #tpu.memory_space<vmem>>, vector<1x16xf32>,
        %get3A_1112 = vector.shape_cast %get3A_1111 : vector<1x16xf32> to vector<16xf32>
        %add3A_1113 = arith.addf %add3A_1009, %get3A_1112 : vector<16xf32>
        %add3A_1114 = arith.constant 1 : i32
        %add3A_1115 = arith.addi %mul3A_949, %add3A_1114 : i32
        %get3A_1116 = arith.index_cast %add3A_1115 : i32 to index
        %get3A_1117 = arith.constant 192 : index
        %get3A_1118 = tpu.vector_load %arg9[%get3A_1116, %get3A_1117] {strides = array<i32>} : memref<200x256xf32, #tpu.memory_space<vmem>>, vector<1x16xf32>,
        %get3A_1119 = vector.shape_cast %get3A_1118 : vector<1x16xf32> to vector<16xf32>
        %add3A_1120 = arith.addf %add3A_1014, %get3A_1119 : vector<16xf32>
        %add3A_1121 = arith.constant 1 : i32
        %add3A_1122 = arith.addi %mul3A_949, %add3A_1121 : i32
        %get3A_1123 = arith.index_cast %add3A_1122 : i32 to index
        %get3A_1124 = arith.constant 208 : index
        %get3A_1125 = tpu.vector_load %arg9[%get3A_1123, %get3A_1124] {strides = array<i32>} : memref<200x256xf32, #tpu.memory_space<vmem>>, vector<1x16xf32>,
        %get3A_1126 = vector.shape_cast %get3A_1125 : vector<1x16xf32> to vector<16xf32>
        %add3A_1127 = arith.addf %add3A_1019, %get3A_1126 : vector<16xf32>
        %add3A_1128 = arith.constant 1 : i32
        %add3A_1129 = arith.addi %mul3A_949, %add3A_1128 : i32
        %get3A_1130 = arith.index_cast %add3A_1129 : i32 to index
        %get3A_1131 = arith.constant 224 : index
        %get3A_1132 = tpu.vector_load %arg9[%get3A_1130, %get3A_1131] {strides = array<i32>} : memref<200x256xf32, #tpu.memory_space<vmem>>, vector<1x16xf32>,
        %get3A_1133 = vector.shape_cast %get3A_1132 : vector<1x16xf32> to vector<16xf32>
        %add3A_1134 = arith.addf %add3A_1024, %get3A_1133 : vector<16xf32>
        %add3A_1135 = arith.constant 1 : i32
        %add3A_1136 = arith.addi %mul3A_949, %add3A_1135 : i32
        %get3A_1137 = arith.index_cast %add3A_1136 : i32 to index
        %get3A_1138 = arith.constant 240 : index
        %get3A_1139 = tpu.vector_load %arg9[%get3A_1137, %get3A_1138] {strides = array<i32>} : memref<200x256xf32, #tpu.memory_space<vmem>>, vector<1x16xf32>,
        %get3A_1140 = vector.shape_cast %get3A_1139 : vector<1x16xf32> to vector<16xf32>
        %add3A_1141 = arith.addf %add3A_1029, %get3A_1140 : vector<16xf32>
        scf.yield %add3A_1036, %add3A_1043, %add3A_1050, %add3A_1057, %add3A_1064, %add3A_1071, %add3A_1078, %add3A_1085, %add3A_1092, %add3A_1099, %add3A_1106, %add3A_1113, %add3A_1120, %add3A_1127, %add3A_1134, %add3A_1141 : vector<16xf32>, vector<16xf32>, vector<16xf32>, vector<16xf32>, vector<16xf32>, vector<16xf32>, vector<16xf32>, vector<16xf32>, vector<16xf32>, vector<16xf32>, vector<16xf32>, vector<16xf32>, vector<16xf32>, vector<16xf32>, vector<16xf32>, vector<16xf32>
      }
      %scan3A_264 = arith.constant 100 : i32
      %swap3A_265 = arith.constant 0 : i32
      %swap3A_266 = arith.index_cast %swap3A_265 : i32 to index
      %swap3A_267 = arith.constant 0 : index
      %swap3A_268 = tpu.vector_load %arg11[%swap3A_266, %swap3A_267] {strides = array<i32>} : memref<2x256xf32, #tpu.memory_space<vmem>>, vector<1x16xf32>,
      %swap3A_269 = vector.shape_cast %swap3A_268 : vector<1x16xf32> to vector<16xf32>
      %swap3A_270 = vector.shape_cast %scan3A_263#0 : vector<16xf32> to vector<1x16xf32>
      tpu.vector_store %arg11[%swap3A_266, %swap3A_267], %swap3A_270 {strides = array<i32>} : memref<2x256xf32, #tpu.memory_space<vmem>>, vector<1x16xf32>,
      %mul3A_271 = arith.constant 5.000000e-03 : f32
      %mul3A_272 = vector.broadcast %mul3A_271 : f32 to vector<16xf32>
      %mul3A_273 = arith.mulf %scan3A_263#0, %mul3A_272 : vector<16xf32>
      %swap3A_274 = arith.constant 0 : i32
      %swap3A_275 = arith.index_cast %swap3A_274 : i32 to index
      %swap3A_276 = arith.constant 0 : index
      %swap3A_277 = tpu.vector_load %arg12[%swap3A_275, %swap3A_276] {strides = array<i32>} : memref<2x256xf32, #tpu.memory_space<vmem>>, vector<1x16xf32>,
      %swap3A_278 = vector.shape_cast %swap3A_277 : vector<1x16xf32> to vector<16xf32>
      %swap3A_279 = vector.shape_cast %mul3A_273 : vector<16xf32> to vector<1x16xf32>
      tpu.vector_store %arg12[%swap3A_275, %swap3A_276], %swap3A_279 {strides = array<i32>} : memref<2x256xf32, #tpu.memory_space<vmem>>, vector<1x16xf32>,
      %swap3A_280 = arith.constant 0 : i32
      %swap3A_281 = arith.index_cast %swap3A_280 : i32 to index
      %swap3A_282 = arith.constant 16 : index
      %swap3A_283 = tpu.vector_load %arg11[%swap3A_281, %swap3A_282] {strides = array<i32>} : memref<2x256xf32, #tpu.memory_space<vmem>>, vector<1x16xf32>,
      %swap3A_284 = vector.shape_cast %swap3A_283 : vector<1x16xf32> to vector<16xf32>
      %swap3A_285 = vector.shape_cast %scan3A_263#1 : vector<16xf32> to vector<1x16xf32>
      tpu.vector_store %arg11[%swap3A_281, %swap3A_282], %swap3A_285 {strides = array<i32>} : memref<2x256xf32, #tpu.memory_space<vmem>>, vector<1x16xf32>,
      %mul3A_286 = arith.constant 5.000000e-03 : f32
      %mul3A_287 = vector.broadcast %mul3A_286 : f32 to vector<16xf32>
      %mul3A_288 = arith.mulf %scan3A_263#1, %mul3A_287 : vector<16xf32>
      %swap3A_289 = arith.constant 0 : i32
      %swap3A_290 = arith.index_cast %swap3A_289 : i32 to index
      %swap3A_291 = arith.constant 16 : index
      %swap3A_292 = tpu.vector_load %arg12[%swap3A_290, %swap3A_291] {strides = array<i32>} : memref<2x256xf32, #tpu.memory_space<vmem>>, vector<1x16xf32>,
      %swap3A_293 = vector.shape_cast %swap3A_292 : vector<1x16xf32> to vector<16xf32>
      %swap3A_294 = vector.shape_cast %mul3A_288 : vector<16xf32> to vector<1x16xf32>
      tpu.vector_store %arg12[%swap3A_290, %swap3A_291], %swap3A_294 {strides = array<i32>} : memref<2x256xf32, #tpu.memory_space<vmem>>, vector<1x16xf32>,
      %swap3A_295 = arith.constant 0 : i32
      %swap3A_296 = arith.index_cast %swap3A_295 : i32 to index
      %swap3A_297 = arith.constant 32 : index
      %swap3A_298 = tpu.vector_load %arg11[%swap3A_296, %swap3A_297] {strides = array<i32>} : memref<2x256xf32, #tpu.memory_space<vmem>>, vector<1x16xf32>,
      %swap3A_299 = vector.shape_cast %swap3A_298 : vector<1x16xf32> to vector<16xf32>
      %swap3A_300 = vector.shape_cast %scan3A_263#2 : vector<16xf32> to vector<1x16xf32>
      tpu.vector_store %arg11[%swap3A_296, %swap3A_297], %swap3A_300 {strides = array<i32>} : memref<2x256xf32, #tpu.memory_space<vmem>>, vector<1x16xf32>,
      %mul3A_301 = arith.constant 5.000000e-03 : f32
      %mul3A_302 = vector.broadcast %mul3A_301 : f32 to vector<16xf32>
      %mul3A_303 = arith.mulf %scan3A_263#2, %mul3A_302 : vector<16xf32>
      %swap3A_304 = arith.constant 0 : i32
      %swap3A_305 = arith.index_cast %swap3A_304 : i32 to index
      %swap3A_306 = arith.constant 32 : index
      %swap3A_307 = tpu.vector_load %arg12[%swap3A_305, %swap3A_306] {strides = array<i32>} : memref<2x256xf32, #tpu.memory_space<vmem>>, vector<1x16xf32>,
      %swap3A_308 = vector.shape_cast %swap3A_307 : vector<1x16xf32> to vector<16xf32>
      %swap3A_309 = vector.shape_cast %mul3A_303 : vector<16xf32> to vector<1x16xf32>
      tpu.vector_store %arg12[%swap3A_305, %swap3A_306], %swap3A_309 {strides = array<i32>} : memref<2x256xf32, #tpu.memory_space<vmem>>, vector<1x16xf32>,
      %swap3A_310 = arith.constant 0 : i32
      %swap3A_311 = arith.index_cast %swap3A_310 : i32 to index
      %swap3A_312 = arith.constant 48 : index
      %swap3A_313 = tpu.vector_load %arg11[%swap3A_311, %swap3A_312] {strides = array<i32>} : memref<2x256xf32, #tpu.memory_space<vmem>>, vector<1x16xf32>,
      %swap3A_314 = vector.shape_cast %swap3A_313 : vector<1x16xf32> to vector<16xf32>
      %swap3A_315 = vector.shape_cast %scan3A_263#3 : vector<16xf32> to vector<1x16xf32>
      tpu.vector_store %arg11[%swap3A_311, %swap3A_312], %swap3A_315 {strides = array<i32>} : memref<2x256xf32, #tpu.memory_space<vmem>>, vector<1x16xf32>,
      %mul3A_316 = arith.constant 5.000000e-03 : f32
      %mul3A_317 = vector.broadcast %mul3A_316 : f32 to vector<16xf32>
      %mul3A_318 = arith.mulf %scan3A_263#3, %mul3A_317 : vector<16xf32>
      %swap3A_319 = arith.constant 0 : i32
      %swap3A_320 = arith.index_cast %swap3A_319 : i32 to index
      %swap3A_321 = arith.constant 48 : index
      %swap3A_322 = tpu.vector_load %arg12[%swap3A_320, %swap3A_321] {strides = array<i32>} : memref<2x256xf32, #tpu.memory_space<vmem>>, vector<1x16xf32>,
      %swap3A_323 = vector.shape_cast %swap3A_322 : vector<1x16xf32> to vector<16xf32>
      %swap3A_324 = vector.shape_cast %mul3A_318 : vector<16xf32> to vector<1x16xf32>
      tpu.vector_store %arg12[%swap3A_320, %swap3A_321], %swap3A_324 {strides = array<i32>} : memref<2x256xf32, #tpu.memory_space<vmem>>, vector<1x16xf32>,
      %swap3A_325 = arith.constant 0 : i32
      %swap3A_326 = arith.index_cast %swap3A_325 : i32 to index
      %swap3A_327 = arith.constant 64 : index
      %swap3A_328 = tpu.vector_load %arg11[%swap3A_326, %swap3A_327] {strides = array<i32>} : memref<2x256xf32, #tpu.memory_space<vmem>>, vector<1x16xf32>,
      %swap3A_329 = vector.shape_cast %swap3A_328 : vector<1x16xf32> to vector<16xf32>
      %swap3A_330 = vector.shape_cast %scan3A_263#4 : vector<16xf32> to vector<1x16xf32>
      tpu.vector_store %arg11[%swap3A_326, %swap3A_327], %swap3A_330 {strides = array<i32>} : memref<2x256xf32, #tpu.memory_space<vmem>>, vector<1x16xf32>,
      %mul3A_331 = arith.constant 5.000000e-03 : f32
      %mul3A_332 = vector.broadcast %mul3A_331 : f32 to vector<16xf32>
      %mul3A_333 = arith.mulf %scan3A_263#4, %mul3A_332 : vector<16xf32>
      %swap3A_334 = arith.constant 0 : i32
      %swap3A_335 = arith.index_cast %swap3A_334 : i32 to index
      %swap3A_336 = arith.constant 64 : index
      %swap3A_337 = tpu.vector_load %arg12[%swap3A_335, %swap3A_336] {strides = array<i32>} : memref<2x256xf32, #tpu.memory_space<vmem>>, vector<1x16xf32>,
      %swap3A_338 = vector.shape_cast %swap3A_337 : vector<1x16xf32> to vector<16xf32>
      %swap3A_339 = vector.shape_cast %mul3A_333 : vector<16xf32> to vector<1x16xf32>
      tpu.vector_store %arg12[%swap3A_335, %swap3A_336], %swap3A_339 {strides = array<i32>} : memref<2x256xf32, #tpu.memory_space<vmem>>, vector<1x16xf32>,
      %swap3A_340 = arith.constant 0 : i32
      %swap3A_341 = arith.index_cast %swap3A_340 : i32 to index
      %swap3A_342 = arith.constant 80 : index
      %swap3A_343 = tpu.vector_load %arg11[%swap3A_341, %swap3A_342] {strides = array<i32>} : memref<2x256xf32, #tpu.memory_space<vmem>>, vector<1x16xf32>,
      %swap3A_344 = vector.shape_cast %swap3A_343 : vector<1x16xf32> to vector<16xf32>
      %swap3A_345 = vector.shape_cast %scan3A_263#5 : vector<16xf32> to vector<1x16xf32>
      tpu.vector_store %arg11[%swap3A_341, %swap3A_342], %swap3A_345 {strides = array<i32>} : memref<2x256xf32, #tpu.memory_space<vmem>>, vector<1x16xf32>,
      %mul3A_346 = arith.constant 5.000000e-03 : f32
      %mul3A_347 = vector.broadcast %mul3A_346 : f32 to vector<16xf32>
      %mul3A_348 = arith.mulf %scan3A_263#5, %mul3A_347 : vector<16xf32>
      %swap3A_349 = arith.constant 0 : i32
      %swap3A_350 = arith.index_cast %swap3A_349 : i32 to index
      %swap3A_351 = arith.constant 80 : index
      %swap3A_352 = tpu.vector_load %arg12[%swap3A_350, %swap3A_351] {strides = array<i32>} : memref<2x256xf32, #tpu.memory_space<vmem>>, vector<1x16xf32>,
      %swap3A_353 = vector.shape_cast %swap3A_352 : vector<1x16xf32> to vector<16xf32>
      %swap3A_354 = vector.shape_cast %mul3A_348 : vector<16xf32> to vector<1x16xf32>
      tpu.vector_store %arg12[%swap3A_350, %swap3A_351], %swap3A_354 {strides = array<i32>} : memref<2x256xf32, #tpu.memory_space<vmem>>, vector<1x16xf32>,
      %swap3A_355 = arith.constant 0 : i32
      %swap3A_356 = arith.index_cast %swap3A_355 : i32 to index
      %swap3A_357 = arith.constant 96 : index
      %swap3A_358 = tpu.vector_load %arg11[%swap3A_356, %swap3A_357] {strides = array<i32>} : memref<2x256xf32, #tpu.memory_space<vmem>>, vector<1x16xf32>,
      %swap3A_359 = vector.shape_cast %swap3A_358 : vector<1x16xf32> to vector<16xf32>
      %swap3A_360 = vector.shape_cast %scan3A_263#6 : vector<16xf32> to vector<1x16xf32>
      tpu.vector_store %arg11[%swap3A_356, %swap3A_357], %swap3A_360 {strides = array<i32>} : memref<2x256xf32, #tpu.memory_space<vmem>>, vector<1x16xf32>,
      %mul3A_361 = arith.constant 5.000000e-03 : f32
      %mul3A_362 = vector.broadcast %mul3A_361 : f32 to vector<16xf32>
      %mul3A_363 = arith.mulf %scan3A_263#6, %mul3A_362 : vector<16xf32>
      %swap3A_364 = arith.constant 0 : i32
      %swap3A_365 = arith.index_cast %swap3A_364 : i32 to index
      %swap3A_366 = arith.constant 96 : index
      %swap3A_367 = tpu.vector_load %arg12[%swap3A_365, %swap3A_366] {strides = array<i32>} : memref<2x256xf32, #tpu.memory_space<vmem>>, vector<1x16xf32>,
      %swap3A_368 = vector.shape_cast %swap3A_367 : vector<1x16xf32> to vector<16xf32>
      %swap3A_369 = vector.shape_cast %mul3A_363 : vector<16xf32> to vector<1x16xf32>
      tpu.vector_store %arg12[%swap3A_365, %swap3A_366], %swap3A_369 {strides = array<i32>} : memref<2x256xf32, #tpu.memory_space<vmem>>, vector<1x16xf32>,
      %swap3A_370 = arith.constant 0 : i32
      %swap3A_371 = arith.index_cast %swap3A_370 : i32 to index
      %swap3A_372 = arith.constant 112 : index
      %swap3A_373 = tpu.vector_load %arg11[%swap3A_371, %swap3A_372] {strides = array<i32>} : memref<2x256xf32, #tpu.memory_space<vmem>>, vector<1x16xf32>,
      %swap3A_374 = vector.shape_cast %swap3A_373 : vector<1x16xf32> to vector<16xf32>
      %swap3A_375 = vector.shape_cast %scan3A_263#7 : vector<16xf32> to vector<1x16xf32>
      tpu.vector_store %arg11[%swap3A_371, %swap3A_372], %swap3A_375 {strides = array<i32>} : memref<2x256xf32, #tpu.memory_space<vmem>>, vector<1x16xf32>,
      %mul3A_376 = arith.constant 5.000000e-03 : f32
      %mul3A_377 = vector.broadcast %mul3A_376 : f32 to vector<16xf32>
      %mul3A_378 = arith.mulf %scan3A_263#7, %mul3A_377 : vector<16xf32>
      %swap3A_379 = arith.constant 0 : i32
      %swap3A_380 = arith.index_cast %swap3A_379 : i32 to index
      %swap3A_381 = arith.constant 112 : index
      %swap3A_382 = tpu.vector_load %arg12[%swap3A_380, %swap3A_381] {strides = array<i32>} : memref<2x256xf32, #tpu.memory_space<vmem>>, vector<1x16xf32>,
      %swap3A_383 = vector.shape_cast %swap3A_382 : vector<1x16xf32> to vector<16xf32>
      %swap3A_384 = vector.shape_cast %mul3A_378 : vector<16xf32> to vector<1x16xf32>
      tpu.vector_store %arg12[%swap3A_380, %swap3A_381], %swap3A_384 {strides = array<i32>} : memref<2x256xf32, #tpu.memory_space<vmem>>, vector<1x16xf32>,
      %swap3A_385 = arith.constant 0 : i32
      %swap3A_386 = arith.index_cast %swap3A_385 : i32 to index
      %swap3A_387 = arith.constant 128 : index
      %swap3A_388 = tpu.vector_load %arg11[%swap3A_386, %swap3A_387] {strides = array<i32>} : memref<2x256xf32, #tpu.memory_space<vmem>>, vector<1x16xf32>,
      %swap3A_389 = vector.shape_cast %swap3A_388 : vector<1x16xf32> to vector<16xf32>
      %swap3A_390 = vector.shape_cast %scan3A_263#8 : vector<16xf32> to vector<1x16xf32>
      tpu.vector_store %arg11[%swap3A_386, %swap3A_387], %swap3A_390 {strides = array<i32>} : memref<2x256xf32, #tpu.memory_space<vmem>>, vector<1x16xf32>,
      %mul3A_391 = arith.constant 5.000000e-03 : f32
      %mul3A_392 = vector.broadcast %mul3A_391 : f32 to vector<16xf32>
      %mul3A_393 = arith.mulf %scan3A_263#8, %mul3A_392 : vector<16xf32>
      %swap3A_394 = arith.constant 0 : i32
      %swap3A_395 = arith.index_cast %swap3A_394 : i32 to index
      %swap3A_396 = arith.constant 128 : index
      %swap3A_397 = tpu.vector_load %arg12[%swap3A_395, %swap3A_396] {strides = array<i32>} : memref<2x256xf32, #tpu.memory_space<vmem>>, vector<1x16xf32>,
      %swap3A_398 = vector.shape_cast %swap3A_397 : vector<1x16xf32> to vector<16xf32>
      %swap3A_399 = vector.shape_cast %mul3A_393 : vector<16xf32> to vector<1x16xf32>
      tpu.vector_store %arg12[%swap3A_395, %swap3A_396], %swap3A_399 {strides = array<i32>} : memref<2x256xf32, #tpu.memory_space<vmem>>, vector<1x16xf32>,
      %swap3A_400 = arith.constant 0 : i32
      %swap3A_401 = arith.index_cast %swap3A_400 : i32 to index
      %swap3A_402 = arith.constant 144 : index
      %swap3A_403 = tpu.vector_load %arg11[%swap3A_401, %swap3A_402] {strides = array<i32>} : memref<2x256xf32, #tpu.memory_space<vmem>>, vector<1x16xf32>,
      %swap3A_404 = vector.shape_cast %swap3A_403 : vector<1x16xf32> to vector<16xf32>
      %swap3A_405 = vector.shape_cast %scan3A_263#9 : vector<16xf32> to vector<1x16xf32>
      tpu.vector_store %arg11[%swap3A_401, %swap3A_402], %swap3A_405 {strides = array<i32>} : memref<2x256xf32, #tpu.memory_space<vmem>>, vector<1x16xf32>,
      %mul3A_406 = arith.constant 5.000000e-03 : f32
      %mul3A_407 = vector.broadcast %mul3A_406 : f32 to vector<16xf32>
      %mul3A_408 = arith.mulf %scan3A_263#9, %mul3A_407 : vector<16xf32>
      %swap3A_409 = arith.constant 0 : i32
      %swap3A_410 = arith.index_cast %swap3A_409 : i32 to index
      %swap3A_411 = arith.constant 144 : index
      %swap3A_412 = tpu.vector_load %arg12[%swap3A_410, %swap3A_411] {strides = array<i32>} : memref<2x256xf32, #tpu.memory_space<vmem>>, vector<1x16xf32>,
      %swap3A_413 = vector.shape_cast %swap3A_412 : vector<1x16xf32> to vector<16xf32>
      %swap3A_414 = vector.shape_cast %mul3A_408 : vector<16xf32> to vector<1x16xf32>
      tpu.vector_store %arg12[%swap3A_410, %swap3A_411], %swap3A_414 {strides = array<i32>} : memref<2x256xf32, #tpu.memory_space<vmem>>, vector<1x16xf32>,
      %swap3A_415 = arith.constant 0 : i32
      %swap3A_416 = arith.index_cast %swap3A_415 : i32 to index
      %swap3A_417 = arith.constant 160 : index
      %swap3A_418 = tpu.vector_load %arg11[%swap3A_416, %swap3A_417] {strides = array<i32>} : memref<2x256xf32, #tpu.memory_space<vmem>>, vector<1x16xf32>,
      %swap3A_419 = vector.shape_cast %swap3A_418 : vector<1x16xf32> to vector<16xf32>
      %swap3A_420 = vector.shape_cast %scan3A_263#10 : vector<16xf32> to vector<1x16xf32>
      tpu.vector_store %arg11[%swap3A_416, %swap3A_417], %swap3A_420 {strides = array<i32>} : memref<2x256xf32, #tpu.memory_space<vmem>>, vector<1x16xf32>,
      %mul3A_421 = arith.constant 5.000000e-03 : f32
      %mul3A_422 = vector.broadcast %mul3A_421 : f32 to vector<16xf32>
      %mul3A_423 = arith.mulf %scan3A_263#10, %mul3A_422 : vector<16xf32>
      %swap3A_424 = arith.constant 0 : i32
      %swap3A_425 = arith.index_cast %swap3A_424 : i32 to index
      %swap3A_426 = arith.constant 160 : index
      %swap3A_427 = tpu.vector_load %arg12[%swap3A_425, %swap3A_426] {strides = array<i32>} : memref<2x256xf32, #tpu.memory_space<vmem>>, vector<1x16xf32>,
      %swap3A_428 = vector.shape_cast %swap3A_427 : vector<1x16xf32> to vector<16xf32>
      %swap3A_429 = vector.shape_cast %mul3A_423 : vector<16xf32> to vector<1x16xf32>
      tpu.vector_store %arg12[%swap3A_425, %swap3A_426], %swap3A_429 {strides = array<i32>} : memref<2x256xf32, #tpu.memory_space<vmem>>, vector<1x16xf32>,
      %swap3A_430 = arith.constant 0 : i32
      %swap3A_431 = arith.index_cast %swap3A_430 : i32 to index
      %swap3A_432 = arith.constant 176 : index
      %swap3A_433 = tpu.vector_load %arg11[%swap3A_431, %swap3A_432] {strides = array<i32>} : memref<2x256xf32, #tpu.memory_space<vmem>>, vector<1x16xf32>,
      %swap3A_434 = vector.shape_cast %swap3A_433 : vector<1x16xf32> to vector<16xf32>
      %swap3A_435 = vector.shape_cast %scan3A_263#11 : vector<16xf32> to vector<1x16xf32>
      tpu.vector_store %arg11[%swap3A_431, %swap3A_432], %swap3A_435 {strides = array<i32>} : memref<2x256xf32, #tpu.memory_space<vmem>>, vector<1x16xf32>,
      %mul3A_436 = arith.constant 5.000000e-03 : f32
      %mul3A_437 = vector.broadcast %mul3A_436 : f32 to vector<16xf32>
      %mul3A_438 = arith.mulf %scan3A_263#11, %mul3A_437 : vector<16xf32>
      %swap3A_439 = arith.constant 0 : i32
      %swap3A_440 = arith.index_cast %swap3A_439 : i32 to index
      %swap3A_441 = arith.constant 176 : index
      %swap3A_442 = tpu.vector_load %arg12[%swap3A_440, %swap3A_441] {strides = array<i32>} : memref<2x256xf32, #tpu.memory_space<vmem>>, vector<1x16xf32>,
      %swap3A_443 = vector.shape_cast %swap3A_442 : vector<1x16xf32> to vector<16xf32>
      %swap3A_444 = vector.shape_cast %mul3A_438 : vector<16xf32> to vector<1x16xf32>
      tpu.vector_store %arg12[%swap3A_440, %swap3A_441], %swap3A_444 {strides = array<i32>} : memref<2x256xf32, #tpu.memory_space<vmem>>, vector<1x16xf32>,
      %swap3A_445 = arith.constant 0 : i32
      %swap3A_446 = arith.index_cast %swap3A_445 : i32 to index
      %swap3A_447 = arith.constant 192 : index
      %swap3A_448 = tpu.vector_load %arg11[%swap3A_446, %swap3A_447] {strides = array<i32>} : memref<2x256xf32, #tpu.memory_space<vmem>>, vector<1x16xf32>,
      %swap3A_449 = vector.shape_cast %swap3A_448 : vector<1x16xf32> to vector<16xf32>
      %swap3A_450 = vector.shape_cast %scan3A_263#12 : vector<16xf32> to vector<1x16xf32>
      tpu.vector_store %arg11[%swap3A_446, %swap3A_447], %swap3A_450 {strides = array<i32>} : memref<2x256xf32, #tpu.memory_space<vmem>>, vector<1x16xf32>,
      %mul3A_451 = arith.constant 5.000000e-03 : f32
      %mul3A_452 = vector.broadcast %mul3A_451 : f32 to vector<16xf32>
      %mul3A_453 = arith.mulf %scan3A_263#12, %mul3A_452 : vector<16xf32>
      %swap3A_454 = arith.constant 0 : i32
      %swap3A_455 = arith.index_cast %swap3A_454 : i32 to index
      %swap3A_456 = arith.constant 192 : index
      %swap3A_457 = tpu.vector_load %arg12[%swap3A_455, %swap3A_456] {strides = array<i32>} : memref<2x256xf32, #tpu.memory_space<vmem>>, vector<1x16xf32>,
      %swap3A_458 = vector.shape_cast %swap3A_457 : vector<1x16xf32> to vector<16xf32>
      %swap3A_459 = vector.shape_cast %mul3A_453 : vector<16xf32> to vector<1x16xf32>
      tpu.vector_store %arg12[%swap3A_455, %swap3A_456], %swap3A_459 {strides = array<i32>} : memref<2x256xf32, #tpu.memory_space<vmem>>, vector<1x16xf32>,
      %swap3A_460 = arith.constant 0 : i32
      %swap3A_461 = arith.index_cast %swap3A_460 : i32 to index
      %swap3A_462 = arith.constant 208 : index
      %swap3A_463 = tpu.vector_load %arg11[%swap3A_461, %swap3A_462] {strides = array<i32>} : memref<2x256xf32, #tpu.memory_space<vmem>>, vector<1x16xf32>,
      %swap3A_464 = vector.shape_cast %swap3A_463 : vector<1x16xf32> to vector<16xf32>
      %swap3A_465 = vector.shape_cast %scan3A_263#13 : vector<16xf32> to vector<1x16xf32>
      tpu.vector_store %arg11[%swap3A_461, %swap3A_462], %swap3A_465 {strides = array<i32>} : memref<2x256xf32, #tpu.memory_space<vmem>>, vector<1x16xf32>,
      %mul3A_466 = arith.constant 5.000000e-03 : f32
      %mul3A_467 = vector.broadcast %mul3A_466 : f32 to vector<16xf32>
      %mul3A_468 = arith.mulf %scan3A_263#13, %mul3A_467 : vector<16xf32>
      %swap3A_469 = arith.constant 0 : i32
      %swap3A_470 = arith.index_cast %swap3A_469 : i32 to index
      %swap3A_471 = arith.constant 208 : index
      %swap3A_472 = tpu.vector_load %arg12[%swap3A_470, %swap3A_471] {strides = array<i32>} : memref<2x256xf32, #tpu.memory_space<vmem>>, vector<1x16xf32>,
      %swap3A_473 = vector.shape_cast %swap3A_472 : vector<1x16xf32> to vector<16xf32>
      %swap3A_474 = vector.shape_cast %mul3A_468 : vector<16xf32> to vector<1x16xf32>
      tpu.vector_store %arg12[%swap3A_470, %swap3A_471], %swap3A_474 {strides = array<i32>} : memref<2x256xf32, #tpu.memory_space<vmem>>, vector<1x16xf32>,
      %swap3A_475 = arith.constant 0 : i32
      %swap3A_476 = arith.index_cast %swap3A_475 : i32 to index
      %swap3A_477 = arith.constant 224 : index
      %swap3A_478 = tpu.vector_load %arg11[%swap3A_476, %swap3A_477] {strides = array<i32>} : memref<2x256xf32, #tpu.memory_space<vmem>>, vector<1x16xf32>,
      %swap3A_479 = vector.shape_cast %swap3A_478 : vector<1x16xf32> to vector<16xf32>
      %swap3A_480 = vector.shape_cast %scan3A_263#14 : vector<16xf32> to vector<1x16xf32>
      tpu.vector_store %arg11[%swap3A_476, %swap3A_477], %swap3A_480 {strides = array<i32>} : memref<2x256xf32, #tpu.memory_space<vmem>>, vector<1x16xf32>,
      %mul3A_481 = arith.constant 5.000000e-03 : f32
      %mul3A_482 = vector.broadcast %mul3A_481 : f32 to vector<16xf32>
      %mul3A_483 = arith.mulf %scan3A_263#14, %mul3A_482 : vector<16xf32>
      %swap3A_484 = arith.constant 0 : i32
      %swap3A_485 = arith.index_cast %swap3A_484 : i32 to index
      %swap3A_486 = arith.constant 224 : index
      %swap3A_487 = tpu.vector_load %arg12[%swap3A_485, %swap3A_486] {strides = array<i32>} : memref<2x256xf32, #tpu.memory_space<vmem>>, vector<1x16xf32>,
      %swap3A_488 = vector.shape_cast %swap3A_487 : vector<1x16xf32> to vector<16xf32>
      %swap3A_489 = vector.shape_cast %mul3A_483 : vector<16xf32> to vector<1x16xf32>
      tpu.vector_store %arg12[%swap3A_485, %swap3A_486], %swap3A_489 {strides = array<i32>} : memref<2x256xf32, #tpu.memory_space<vmem>>, vector<1x16xf32>,
      %swap3A_490 = arith.constant 0 : i32
      %swap3A_491 = arith.index_cast %swap3A_490 : i32 to index
      %swap3A_492 = arith.constant 240 : index
      %swap3A_493 = tpu.vector_load %arg11[%swap3A_491, %swap3A_492] {strides = array<i32>} : memref<2x256xf32, #tpu.memory_space<vmem>>, vector<1x16xf32>,
      %swap3A_494 = vector.shape_cast %swap3A_493 : vector<1x16xf32> to vector<16xf32>
      %swap3A_495 = vector.shape_cast %scan3A_263#15 : vector<16xf32> to vector<1x16xf32>
      tpu.vector_store %arg11[%swap3A_491, %swap3A_492], %swap3A_495 {strides = array<i32>} : memref<2x256xf32, #tpu.memory_space<vmem>>, vector<1x16xf32>,
      %mul3A_496 = arith.constant 5.000000e-03 : f32
      %mul3A_497 = vector.broadcast %mul3A_496 : f32 to vector<16xf32>
      %mul3A_498 = arith.mulf %scan3A_263#15, %mul3A_497 : vector<16xf32>
      %swap3A_499 = arith.constant 0 : i32
      %swap3A_500 = arith.index_cast %swap3A_499 : i32 to index
      %swap3A_501 = arith.constant 240 : index
      %swap3A_502 = tpu.vector_load %arg12[%swap3A_500, %swap3A_501] {strides = array<i32>} : memref<2x256xf32, #tpu.memory_space<vmem>>, vector<1x16xf32>,
      %swap3A_503 = vector.shape_cast %swap3A_502 : vector<1x16xf32> to vector<16xf32>
      %swap3A_504 = vector.shape_cast %mul3A_498 : vector<16xf32> to vector<1x16xf32>
      tpu.vector_store %arg12[%swap3A_500, %swap3A_501], %swap3A_504 {strides = array<i32>} : memref<2x256xf32, #tpu.memory_space<vmem>>, vector<1x16xf32>,
      %convert_element_type3A_505 = arith.extui %lt3A_71 : i1 to i32
      %cond3A_506 = arith.constant 0 : i32
      %cond3A_507 = arith.cmpi ne, %convert_element_type3A_505, %cond3A_506 : i32
      scf.if %cond3A_507 {
        %dma_wait3A_931 = arith.constant 0 : i32
        %dma_wait3A_932 = tpu.memref_slice %arg7[%dma_wait3A_931] : memref<208xi32, #tpu.memory_space<vmem>> -> memref<200xi32, #tpu.memory_space<vmem>>
        %dma_wait3A_933 = arith.constant 0 : i32
        %dma_wait3A_934 = tpu.memref_slice %arg2[%dma_wait3A_933] : memref<204800xi32, #tpu.memory_space<hbm>> -> memref<200xi32, #tpu.memory_space<hbm>>
        %dma_wait3A_935 = arith.constant 0 : i32
        %dma_wait3A_936 = tpu.memref_slice %arg7[%dma_wait3A_935] : memref<208xi32, #tpu.memory_space<vmem>> -> memref<200xi32, #tpu.memory_space<vmem>>
        %dma_wait3A_937 = arith.constant 0 : i32
        %dma_wait3A_938 = tpu.memref_slice %arg2[%dma_wait3A_937] : memref<204800xi32, #tpu.memory_space<hbm>> -> memref<200xi32, #tpu.memory_space<hbm>>
        tpu.wait_dma2 semaphore(%arg16 : memref<!tpu.dma_semaphore, #tpu.memory_space<semaphore_mem>>) src(%dma_wait3A_938 : memref<200xi32, #tpu.memory_space<hbm>>) dst(%dma_wait3A_936 : memref<200xi32, #tpu.memory_space<vmem>>)
        %dma_start3A_939 = arith.constant 0 : i32
        %dma_start3A_940 = arith.constant 0 : i32
        %dma_start3A_941 = tpu.memref_slice %arg9[%dma_start3A_939, %dma_start3A_940] : memref<200x256xf32, #tpu.memory_space<vmem>> -> memref<128x256xf32, #tpu.memory_space<vmem>>
        %dma_start3A_942 = arith.constant 0 : i32
        %dma_start3A_943 = tpu.memref_slice %arg7[%dma_start3A_942] : memref<208xi32, #tpu.memory_space<vmem>> -> memref<128xi32, #tpu.memory_space<vmem>>
        %dma_start3A_944 = arith.constant 0 : i32
        %dma_start3A_945 = arith.constant 0 : i32
        %dma_start3A_946 = tpu.memref_slice %arg3[%dma_start3A_944, %dma_start3A_945] : memref<100000x256xf32, #tpu.memory_space<hbm>> -> memref<100000x256xf32, #tpu.memory_space<hbm>>
        tpu.enqueue_indirect_dma source(%dma_start3A_946 : memref<100000x256xf32, #tpu.memory_space<hbm>>) target(%dma_start3A_941 : memref<128x256xf32, #tpu.memory_space<vmem>>) offsets(%dma_start3A_943 : memref<128xi32, #tpu.memory_space<vmem>>) semaphore(%arg14 : memref<!tpu.dma_semaphore, #tpu.memory_space<semaphore_mem>>)
        %dma_start3A_947 = arith.constant 128 : i32
        %dma_start3A_948 = arith.constant 0 : i32
        %dma_start3A_949 = tpu.memref_slice %arg9[%dma_start3A_947, %dma_start3A_948] : memref<200x256xf32, #tpu.memory_space<vmem>> -> memref<72x256xf32, #tpu.memory_space<vmem>>
        %dma_start3A_950 = arith.constant 128 : i32
        %dma_start3A_951 = tpu.memref_slice %arg7[%dma_start3A_950] : memref<208xi32, #tpu.memory_space<vmem>> -> memref<72xi32, #tpu.memory_space<vmem>>
        %dma_start3A_952 = arith.constant 0 : i32
        %dma_start3A_953 = arith.constant 0 : i32
        %dma_start3A_954 = tpu.memref_slice %arg3[%dma_start3A_952, %dma_start3A_953] : memref<100000x256xf32, #tpu.memory_space<hbm>> -> memref<100000x256xf32, #tpu.memory_space<hbm>>
        tpu.enqueue_indirect_dma source(%dma_start3A_954 : memref<100000x256xf32, #tpu.memory_space<hbm>>) target(%dma_start3A_949 : memref<72x256xf32, #tpu.memory_space<vmem>>) offsets(%dma_start3A_951 : memref<72xi32, #tpu.memory_space<vmem>>) semaphore(%arg14 : memref<!tpu.dma_semaphore, #tpu.memory_space<semaphore_mem>>)
      } else {
      }
      %dma_wait3A_508 = arith.constant 0 : i32
      %dma_wait3A_509 = arith.constant 0 : i32
      %dma_wait3A_510 = tpu.memref_slice %arg10[%dma_wait3A_508, %dma_wait3A_509] : memref<200x256xf32, #tpu.memory_space<vmem>> -> memref<128x256xf32, #tpu.memory_space<vmem>>
      %dma_wait3A_511 = arith.constant 0 : i32
      %dma_wait3A_512 = tpu.memref_slice %arg7[%dma_wait3A_511] : memref<208xi32, #tpu.memory_space<vmem>> -> memref<128xi32, #tpu.memory_space<vmem>>
      %dma_wait3A_513 = arith.constant 0 : i32
      %dma_wait3A_514 = arith.constant 0 : i32
      %dma_wait3A_515 = tpu.memref_slice %arg3[%dma_wait3A_513, %dma_wait3A_514] : memref<100000x256xf32, #tpu.memory_space<hbm>> -> memref<100000x256xf32, #tpu.memory_space<hbm>>
      tpu.wait_indirect_dma semaphore(%arg15 : memref<!tpu.dma_semaphore, #tpu.memory_space<semaphore_mem>>) src(%dma_wait3A_515 : memref<100000x256xf32, #tpu.memory_space<hbm>>) dst(%dma_wait3A_510 : memref<128x256xf32, #tpu.memory_space<vmem>>)
      %dma_wait3A_516 = arith.constant 128 : i32
      %dma_wait3A_517 = arith.constant 0 : i32
      %dma_wait3A_518 = tpu.memref_slice %arg10[%dma_wait3A_516, %dma_wait3A_517] : memref<200x256xf32, #tpu.memory_space<vmem>> -> memref<72x256xf32, #tpu.memory_space<vmem>>
      %dma_wait3A_519 = arith.constant 128 : i32
      %dma_wait3A_520 = tpu.memref_slice %arg7[%dma_wait3A_519] : memref<208xi32, #tpu.memory_space<vmem>> -> memref<72xi32, #tpu.memory_space<vmem>>
      %dma_wait3A_521 = arith.constant 0 : i32
      %dma_wait3A_522 = arith.constant 0 : i32
      %dma_wait3A_523 = tpu.memref_slice %arg3[%dma_wait3A_521, %dma_wait3A_522] : memref<100000x256xf32, #tpu.memory_space<hbm>> -> memref<100000x256xf32, #tpu.memory_space<hbm>>
      tpu.wait_indirect_dma semaphore(%arg15 : memref<!tpu.dma_semaphore, #tpu.memory_space<semaphore_mem>>) src(%dma_wait3A_523 : memref<100000x256xf32, #tpu.memory_space<hbm>>) dst(%dma_wait3A_518 : memref<72x256xf32, #tpu.memory_space<vmem>>)
      %get3A_524 = arith.constant 0 : index
      %get3A_525 = tpu.vector_load %arg8[%get3A_524] {strides = array<i32>} : memref<208xi32, #tpu.memory_space<vmem>>, vector<16xi32>,
      %get3A_526 = vector.shape_cast %get3A_525 : vector<16xi32> to vector<16xi32>
      %eq3A_527 = arith.constant 0 : i32
      %eq3A_528 = vector.broadcast %eq3A_527 : i32 to vector<16xi32>
      %eq3A_529 = arith.cmpi eq, %get3A_526, %eq3A_528 : vector<16xi32>
      %select_n3A_530 = arith.select %eq3A_529, %broadcast_in_dim3A_7, %broadcast_in_dim3A_5 : vector<16xi1>, vector<16xf32>
      %add3A_531 = arith.addf %broadcast_in_dim3A_5, %select_n3A_530 : vector<16xf32>
      %get3A_532 = arith.constant 16 : index
      %get3A_533 = tpu.vector_load %arg8[%get3A_532] {strides = array<i32>} : memref<208xi32, #tpu.memory_space<vmem>>, vector<16xi32>,
      %get3A_534 = vector.shape_cast %get3A_533 : vector<16xi32> to vector<16xi32>
      %eq3A_535 = arith.constant 0 : i32
      %eq3A_536 = vector.broadcast %eq3A_535 : i32 to vector<16xi32>
      %eq3A_537 = arith.cmpi eq, %get3A_534, %eq3A_536 : vector<16xi32>
      %select_n3A_538 = arith.select %eq3A_537, %broadcast_in_dim3A_7, %broadcast_in_dim3A_5 : vector<16xi1>, vector<16xf32>
      %add3A_539 = arith.addf %add3A_531, %select_n3A_538 : vector<16xf32>
      %get3A_540 = arith.constant 32 : index
      %get3A_541 = tpu.vector_load %arg8[%get3A_540] {strides = array<i32>} : memref<208xi32, #tpu.memory_space<vmem>>, vector<16xi32>,
      %get3A_542 = vector.shape_cast %get3A_541 : vector<16xi32> to vector<16xi32>
      %eq3A_543 = arith.constant 0 : i32
      %eq3A_544 = vector.broadcast %eq3A_543 : i32 to vector<16xi32>
      %eq3A_545 = arith.cmpi eq, %get3A_542, %eq3A_544 : vector<16xi32>
      %select_n3A_546 = arith.select %eq3A_545, %broadcast_in_dim3A_7, %broadcast_in_dim3A_5 : vector<16xi1>, vector<16xf32>
      %add3A_547 = arith.addf %add3A_539, %select_n3A_546 : vector<16xf32>
      %get3A_548 = arith.constant 48 : index
      %get3A_549 = tpu.vector_load %arg8[%get3A_548] {strides = array<i32>} : memref<208xi32, #tpu.memory_space<vmem>>, vector<16xi32>,
      %get3A_550 = vector.shape_cast %get3A_549 : vector<16xi32> to vector<16xi32>
      %eq3A_551 = arith.constant 0 : i32
      %eq3A_552 = vector.broadcast %eq3A_551 : i32 to vector<16xi32>
      %eq3A_553 = arith.cmpi eq, %get3A_550, %eq3A_552 : vector<16xi32>
      %select_n3A_554 = arith.select %eq3A_553, %broadcast_in_dim3A_7, %broadcast_in_dim3A_5 : vector<16xi1>, vector<16xf32>
      %add3A_555 = arith.addf %add3A_547, %select_n3A_554 : vector<16xf32>
      %get3A_556 = arith.constant 64 : index
      %get3A_557 = tpu.vector_load %arg8[%get3A_556] {strides = array<i32>} : memref<208xi32, #tpu.memory_space<vmem>>, vector<16xi32>,
      %get3A_558 = vector.shape_cast %get3A_557 : vector<16xi32> to vector<16xi32>
      %eq3A_559 = arith.constant 0 : i32
      %eq3A_560 = vector.broadcast %eq3A_559 : i32 to vector<16xi32>
      %eq3A_561 = arith.cmpi eq, %get3A_558, %eq3A_560 : vector<16xi32>
      %select_n3A_562 = arith.select %eq3A_561, %broadcast_in_dim3A_7, %broadcast_in_dim3A_5 : vector<16xi1>, vector<16xf32>
      %add3A_563 = arith.addf %add3A_555, %select_n3A_562 : vector<16xf32>
      %get3A_564 = arith.constant 80 : index
      %get3A_565 = tpu.vector_load %arg8[%get3A_564] {strides = array<i32>} : memref<208xi32, #tpu.memory_space<vmem>>, vector<16xi32>,
      %get3A_566 = vector.shape_cast %get3A_565 : vector<16xi32> to vector<16xi32>
      %eq3A_567 = arith.constant 0 : i32
      %eq3A_568 = vector.broadcast %eq3A_567 : i32 to vector<16xi32>
      %eq3A_569 = arith.cmpi eq, %get3A_566, %eq3A_568 : vector<16xi32>
      %select_n3A_570 = arith.select %eq3A_569, %broadcast_in_dim3A_7, %broadcast_in_dim3A_5 : vector<16xi1>, vector<16xf32>
      %add3A_571 = arith.addf %add3A_563, %select_n3A_570 : vector<16xf32>
      %get3A_572 = arith.constant 96 : index
      %get3A_573 = tpu.vector_load %arg8[%get3A_572] {strides = array<i32>} : memref<208xi32, #tpu.memory_space<vmem>>, vector<16xi32>,
      %get3A_574 = vector.shape_cast %get3A_573 : vector<16xi32> to vector<16xi32>
      %eq3A_575 = arith.constant 0 : i32
      %eq3A_576 = vector.broadcast %eq3A_575 : i32 to vector<16xi32>
      %eq3A_577 = arith.cmpi eq, %get3A_574, %eq3A_576 : vector<16xi32>
      %select_n3A_578 = arith.select %eq3A_577, %broadcast_in_dim3A_7, %broadcast_in_dim3A_5 : vector<16xi1>, vector<16xf32>
      %add3A_579 = arith.addf %add3A_571, %select_n3A_578 : vector<16xf32>
      %get3A_580 = arith.constant 112 : index
      %get3A_581 = tpu.vector_load %arg8[%get3A_580] {strides = array<i32>} : memref<208xi32, #tpu.memory_space<vmem>>, vector<16xi32>,
      %get3A_582 = vector.shape_cast %get3A_581 : vector<16xi32> to vector<16xi32>
      %eq3A_583 = arith.constant 0 : i32
      %eq3A_584 = vector.broadcast %eq3A_583 : i32 to vector<16xi32>
      %eq3A_585 = arith.cmpi eq, %get3A_582, %eq3A_584 : vector<16xi32>
      %select_n3A_586 = arith.select %eq3A_585, %broadcast_in_dim3A_7, %broadcast_in_dim3A_5 : vector<16xi1>, vector<16xf32>
      %add3A_587 = arith.addf %add3A_579, %select_n3A_586 : vector<16xf32>
      %get3A_588 = arith.constant 128 : index
      %get3A_589 = tpu.vector_load %arg8[%get3A_588] {strides = array<i32>} : memref<208xi32, #tpu.memory_space<vmem>>, vector<16xi32>,
      %get3A_590 = vector.shape_cast %get3A_589 : vector<16xi32> to vector<16xi32>
      %eq3A_591 = arith.constant 0 : i32
      %eq3A_592 = vector.broadcast %eq3A_591 : i32 to vector<16xi32>
      %eq3A_593 = arith.cmpi eq, %get3A_590, %eq3A_592 : vector<16xi32>
      %select_n3A_594 = arith.select %eq3A_593, %broadcast_in_dim3A_7, %broadcast_in_dim3A_5 : vector<16xi1>, vector<16xf32>
      %add3A_595 = arith.addf %add3A_587, %select_n3A_594 : vector<16xf32>
      %get3A_596 = arith.constant 144 : index
      %get3A_597 = tpu.vector_load %arg8[%get3A_596] {strides = array<i32>} : memref<208xi32, #tpu.memory_space<vmem>>, vector<16xi32>,
      %get3A_598 = vector.shape_cast %get3A_597 : vector<16xi32> to vector<16xi32>
      %eq3A_599 = arith.constant 0 : i32
      %eq3A_600 = vector.broadcast %eq3A_599 : i32 to vector<16xi32>
      %eq3A_601 = arith.cmpi eq, %get3A_598, %eq3A_600 : vector<16xi32>
      %select_n3A_602 = arith.select %eq3A_601, %broadcast_in_dim3A_7, %broadcast_in_dim3A_5 : vector<16xi1>, vector<16xf32>
      %add3A_603 = arith.addf %add3A_595, %select_n3A_602 : vector<16xf32>
      %get3A_604 = arith.constant 160 : index
      %get3A_605 = tpu.vector_load %arg8[%get3A_604] {strides = array<i32>} : memref<208xi32, #tpu.memory_space<vmem>>, vector<16xi32>,
      %get3A_606 = vector.shape_cast %get3A_605 : vector<16xi32> to vector<16xi32>
      %eq3A_607 = arith.constant 0 : i32
      %eq3A_608 = vector.broadcast %eq3A_607 : i32 to vector<16xi32>
      %eq3A_609 = arith.cmpi eq, %get3A_606, %eq3A_608 : vector<16xi32>
      %select_n3A_610 = arith.select %eq3A_609, %broadcast_in_dim3A_7, %broadcast_in_dim3A_5 : vector<16xi1>, vector<16xf32>
      %add3A_611 = arith.addf %add3A_603, %select_n3A_610 : vector<16xf32>
      %get3A_612 = arith.constant 176 : index
      %get3A_613 = tpu.vector_load %arg8[%get3A_612] {strides = array<i32>} : memref<208xi32, #tpu.memory_space<vmem>>, vector<16xi32>,
      %get3A_614 = vector.shape_cast %get3A_613 : vector<16xi32> to vector<16xi32>
      %eq3A_615 = arith.constant 0 : i32
      %eq3A_616 = vector.broadcast %eq3A_615 : i32 to vector<16xi32>
      %eq3A_617 = arith.cmpi eq, %get3A_614, %eq3A_616 : vector<16xi32>
      %select_n3A_618 = arith.select %eq3A_617, %broadcast_in_dim3A_7, %broadcast_in_dim3A_5 : vector<16xi1>, vector<16xf32>
      %add3A_619 = arith.addf %add3A_611, %select_n3A_618 : vector<16xf32>
      %get3A_620 = arith.constant 192 : index
      %get3A_621 = tpu.vector_load %arg8[%get3A_620] {strides = array<i32>} : memref<208xi32, #tpu.memory_space<vmem>>, vector<16xi32>,
      %get3A_622 = vector.shape_cast %get3A_621 : vector<16xi32> to vector<16xi32>
      %eq3A_623 = arith.constant 0 : i32
      %eq3A_624 = vector.broadcast %eq3A_623 : i32 to vector<16xi32>
      %eq3A_625 = arith.cmpi eq, %get3A_622, %eq3A_624 : vector<16xi32>
      %select_n3A_626 = arith.select %eq3A_625, %broadcast_in_dim3A_7, %broadcast_in_dim3A_5 : vector<16xi1>, vector<16xf32>
      %lt3A_627 = arith.constant 8 : i32
      %lt3A_628 = vector.broadcast %lt3A_627 : i32 to vector<16xi32>
      %lt3A_629 = arith.cmpi slt, %iota3A, %lt3A_628 : vector<16xi32>
      %select_n3A_630 = arith.select %lt3A_629, %broadcast_in_dim3A_7, %broadcast_in_dim3A_5 : vector<16xi1>, vector<16xf32>
      %mul3A_631 = arith.mulf %select_n3A_626, %select_n3A_630 : vector<16xf32>
      %add3A_632 = arith.addf %add3A_619, %mul3A_631 : vector<16xf32>
      %add3A_633 = arith.constant 1 : i32
      %add3A_634 = arith.addi %mul3A_70, %add3A_633 : i32
      %swap3A_635 = arith.index_cast %add3A_634 : i32 to index
      %swap3A_636 = arith.constant 0 : index
      %swap3A_637 = tpu.vector_load %arg13[%swap3A_635, %swap3A_636] {strides = array<i32>} : memref<32x16xf32, #tpu.memory_space<vmem>>, vector<1x16xf32>,
      %swap3A_638 = vector.shape_cast %swap3A_637 : vector<1x16xf32> to vector<16xf32>
      %swap3A_639 = vector.shape_cast %add3A_632 : vector<16xf32> to vector<1x16xf32>
      tpu.vector_store %arg13[%swap3A_635, %swap3A_636], %swap3A_639 {strides = array<i32>} : memref<32x16xf32, #tpu.memory_space<vmem>>, vector<1x16xf32>,
      %convert_element_type3A_640 = arith.extui %lt3A_71 : i1 to i32
      %cond3A_641 = arith.constant 0 : i32
      %cond3A_642 = arith.cmpi ne, %convert_element_type3A_640, %cond3A_641 : i32
      scf.if %cond3A_642 {
        %add3A_931 = arith.constant 3 : i32
        %add3A_932 = arith.addi %mul3A_70, %add3A_931 : i32
        %add3A_933 = arith.addi %add3A_4, %add3A_932 : i32
        %mul3A_934 = arith.constant 200 : i32
        %mul3A_935 = arith.muli %add3A_933, %mul3A_934 : i32
        %multiple_of3A_936 = tpu.assume_multiple %mul3A_935, 8 : i32
        %dma_start3A_937 = arith.constant 0 : i32
        %dma_start3A_938 = tpu.memref_slice %arg8[%dma_start3A_937] : memref<208xi32, #tpu.memory_space<vmem>> -> memref<200xi32, #tpu.memory_space<vmem>>
        %dma_start3A_939 = tpu.memref_slice %arg2[%multiple_of3A_936] : memref<204800xi32, #tpu.memory_space<hbm>> -> memref<200xi32, #tpu.memory_space<hbm>>
        %dma_start3A_940 = arith.constant 0 : i32
        %dma_start3A_941 = tpu.memref_slice %arg8[%dma_start3A_940] : memref<208xi32, #tpu.memory_space<vmem>> -> memref<200xi32, #tpu.memory_space<vmem>>
        %dma_start3A_942 = tpu.memref_slice %arg2[%multiple_of3A_936] : memref<204800xi32, #tpu.memory_space<hbm>> -> memref<200xi32, #tpu.memory_space<hbm>>
        tpu.enqueue_dma source(%dma_start3A_942 : memref<200xi32, #tpu.memory_space<hbm>>) target(%dma_start3A_941 : memref<200xi32, #tpu.memory_space<vmem>>) target_semaphore(%arg17 : memref<!tpu.dma_semaphore, #tpu.memory_space<semaphore_mem>>)
      } else {
      }
      %broadcast_in_dim3A_643 = arith.constant 0.000000e+00 : f32
      %broadcast_in_dim3A_644 = vector.broadcast %broadcast_in_dim3A_643 : f32 to vector<16xf32>
      %broadcast_in_dim3A_645 = arith.constant 0.000000e+00 : f32
      %broadcast_in_dim3A_646 = vector.broadcast %broadcast_in_dim3A_645 : f32 to vector<16xf32>
      %broadcast_in_dim3A_647 = arith.constant 0.000000e+00 : f32
      %broadcast_in_dim3A_648 = vector.broadcast %broadcast_in_dim3A_647 : f32 to vector<16xf32>
      %broadcast_in_dim3A_649 = arith.constant 0.000000e+00 : f32
      %broadcast_in_dim3A_650 = vector.broadcast %broadcast_in_dim3A_649 : f32 to vector<16xf32>
      %broadcast_in_dim3A_651 = arith.constant 0.000000e+00 : f32
      %broadcast_in_dim3A_652 = vector.broadcast %broadcast_in_dim3A_651 : f32 to vector<16xf32>
      %broadcast_in_dim3A_653 = arith.constant 0.000000e+00 : f32
      %broadcast_in_dim3A_654 = vector.broadcast %broadcast_in_dim3A_653 : f32 to vector<16xf32>
      %broadcast_in_dim3A_655 = arith.constant 0.000000e+00 : f32
      %broadcast_in_dim3A_656 = vector.broadcast %broadcast_in_dim3A_655 : f32 to vector<16xf32>
      %broadcast_in_dim3A_657 = arith.constant 0.000000e+00 : f32
      %broadcast_in_dim3A_658 = vector.broadcast %broadcast_in_dim3A_657 : f32 to vector<16xf32>
      %broadcast_in_dim3A_659 = arith.constant 0.000000e+00 : f32
      %broadcast_in_dim3A_660 = vector.broadcast %broadcast_in_dim3A_659 : f32 to vector<16xf32>
      %broadcast_in_dim3A_661 = arith.constant 0.000000e+00 : f32
      %broadcast_in_dim3A_662 = vector.broadcast %broadcast_in_dim3A_661 : f32 to vector<16xf32>
      %broadcast_in_dim3A_663 = arith.constant 0.000000e+00 : f32
      %broadcast_in_dim3A_664 = vector.broadcast %broadcast_in_dim3A_663 : f32 to vector<16xf32>
      %broadcast_in_dim3A_665 = arith.constant 0.000000e+00 : f32
      %broadcast_in_dim3A_666 = vector.broadcast %broadcast_in_dim3A_665 : f32 to vector<16xf32>
      %broadcast_in_dim3A_667 = arith.constant 0.000000e+00 : f32
      %broadcast_in_dim3A_668 = vector.broadcast %broadcast_in_dim3A_667 : f32 to vector<16xf32>
      %broadcast_in_dim3A_669 = arith.constant 0.000000e+00 : f32
      %broadcast_in_dim3A_670 = vector.broadcast %broadcast_in_dim3A_669 : f32 to vector<16xf32>
      %broadcast_in_dim3A_671 = arith.constant 0.000000e+00 : f32
      %broadcast_in_dim3A_672 = vector.broadcast %broadcast_in_dim3A_671 : f32 to vector<16xf32>
      %broadcast_in_dim3A_673 = arith.constant 0.000000e+00 : f32
      %broadcast_in_dim3A_674 = vector.broadcast %broadcast_in_dim3A_673 : f32 to vector<16xf32>
      %scan3A_675 = arith.constant 0 : i32
      %scan3A_676 = arith.constant 100 : i32
      %scan3A_677 = arith.addi %scan3A_675, %scan3A_676 : i32
      %scan3A_678 = arith.constant 1 : i32
      %scan3A_679:16 = scf.for %scan3A_931 = %scan3A_675 to %scan3A_677 step %scan3A_678 iter_args(%scan3A_932 = %broadcast_in_dim3A_644, %scan3A_933 = %broadcast_in_dim3A_646, %scan3A_934 = %broadcast_in_dim3A_648, %scan3A_935 = %broadcast_in_dim3A_650, %scan3A_936 = %broadcast_in_dim3A_652, %scan3A_937 = %broadcast_in_dim3A_654, %scan3A_938 = %broadcast_in_dim3A_656, %scan3A_939 = %broadcast_in_dim3A_658, %scan3A_940 = %broadcast_in_dim3A_660, %scan3A_941 = %broadcast_in_dim3A_662, %scan3A_942 = %broadcast_in_dim3A_664, %scan3A_943 = %broadcast_in_dim3A_666, %scan3A_944 = %broadcast_in_dim3A_668, %scan3A_945 = %broadcast_in_dim3A_670, %scan3A_946 = %broadcast_in_dim3A_672, %scan3A_947 = %broadcast_in_dim3A_674) -> (vector<16xf32>, vector<16xf32>, vector<16xf32>, vector<16xf32>, vector<16xf32>, vector<16xf32>, vector<16xf32>, vector<16xf32>, vector<16xf32>, vector<16xf32>, vector<16xf32>, vector<16xf32>, vector<16xf32>, vector<16xf32>, vector<16xf32>, vector<16xf32>)  : i32 {
        %mul3A_948 = arith.constant 2 : i32
        %mul3A_949 = arith.muli %scan3A_931, %mul3A_948 : i32
        %get3A_950 = arith.index_cast %mul3A_949 : i32 to index
        %get3A_951 = arith.constant 0 : index
        %get3A_952 = tpu.vector_load %arg10[%get3A_950, %get3A_951] {strides = array<i32>} : memref<200x256xf32, #tpu.memory_space<vmem>>, vector<1x16xf32>,
        %get3A_953 = vector.shape_cast %get3A_952 : vector<1x16xf32> to vector<16xf32>
        %add3A_954 = arith.addf %scan3A_932, %get3A_953 : vector<16xf32>
        %get3A_955 = arith.index_cast %mul3A_949 : i32 to index
        %get3A_956 = arith.constant 16 : index
        %get3A_957 = tpu.vector_load %arg10[%get3A_955, %get3A_956] {strides = array<i32>} : memref<200x256xf32, #tpu.memory_space<vmem>>, vector<1x16xf32>,
        %get3A_958 = vector.shape_cast %get3A_957 : vector<1x16xf32> to vector<16xf32>
        %add3A_959 = arith.addf %scan3A_933, %get3A_958 : vector<16xf32>
        %get3A_960 = arith.index_cast %mul3A_949 : i32 to index
        %get3A_961 = arith.constant 32 : index
        %get3A_962 = tpu.vector_load %arg10[%get3A_960, %get3A_961] {strides = array<i32>} : memref<200x256xf32, #tpu.memory_space<vmem>>, vector<1x16xf32>,
        %get3A_963 = vector.shape_cast %get3A_962 : vector<1x16xf32> to vector<16xf32>
        %add3A_964 = arith.addf %scan3A_934, %get3A_963 : vector<16xf32>
        %get3A_965 = arith.index_cast %mul3A_949 : i32 to index
        %get3A_966 = arith.constant 48 : index
        %get3A_967 = tpu.vector_load %arg10[%get3A_965, %get3A_966] {strides = array<i32>} : memref<200x256xf32, #tpu.memory_space<vmem>>, vector<1x16xf32>,
        %get3A_968 = vector.shape_cast %get3A_967 : vector<1x16xf32> to vector<16xf32>
        %add3A_969 = arith.addf %scan3A_935, %get3A_968 : vector<16xf32>
        %get3A_970 = arith.index_cast %mul3A_949 : i32 to index
        %get3A_971 = arith.constant 64 : index
        %get3A_972 = tpu.vector_load %arg10[%get3A_970, %get3A_971] {strides = array<i32>} : memref<200x256xf32, #tpu.memory_space<vmem>>, vector<1x16xf32>,
        %get3A_973 = vector.shape_cast %get3A_972 : vector<1x16xf32> to vector<16xf32>
        %add3A_974 = arith.addf %scan3A_936, %get3A_973 : vector<16xf32>
        %get3A_975 = arith.index_cast %mul3A_949 : i32 to index
        %get3A_976 = arith.constant 80 : index
        %get3A_977 = tpu.vector_load %arg10[%get3A_975, %get3A_976] {strides = array<i32>} : memref<200x256xf32, #tpu.memory_space<vmem>>, vector<1x16xf32>,
        %get3A_978 = vector.shape_cast %get3A_977 : vector<1x16xf32> to vector<16xf32>
        %add3A_979 = arith.addf %scan3A_937, %get3A_978 : vector<16xf32>
        %get3A_980 = arith.index_cast %mul3A_949 : i32 to index
        %get3A_981 = arith.constant 96 : index
        %get3A_982 = tpu.vector_load %arg10[%get3A_980, %get3A_981] {strides = array<i32>} : memref<200x256xf32, #tpu.memory_space<vmem>>, vector<1x16xf32>,
        %get3A_983 = vector.shape_cast %get3A_982 : vector<1x16xf32> to vector<16xf32>
        %add3A_984 = arith.addf %scan3A_938, %get3A_983 : vector<16xf32>
        %get3A_985 = arith.index_cast %mul3A_949 : i32 to index
        %get3A_986 = arith.constant 112 : index
        %get3A_987 = tpu.vector_load %arg10[%get3A_985, %get3A_986] {strides = array<i32>} : memref<200x256xf32, #tpu.memory_space<vmem>>, vector<1x16xf32>,
        %get3A_988 = vector.shape_cast %get3A_987 : vector<1x16xf32> to vector<16xf32>
        %add3A_989 = arith.addf %scan3A_939, %get3A_988 : vector<16xf32>
        %get3A_990 = arith.index_cast %mul3A_949 : i32 to index
        %get3A_991 = arith.constant 128 : index
        %get3A_992 = tpu.vector_load %arg10[%get3A_990, %get3A_991] {strides = array<i32>} : memref<200x256xf32, #tpu.memory_space<vmem>>, vector<1x16xf32>,
        %get3A_993 = vector.shape_cast %get3A_992 : vector<1x16xf32> to vector<16xf32>
        %add3A_994 = arith.addf %scan3A_940, %get3A_993 : vector<16xf32>
        %get3A_995 = arith.index_cast %mul3A_949 : i32 to index
        %get3A_996 = arith.constant 144 : index
        %get3A_997 = tpu.vector_load %arg10[%get3A_995, %get3A_996] {strides = array<i32>} : memref<200x256xf32, #tpu.memory_space<vmem>>, vector<1x16xf32>,
        %get3A_998 = vector.shape_cast %get3A_997 : vector<1x16xf32> to vector<16xf32>
        %add3A_999 = arith.addf %scan3A_941, %get3A_998 : vector<16xf32>
        %get3A_1000 = arith.index_cast %mul3A_949 : i32 to index
        %get3A_1001 = arith.constant 160 : index
        %get3A_1002 = tpu.vector_load %arg10[%get3A_1000, %get3A_1001] {strides = array<i32>} : memref<200x256xf32, #tpu.memory_space<vmem>>, vector<1x16xf32>,
        %get3A_1003 = vector.shape_cast %get3A_1002 : vector<1x16xf32> to vector<16xf32>
        %add3A_1004 = arith.addf %scan3A_942, %get3A_1003 : vector<16xf32>
        %get3A_1005 = arith.index_cast %mul3A_949 : i32 to index
        %get3A_1006 = arith.constant 176 : index
        %get3A_1007 = tpu.vector_load %arg10[%get3A_1005, %get3A_1006] {strides = array<i32>} : memref<200x256xf32, #tpu.memory_space<vmem>>, vector<1x16xf32>,
        %get3A_1008 = vector.shape_cast %get3A_1007 : vector<1x16xf32> to vector<16xf32>
        %add3A_1009 = arith.addf %scan3A_943, %get3A_1008 : vector<16xf32>
        %get3A_1010 = arith.index_cast %mul3A_949 : i32 to index
        %get3A_1011 = arith.constant 192 : index
        %get3A_1012 = tpu.vector_load %arg10[%get3A_1010, %get3A_1011] {strides = array<i32>} : memref<200x256xf32, #tpu.memory_space<vmem>>, vector<1x16xf32>,
        %get3A_1013 = vector.shape_cast %get3A_1012 : vector<1x16xf32> to vector<16xf32>
        %add3A_1014 = arith.addf %scan3A_944, %get3A_1013 : vector<16xf32>
        %get3A_1015 = arith.index_cast %mul3A_949 : i32 to index
        %get3A_1016 = arith.constant 208 : index
        %get3A_1017 = tpu.vector_load %arg10[%get3A_1015, %get3A_1016] {strides = array<i32>} : memref<200x256xf32, #tpu.memory_space<vmem>>, vector<1x16xf32>,
        %get3A_1018 = vector.shape_cast %get3A_1017 : vector<1x16xf32> to vector<16xf32>
        %add3A_1019 = arith.addf %scan3A_945, %get3A_1018 : vector<16xf32>
        %get3A_1020 = arith.index_cast %mul3A_949 : i32 to index
        %get3A_1021 = arith.constant 224 : index
        %get3A_1022 = tpu.vector_load %arg10[%get3A_1020, %get3A_1021] {strides = array<i32>} : memref<200x256xf32, #tpu.memory_space<vmem>>, vector<1x16xf32>,
        %get3A_1023 = vector.shape_cast %get3A_1022 : vector<1x16xf32> to vector<16xf32>
        %add3A_1024 = arith.addf %scan3A_946, %get3A_1023 : vector<16xf32>
        %get3A_1025 = arith.index_cast %mul3A_949 : i32 to index
        %get3A_1026 = arith.constant 240 : index
        %get3A_1027 = tpu.vector_load %arg10[%get3A_1025, %get3A_1026] {strides = array<i32>} : memref<200x256xf32, #tpu.memory_space<vmem>>, vector<1x16xf32>,
        %get3A_1028 = vector.shape_cast %get3A_1027 : vector<1x16xf32> to vector<16xf32>
        %add3A_1029 = arith.addf %scan3A_947, %get3A_1028 : vector<16xf32>
        %add3A_1030 = arith.constant 1 : i32
        %add3A_1031 = arith.addi %mul3A_949, %add3A_1030 : i32
        %get3A_1032 = arith.index_cast %add3A_1031 : i32 to index
        %get3A_1033 = arith.constant 0 : index
        %get3A_1034 = tpu.vector_load %arg10[%get3A_1032, %get3A_1033] {strides = array<i32>} : memref<200x256xf32, #tpu.memory_space<vmem>>, vector<1x16xf32>,
        %get3A_1035 = vector.shape_cast %get3A_1034 : vector<1x16xf32> to vector<16xf32>
        %add3A_1036 = arith.addf %add3A_954, %get3A_1035 : vector<16xf32>
        %add3A_1037 = arith.constant 1 : i32
        %add3A_1038 = arith.addi %mul3A_949, %add3A_1037 : i32
        %get3A_1039 = arith.index_cast %add3A_1038 : i32 to index
        %get3A_1040 = arith.constant 16 : index
        %get3A_1041 = tpu.vector_load %arg10[%get3A_1039, %get3A_1040] {strides = array<i32>} : memref<200x256xf32, #tpu.memory_space<vmem>>, vector<1x16xf32>,
        %get3A_1042 = vector.shape_cast %get3A_1041 : vector<1x16xf32> to vector<16xf32>
        %add3A_1043 = arith.addf %add3A_959, %get3A_1042 : vector<16xf32>
        %add3A_1044 = arith.constant 1 : i32
        %add3A_1045 = arith.addi %mul3A_949, %add3A_1044 : i32
        %get3A_1046 = arith.index_cast %add3A_1045 : i32 to index
        %get3A_1047 = arith.constant 32 : index
        %get3A_1048 = tpu.vector_load %arg10[%get3A_1046, %get3A_1047] {strides = array<i32>} : memref<200x256xf32, #tpu.memory_space<vmem>>, vector<1x16xf32>,
        %get3A_1049 = vector.shape_cast %get3A_1048 : vector<1x16xf32> to vector<16xf32>
        %add3A_1050 = arith.addf %add3A_964, %get3A_1049 : vector<16xf32>
        %add3A_1051 = arith.constant 1 : i32
        %add3A_1052 = arith.addi %mul3A_949, %add3A_1051 : i32
        %get3A_1053 = arith.index_cast %add3A_1052 : i32 to index
        %get3A_1054 = arith.constant 48 : index
        %get3A_1055 = tpu.vector_load %arg10[%get3A_1053, %get3A_1054] {strides = array<i32>} : memref<200x256xf32, #tpu.memory_space<vmem>>, vector<1x16xf32>,
        %get3A_1056 = vector.shape_cast %get3A_1055 : vector<1x16xf32> to vector<16xf32>
        %add3A_1057 = arith.addf %add3A_969, %get3A_1056 : vector<16xf32>
        %add3A_1058 = arith.constant 1 : i32
        %add3A_1059 = arith.addi %mul3A_949, %add3A_1058 : i32
        %get3A_1060 = arith.index_cast %add3A_1059 : i32 to index
        %get3A_1061 = arith.constant 64 : index
        %get3A_1062 = tpu.vector_load %arg10[%get3A_1060, %get3A_1061] {strides = array<i32>} : memref<200x256xf32, #tpu.memory_space<vmem>>, vector<1x16xf32>,
        %get3A_1063 = vector.shape_cast %get3A_1062 : vector<1x16xf32> to vector<16xf32>
        %add3A_1064 = arith.addf %add3A_974, %get3A_1063 : vector<16xf32>
        %add3A_1065 = arith.constant 1 : i32
        %add3A_1066 = arith.addi %mul3A_949, %add3A_1065 : i32
        %get3A_1067 = arith.index_cast %add3A_1066 : i32 to index
        %get3A_1068 = arith.constant 80 : index
        %get3A_1069 = tpu.vector_load %arg10[%get3A_1067, %get3A_1068] {strides = array<i32>} : memref<200x256xf32, #tpu.memory_space<vmem>>, vector<1x16xf32>,
        %get3A_1070 = vector.shape_cast %get3A_1069 : vector<1x16xf32> to vector<16xf32>
        %add3A_1071 = arith.addf %add3A_979, %get3A_1070 : vector<16xf32>
        %add3A_1072 = arith.constant 1 : i32
        %add3A_1073 = arith.addi %mul3A_949, %add3A_1072 : i32
        %get3A_1074 = arith.index_cast %add3A_1073 : i32 to index
        %get3A_1075 = arith.constant 96 : index
        %get3A_1076 = tpu.vector_load %arg10[%get3A_1074, %get3A_1075] {strides = array<i32>} : memref<200x256xf32, #tpu.memory_space<vmem>>, vector<1x16xf32>,
        %get3A_1077 = vector.shape_cast %get3A_1076 : vector<1x16xf32> to vector<16xf32>
        %add3A_1078 = arith.addf %add3A_984, %get3A_1077 : vector<16xf32>
        %add3A_1079 = arith.constant 1 : i32
        %add3A_1080 = arith.addi %mul3A_949, %add3A_1079 : i32
        %get3A_1081 = arith.index_cast %add3A_1080 : i32 to index
        %get3A_1082 = arith.constant 112 : index
        %get3A_1083 = tpu.vector_load %arg10[%get3A_1081, %get3A_1082] {strides = array<i32>} : memref<200x256xf32, #tpu.memory_space<vmem>>, vector<1x16xf32>,
        %get3A_1084 = vector.shape_cast %get3A_1083 : vector<1x16xf32> to vector<16xf32>
        %add3A_1085 = arith.addf %add3A_989, %get3A_1084 : vector<16xf32>
        %add3A_1086 = arith.constant 1 : i32
        %add3A_1087 = arith.addi %mul3A_949, %add3A_1086 : i32
        %get3A_1088 = arith.index_cast %add3A_1087 : i32 to index
        %get3A_1089 = arith.constant 128 : index
        %get3A_1090 = tpu.vector_load %arg10[%get3A_1088, %get3A_1089] {strides = array<i32>} : memref<200x256xf32, #tpu.memory_space<vmem>>, vector<1x16xf32>,
        %get3A_1091 = vector.shape_cast %get3A_1090 : vector<1x16xf32> to vector<16xf32>
        %add3A_1092 = arith.addf %add3A_994, %get3A_1091 : vector<16xf32>
        %add3A_1093 = arith.constant 1 : i32
        %add3A_1094 = arith.addi %mul3A_949, %add3A_1093 : i32
        %get3A_1095 = arith.index_cast %add3A_1094 : i32 to index
        %get3A_1096 = arith.constant 144 : index
        %get3A_1097 = tpu.vector_load %arg10[%get3A_1095, %get3A_1096] {strides = array<i32>} : memref<200x256xf32, #tpu.memory_space<vmem>>, vector<1x16xf32>,
        %get3A_1098 = vector.shape_cast %get3A_1097 : vector<1x16xf32> to vector<16xf32>
        %add3A_1099 = arith.addf %add3A_999, %get3A_1098 : vector<16xf32>
        %add3A_1100 = arith.constant 1 : i32
        %add3A_1101 = arith.addi %mul3A_949, %add3A_1100 : i32
        %get3A_1102 = arith.index_cast %add3A_1101 : i32 to index
        %get3A_1103 = arith.constant 160 : index
        %get3A_1104 = tpu.vector_load %arg10[%get3A_1102, %get3A_1103] {strides = array<i32>} : memref<200x256xf32, #tpu.memory_space<vmem>>, vector<1x16xf32>,
        %get3A_1105 = vector.shape_cast %get3A_1104 : vector<1x16xf32> to vector<16xf32>
        %add3A_1106 = arith.addf %add3A_1004, %get3A_1105 : vector<16xf32>
        %add3A_1107 = arith.constant 1 : i32
        %add3A_1108 = arith.addi %mul3A_949, %add3A_1107 : i32
        %get3A_1109 = arith.index_cast %add3A_1108 : i32 to index
        %get3A_1110 = arith.constant 176 : index
        %get3A_1111 = tpu.vector_load %arg10[%get3A_1109, %get3A_1110] {strides = array<i32>} : memref<200x256xf32, #tpu.memory_space<vmem>>, vector<1x16xf32>,
        %get3A_1112 = vector.shape_cast %get3A_1111 : vector<1x16xf32> to vector<16xf32>
        %add3A_1113 = arith.addf %add3A_1009, %get3A_1112 : vector<16xf32>
        %add3A_1114 = arith.constant 1 : i32
        %add3A_1115 = arith.addi %mul3A_949, %add3A_1114 : i32
        %get3A_1116 = arith.index_cast %add3A_1115 : i32 to index
        %get3A_1117 = arith.constant 192 : index
        %get3A_1118 = tpu.vector_load %arg10[%get3A_1116, %get3A_1117] {strides = array<i32>} : memref<200x256xf32, #tpu.memory_space<vmem>>, vector<1x16xf32>,
        %get3A_1119 = vector.shape_cast %get3A_1118 : vector<1x16xf32> to vector<16xf32>
        %add3A_1120 = arith.addf %add3A_1014, %get3A_1119 : vector<16xf32>
        %add3A_1121 = arith.constant 1 : i32
        %add3A_1122 = arith.addi %mul3A_949, %add3A_1121 : i32
        %get3A_1123 = arith.index_cast %add3A_1122 : i32 to index
        %get3A_1124 = arith.constant 208 : index
        %get3A_1125 = tpu.vector_load %arg10[%get3A_1123, %get3A_1124] {strides = array<i32>} : memref<200x256xf32, #tpu.memory_space<vmem>>, vector<1x16xf32>,
        %get3A_1126 = vector.shape_cast %get3A_1125 : vector<1x16xf32> to vector<16xf32>
        %add3A_1127 = arith.addf %add3A_1019, %get3A_1126 : vector<16xf32>
        %add3A_1128 = arith.constant 1 : i32
        %add3A_1129 = arith.addi %mul3A_949, %add3A_1128 : i32
        %get3A_1130 = arith.index_cast %add3A_1129 : i32 to index
        %get3A_1131 = arith.constant 224 : index
        %get3A_1132 = tpu.vector_load %arg10[%get3A_1130, %get3A_1131] {strides = array<i32>} : memref<200x256xf32, #tpu.memory_space<vmem>>, vector<1x16xf32>,
        %get3A_1133 = vector.shape_cast %get3A_1132 : vector<1x16xf32> to vector<16xf32>
        %add3A_1134 = arith.addf %add3A_1024, %get3A_1133 : vector<16xf32>
        %add3A_1135 = arith.constant 1 : i32
        %add3A_1136 = arith.addi %mul3A_949, %add3A_1135 : i32
        %get3A_1137 = arith.index_cast %add3A_1136 : i32 to index
        %get3A_1138 = arith.constant 240 : index
        %get3A_1139 = tpu.vector_load %arg10[%get3A_1137, %get3A_1138] {strides = array<i32>} : memref<200x256xf32, #tpu.memory_space<vmem>>, vector<1x16xf32>,
        %get3A_1140 = vector.shape_cast %get3A_1139 : vector<1x16xf32> to vector<16xf32>
        %add3A_1141 = arith.addf %add3A_1029, %get3A_1140 : vector<16xf32>
        scf.yield %add3A_1036, %add3A_1043, %add3A_1050, %add3A_1057, %add3A_1064, %add3A_1071, %add3A_1078, %add3A_1085, %add3A_1092, %add3A_1099, %add3A_1106, %add3A_1113, %add3A_1120, %add3A_1127, %add3A_1134, %add3A_1141 : vector<16xf32>, vector<16xf32>, vector<16xf32>, vector<16xf32>, vector<16xf32>, vector<16xf32>, vector<16xf32>, vector<16xf32>, vector<16xf32>, vector<16xf32>, vector<16xf32>, vector<16xf32>, vector<16xf32>, vector<16xf32>, vector<16xf32>, vector<16xf32>
      }
      %scan3A_680 = arith.constant 100 : i32
      %swap3A_681 = arith.constant 1 : i32
      %swap3A_682 = arith.index_cast %swap3A_681 : i32 to index
      %swap3A_683 = arith.constant 0 : index
      %swap3A_684 = tpu.vector_load %arg11[%swap3A_682, %swap3A_683] {strides = array<i32>} : memref<2x256xf32, #tpu.memory_space<vmem>>, vector<1x16xf32>,
      %swap3A_685 = vector.shape_cast %swap3A_684 : vector<1x16xf32> to vector<16xf32>
      %swap3A_686 = vector.shape_cast %scan3A_679#0 : vector<16xf32> to vector<1x16xf32>
      tpu.vector_store %arg11[%swap3A_682, %swap3A_683], %swap3A_686 {strides = array<i32>} : memref<2x256xf32, #tpu.memory_space<vmem>>, vector<1x16xf32>,
      %mul3A_687 = arith.constant 5.000000e-03 : f32
      %mul3A_688 = vector.broadcast %mul3A_687 : f32 to vector<16xf32>
      %mul3A_689 = arith.mulf %scan3A_679#0, %mul3A_688 : vector<16xf32>
      %swap3A_690 = arith.constant 1 : i32
      %swap3A_691 = arith.index_cast %swap3A_690 : i32 to index
      %swap3A_692 = arith.constant 0 : index
      %swap3A_693 = tpu.vector_load %arg12[%swap3A_691, %swap3A_692] {strides = array<i32>} : memref<2x256xf32, #tpu.memory_space<vmem>>, vector<1x16xf32>,
      %swap3A_694 = vector.shape_cast %swap3A_693 : vector<1x16xf32> to vector<16xf32>
      %swap3A_695 = vector.shape_cast %mul3A_689 : vector<16xf32> to vector<1x16xf32>
      tpu.vector_store %arg12[%swap3A_691, %swap3A_692], %swap3A_695 {strides = array<i32>} : memref<2x256xf32, #tpu.memory_space<vmem>>, vector<1x16xf32>,
      %swap3A_696 = arith.constant 1 : i32
      %swap3A_697 = arith.index_cast %swap3A_696 : i32 to index
      %swap3A_698 = arith.constant 16 : index
      %swap3A_699 = tpu.vector_load %arg11[%swap3A_697, %swap3A_698] {strides = array<i32>} : memref<2x256xf32, #tpu.memory_space<vmem>>, vector<1x16xf32>,
      %swap3A_700 = vector.shape_cast %swap3A_699 : vector<1x16xf32> to vector<16xf32>
      %swap3A_701 = vector.shape_cast %scan3A_679#1 : vector<16xf32> to vector<1x16xf32>
      tpu.vector_store %arg11[%swap3A_697, %swap3A_698], %swap3A_701 {strides = array<i32>} : memref<2x256xf32, #tpu.memory_space<vmem>>, vector<1x16xf32>,
      %mul3A_702 = arith.constant 5.000000e-03 : f32
      %mul3A_703 = vector.broadcast %mul3A_702 : f32 to vector<16xf32>
      %mul3A_704 = arith.mulf %scan3A_679#1, %mul3A_703 : vector<16xf32>
      %swap3A_705 = arith.constant 1 : i32
      %swap3A_706 = arith.index_cast %swap3A_705 : i32 to index
      %swap3A_707 = arith.constant 16 : index
      %swap3A_708 = tpu.vector_load %arg12[%swap3A_706, %swap3A_707] {strides = array<i32>} : memref<2x256xf32, #tpu.memory_space<vmem>>, vector<1x16xf32>,
      %swap3A_709 = vector.shape_cast %swap3A_708 : vector<1x16xf32> to vector<16xf32>
      %swap3A_710 = vector.shape_cast %mul3A_704 : vector<16xf32> to vector<1x16xf32>
      tpu.vector_store %arg12[%swap3A_706, %swap3A_707], %swap3A_710 {strides = array<i32>} : memref<2x256xf32, #tpu.memory_space<vmem>>, vector<1x16xf32>,
      %swap3A_711 = arith.constant 1 : i32
      %swap3A_712 = arith.index_cast %swap3A_711 : i32 to index
      %swap3A_713 = arith.constant 32 : index
      %swap3A_714 = tpu.vector_load %arg11[%swap3A_712, %swap3A_713] {strides = array<i32>} : memref<2x256xf32, #tpu.memory_space<vmem>>, vector<1x16xf32>,
      %swap3A_715 = vector.shape_cast %swap3A_714 : vector<1x16xf32> to vector<16xf32>
      %swap3A_716 = vector.shape_cast %scan3A_679#2 : vector<16xf32> to vector<1x16xf32>
      tpu.vector_store %arg11[%swap3A_712, %swap3A_713], %swap3A_716 {strides = array<i32>} : memref<2x256xf32, #tpu.memory_space<vmem>>, vector<1x16xf32>,
      %mul3A_717 = arith.constant 5.000000e-03 : f32
      %mul3A_718 = vector.broadcast %mul3A_717 : f32 to vector<16xf32>
      %mul3A_719 = arith.mulf %scan3A_679#2, %mul3A_718 : vector<16xf32>
      %swap3A_720 = arith.constant 1 : i32
      %swap3A_721 = arith.index_cast %swap3A_720 : i32 to index
      %swap3A_722 = arith.constant 32 : index
      %swap3A_723 = tpu.vector_load %arg12[%swap3A_721, %swap3A_722] {strides = array<i32>} : memref<2x256xf32, #tpu.memory_space<vmem>>, vector<1x16xf32>,
      %swap3A_724 = vector.shape_cast %swap3A_723 : vector<1x16xf32> to vector<16xf32>
      %swap3A_725 = vector.shape_cast %mul3A_719 : vector<16xf32> to vector<1x16xf32>
      tpu.vector_store %arg12[%swap3A_721, %swap3A_722], %swap3A_725 {strides = array<i32>} : memref<2x256xf32, #tpu.memory_space<vmem>>, vector<1x16xf32>,
      %swap3A_726 = arith.constant 1 : i32
      %swap3A_727 = arith.index_cast %swap3A_726 : i32 to index
      %swap3A_728 = arith.constant 48 : index
      %swap3A_729 = tpu.vector_load %arg11[%swap3A_727, %swap3A_728] {strides = array<i32>} : memref<2x256xf32, #tpu.memory_space<vmem>>, vector<1x16xf32>,
      %swap3A_730 = vector.shape_cast %swap3A_729 : vector<1x16xf32> to vector<16xf32>
      %swap3A_731 = vector.shape_cast %scan3A_679#3 : vector<16xf32> to vector<1x16xf32>
      tpu.vector_store %arg11[%swap3A_727, %swap3A_728], %swap3A_731 {strides = array<i32>} : memref<2x256xf32, #tpu.memory_space<vmem>>, vector<1x16xf32>,
      %mul3A_732 = arith.constant 5.000000e-03 : f32
      %mul3A_733 = vector.broadcast %mul3A_732 : f32 to vector<16xf32>
      %mul3A_734 = arith.mulf %scan3A_679#3, %mul3A_733 : vector<16xf32>
      %swap3A_735 = arith.constant 1 : i32
      %swap3A_736 = arith.index_cast %swap3A_735 : i32 to index
      %swap3A_737 = arith.constant 48 : index
      %swap3A_738 = tpu.vector_load %arg12[%swap3A_736, %swap3A_737] {strides = array<i32>} : memref<2x256xf32, #tpu.memory_space<vmem>>, vector<1x16xf32>,
      %swap3A_739 = vector.shape_cast %swap3A_738 : vector<1x16xf32> to vector<16xf32>
      %swap3A_740 = vector.shape_cast %mul3A_734 : vector<16xf32> to vector<1x16xf32>
      tpu.vector_store %arg12[%swap3A_736, %swap3A_737], %swap3A_740 {strides = array<i32>} : memref<2x256xf32, #tpu.memory_space<vmem>>, vector<1x16xf32>,
      %swap3A_741 = arith.constant 1 : i32
      %swap3A_742 = arith.index_cast %swap3A_741 : i32 to index
      %swap3A_743 = arith.constant 64 : index
      %swap3A_744 = tpu.vector_load %arg11[%swap3A_742, %swap3A_743] {strides = array<i32>} : memref<2x256xf32, #tpu.memory_space<vmem>>, vector<1x16xf32>,
      %swap3A_745 = vector.shape_cast %swap3A_744 : vector<1x16xf32> to vector<16xf32>
      %swap3A_746 = vector.shape_cast %scan3A_679#4 : vector<16xf32> to vector<1x16xf32>
      tpu.vector_store %arg11[%swap3A_742, %swap3A_743], %swap3A_746 {strides = array<i32>} : memref<2x256xf32, #tpu.memory_space<vmem>>, vector<1x16xf32>,
      %mul3A_747 = arith.constant 5.000000e-03 : f32
      %mul3A_748 = vector.broadcast %mul3A_747 : f32 to vector<16xf32>
      %mul3A_749 = arith.mulf %scan3A_679#4, %mul3A_748 : vector<16xf32>
      %swap3A_750 = arith.constant 1 : i32
      %swap3A_751 = arith.index_cast %swap3A_750 : i32 to index
      %swap3A_752 = arith.constant 64 : index
      %swap3A_753 = tpu.vector_load %arg12[%swap3A_751, %swap3A_752] {strides = array<i32>} : memref<2x256xf32, #tpu.memory_space<vmem>>, vector<1x16xf32>,
      %swap3A_754 = vector.shape_cast %swap3A_753 : vector<1x16xf32> to vector<16xf32>
      %swap3A_755 = vector.shape_cast %mul3A_749 : vector<16xf32> to vector<1x16xf32>
      tpu.vector_store %arg12[%swap3A_751, %swap3A_752], %swap3A_755 {strides = array<i32>} : memref<2x256xf32, #tpu.memory_space<vmem>>, vector<1x16xf32>,
      %swap3A_756 = arith.constant 1 : i32
      %swap3A_757 = arith.index_cast %swap3A_756 : i32 to index
      %swap3A_758 = arith.constant 80 : index
      %swap3A_759 = tpu.vector_load %arg11[%swap3A_757, %swap3A_758] {strides = array<i32>} : memref<2x256xf32, #tpu.memory_space<vmem>>, vector<1x16xf32>,
      %swap3A_760 = vector.shape_cast %swap3A_759 : vector<1x16xf32> to vector<16xf32>
      %swap3A_761 = vector.shape_cast %scan3A_679#5 : vector<16xf32> to vector<1x16xf32>
      tpu.vector_store %arg11[%swap3A_757, %swap3A_758], %swap3A_761 {strides = array<i32>} : memref<2x256xf32, #tpu.memory_space<vmem>>, vector<1x16xf32>,
      %mul3A_762 = arith.constant 5.000000e-03 : f32
      %mul3A_763 = vector.broadcast %mul3A_762 : f32 to vector<16xf32>
      %mul3A_764 = arith.mulf %scan3A_679#5, %mul3A_763 : vector<16xf32>
      %swap3A_765 = arith.constant 1 : i32
      %swap3A_766 = arith.index_cast %swap3A_765 : i32 to index
      %swap3A_767 = arith.constant 80 : index
      %swap3A_768 = tpu.vector_load %arg12[%swap3A_766, %swap3A_767] {strides = array<i32>} : memref<2x256xf32, #tpu.memory_space<vmem>>, vector<1x16xf32>,
      %swap3A_769 = vector.shape_cast %swap3A_768 : vector<1x16xf32> to vector<16xf32>
      %swap3A_770 = vector.shape_cast %mul3A_764 : vector<16xf32> to vector<1x16xf32>
      tpu.vector_store %arg12[%swap3A_766, %swap3A_767], %swap3A_770 {strides = array<i32>} : memref<2x256xf32, #tpu.memory_space<vmem>>, vector<1x16xf32>,
      %swap3A_771 = arith.constant 1 : i32
      %swap3A_772 = arith.index_cast %swap3A_771 : i32 to index
      %swap3A_773 = arith.constant 96 : index
      %swap3A_774 = tpu.vector_load %arg11[%swap3A_772, %swap3A_773] {strides = array<i32>} : memref<2x256xf32, #tpu.memory_space<vmem>>, vector<1x16xf32>,
      %swap3A_775 = vector.shape_cast %swap3A_774 : vector<1x16xf32> to vector<16xf32>
      %swap3A_776 = vector.shape_cast %scan3A_679#6 : vector<16xf32> to vector<1x16xf32>
      tpu.vector_store %arg11[%swap3A_772, %swap3A_773], %swap3A_776 {strides = array<i32>} : memref<2x256xf32, #tpu.memory_space<vmem>>, vector<1x16xf32>,
      %mul3A_777 = arith.constant 5.000000e-03 : f32
      %mul3A_778 = vector.broadcast %mul3A_777 : f32 to vector<16xf32>
      %mul3A_779 = arith.mulf %scan3A_679#6, %mul3A_778 : vector<16xf32>
      %swap3A_780 = arith.constant 1 : i32
      %swap3A_781 = arith.index_cast %swap3A_780 : i32 to index
      %swap3A_782 = arith.constant 96 : index
      %swap3A_783 = tpu.vector_load %arg12[%swap3A_781, %swap3A_782] {strides = array<i32>} : memref<2x256xf32, #tpu.memory_space<vmem>>, vector<1x16xf32>,
      %swap3A_784 = vector.shape_cast %swap3A_783 : vector<1x16xf32> to vector<16xf32>
      %swap3A_785 = vector.shape_cast %mul3A_779 : vector<16xf32> to vector<1x16xf32>
      tpu.vector_store %arg12[%swap3A_781, %swap3A_782], %swap3A_785 {strides = array<i32>} : memref<2x256xf32, #tpu.memory_space<vmem>>, vector<1x16xf32>,
      %swap3A_786 = arith.constant 1 : i32
      %swap3A_787 = arith.index_cast %swap3A_786 : i32 to index
      %swap3A_788 = arith.constant 112 : index
      %swap3A_789 = tpu.vector_load %arg11[%swap3A_787, %swap3A_788] {strides = array<i32>} : memref<2x256xf32, #tpu.memory_space<vmem>>, vector<1x16xf32>,
      %swap3A_790 = vector.shape_cast %swap3A_789 : vector<1x16xf32> to vector<16xf32>
      %swap3A_791 = vector.shape_cast %scan3A_679#7 : vector<16xf32> to vector<1x16xf32>
      tpu.vector_store %arg11[%swap3A_787, %swap3A_788], %swap3A_791 {strides = array<i32>} : memref<2x256xf32, #tpu.memory_space<vmem>>, vector<1x16xf32>,
      %mul3A_792 = arith.constant 5.000000e-03 : f32
      %mul3A_793 = vector.broadcast %mul3A_792 : f32 to vector<16xf32>
      %mul3A_794 = arith.mulf %scan3A_679#7, %mul3A_793 : vector<16xf32>
      %swap3A_795 = arith.constant 1 : i32
      %swap3A_796 = arith.index_cast %swap3A_795 : i32 to index
      %swap3A_797 = arith.constant 112 : index
      %swap3A_798 = tpu.vector_load %arg12[%swap3A_796, %swap3A_797] {strides = array<i32>} : memref<2x256xf32, #tpu.memory_space<vmem>>, vector<1x16xf32>,
      %swap3A_799 = vector.shape_cast %swap3A_798 : vector<1x16xf32> to vector<16xf32>
      %swap3A_800 = vector.shape_cast %mul3A_794 : vector<16xf32> to vector<1x16xf32>
      tpu.vector_store %arg12[%swap3A_796, %swap3A_797], %swap3A_800 {strides = array<i32>} : memref<2x256xf32, #tpu.memory_space<vmem>>, vector<1x16xf32>,
      %swap3A_801 = arith.constant 1 : i32
      %swap3A_802 = arith.index_cast %swap3A_801 : i32 to index
      %swap3A_803 = arith.constant 128 : index
      %swap3A_804 = tpu.vector_load %arg11[%swap3A_802, %swap3A_803] {strides = array<i32>} : memref<2x256xf32, #tpu.memory_space<vmem>>, vector<1x16xf32>,
      %swap3A_805 = vector.shape_cast %swap3A_804 : vector<1x16xf32> to vector<16xf32>
      %swap3A_806 = vector.shape_cast %scan3A_679#8 : vector<16xf32> to vector<1x16xf32>
      tpu.vector_store %arg11[%swap3A_802, %swap3A_803], %swap3A_806 {strides = array<i32>} : memref<2x256xf32, #tpu.memory_space<vmem>>, vector<1x16xf32>,
      %mul3A_807 = arith.constant 5.000000e-03 : f32
      %mul3A_808 = vector.broadcast %mul3A_807 : f32 to vector<16xf32>
      %mul3A_809 = arith.mulf %scan3A_679#8, %mul3A_808 : vector<16xf32>
      %swap3A_810 = arith.constant 1 : i32
      %swap3A_811 = arith.index_cast %swap3A_810 : i32 to index
      %swap3A_812 = arith.constant 128 : index
      %swap3A_813 = tpu.vector_load %arg12[%swap3A_811, %swap3A_812] {strides = array<i32>} : memref<2x256xf32, #tpu.memory_space<vmem>>, vector<1x16xf32>,
      %swap3A_814 = vector.shape_cast %swap3A_813 : vector<1x16xf32> to vector<16xf32>
      %swap3A_815 = vector.shape_cast %mul3A_809 : vector<16xf32> to vector<1x16xf32>
      tpu.vector_store %arg12[%swap3A_811, %swap3A_812], %swap3A_815 {strides = array<i32>} : memref<2x256xf32, #tpu.memory_space<vmem>>, vector<1x16xf32>,
      %swap3A_816 = arith.constant 1 : i32
      %swap3A_817 = arith.index_cast %swap3A_816 : i32 to index
      %swap3A_818 = arith.constant 144 : index
      %swap3A_819 = tpu.vector_load %arg11[%swap3A_817, %swap3A_818] {strides = array<i32>} : memref<2x256xf32, #tpu.memory_space<vmem>>, vector<1x16xf32>,
      %swap3A_820 = vector.shape_cast %swap3A_819 : vector<1x16xf32> to vector<16xf32>
      %swap3A_821 = vector.shape_cast %scan3A_679#9 : vector<16xf32> to vector<1x16xf32>
      tpu.vector_store %arg11[%swap3A_817, %swap3A_818], %swap3A_821 {strides = array<i32>} : memref<2x256xf32, #tpu.memory_space<vmem>>, vector<1x16xf32>,
      %mul3A_822 = arith.constant 5.000000e-03 : f32
      %mul3A_823 = vector.broadcast %mul3A_822 : f32 to vector<16xf32>
      %mul3A_824 = arith.mulf %scan3A_679#9, %mul3A_823 : vector<16xf32>
      %swap3A_825 = arith.constant 1 : i32
      %swap3A_826 = arith.index_cast %swap3A_825 : i32 to index
      %swap3A_827 = arith.constant 144 : index
      %swap3A_828 = tpu.vector_load %arg12[%swap3A_826, %swap3A_827] {strides = array<i32>} : memref<2x256xf32, #tpu.memory_space<vmem>>, vector<1x16xf32>,
      %swap3A_829 = vector.shape_cast %swap3A_828 : vector<1x16xf32> to vector<16xf32>
      %swap3A_830 = vector.shape_cast %mul3A_824 : vector<16xf32> to vector<1x16xf32>
      tpu.vector_store %arg12[%swap3A_826, %swap3A_827], %swap3A_830 {strides = array<i32>} : memref<2x256xf32, #tpu.memory_space<vmem>>, vector<1x16xf32>,
      %swap3A_831 = arith.constant 1 : i32
      %swap3A_832 = arith.index_cast %swap3A_831 : i32 to index
      %swap3A_833 = arith.constant 160 : index
      %swap3A_834 = tpu.vector_load %arg11[%swap3A_832, %swap3A_833] {strides = array<i32>} : memref<2x256xf32, #tpu.memory_space<vmem>>, vector<1x16xf32>,
      %swap3A_835 = vector.shape_cast %swap3A_834 : vector<1x16xf32> to vector<16xf32>
      %swap3A_836 = vector.shape_cast %scan3A_679#10 : vector<16xf32> to vector<1x16xf32>
      tpu.vector_store %arg11[%swap3A_832, %swap3A_833], %swap3A_836 {strides = array<i32>} : memref<2x256xf32, #tpu.memory_space<vmem>>, vector<1x16xf32>,
      %mul3A_837 = arith.constant 5.000000e-03 : f32
      %mul3A_838 = vector.broadcast %mul3A_837 : f32 to vector<16xf32>
      %mul3A_839 = arith.mulf %scan3A_679#10, %mul3A_838 : vector<16xf32>
      %swap3A_840 = arith.constant 1 : i32
      %swap3A_841 = arith.index_cast %swap3A_840 : i32 to index
      %swap3A_842 = arith.constant 160 : index
      %swap3A_843 = tpu.vector_load %arg12[%swap3A_841, %swap3A_842] {strides = array<i32>} : memref<2x256xf32, #tpu.memory_space<vmem>>, vector<1x16xf32>,
      %swap3A_844 = vector.shape_cast %swap3A_843 : vector<1x16xf32> to vector<16xf32>
      %swap3A_845 = vector.shape_cast %mul3A_839 : vector<16xf32> to vector<1x16xf32>
      tpu.vector_store %arg12[%swap3A_841, %swap3A_842], %swap3A_845 {strides = array<i32>} : memref<2x256xf32, #tpu.memory_space<vmem>>, vector<1x16xf32>,
      %swap3A_846 = arith.constant 1 : i32
      %swap3A_847 = arith.index_cast %swap3A_846 : i32 to index
      %swap3A_848 = arith.constant 176 : index
      %swap3A_849 = tpu.vector_load %arg11[%swap3A_847, %swap3A_848] {strides = array<i32>} : memref<2x256xf32, #tpu.memory_space<vmem>>, vector<1x16xf32>,
      %swap3A_850 = vector.shape_cast %swap3A_849 : vector<1x16xf32> to vector<16xf32>
      %swap3A_851 = vector.shape_cast %scan3A_679#11 : vector<16xf32> to vector<1x16xf32>
      tpu.vector_store %arg11[%swap3A_847, %swap3A_848], %swap3A_851 {strides = array<i32>} : memref<2x256xf32, #tpu.memory_space<vmem>>, vector<1x16xf32>,
      %mul3A_852 = arith.constant 5.000000e-03 : f32
      %mul3A_853 = vector.broadcast %mul3A_852 : f32 to vector<16xf32>
      %mul3A_854 = arith.mulf %scan3A_679#11, %mul3A_853 : vector<16xf32>
      %swap3A_855 = arith.constant 1 : i32
      %swap3A_856 = arith.index_cast %swap3A_855 : i32 to index
      %swap3A_857 = arith.constant 176 : index
      %swap3A_858 = tpu.vector_load %arg12[%swap3A_856, %swap3A_857] {strides = array<i32>} : memref<2x256xf32, #tpu.memory_space<vmem>>, vector<1x16xf32>,
      %swap3A_859 = vector.shape_cast %swap3A_858 : vector<1x16xf32> to vector<16xf32>
      %swap3A_860 = vector.shape_cast %mul3A_854 : vector<16xf32> to vector<1x16xf32>
      tpu.vector_store %arg12[%swap3A_856, %swap3A_857], %swap3A_860 {strides = array<i32>} : memref<2x256xf32, #tpu.memory_space<vmem>>, vector<1x16xf32>,
      %swap3A_861 = arith.constant 1 : i32
      %swap3A_862 = arith.index_cast %swap3A_861 : i32 to index
      %swap3A_863 = arith.constant 192 : index
      %swap3A_864 = tpu.vector_load %arg11[%swap3A_862, %swap3A_863] {strides = array<i32>} : memref<2x256xf32, #tpu.memory_space<vmem>>, vector<1x16xf32>,
      %swap3A_865 = vector.shape_cast %swap3A_864 : vector<1x16xf32> to vector<16xf32>
      %swap3A_866 = vector.shape_cast %scan3A_679#12 : vector<16xf32> to vector<1x16xf32>
      tpu.vector_store %arg11[%swap3A_862, %swap3A_863], %swap3A_866 {strides = array<i32>} : memref<2x256xf32, #tpu.memory_space<vmem>>, vector<1x16xf32>,
      %mul3A_867 = arith.constant 5.000000e-03 : f32
      %mul3A_868 = vector.broadcast %mul3A_867 : f32 to vector<16xf32>
      %mul3A_869 = arith.mulf %scan3A_679#12, %mul3A_868 : vector<16xf32>
      %swap3A_870 = arith.constant 1 : i32
      %swap3A_871 = arith.index_cast %swap3A_870 : i32 to index
      %swap3A_872 = arith.constant 192 : index
      %swap3A_873 = tpu.vector_load %arg12[%swap3A_871, %swap3A_872] {strides = array<i32>} : memref<2x256xf32, #tpu.memory_space<vmem>>, vector<1x16xf32>,
      %swap3A_874 = vector.shape_cast %swap3A_873 : vector<1x16xf32> to vector<16xf32>
      %swap3A_875 = vector.shape_cast %mul3A_869 : vector<16xf32> to vector<1x16xf32>
      tpu.vector_store %arg12[%swap3A_871, %swap3A_872], %swap3A_875 {strides = array<i32>} : memref<2x256xf32, #tpu.memory_space<vmem>>, vector<1x16xf32>,
      %swap3A_876 = arith.constant 1 : i32
      %swap3A_877 = arith.index_cast %swap3A_876 : i32 to index
      %swap3A_878 = arith.constant 208 : index
      %swap3A_879 = tpu.vector_load %arg11[%swap3A_877, %swap3A_878] {strides = array<i32>} : memref<2x256xf32, #tpu.memory_space<vmem>>, vector<1x16xf32>,
      %swap3A_880 = vector.shape_cast %swap3A_879 : vector<1x16xf32> to vector<16xf32>
      %swap3A_881 = vector.shape_cast %scan3A_679#13 : vector<16xf32> to vector<1x16xf32>
      tpu.vector_store %arg11[%swap3A_877, %swap3A_878], %swap3A_881 {strides = array<i32>} : memref<2x256xf32, #tpu.memory_space<vmem>>, vector<1x16xf32>,
      %mul3A_882 = arith.constant 5.000000e-03 : f32
      %mul3A_883 = vector.broadcast %mul3A_882 : f32 to vector<16xf32>
      %mul3A_884 = arith.mulf %scan3A_679#13, %mul3A_883 : vector<16xf32>
      %swap3A_885 = arith.constant 1 : i32
      %swap3A_886 = arith.index_cast %swap3A_885 : i32 to index
      %swap3A_887 = arith.constant 208 : index
      %swap3A_888 = tpu.vector_load %arg12[%swap3A_886, %swap3A_887] {strides = array<i32>} : memref<2x256xf32, #tpu.memory_space<vmem>>, vector<1x16xf32>,
      %swap3A_889 = vector.shape_cast %swap3A_888 : vector<1x16xf32> to vector<16xf32>
      %swap3A_890 = vector.shape_cast %mul3A_884 : vector<16xf32> to vector<1x16xf32>
      tpu.vector_store %arg12[%swap3A_886, %swap3A_887], %swap3A_890 {strides = array<i32>} : memref<2x256xf32, #tpu.memory_space<vmem>>, vector<1x16xf32>,
      %swap3A_891 = arith.constant 1 : i32
      %swap3A_892 = arith.index_cast %swap3A_891 : i32 to index
      %swap3A_893 = arith.constant 224 : index
      %swap3A_894 = tpu.vector_load %arg11[%swap3A_892, %swap3A_893] {strides = array<i32>} : memref<2x256xf32, #tpu.memory_space<vmem>>, vector<1x16xf32>,
      %swap3A_895 = vector.shape_cast %swap3A_894 : vector<1x16xf32> to vector<16xf32>
      %swap3A_896 = vector.shape_cast %scan3A_679#14 : vector<16xf32> to vector<1x16xf32>
      tpu.vector_store %arg11[%swap3A_892, %swap3A_893], %swap3A_896 {strides = array<i32>} : memref<2x256xf32, #tpu.memory_space<vmem>>, vector<1x16xf32>,
      %mul3A_897 = arith.constant 5.000000e-03 : f32
      %mul3A_898 = vector.broadcast %mul3A_897 : f32 to vector<16xf32>
      %mul3A_899 = arith.mulf %scan3A_679#14, %mul3A_898 : vector<16xf32>
      %swap3A_900 = arith.constant 1 : i32
      %swap3A_901 = arith.index_cast %swap3A_900 : i32 to index
      %swap3A_902 = arith.constant 224 : index
      %swap3A_903 = tpu.vector_load %arg12[%swap3A_901, %swap3A_902] {strides = array<i32>} : memref<2x256xf32, #tpu.memory_space<vmem>>, vector<1x16xf32>,
      %swap3A_904 = vector.shape_cast %swap3A_903 : vector<1x16xf32> to vector<16xf32>
      %swap3A_905 = vector.shape_cast %mul3A_899 : vector<16xf32> to vector<1x16xf32>
      tpu.vector_store %arg12[%swap3A_901, %swap3A_902], %swap3A_905 {strides = array<i32>} : memref<2x256xf32, #tpu.memory_space<vmem>>, vector<1x16xf32>,
      %swap3A_906 = arith.constant 1 : i32
      %swap3A_907 = arith.index_cast %swap3A_906 : i32 to index
      %swap3A_908 = arith.constant 240 : index
      %swap3A_909 = tpu.vector_load %arg11[%swap3A_907, %swap3A_908] {strides = array<i32>} : memref<2x256xf32, #tpu.memory_space<vmem>>, vector<1x16xf32>,
      %swap3A_910 = vector.shape_cast %swap3A_909 : vector<1x16xf32> to vector<16xf32>
      %swap3A_911 = vector.shape_cast %scan3A_679#15 : vector<16xf32> to vector<1x16xf32>
      tpu.vector_store %arg11[%swap3A_907, %swap3A_908], %swap3A_911 {strides = array<i32>} : memref<2x256xf32, #tpu.memory_space<vmem>>, vector<1x16xf32>,
      %mul3A_912 = arith.constant 5.000000e-03 : f32
      %mul3A_913 = vector.broadcast %mul3A_912 : f32 to vector<16xf32>
      %mul3A_914 = arith.mulf %scan3A_679#15, %mul3A_913 : vector<16xf32>
      %swap3A_915 = arith.constant 1 : i32
      %swap3A_916 = arith.index_cast %swap3A_915 : i32 to index
      %swap3A_917 = arith.constant 240 : index
      %swap3A_918 = tpu.vector_load %arg12[%swap3A_916, %swap3A_917] {strides = array<i32>} : memref<2x256xf32, #tpu.memory_space<vmem>>, vector<1x16xf32>,
      %swap3A_919 = vector.shape_cast %swap3A_918 : vector<1x16xf32> to vector<16xf32>
      %swap3A_920 = vector.shape_cast %mul3A_914 : vector<16xf32> to vector<1x16xf32>
      tpu.vector_store %arg12[%swap3A_916, %swap3A_917], %swap3A_920 {strides = array<i32>} : memref<2x256xf32, #tpu.memory_space<vmem>>, vector<1x16xf32>,
      %add3A_921 = arith.addi %mul3A_2, %mul3A_70 : i32
      %dma_start3A_922 = arith.constant 0 : i32
      %dma_start3A_923 = tpu.memref_slice %arg4[%add3A_921, %dma_start3A_922] : memref<1024x256xf32, #tpu.memory_space<hbm>> -> memref<2x256xf32, #tpu.memory_space<hbm>>
      %dma_start3A_924 = arith.constant 0 : i32
      %dma_start3A_925 = tpu.memref_slice %arg4[%add3A_921, %dma_start3A_924] : memref<1024x256xf32, #tpu.memory_space<hbm>> -> memref<2x256xf32, #tpu.memory_space<hbm>>
      tpu.enqueue_dma source(%arg11 : memref<2x256xf32, #tpu.memory_space<vmem>>) target(%dma_start3A_925 : memref<2x256xf32, #tpu.memory_space<hbm>>) target_semaphore(%arg18 : memref<!tpu.dma_semaphore, #tpu.memory_space<semaphore_mem>>)
      %add3A_926 = arith.addi %mul3A_2, %mul3A_70 : i32
      %dma_start3A_927 = arith.constant 0 : i32
      %dma_start3A_928 = tpu.memref_slice %arg5[%add3A_926, %dma_start3A_927] : memref<1024x256xf32, #tpu.memory_space<hbm>> -> memref<2x256xf32, #tpu.memory_space<hbm>>
      %dma_start3A_929 = arith.constant 0 : i32
      %dma_start3A_930 = tpu.memref_slice %arg5[%add3A_926, %dma_start3A_929] : memref<1024x256xf32, #tpu.memory_space<hbm>> -> memref<2x256xf32, #tpu.memory_space<hbm>>
      tpu.enqueue_dma source(%arg12 : memref<2x256xf32, #tpu.memory_space<vmem>>) target(%dma_start3A_930 : memref<2x256xf32, #tpu.memory_space<hbm>>) target_semaphore(%arg19 : memref<!tpu.dma_semaphore, #tpu.memory_space<semaphore_mem>>)
    }
    %scan3A_55 = arith.constant 16 : i32
    %dma_wait3A_56 = arith.constant 0 : i32
    %dma_wait3A_57 = arith.constant 0 : i32
    %dma_wait3A_58 = tpu.memref_slice %arg4[%dma_wait3A_56, %dma_wait3A_57] : memref<1024x256xf32, #tpu.memory_space<hbm>> -> memref<2x256xf32, #tpu.memory_space<hbm>>
    %dma_wait3A_59 = arith.constant 0 : i32
    %dma_wait3A_60 = arith.constant 0 : i32
    %dma_wait3A_61 = tpu.memref_slice %arg4[%dma_wait3A_59, %dma_wait3A_60] : memref<1024x256xf32, #tpu.memory_space<hbm>> -> memref<2x256xf32, #tpu.memory_space<hbm>>
    tpu.wait_dma2 semaphore(%arg18 : memref<!tpu.dma_semaphore, #tpu.memory_space<semaphore_mem>>) src(%arg11 : memref<2x256xf32, #tpu.memory_space<vmem>>) dst(%dma_wait3A_61 : memref<2x256xf32, #tpu.memory_space<hbm>>)
    %dma_wait3A_62 = arith.constant 0 : i32
    %dma_wait3A_63 = arith.constant 0 : i32
    %dma_wait3A_64 = tpu.memref_slice %arg5[%dma_wait3A_62, %dma_wait3A_63] : memref<1024x256xf32, #tpu.memory_space<hbm>> -> memref<2x256xf32, #tpu.memory_space<hbm>>
    %dma_wait3A_65 = arith.constant 0 : i32
    %dma_wait3A_66 = arith.constant 0 : i32
    %dma_wait3A_67 = tpu.memref_slice %arg5[%dma_wait3A_65, %dma_wait3A_66] : memref<1024x256xf32, #tpu.memory_space<hbm>> -> memref<2x256xf32, #tpu.memory_space<hbm>>
    tpu.wait_dma2 semaphore(%arg19 : memref<!tpu.dma_semaphore, #tpu.memory_space<semaphore_mem>>) src(%arg12 : memref<2x256xf32, #tpu.memory_space<vmem>>) dst(%dma_wait3A_67 : memref<2x256xf32, #tpu.memory_space<hbm>>)
    "tpu.region"() ({
      %run_scoped3A = tpu.sem_alloc : memref<!tpu.dma_semaphore, #tpu.memory_space<semaphore_mem>>
      %dma_start3A_68 = arith.constant 0 : i32
      %dma_start3A_69 = tpu.memref_slice %arg6[%mul3A_2, %dma_start3A_68] : memref<1024x16xf32, #tpu.memory_space<hbm>> -> memref<32x16xf32, #tpu.memory_space<hbm>>
      %dma_start3A_70 = arith.constant 0 : i32
      %dma_start3A_71 = tpu.memref_slice %arg6[%mul3A_2, %dma_start3A_70] : memref<1024x16xf32, #tpu.memory_space<hbm>> -> memref<32x16xf32, #tpu.memory_space<hbm>>
      tpu.enqueue_dma source(%arg13 : memref<32x16xf32, #tpu.memory_space<vmem>>) target(%dma_start3A_71 : memref<32x16xf32, #tpu.memory_space<hbm>>) target_semaphore(%run_scoped3A : memref<!tpu.dma_semaphore, #tpu.memory_space<semaphore_mem>>)
      %dma_wait3A_72 = arith.constant 0 : i32
      %dma_wait3A_73 = tpu.memref_slice %arg6[%mul3A_2, %dma_wait3A_72] : memref<1024x16xf32, #tpu.memory_space<hbm>> -> memref<32x16xf32, #tpu.memory_space<hbm>>
      %dma_wait3A_74 = arith.constant 0 : i32
      %dma_wait3A_75 = tpu.memref_slice %arg6[%mul3A_2, %dma_wait3A_74] : memref<1024x16xf32, #tpu.memory_space<hbm>> -> memref<32x16xf32, #tpu.memory_space<hbm>>
      tpu.wait_dma2 semaphore(%run_scoped3A : memref<!tpu.dma_semaphore, #tpu.memory_space<semaphore_mem>>) src(%arg13 : memref<32x16xf32, #tpu.memory_space<vmem>>) dst(%dma_wait3A_75 : memref<32x16xf32, #tpu.memory_space<hbm>>)
      tpu.yield
    }) : () -> ()
    return
  }
}

#map = affine_map<(d0, d1) -> (0)>
#map1 = affine_map<(d0, d1) -> (0, 0)>
module attributes {stable_mosaic.version = 14 : i64} {
  func.func @sums_kernel(%arg0: i32, %arg1: i32, %arg2: memref<614400xi32, #tpu.memory_space<hbm>>, %arg3: memref<100000x256xf32, #tpu.memory_space<hbm>>, %arg4: memref<3072x256xf32, #tpu.memory_space<hbm>>, %arg5: memref<3072x256xf32, #tpu.memory_space<hbm>>, %arg6: memref<3072x16xf32, #tpu.memory_space<hbm>>, %arg7: memref<208xi32, #tpu.memory_space<vmem>>, %arg8: memref<208xi32, #tpu.memory_space<vmem>>, %arg9: memref<200x256xf32, #tpu.memory_space<vmem>>, %arg10: memref<200x256xf32, #tpu.memory_space<vmem>>, %arg11: memref<2x256xf32, #tpu.memory_space<vmem>>, %arg12: memref<2x256xf32, #tpu.memory_space<vmem>>, %arg13: memref<96x16xf32, #tpu.memory_space<vmem>>, %arg14: memref<!tpu.dma_semaphore, #tpu.memory_space<semaphore_mem>>, %arg15: memref<!tpu.dma_semaphore, #tpu.memory_space<semaphore_mem>>, %arg16: memref<!tpu.dma_semaphore, #tpu.memory_space<semaphore_mem>>, %arg17: memref<!tpu.dma_semaphore, #tpu.memory_space<semaphore_mem>>, %arg18: memref<!tpu.dma_semaphore, #tpu.memory_space<semaphore_mem>>, %arg19: memref<!tpu.dma_semaphore, #tpu.memory_space<semaphore_mem>>) attributes {dimension_semantics = [#tpu.dimension_semantics<core_parallel>, #tpu.dimension_semantics<subcore_parallel>], iteration_bounds = array<i64: 2, 16>, scalar_prefetch = 0 : i64, scratch_operands = 13 : i64, tpu.core_type = #tpu.core_type<sc_vector_subcore>, window_params = [{transform_indices = #map}, {transform_indices = #map1}, {transform_indices = #map1}, {transform_indices = #map1}, {transform_indices = #map1}]} {
    %mul3A = arith.constant 2 : i32
    %mul3A_0 = arith.muli %arg1, %mul3A : i32
    %add3A = arith.addi %mul3A_0, %arg0 : i32
    %mul3A_1 = arith.constant 96 : i32
    %mul3A_2 = arith.muli %add3A, %mul3A_1 : i32
    %add3A_3 = arith.constant 0 : i32
    %add3A_4 = arith.addi %add3A_3, %mul3A_2 : i32
    %iota3A = tpu.iota {dimensions = array<i32: 0>} : vector<16xi32>
    %broadcast_in_dim3A = arith.constant 0.000000e+00 : f32
    %broadcast_in_dim3A_5 = vector.broadcast %broadcast_in_dim3A : f32 to vector<16xf32>
    %broadcast_in_dim3A_6 = arith.constant 1.000000e+00 : f32
    %broadcast_in_dim3A_7 = vector.broadcast %broadcast_in_dim3A_6 : f32 to vector<16xf32>
    %add3A_8 = arith.constant 0 : i32
    %add3A_9 = arith.addi %add3A_4, %add3A_8 : i32
    %mul3A_10 = arith.constant 200 : i32
    %mul3A_11 = arith.muli %add3A_9, %mul3A_10 : i32
    %multiple_of3A = tpu.assume_multiple %mul3A_11, 8 : i32
    %dma_start3A = arith.constant 0 : i32
    %dma_start3A_12 = tpu.memref_slice %arg7[%dma_start3A] : memref<208xi32, #tpu.memory_space<vmem>> -> memref<200xi32, #tpu.memory_space<vmem>>
    %dma_start3A_13 = tpu.memref_slice %arg2[%multiple_of3A] : memref<614400xi32, #tpu.memory_space<hbm>> -> memref<200xi32, #tpu.memory_space<hbm>>
    %dma_start3A_14 = arith.constant 0 : i32
    %dma_start3A_15 = tpu.memref_slice %arg7[%dma_start3A_14] : memref<208xi32, #tpu.memory_space<vmem>> -> memref<200xi32, #tpu.memory_space<vmem>>
    %dma_start3A_16 = tpu.memref_slice %arg2[%multiple_of3A] : memref<614400xi32, #tpu.memory_space<hbm>> -> memref<200xi32, #tpu.memory_space<hbm>>
    tpu.enqueue_dma source(%dma_start3A_16 : memref<200xi32, #tpu.memory_space<hbm>>) target(%dma_start3A_15 : memref<200xi32, #tpu.memory_space<vmem>>) target_semaphore(%arg16 : memref<!tpu.dma_semaphore, #tpu.memory_space<semaphore_mem>>)
    %dma_wait3A = arith.constant 0 : i32
    %dma_wait3A_17 = tpu.memref_slice %arg7[%dma_wait3A] : memref<208xi32, #tpu.memory_space<vmem>> -> memref<200xi32, #tpu.memory_space<vmem>>
    %dma_wait3A_18 = arith.constant 0 : i32
    %dma_wait3A_19 = tpu.memref_slice %arg2[%dma_wait3A_18] : memref<614400xi32, #tpu.memory_space<hbm>> -> memref<200xi32, #tpu.memory_space<hbm>>
    %dma_wait3A_20 = arith.constant 0 : i32
    %dma_wait3A_21 = tpu.memref_slice %arg7[%dma_wait3A_20] : memref<208xi32, #tpu.memory_space<vmem>> -> memref<200xi32, #tpu.memory_space<vmem>>
    %dma_wait3A_22 = arith.constant 0 : i32
    %dma_wait3A_23 = tpu.memref_slice %arg2[%dma_wait3A_22] : memref<614400xi32, #tpu.memory_space<hbm>> -> memref<200xi32, #tpu.memory_space<hbm>>
    tpu.wait_dma2 semaphore(%arg16 : memref<!tpu.dma_semaphore, #tpu.memory_space<semaphore_mem>>) src(%dma_wait3A_23 : memref<200xi32, #tpu.memory_space<hbm>>) dst(%dma_wait3A_21 : memref<200xi32, #tpu.memory_space<vmem>>)
    %dma_start3A_24 = arith.constant 0 : i32
    %dma_start3A_25 = arith.constant 0 : i32
    %dma_start3A_26 = tpu.memref_slice %arg9[%dma_start3A_24, %dma_start3A_25] : memref<200x256xf32, #tpu.memory_space<vmem>> -> memref<128x256xf32, #tpu.memory_space<vmem>>
    %dma_start3A_27 = arith.constant 0 : i32
    %dma_start3A_28 = tpu.memref_slice %arg7[%dma_start3A_27] : memref<208xi32, #tpu.memory_space<vmem>> -> memref<128xi32, #tpu.memory_space<vmem>>
    %dma_start3A_29 = arith.constant 0 : i32
    %dma_start3A_30 = arith.constant 0 : i32
    %dma_start3A_31 = tpu.memref_slice %arg3[%dma_start3A_29, %dma_start3A_30] : memref<100000x256xf32, #tpu.memory_space<hbm>> -> memref<100000x256xf32, #tpu.memory_space<hbm>>
    tpu.enqueue_indirect_dma source(%dma_start3A_31 : memref<100000x256xf32, #tpu.memory_space<hbm>>) target(%dma_start3A_26 : memref<128x256xf32, #tpu.memory_space<vmem>>) offsets(%dma_start3A_28 : memref<128xi32, #tpu.memory_space<vmem>>) semaphore(%arg14 : memref<!tpu.dma_semaphore, #tpu.memory_space<semaphore_mem>>)
    %dma_start3A_32 = arith.constant 128 : i32
    %dma_start3A_33 = arith.constant 0 : i32
    %dma_start3A_34 = tpu.memref_slice %arg9[%dma_start3A_32, %dma_start3A_33] : memref<200x256xf32, #tpu.memory_space<vmem>> -> memref<72x256xf32, #tpu.memory_space<vmem>>
    %dma_start3A_35 = arith.constant 128 : i32
    %dma_start3A_36 = tpu.memref_slice %arg7[%dma_start3A_35] : memref<208xi32, #tpu.memory_space<vmem>> -> memref<72xi32, #tpu.memory_space<vmem>>
    %dma_start3A_37 = arith.constant 0 : i32
    %dma_start3A_38 = arith.constant 0 : i32
    %dma_start3A_39 = tpu.memref_slice %arg3[%dma_start3A_37, %dma_start3A_38] : memref<100000x256xf32, #tpu.memory_space<hbm>> -> memref<100000x256xf32, #tpu.memory_space<hbm>>
    tpu.enqueue_indirect_dma source(%dma_start3A_39 : memref<100000x256xf32, #tpu.memory_space<hbm>>) target(%dma_start3A_34 : memref<72x256xf32, #tpu.memory_space<vmem>>) offsets(%dma_start3A_36 : memref<72xi32, #tpu.memory_space<vmem>>) semaphore(%arg14 : memref<!tpu.dma_semaphore, #tpu.memory_space<semaphore_mem>>)
    %add3A_40 = arith.constant 1 : i32
    %add3A_41 = arith.addi %add3A_4, %add3A_40 : i32
    %mul3A_42 = arith.constant 200 : i32
    %mul3A_43 = arith.muli %add3A_41, %mul3A_42 : i32
    %multiple_of3A_44 = tpu.assume_multiple %mul3A_43, 8 : i32
    %dma_start3A_45 = arith.constant 0 : i32
    %dma_start3A_46 = tpu.memref_slice %arg8[%dma_start3A_45] : memref<208xi32, #tpu.memory_space<vmem>> -> memref<200xi32, #tpu.memory_space<vmem>>
    %dma_start3A_47 = tpu.memref_slice %arg2[%multiple_of3A_44] : memref<614400xi32, #tpu.memory_space<hbm>> -> memref<200xi32, #tpu.memory_space<hbm>>
    %dma_start3A_48 = arith.constant 0 : i32
    %dma_start3A_49 = tpu.memref_slice %arg8[%dma_start3A_48] : memref<208xi32, #tpu.memory_space<vmem>> -> memref<200xi32, #tpu.memory_space<vmem>>
    %dma_start3A_50 = tpu.memref_slice %arg2[%multiple_of3A_44] : memref<614400xi32, #tpu.memory_space<hbm>> -> memref<200xi32, #tpu.memory_space<hbm>>
    tpu.enqueue_dma source(%dma_start3A_50 : memref<200xi32, #tpu.memory_space<hbm>>) target(%dma_start3A_49 : memref<200xi32, #tpu.memory_space<vmem>>) target_semaphore(%arg17 : memref<!tpu.dma_semaphore, #tpu.memory_space<semaphore_mem>>)
    %scan3A = arith.constant 0 : i32
    %scan3A_51 = arith.constant 0 : i32
    %scan3A_52 = arith.constant 48 : i32
    %scan3A_53 = arith.addi %scan3A_51, %scan3A_52 : i32
    %scan3A_54 = arith.constant 1 : i32
    scf.for %scan3A_68 = %scan3A_51 to %scan3A_53 step %scan3A_54  : i32 {
      %mul3A_69 = arith.constant 2 : i32
      %mul3A_70 = arith.muli %scan3A_68, %mul3A_69 : i32
      %lt3A = arith.constant 47 : i32
      %lt3A_71 = arith.cmpi slt, %scan3A_68, %lt3A : i32
      %dma_wait3A_72 = arith.constant 0 : i32
      %dma_wait3A_73 = tpu.memref_slice %arg8[%dma_wait3A_72] : memref<208xi32, #tpu.memory_space<vmem>> -> memref<200xi32, #tpu.memory_space<vmem>>
      %dma_wait3A_74 = arith.constant 0 : i32
      %dma_wait3A_75 = tpu.memref_slice %arg2[%dma_wait3A_74] : memref<614400xi32, #tpu.memory_space<hbm>> -> memref<200xi32, #tpu.memory_space<hbm>>
      %dma_wait3A_76 = arith.constant 0 : i32
      %dma_wait3A_77 = tpu.memref_slice %arg8[%dma_wait3A_76] : memref<208xi32, #tpu.memory_space<vmem>> -> memref<200xi32, #tpu.memory_space<vmem>>
      %dma_wait3A_78 = arith.constant 0 : i32
      %dma_wait3A_79 = tpu.memref_slice %arg2[%dma_wait3A_78] : memref<614400xi32, #tpu.memory_space<hbm>> -> memref<200xi32, #tpu.memory_space<hbm>>
      tpu.wait_dma2 semaphore(%arg17 : memref<!tpu.dma_semaphore, #tpu.memory_space<semaphore_mem>>) src(%dma_wait3A_79 : memref<200xi32, #tpu.memory_space<hbm>>) dst(%dma_wait3A_77 : memref<200xi32, #tpu.memory_space<vmem>>)
      %dma_start3A_80 = arith.constant 0 : i32
      %dma_start3A_81 = arith.constant 0 : i32
      %dma_start3A_82 = tpu.memref_slice %arg10[%dma_start3A_80, %dma_start3A_81] : memref<200x256xf32, #tpu.memory_space<vmem>> -> memref<128x256xf32, #tpu.memory_space<vmem>>
      %dma_start3A_83 = arith.constant 0 : i32
      %dma_start3A_84 = tpu.memref_slice %arg8[%dma_start3A_83] : memref<208xi32, #tpu.memory_space<vmem>> -> memref<128xi32, #tpu.memory_space<vmem>>
      %dma_start3A_85 = arith.constant 0 : i32
      %dma_start3A_86 = arith.constant 0 : i32
      %dma_start3A_87 = tpu.memref_slice %arg3[%dma_start3A_85, %dma_start3A_86] : memref<100000x256xf32, #tpu.memory_space<hbm>> -> memref<100000x256xf32, #tpu.memory_space<hbm>>
      tpu.enqueue_indirect_dma source(%dma_start3A_87 : memref<100000x256xf32, #tpu.memory_space<hbm>>) target(%dma_start3A_82 : memref<128x256xf32, #tpu.memory_space<vmem>>) offsets(%dma_start3A_84 : memref<128xi32, #tpu.memory_space<vmem>>) semaphore(%arg15 : memref<!tpu.dma_semaphore, #tpu.memory_space<semaphore_mem>>)
      %dma_start3A_88 = arith.constant 128 : i32
      %dma_start3A_89 = arith.constant 0 : i32
      %dma_start3A_90 = tpu.memref_slice %arg10[%dma_start3A_88, %dma_start3A_89] : memref<200x256xf32, #tpu.memory_space<vmem>> -> memref<72x256xf32, #tpu.memory_space<vmem>>
      %dma_start3A_91 = arith.constant 128 : i32
      %dma_start3A_92 = tpu.memref_slice %arg8[%dma_start3A_91] : memref<208xi32, #tpu.memory_space<vmem>> -> memref<72xi32, #tpu.memory_space<vmem>>
      %dma_start3A_93 = arith.constant 0 : i32
      %dma_start3A_94 = arith.constant 0 : i32
      %dma_start3A_95 = tpu.memref_slice %arg3[%dma_start3A_93, %dma_start3A_94] : memref<100000x256xf32, #tpu.memory_space<hbm>> -> memref<100000x256xf32, #tpu.memory_space<hbm>>
      tpu.enqueue_indirect_dma source(%dma_start3A_95 : memref<100000x256xf32, #tpu.memory_space<hbm>>) target(%dma_start3A_90 : memref<72x256xf32, #tpu.memory_space<vmem>>) offsets(%dma_start3A_92 : memref<72xi32, #tpu.memory_space<vmem>>) semaphore(%arg15 : memref<!tpu.dma_semaphore, #tpu.memory_space<semaphore_mem>>)
      %dma_wait3A_96 = arith.constant 0 : i32
      %dma_wait3A_97 = arith.constant 0 : i32
      %dma_wait3A_98 = tpu.memref_slice %arg9[%dma_wait3A_96, %dma_wait3A_97] : memref<200x256xf32, #tpu.memory_space<vmem>> -> memref<128x256xf32, #tpu.memory_space<vmem>>
      %dma_wait3A_99 = arith.constant 0 : i32
      %dma_wait3A_100 = tpu.memref_slice %arg7[%dma_wait3A_99] : memref<208xi32, #tpu.memory_space<vmem>> -> memref<128xi32, #tpu.memory_space<vmem>>
      %dma_wait3A_101 = arith.constant 0 : i32
      %dma_wait3A_102 = arith.constant 0 : i32
      %dma_wait3A_103 = tpu.memref_slice %arg3[%dma_wait3A_101, %dma_wait3A_102] : memref<100000x256xf32, #tpu.memory_space<hbm>> -> memref<100000x256xf32, #tpu.memory_space<hbm>>
      tpu.wait_indirect_dma semaphore(%arg14 : memref<!tpu.dma_semaphore, #tpu.memory_space<semaphore_mem>>) src(%dma_wait3A_103 : memref<100000x256xf32, #tpu.memory_space<hbm>>) dst(%dma_wait3A_98 : memref<128x256xf32, #tpu.memory_space<vmem>>)
      %dma_wait3A_104 = arith.constant 128 : i32
      %dma_wait3A_105 = arith.constant 0 : i32
      %dma_wait3A_106 = tpu.memref_slice %arg9[%dma_wait3A_104, %dma_wait3A_105] : memref<200x256xf32, #tpu.memory_space<vmem>> -> memref<72x256xf32, #tpu.memory_space<vmem>>
      %dma_wait3A_107 = arith.constant 128 : i32
      %dma_wait3A_108 = tpu.memref_slice %arg7[%dma_wait3A_107] : memref<208xi32, #tpu.memory_space<vmem>> -> memref<72xi32, #tpu.memory_space<vmem>>
      %dma_wait3A_109 = arith.constant 0 : i32
      %dma_wait3A_110 = arith.constant 0 : i32
      %dma_wait3A_111 = tpu.memref_slice %arg3[%dma_wait3A_109, %dma_wait3A_110] : memref<100000x256xf32, #tpu.memory_space<hbm>> -> memref<100000x256xf32, #tpu.memory_space<hbm>>
      tpu.wait_indirect_dma semaphore(%arg14 : memref<!tpu.dma_semaphore, #tpu.memory_space<semaphore_mem>>) src(%dma_wait3A_111 : memref<100000x256xf32, #tpu.memory_space<hbm>>) dst(%dma_wait3A_106 : memref<72x256xf32, #tpu.memory_space<vmem>>)
      %get3A = arith.constant 0 : index
      %get3A_112 = tpu.vector_load %arg7[%get3A] {strides = array<i32>} : memref<208xi32, #tpu.memory_space<vmem>>, vector<16xi32>,
      %get3A_113 = vector.shape_cast %get3A_112 : vector<16xi32> to vector<16xi32>
      %eq3A = arith.constant 0 : i32
      %eq3A_114 = vector.broadcast %eq3A : i32 to vector<16xi32>
      %eq3A_115 = arith.cmpi eq, %get3A_113, %eq3A_114 : vector<16xi32>
      %select_n3A = arith.select %eq3A_115, %broadcast_in_dim3A_7, %broadcast_in_dim3A_5 : vector<16xi1>, vector<16xf32>
      %add3A_116 = arith.addf %broadcast_in_dim3A_5, %select_n3A : vector<16xf32>
      %get3A_117 = arith.constant 16 : index
      %get3A_118 = tpu.vector_load %arg7[%get3A_117] {strides = array<i32>} : memref<208xi32, #tpu.memory_space<vmem>>, vector<16xi32>,
      %get3A_119 = vector.shape_cast %get3A_118 : vector<16xi32> to vector<16xi32>
      %eq3A_120 = arith.constant 0 : i32
      %eq3A_121 = vector.broadcast %eq3A_120 : i32 to vector<16xi32>
      %eq3A_122 = arith.cmpi eq, %get3A_119, %eq3A_121 : vector<16xi32>
      %select_n3A_123 = arith.select %eq3A_122, %broadcast_in_dim3A_7, %broadcast_in_dim3A_5 : vector<16xi1>, vector<16xf32>
      %add3A_124 = arith.addf %add3A_116, %select_n3A_123 : vector<16xf32>
      %get3A_125 = arith.constant 32 : index
      %get3A_126 = tpu.vector_load %arg7[%get3A_125] {strides = array<i32>} : memref<208xi32, #tpu.memory_space<vmem>>, vector<16xi32>,
      %get3A_127 = vector.shape_cast %get3A_126 : vector<16xi32> to vector<16xi32>
      %eq3A_128 = arith.constant 0 : i32
      %eq3A_129 = vector.broadcast %eq3A_128 : i32 to vector<16xi32>
      %eq3A_130 = arith.cmpi eq, %get3A_127, %eq3A_129 : vector<16xi32>
      %select_n3A_131 = arith.select %eq3A_130, %broadcast_in_dim3A_7, %broadcast_in_dim3A_5 : vector<16xi1>, vector<16xf32>
      %add3A_132 = arith.addf %add3A_124, %select_n3A_131 : vector<16xf32>
      %get3A_133 = arith.constant 48 : index
      %get3A_134 = tpu.vector_load %arg7[%get3A_133] {strides = array<i32>} : memref<208xi32, #tpu.memory_space<vmem>>, vector<16xi32>,
      %get3A_135 = vector.shape_cast %get3A_134 : vector<16xi32> to vector<16xi32>
      %eq3A_136 = arith.constant 0 : i32
      %eq3A_137 = vector.broadcast %eq3A_136 : i32 to vector<16xi32>
      %eq3A_138 = arith.cmpi eq, %get3A_135, %eq3A_137 : vector<16xi32>
      %select_n3A_139 = arith.select %eq3A_138, %broadcast_in_dim3A_7, %broadcast_in_dim3A_5 : vector<16xi1>, vector<16xf32>
      %add3A_140 = arith.addf %add3A_132, %select_n3A_139 : vector<16xf32>
      %get3A_141 = arith.constant 64 : index
      %get3A_142 = tpu.vector_load %arg7[%get3A_141] {strides = array<i32>} : memref<208xi32, #tpu.memory_space<vmem>>, vector<16xi32>,
      %get3A_143 = vector.shape_cast %get3A_142 : vector<16xi32> to vector<16xi32>
      %eq3A_144 = arith.constant 0 : i32
      %eq3A_145 = vector.broadcast %eq3A_144 : i32 to vector<16xi32>
      %eq3A_146 = arith.cmpi eq, %get3A_143, %eq3A_145 : vector<16xi32>
      %select_n3A_147 = arith.select %eq3A_146, %broadcast_in_dim3A_7, %broadcast_in_dim3A_5 : vector<16xi1>, vector<16xf32>
      %add3A_148 = arith.addf %add3A_140, %select_n3A_147 : vector<16xf32>
      %get3A_149 = arith.constant 80 : index
      %get3A_150 = tpu.vector_load %arg7[%get3A_149] {strides = array<i32>} : memref<208xi32, #tpu.memory_space<vmem>>, vector<16xi32>,
      %get3A_151 = vector.shape_cast %get3A_150 : vector<16xi32> to vector<16xi32>
      %eq3A_152 = arith.constant 0 : i32
      %eq3A_153 = vector.broadcast %eq3A_152 : i32 to vector<16xi32>
      %eq3A_154 = arith.cmpi eq, %get3A_151, %eq3A_153 : vector<16xi32>
      %select_n3A_155 = arith.select %eq3A_154, %broadcast_in_dim3A_7, %broadcast_in_dim3A_5 : vector<16xi1>, vector<16xf32>
      %add3A_156 = arith.addf %add3A_148, %select_n3A_155 : vector<16xf32>
      %get3A_157 = arith.constant 96 : index
      %get3A_158 = tpu.vector_load %arg7[%get3A_157] {strides = array<i32>} : memref<208xi32, #tpu.memory_space<vmem>>, vector<16xi32>,
      %get3A_159 = vector.shape_cast %get3A_158 : vector<16xi32> to vector<16xi32>
      %eq3A_160 = arith.constant 0 : i32
      %eq3A_161 = vector.broadcast %eq3A_160 : i32 to vector<16xi32>
      %eq3A_162 = arith.cmpi eq, %get3A_159, %eq3A_161 : vector<16xi32>
      %select_n3A_163 = arith.select %eq3A_162, %broadcast_in_dim3A_7, %broadcast_in_dim3A_5 : vector<16xi1>, vector<16xf32>
      %add3A_164 = arith.addf %add3A_156, %select_n3A_163 : vector<16xf32>
      %get3A_165 = arith.constant 112 : index
      %get3A_166 = tpu.vector_load %arg7[%get3A_165] {strides = array<i32>} : memref<208xi32, #tpu.memory_space<vmem>>, vector<16xi32>,
      %get3A_167 = vector.shape_cast %get3A_166 : vector<16xi32> to vector<16xi32>
      %eq3A_168 = arith.constant 0 : i32
      %eq3A_169 = vector.broadcast %eq3A_168 : i32 to vector<16xi32>
      %eq3A_170 = arith.cmpi eq, %get3A_167, %eq3A_169 : vector<16xi32>
      %select_n3A_171 = arith.select %eq3A_170, %broadcast_in_dim3A_7, %broadcast_in_dim3A_5 : vector<16xi1>, vector<16xf32>
      %add3A_172 = arith.addf %add3A_164, %select_n3A_171 : vector<16xf32>
      %get3A_173 = arith.constant 128 : index
      %get3A_174 = tpu.vector_load %arg7[%get3A_173] {strides = array<i32>} : memref<208xi32, #tpu.memory_space<vmem>>, vector<16xi32>,
      %get3A_175 = vector.shape_cast %get3A_174 : vector<16xi32> to vector<16xi32>
      %eq3A_176 = arith.constant 0 : i32
      %eq3A_177 = vector.broadcast %eq3A_176 : i32 to vector<16xi32>
      %eq3A_178 = arith.cmpi eq, %get3A_175, %eq3A_177 : vector<16xi32>
      %select_n3A_179 = arith.select %eq3A_178, %broadcast_in_dim3A_7, %broadcast_in_dim3A_5 : vector<16xi1>, vector<16xf32>
      %add3A_180 = arith.addf %add3A_172, %select_n3A_179 : vector<16xf32>
      %get3A_181 = arith.constant 144 : index
      %get3A_182 = tpu.vector_load %arg7[%get3A_181] {strides = array<i32>} : memref<208xi32, #tpu.memory_space<vmem>>, vector<16xi32>,
      %get3A_183 = vector.shape_cast %get3A_182 : vector<16xi32> to vector<16xi32>
      %eq3A_184 = arith.constant 0 : i32
      %eq3A_185 = vector.broadcast %eq3A_184 : i32 to vector<16xi32>
      %eq3A_186 = arith.cmpi eq, %get3A_183, %eq3A_185 : vector<16xi32>
      %select_n3A_187 = arith.select %eq3A_186, %broadcast_in_dim3A_7, %broadcast_in_dim3A_5 : vector<16xi1>, vector<16xf32>
      %add3A_188 = arith.addf %add3A_180, %select_n3A_187 : vector<16xf32>
      %get3A_189 = arith.constant 160 : index
      %get3A_190 = tpu.vector_load %arg7[%get3A_189] {strides = array<i32>} : memref<208xi32, #tpu.memory_space<vmem>>, vector<16xi32>,
      %get3A_191 = vector.shape_cast %get3A_190 : vector<16xi32> to vector<16xi32>
      %eq3A_192 = arith.constant 0 : i32
      %eq3A_193 = vector.broadcast %eq3A_192 : i32 to vector<16xi32>
      %eq3A_194 = arith.cmpi eq, %get3A_191, %eq3A_193 : vector<16xi32>
      %select_n3A_195 = arith.select %eq3A_194, %broadcast_in_dim3A_7, %broadcast_in_dim3A_5 : vector<16xi1>, vector<16xf32>
      %add3A_196 = arith.addf %add3A_188, %select_n3A_195 : vector<16xf32>
      %get3A_197 = arith.constant 176 : index
      %get3A_198 = tpu.vector_load %arg7[%get3A_197] {strides = array<i32>} : memref<208xi32, #tpu.memory_space<vmem>>, vector<16xi32>,
      %get3A_199 = vector.shape_cast %get3A_198 : vector<16xi32> to vector<16xi32>
      %eq3A_200 = arith.constant 0 : i32
      %eq3A_201 = vector.broadcast %eq3A_200 : i32 to vector<16xi32>
      %eq3A_202 = arith.cmpi eq, %get3A_199, %eq3A_201 : vector<16xi32>
      %select_n3A_203 = arith.select %eq3A_202, %broadcast_in_dim3A_7, %broadcast_in_dim3A_5 : vector<16xi1>, vector<16xf32>
      %add3A_204 = arith.addf %add3A_196, %select_n3A_203 : vector<16xf32>
      %get3A_205 = arith.constant 192 : index
      %get3A_206 = tpu.vector_load %arg7[%get3A_205] {strides = array<i32>} : memref<208xi32, #tpu.memory_space<vmem>>, vector<16xi32>,
      %get3A_207 = vector.shape_cast %get3A_206 : vector<16xi32> to vector<16xi32>
      %eq3A_208 = arith.constant 0 : i32
      %eq3A_209 = vector.broadcast %eq3A_208 : i32 to vector<16xi32>
      %eq3A_210 = arith.cmpi eq, %get3A_207, %eq3A_209 : vector<16xi32>
      %select_n3A_211 = arith.select %eq3A_210, %broadcast_in_dim3A_7, %broadcast_in_dim3A_5 : vector<16xi1>, vector<16xf32>
      %lt3A_212 = arith.constant 8 : i32
      %lt3A_213 = vector.broadcast %lt3A_212 : i32 to vector<16xi32>
      %lt3A_214 = arith.cmpi slt, %iota3A, %lt3A_213 : vector<16xi32>
      %select_n3A_215 = arith.select %lt3A_214, %broadcast_in_dim3A_7, %broadcast_in_dim3A_5 : vector<16xi1>, vector<16xf32>
      %mul3A_216 = arith.mulf %select_n3A_211, %select_n3A_215 : vector<16xf32>
      %add3A_217 = arith.addf %add3A_204, %mul3A_216 : vector<16xf32>
      %swap3A = arith.index_cast %mul3A_70 : i32 to index
      %swap3A_218 = arith.constant 0 : index
      %swap3A_219 = tpu.vector_load %arg13[%swap3A, %swap3A_218] {strides = array<i32>} : memref<96x16xf32, #tpu.memory_space<vmem>>, vector<1x16xf32>,
      %swap3A_220 = vector.shape_cast %swap3A_219 : vector<1x16xf32> to vector<16xf32>
      %swap3A_221 = vector.shape_cast %add3A_217 : vector<16xf32> to vector<1x16xf32>
      tpu.vector_store %arg13[%swap3A, %swap3A_218], %swap3A_221 {strides = array<i32>} : memref<96x16xf32, #tpu.memory_space<vmem>>, vector<1x16xf32>,
      %convert_element_type3A = arith.extui %lt3A_71 : i1 to i32
      %cond3A = arith.constant 0 : i32
      %cond3A_222 = arith.cmpi ne, %convert_element_type3A, %cond3A : i32
      scf.if %cond3A_222 {
        %add3A_931 = arith.constant 2 : i32
        %add3A_932 = arith.addi %mul3A_70, %add3A_931 : i32
        %add3A_933 = arith.addi %add3A_4, %add3A_932 : i32
        %mul3A_934 = arith.constant 200 : i32
        %mul3A_935 = arith.muli %add3A_933, %mul3A_934 : i32
        %multiple_of3A_936 = tpu.assume_multiple %mul3A_935, 8 : i32
        %dma_start3A_937 = arith.constant 0 : i32
        %dma_start3A_938 = tpu.memref_slice %arg7[%dma_start3A_937] : memref<208xi32, #tpu.memory_space<vmem>> -> memref<200xi32, #tpu.memory_space<vmem>>
        %dma_start3A_939 = tpu.memref_slice %arg2[%multiple_of3A_936] : memref<614400xi32, #tpu.memory_space<hbm>> -> memref<200xi32, #tpu.memory_space<hbm>>
        %dma_start3A_940 = arith.constant 0 : i32
        %dma_start3A_941 = tpu.memref_slice %arg7[%dma_start3A_940] : memref<208xi32, #tpu.memory_space<vmem>> -> memref<200xi32, #tpu.memory_space<vmem>>
        %dma_start3A_942 = tpu.memref_slice %arg2[%multiple_of3A_936] : memref<614400xi32, #tpu.memory_space<hbm>> -> memref<200xi32, #tpu.memory_space<hbm>>
        tpu.enqueue_dma source(%dma_start3A_942 : memref<200xi32, #tpu.memory_space<hbm>>) target(%dma_start3A_941 : memref<200xi32, #tpu.memory_space<vmem>>) target_semaphore(%arg16 : memref<!tpu.dma_semaphore, #tpu.memory_space<semaphore_mem>>)
      } else {
      }
      %gt3A = arith.constant 0 : i32
      %gt3A_223 = arith.cmpi sgt, %scan3A_68, %gt3A : i32
      %convert_element_type3A_224 = arith.extui %gt3A_223 : i1 to i32
      %cond3A_225 = arith.constant 0 : i32
      %cond3A_226 = arith.cmpi ne, %convert_element_type3A_224, %cond3A_225 : i32
      scf.if %cond3A_226 {
        %dma_wait3A_931 = arith.constant 0 : i32
        %dma_wait3A_932 = arith.constant 0 : i32
        %dma_wait3A_933 = tpu.memref_slice %arg4[%dma_wait3A_931, %dma_wait3A_932] : memref<3072x256xf32, #tpu.memory_space<hbm>> -> memref<2x256xf32, #tpu.memory_space<hbm>>
        %dma_wait3A_934 = arith.constant 0 : i32
        %dma_wait3A_935 = arith.constant 0 : i32
        %dma_wait3A_936 = tpu.memref_slice %arg4[%dma_wait3A_934, %dma_wait3A_935] : memref<3072x256xf32, #tpu.memory_space<hbm>> -> memref<2x256xf32, #tpu.memory_space<hbm>>
        tpu.wait_dma2 semaphore(%arg18 : memref<!tpu.dma_semaphore, #tpu.memory_space<semaphore_mem>>) src(%arg11 : memref<2x256xf32, #tpu.memory_space<vmem>>) dst(%dma_wait3A_936 : memref<2x256xf32, #tpu.memory_space<hbm>>)
        %dma_wait3A_937 = arith.constant 0 : i32
        %dma_wait3A_938 = arith.constant 0 : i32
        %dma_wait3A_939 = tpu.memref_slice %arg5[%dma_wait3A_937, %dma_wait3A_938] : memref<3072x256xf32, #tpu.memory_space<hbm>> -> memref<2x256xf32, #tpu.memory_space<hbm>>
        %dma_wait3A_940 = arith.constant 0 : i32
        %dma_wait3A_941 = arith.constant 0 : i32
        %dma_wait3A_942 = tpu.memref_slice %arg5[%dma_wait3A_940, %dma_wait3A_941] : memref<3072x256xf32, #tpu.memory_space<hbm>> -> memref<2x256xf32, #tpu.memory_space<hbm>>
        tpu.wait_dma2 semaphore(%arg19 : memref<!tpu.dma_semaphore, #tpu.memory_space<semaphore_mem>>) src(%arg12 : memref<2x256xf32, #tpu.memory_space<vmem>>) dst(%dma_wait3A_942 : memref<2x256xf32, #tpu.memory_space<hbm>>)
      } else {
      }
      %broadcast_in_dim3A_227 = arith.constant 0.000000e+00 : f32
      %broadcast_in_dim3A_228 = vector.broadcast %broadcast_in_dim3A_227 : f32 to vector<16xf32>
      %broadcast_in_dim3A_229 = arith.constant 0.000000e+00 : f32
      %broadcast_in_dim3A_230 = vector.broadcast %broadcast_in_dim3A_229 : f32 to vector<16xf32>
      %broadcast_in_dim3A_231 = arith.constant 0.000000e+00 : f32
      %broadcast_in_dim3A_232 = vector.broadcast %broadcast_in_dim3A_231 : f32 to vector<16xf32>
      %broadcast_in_dim3A_233 = arith.constant 0.000000e+00 : f32
      %broadcast_in_dim3A_234 = vector.broadcast %broadcast_in_dim3A_233 : f32 to vector<16xf32>
      %broadcast_in_dim3A_235 = arith.constant 0.000000e+00 : f32
      %broadcast_in_dim3A_236 = vector.broadcast %broadcast_in_dim3A_235 : f32 to vector<16xf32>
      %broadcast_in_dim3A_237 = arith.constant 0.000000e+00 : f32
      %broadcast_in_dim3A_238 = vector.broadcast %broadcast_in_dim3A_237 : f32 to vector<16xf32>
      %broadcast_in_dim3A_239 = arith.constant 0.000000e+00 : f32
      %broadcast_in_dim3A_240 = vector.broadcast %broadcast_in_dim3A_239 : f32 to vector<16xf32>
      %broadcast_in_dim3A_241 = arith.constant 0.000000e+00 : f32
      %broadcast_in_dim3A_242 = vector.broadcast %broadcast_in_dim3A_241 : f32 to vector<16xf32>
      %broadcast_in_dim3A_243 = arith.constant 0.000000e+00 : f32
      %broadcast_in_dim3A_244 = vector.broadcast %broadcast_in_dim3A_243 : f32 to vector<16xf32>
      %broadcast_in_dim3A_245 = arith.constant 0.000000e+00 : f32
      %broadcast_in_dim3A_246 = vector.broadcast %broadcast_in_dim3A_245 : f32 to vector<16xf32>
      %broadcast_in_dim3A_247 = arith.constant 0.000000e+00 : f32
      %broadcast_in_dim3A_248 = vector.broadcast %broadcast_in_dim3A_247 : f32 to vector<16xf32>
      %broadcast_in_dim3A_249 = arith.constant 0.000000e+00 : f32
      %broadcast_in_dim3A_250 = vector.broadcast %broadcast_in_dim3A_249 : f32 to vector<16xf32>
      %broadcast_in_dim3A_251 = arith.constant 0.000000e+00 : f32
      %broadcast_in_dim3A_252 = vector.broadcast %broadcast_in_dim3A_251 : f32 to vector<16xf32>
      %broadcast_in_dim3A_253 = arith.constant 0.000000e+00 : f32
      %broadcast_in_dim3A_254 = vector.broadcast %broadcast_in_dim3A_253 : f32 to vector<16xf32>
      %broadcast_in_dim3A_255 = arith.constant 0.000000e+00 : f32
      %broadcast_in_dim3A_256 = vector.broadcast %broadcast_in_dim3A_255 : f32 to vector<16xf32>
      %broadcast_in_dim3A_257 = arith.constant 0.000000e+00 : f32
      %broadcast_in_dim3A_258 = vector.broadcast %broadcast_in_dim3A_257 : f32 to vector<16xf32>
      %scan3A_259 = arith.constant 0 : i32
      %scan3A_260 = arith.constant 100 : i32
      %scan3A_261 = arith.addi %scan3A_259, %scan3A_260 : i32
      %scan3A_262 = arith.constant 1 : i32
      %scan3A_263:16 = scf.for %scan3A_931 = %scan3A_259 to %scan3A_261 step %scan3A_262 iter_args(%scan3A_932 = %broadcast_in_dim3A_228, %scan3A_933 = %broadcast_in_dim3A_230, %scan3A_934 = %broadcast_in_dim3A_232, %scan3A_935 = %broadcast_in_dim3A_234, %scan3A_936 = %broadcast_in_dim3A_236, %scan3A_937 = %broadcast_in_dim3A_238, %scan3A_938 = %broadcast_in_dim3A_240, %scan3A_939 = %broadcast_in_dim3A_242, %scan3A_940 = %broadcast_in_dim3A_244, %scan3A_941 = %broadcast_in_dim3A_246, %scan3A_942 = %broadcast_in_dim3A_248, %scan3A_943 = %broadcast_in_dim3A_250, %scan3A_944 = %broadcast_in_dim3A_252, %scan3A_945 = %broadcast_in_dim3A_254, %scan3A_946 = %broadcast_in_dim3A_256, %scan3A_947 = %broadcast_in_dim3A_258) -> (vector<16xf32>, vector<16xf32>, vector<16xf32>, vector<16xf32>, vector<16xf32>, vector<16xf32>, vector<16xf32>, vector<16xf32>, vector<16xf32>, vector<16xf32>, vector<16xf32>, vector<16xf32>, vector<16xf32>, vector<16xf32>, vector<16xf32>, vector<16xf32>)  : i32 {
        %mul3A_948 = arith.constant 2 : i32
        %mul3A_949 = arith.muli %scan3A_931, %mul3A_948 : i32
        %get3A_950 = arith.index_cast %mul3A_949 : i32 to index
        %get3A_951 = arith.constant 0 : index
        %get3A_952 = tpu.vector_load %arg9[%get3A_950, %get3A_951] {strides = array<i32>} : memref<200x256xf32, #tpu.memory_space<vmem>>, vector<1x16xf32>,
        %get3A_953 = vector.shape_cast %get3A_952 : vector<1x16xf32> to vector<16xf32>
        %add3A_954 = arith.addf %scan3A_932, %get3A_953 : vector<16xf32>
        %get3A_955 = arith.index_cast %mul3A_949 : i32 to index
        %get3A_956 = arith.constant 16 : index
        %get3A_957 = tpu.vector_load %arg9[%get3A_955, %get3A_956] {strides = array<i32>} : memref<200x256xf32, #tpu.memory_space<vmem>>, vector<1x16xf32>,
        %get3A_958 = vector.shape_cast %get3A_957 : vector<1x16xf32> to vector<16xf32>
        %add3A_959 = arith.addf %scan3A_933, %get3A_958 : vector<16xf32>
        %get3A_960 = arith.index_cast %mul3A_949 : i32 to index
        %get3A_961 = arith.constant 32 : index
        %get3A_962 = tpu.vector_load %arg9[%get3A_960, %get3A_961] {strides = array<i32>} : memref<200x256xf32, #tpu.memory_space<vmem>>, vector<1x16xf32>,
        %get3A_963 = vector.shape_cast %get3A_962 : vector<1x16xf32> to vector<16xf32>
        %add3A_964 = arith.addf %scan3A_934, %get3A_963 : vector<16xf32>
        %get3A_965 = arith.index_cast %mul3A_949 : i32 to index
        %get3A_966 = arith.constant 48 : index
        %get3A_967 = tpu.vector_load %arg9[%get3A_965, %get3A_966] {strides = array<i32>} : memref<200x256xf32, #tpu.memory_space<vmem>>, vector<1x16xf32>,
        %get3A_968 = vector.shape_cast %get3A_967 : vector<1x16xf32> to vector<16xf32>
        %add3A_969 = arith.addf %scan3A_935, %get3A_968 : vector<16xf32>
        %get3A_970 = arith.index_cast %mul3A_949 : i32 to index
        %get3A_971 = arith.constant 64 : index
        %get3A_972 = tpu.vector_load %arg9[%get3A_970, %get3A_971] {strides = array<i32>} : memref<200x256xf32, #tpu.memory_space<vmem>>, vector<1x16xf32>,
        %get3A_973 = vector.shape_cast %get3A_972 : vector<1x16xf32> to vector<16xf32>
        %add3A_974 = arith.addf %scan3A_936, %get3A_973 : vector<16xf32>
        %get3A_975 = arith.index_cast %mul3A_949 : i32 to index
        %get3A_976 = arith.constant 80 : index
        %get3A_977 = tpu.vector_load %arg9[%get3A_975, %get3A_976] {strides = array<i32>} : memref<200x256xf32, #tpu.memory_space<vmem>>, vector<1x16xf32>,
        %get3A_978 = vector.shape_cast %get3A_977 : vector<1x16xf32> to vector<16xf32>
        %add3A_979 = arith.addf %scan3A_937, %get3A_978 : vector<16xf32>
        %get3A_980 = arith.index_cast %mul3A_949 : i32 to index
        %get3A_981 = arith.constant 96 : index
        %get3A_982 = tpu.vector_load %arg9[%get3A_980, %get3A_981] {strides = array<i32>} : memref<200x256xf32, #tpu.memory_space<vmem>>, vector<1x16xf32>,
        %get3A_983 = vector.shape_cast %get3A_982 : vector<1x16xf32> to vector<16xf32>
        %add3A_984 = arith.addf %scan3A_938, %get3A_983 : vector<16xf32>
        %get3A_985 = arith.index_cast %mul3A_949 : i32 to index
        %get3A_986 = arith.constant 112 : index
        %get3A_987 = tpu.vector_load %arg9[%get3A_985, %get3A_986] {strides = array<i32>} : memref<200x256xf32, #tpu.memory_space<vmem>>, vector<1x16xf32>,
        %get3A_988 = vector.shape_cast %get3A_987 : vector<1x16xf32> to vector<16xf32>
        %add3A_989 = arith.addf %scan3A_939, %get3A_988 : vector<16xf32>
        %get3A_990 = arith.index_cast %mul3A_949 : i32 to index
        %get3A_991 = arith.constant 128 : index
        %get3A_992 = tpu.vector_load %arg9[%get3A_990, %get3A_991] {strides = array<i32>} : memref<200x256xf32, #tpu.memory_space<vmem>>, vector<1x16xf32>,
        %get3A_993 = vector.shape_cast %get3A_992 : vector<1x16xf32> to vector<16xf32>
        %add3A_994 = arith.addf %scan3A_940, %get3A_993 : vector<16xf32>
        %get3A_995 = arith.index_cast %mul3A_949 : i32 to index
        %get3A_996 = arith.constant 144 : index
        %get3A_997 = tpu.vector_load %arg9[%get3A_995, %get3A_996] {strides = array<i32>} : memref<200x256xf32, #tpu.memory_space<vmem>>, vector<1x16xf32>,
        %get3A_998 = vector.shape_cast %get3A_997 : vector<1x16xf32> to vector<16xf32>
        %add3A_999 = arith.addf %scan3A_941, %get3A_998 : vector<16xf32>
        %get3A_1000 = arith.index_cast %mul3A_949 : i32 to index
        %get3A_1001 = arith.constant 160 : index
        %get3A_1002 = tpu.vector_load %arg9[%get3A_1000, %get3A_1001] {strides = array<i32>} : memref<200x256xf32, #tpu.memory_space<vmem>>, vector<1x16xf32>,
        %get3A_1003 = vector.shape_cast %get3A_1002 : vector<1x16xf32> to vector<16xf32>
        %add3A_1004 = arith.addf %scan3A_942, %get3A_1003 : vector<16xf32>
        %get3A_1005 = arith.index_cast %mul3A_949 : i32 to index
        %get3A_1006 = arith.constant 176 : index
        %get3A_1007 = tpu.vector_load %arg9[%get3A_1005, %get3A_1006] {strides = array<i32>} : memref<200x256xf32, #tpu.memory_space<vmem>>, vector<1x16xf32>,
        %get3A_1008 = vector.shape_cast %get3A_1007 : vector<1x16xf32> to vector<16xf32>
        %add3A_1009 = arith.addf %scan3A_943, %get3A_1008 : vector<16xf32>
        %get3A_1010 = arith.index_cast %mul3A_949 : i32 to index
        %get3A_1011 = arith.constant 192 : index
        %get3A_1012 = tpu.vector_load %arg9[%get3A_1010, %get3A_1011] {strides = array<i32>} : memref<200x256xf32, #tpu.memory_space<vmem>>, vector<1x16xf32>,
        %get3A_1013 = vector.shape_cast %get3A_1012 : vector<1x16xf32> to vector<16xf32>
        %add3A_1014 = arith.addf %scan3A_944, %get3A_1013 : vector<16xf32>
        %get3A_1015 = arith.index_cast %mul3A_949 : i32 to index
        %get3A_1016 = arith.constant 208 : index
        %get3A_1017 = tpu.vector_load %arg9[%get3A_1015, %get3A_1016] {strides = array<i32>} : memref<200x256xf32, #tpu.memory_space<vmem>>, vector<1x16xf32>,
        %get3A_1018 = vector.shape_cast %get3A_1017 : vector<1x16xf32> to vector<16xf32>
        %add3A_1019 = arith.addf %scan3A_945, %get3A_1018 : vector<16xf32>
        %get3A_1020 = arith.index_cast %mul3A_949 : i32 to index
        %get3A_1021 = arith.constant 224 : index
        %get3A_1022 = tpu.vector_load %arg9[%get3A_1020, %get3A_1021] {strides = array<i32>} : memref<200x256xf32, #tpu.memory_space<vmem>>, vector<1x16xf32>,
        %get3A_1023 = vector.shape_cast %get3A_1022 : vector<1x16xf32> to vector<16xf32>
        %add3A_1024 = arith.addf %scan3A_946, %get3A_1023 : vector<16xf32>
        %get3A_1025 = arith.index_cast %mul3A_949 : i32 to index
        %get3A_1026 = arith.constant 240 : index
        %get3A_1027 = tpu.vector_load %arg9[%get3A_1025, %get3A_1026] {strides = array<i32>} : memref<200x256xf32, #tpu.memory_space<vmem>>, vector<1x16xf32>,
        %get3A_1028 = vector.shape_cast %get3A_1027 : vector<1x16xf32> to vector<16xf32>
        %add3A_1029 = arith.addf %scan3A_947, %get3A_1028 : vector<16xf32>
        %add3A_1030 = arith.constant 1 : i32
        %add3A_1031 = arith.addi %mul3A_949, %add3A_1030 : i32
        %get3A_1032 = arith.index_cast %add3A_1031 : i32 to index
        %get3A_1033 = arith.constant 0 : index
        %get3A_1034 = tpu.vector_load %arg9[%get3A_1032, %get3A_1033] {strides = array<i32>} : memref<200x256xf32, #tpu.memory_space<vmem>>, vector<1x16xf32>,
        %get3A_1035 = vector.shape_cast %get3A_1034 : vector<1x16xf32> to vector<16xf32>
        %add3A_1036 = arith.addf %add3A_954, %get3A_1035 : vector<16xf32>
        %add3A_1037 = arith.constant 1 : i32
        %add3A_1038 = arith.addi %mul3A_949, %add3A_1037 : i32
        %get3A_1039 = arith.index_cast %add3A_1038 : i32 to index
        %get3A_1040 = arith.constant 16 : index
        %get3A_1041 = tpu.vector_load %arg9[%get3A_1039, %get3A_1040] {strides = array<i32>} : memref<200x256xf32, #tpu.memory_space<vmem>>, vector<1x16xf32>,
        %get3A_1042 = vector.shape_cast %get3A_1041 : vector<1x16xf32> to vector<16xf32>
        %add3A_1043 = arith.addf %add3A_959, %get3A_1042 : vector<16xf32>
        %add3A_1044 = arith.constant 1 : i32
        %add3A_1045 = arith.addi %mul3A_949, %add3A_1044 : i32
        %get3A_1046 = arith.index_cast %add3A_1045 : i32 to index
        %get3A_1047 = arith.constant 32 : index
        %get3A_1048 = tpu.vector_load %arg9[%get3A_1046, %get3A_1047] {strides = array<i32>} : memref<200x256xf32, #tpu.memory_space<vmem>>, vector<1x16xf32>,
        %get3A_1049 = vector.shape_cast %get3A_1048 : vector<1x16xf32> to vector<16xf32>
        %add3A_1050 = arith.addf %add3A_964, %get3A_1049 : vector<16xf32>
        %add3A_1051 = arith.constant 1 : i32
        %add3A_1052 = arith.addi %mul3A_949, %add3A_1051 : i32
        %get3A_1053 = arith.index_cast %add3A_1052 : i32 to index
        %get3A_1054 = arith.constant 48 : index
        %get3A_1055 = tpu.vector_load %arg9[%get3A_1053, %get3A_1054] {strides = array<i32>} : memref<200x256xf32, #tpu.memory_space<vmem>>, vector<1x16xf32>,
        %get3A_1056 = vector.shape_cast %get3A_1055 : vector<1x16xf32> to vector<16xf32>
        %add3A_1057 = arith.addf %add3A_969, %get3A_1056 : vector<16xf32>
        %add3A_1058 = arith.constant 1 : i32
        %add3A_1059 = arith.addi %mul3A_949, %add3A_1058 : i32
        %get3A_1060 = arith.index_cast %add3A_1059 : i32 to index
        %get3A_1061 = arith.constant 64 : index
        %get3A_1062 = tpu.vector_load %arg9[%get3A_1060, %get3A_1061] {strides = array<i32>} : memref<200x256xf32, #tpu.memory_space<vmem>>, vector<1x16xf32>,
        %get3A_1063 = vector.shape_cast %get3A_1062 : vector<1x16xf32> to vector<16xf32>
        %add3A_1064 = arith.addf %add3A_974, %get3A_1063 : vector<16xf32>
        %add3A_1065 = arith.constant 1 : i32
        %add3A_1066 = arith.addi %mul3A_949, %add3A_1065 : i32
        %get3A_1067 = arith.index_cast %add3A_1066 : i32 to index
        %get3A_1068 = arith.constant 80 : index
        %get3A_1069 = tpu.vector_load %arg9[%get3A_1067, %get3A_1068] {strides = array<i32>} : memref<200x256xf32, #tpu.memory_space<vmem>>, vector<1x16xf32>,
        %get3A_1070 = vector.shape_cast %get3A_1069 : vector<1x16xf32> to vector<16xf32>
        %add3A_1071 = arith.addf %add3A_979, %get3A_1070 : vector<16xf32>
        %add3A_1072 = arith.constant 1 : i32
        %add3A_1073 = arith.addi %mul3A_949, %add3A_1072 : i32
        %get3A_1074 = arith.index_cast %add3A_1073 : i32 to index
        %get3A_1075 = arith.constant 96 : index
        %get3A_1076 = tpu.vector_load %arg9[%get3A_1074, %get3A_1075] {strides = array<i32>} : memref<200x256xf32, #tpu.memory_space<vmem>>, vector<1x16xf32>,
        %get3A_1077 = vector.shape_cast %get3A_1076 : vector<1x16xf32> to vector<16xf32>
        %add3A_1078 = arith.addf %add3A_984, %get3A_1077 : vector<16xf32>
        %add3A_1079 = arith.constant 1 : i32
        %add3A_1080 = arith.addi %mul3A_949, %add3A_1079 : i32
        %get3A_1081 = arith.index_cast %add3A_1080 : i32 to index
        %get3A_1082 = arith.constant 112 : index
        %get3A_1083 = tpu.vector_load %arg9[%get3A_1081, %get3A_1082] {strides = array<i32>} : memref<200x256xf32, #tpu.memory_space<vmem>>, vector<1x16xf32>,
        %get3A_1084 = vector.shape_cast %get3A_1083 : vector<1x16xf32> to vector<16xf32>
        %add3A_1085 = arith.addf %add3A_989, %get3A_1084 : vector<16xf32>
        %add3A_1086 = arith.constant 1 : i32
        %add3A_1087 = arith.addi %mul3A_949, %add3A_1086 : i32
        %get3A_1088 = arith.index_cast %add3A_1087 : i32 to index
        %get3A_1089 = arith.constant 128 : index
        %get3A_1090 = tpu.vector_load %arg9[%get3A_1088, %get3A_1089] {strides = array<i32>} : memref<200x256xf32, #tpu.memory_space<vmem>>, vector<1x16xf32>,
        %get3A_1091 = vector.shape_cast %get3A_1090 : vector<1x16xf32> to vector<16xf32>
        %add3A_1092 = arith.addf %add3A_994, %get3A_1091 : vector<16xf32>
        %add3A_1093 = arith.constant 1 : i32
        %add3A_1094 = arith.addi %mul3A_949, %add3A_1093 : i32
        %get3A_1095 = arith.index_cast %add3A_1094 : i32 to index
        %get3A_1096 = arith.constant 144 : index
        %get3A_1097 = tpu.vector_load %arg9[%get3A_1095, %get3A_1096] {strides = array<i32>} : memref<200x256xf32, #tpu.memory_space<vmem>>, vector<1x16xf32>,
        %get3A_1098 = vector.shape_cast %get3A_1097 : vector<1x16xf32> to vector<16xf32>
        %add3A_1099 = arith.addf %add3A_999, %get3A_1098 : vector<16xf32>
        %add3A_1100 = arith.constant 1 : i32
        %add3A_1101 = arith.addi %mul3A_949, %add3A_1100 : i32
        %get3A_1102 = arith.index_cast %add3A_1101 : i32 to index
        %get3A_1103 = arith.constant 160 : index
        %get3A_1104 = tpu.vector_load %arg9[%get3A_1102, %get3A_1103] {strides = array<i32>} : memref<200x256xf32, #tpu.memory_space<vmem>>, vector<1x16xf32>,
        %get3A_1105 = vector.shape_cast %get3A_1104 : vector<1x16xf32> to vector<16xf32>
        %add3A_1106 = arith.addf %add3A_1004, %get3A_1105 : vector<16xf32>
        %add3A_1107 = arith.constant 1 : i32
        %add3A_1108 = arith.addi %mul3A_949, %add3A_1107 : i32
        %get3A_1109 = arith.index_cast %add3A_1108 : i32 to index
        %get3A_1110 = arith.constant 176 : index
        %get3A_1111 = tpu.vector_load %arg9[%get3A_1109, %get3A_1110] {strides = array<i32>} : memref<200x256xf32, #tpu.memory_space<vmem>>, vector<1x16xf32>,
        %get3A_1112 = vector.shape_cast %get3A_1111 : vector<1x16xf32> to vector<16xf32>
        %add3A_1113 = arith.addf %add3A_1009, %get3A_1112 : vector<16xf32>
        %add3A_1114 = arith.constant 1 : i32
        %add3A_1115 = arith.addi %mul3A_949, %add3A_1114 : i32
        %get3A_1116 = arith.index_cast %add3A_1115 : i32 to index
        %get3A_1117 = arith.constant 192 : index
        %get3A_1118 = tpu.vector_load %arg9[%get3A_1116, %get3A_1117] {strides = array<i32>} : memref<200x256xf32, #tpu.memory_space<vmem>>, vector<1x16xf32>,
        %get3A_1119 = vector.shape_cast %get3A_1118 : vector<1x16xf32> to vector<16xf32>
        %add3A_1120 = arith.addf %add3A_1014, %get3A_1119 : vector<16xf32>
        %add3A_1121 = arith.constant 1 : i32
        %add3A_1122 = arith.addi %mul3A_949, %add3A_1121 : i32
        %get3A_1123 = arith.index_cast %add3A_1122 : i32 to index
        %get3A_1124 = arith.constant 208 : index
        %get3A_1125 = tpu.vector_load %arg9[%get3A_1123, %get3A_1124] {strides = array<i32>} : memref<200x256xf32, #tpu.memory_space<vmem>>, vector<1x16xf32>,
        %get3A_1126 = vector.shape_cast %get3A_1125 : vector<1x16xf32> to vector<16xf32>
        %add3A_1127 = arith.addf %add3A_1019, %get3A_1126 : vector<16xf32>
        %add3A_1128 = arith.constant 1 : i32
        %add3A_1129 = arith.addi %mul3A_949, %add3A_1128 : i32
        %get3A_1130 = arith.index_cast %add3A_1129 : i32 to index
        %get3A_1131 = arith.constant 224 : index
        %get3A_1132 = tpu.vector_load %arg9[%get3A_1130, %get3A_1131] {strides = array<i32>} : memref<200x256xf32, #tpu.memory_space<vmem>>, vector<1x16xf32>,
        %get3A_1133 = vector.shape_cast %get3A_1132 : vector<1x16xf32> to vector<16xf32>
        %add3A_1134 = arith.addf %add3A_1024, %get3A_1133 : vector<16xf32>
        %add3A_1135 = arith.constant 1 : i32
        %add3A_1136 = arith.addi %mul3A_949, %add3A_1135 : i32
        %get3A_1137 = arith.index_cast %add3A_1136 : i32 to index
        %get3A_1138 = arith.constant 240 : index
        %get3A_1139 = tpu.vector_load %arg9[%get3A_1137, %get3A_1138] {strides = array<i32>} : memref<200x256xf32, #tpu.memory_space<vmem>>, vector<1x16xf32>,
        %get3A_1140 = vector.shape_cast %get3A_1139 : vector<1x16xf32> to vector<16xf32>
        %add3A_1141 = arith.addf %add3A_1029, %get3A_1140 : vector<16xf32>
        scf.yield %add3A_1036, %add3A_1043, %add3A_1050, %add3A_1057, %add3A_1064, %add3A_1071, %add3A_1078, %add3A_1085, %add3A_1092, %add3A_1099, %add3A_1106, %add3A_1113, %add3A_1120, %add3A_1127, %add3A_1134, %add3A_1141 : vector<16xf32>, vector<16xf32>, vector<16xf32>, vector<16xf32>, vector<16xf32>, vector<16xf32>, vector<16xf32>, vector<16xf32>, vector<16xf32>, vector<16xf32>, vector<16xf32>, vector<16xf32>, vector<16xf32>, vector<16xf32>, vector<16xf32>, vector<16xf32>
      }
      %scan3A_264 = arith.constant 100 : i32
      %swap3A_265 = arith.constant 0 : i32
      %swap3A_266 = arith.index_cast %swap3A_265 : i32 to index
      %swap3A_267 = arith.constant 0 : index
      %swap3A_268 = tpu.vector_load %arg11[%swap3A_266, %swap3A_267] {strides = array<i32>} : memref<2x256xf32, #tpu.memory_space<vmem>>, vector<1x16xf32>,
      %swap3A_269 = vector.shape_cast %swap3A_268 : vector<1x16xf32> to vector<16xf32>
      %swap3A_270 = vector.shape_cast %scan3A_263#0 : vector<16xf32> to vector<1x16xf32>
      tpu.vector_store %arg11[%swap3A_266, %swap3A_267], %swap3A_270 {strides = array<i32>} : memref<2x256xf32, #tpu.memory_space<vmem>>, vector<1x16xf32>,
      %mul3A_271 = arith.constant 5.000000e-03 : f32
      %mul3A_272 = vector.broadcast %mul3A_271 : f32 to vector<16xf32>
      %mul3A_273 = arith.mulf %scan3A_263#0, %mul3A_272 : vector<16xf32>
      %swap3A_274 = arith.constant 0 : i32
      %swap3A_275 = arith.index_cast %swap3A_274 : i32 to index
      %swap3A_276 = arith.constant 0 : index
      %swap3A_277 = tpu.vector_load %arg12[%swap3A_275, %swap3A_276] {strides = array<i32>} : memref<2x256xf32, #tpu.memory_space<vmem>>, vector<1x16xf32>,
      %swap3A_278 = vector.shape_cast %swap3A_277 : vector<1x16xf32> to vector<16xf32>
      %swap3A_279 = vector.shape_cast %mul3A_273 : vector<16xf32> to vector<1x16xf32>
      tpu.vector_store %arg12[%swap3A_275, %swap3A_276], %swap3A_279 {strides = array<i32>} : memref<2x256xf32, #tpu.memory_space<vmem>>, vector<1x16xf32>,
      %swap3A_280 = arith.constant 0 : i32
      %swap3A_281 = arith.index_cast %swap3A_280 : i32 to index
      %swap3A_282 = arith.constant 16 : index
      %swap3A_283 = tpu.vector_load %arg11[%swap3A_281, %swap3A_282] {strides = array<i32>} : memref<2x256xf32, #tpu.memory_space<vmem>>, vector<1x16xf32>,
      %swap3A_284 = vector.shape_cast %swap3A_283 : vector<1x16xf32> to vector<16xf32>
      %swap3A_285 = vector.shape_cast %scan3A_263#1 : vector<16xf32> to vector<1x16xf32>
      tpu.vector_store %arg11[%swap3A_281, %swap3A_282], %swap3A_285 {strides = array<i32>} : memref<2x256xf32, #tpu.memory_space<vmem>>, vector<1x16xf32>,
      %mul3A_286 = arith.constant 5.000000e-03 : f32
      %mul3A_287 = vector.broadcast %mul3A_286 : f32 to vector<16xf32>
      %mul3A_288 = arith.mulf %scan3A_263#1, %mul3A_287 : vector<16xf32>
      %swap3A_289 = arith.constant 0 : i32
      %swap3A_290 = arith.index_cast %swap3A_289 : i32 to index
      %swap3A_291 = arith.constant 16 : index
      %swap3A_292 = tpu.vector_load %arg12[%swap3A_290, %swap3A_291] {strides = array<i32>} : memref<2x256xf32, #tpu.memory_space<vmem>>, vector<1x16xf32>,
      %swap3A_293 = vector.shape_cast %swap3A_292 : vector<1x16xf32> to vector<16xf32>
      %swap3A_294 = vector.shape_cast %mul3A_288 : vector<16xf32> to vector<1x16xf32>
      tpu.vector_store %arg12[%swap3A_290, %swap3A_291], %swap3A_294 {strides = array<i32>} : memref<2x256xf32, #tpu.memory_space<vmem>>, vector<1x16xf32>,
      %swap3A_295 = arith.constant 0 : i32
      %swap3A_296 = arith.index_cast %swap3A_295 : i32 to index
      %swap3A_297 = arith.constant 32 : index
      %swap3A_298 = tpu.vector_load %arg11[%swap3A_296, %swap3A_297] {strides = array<i32>} : memref<2x256xf32, #tpu.memory_space<vmem>>, vector<1x16xf32>,
      %swap3A_299 = vector.shape_cast %swap3A_298 : vector<1x16xf32> to vector<16xf32>
      %swap3A_300 = vector.shape_cast %scan3A_263#2 : vector<16xf32> to vector<1x16xf32>
      tpu.vector_store %arg11[%swap3A_296, %swap3A_297], %swap3A_300 {strides = array<i32>} : memref<2x256xf32, #tpu.memory_space<vmem>>, vector<1x16xf32>,
      %mul3A_301 = arith.constant 5.000000e-03 : f32
      %mul3A_302 = vector.broadcast %mul3A_301 : f32 to vector<16xf32>
      %mul3A_303 = arith.mulf %scan3A_263#2, %mul3A_302 : vector<16xf32>
      %swap3A_304 = arith.constant 0 : i32
      %swap3A_305 = arith.index_cast %swap3A_304 : i32 to index
      %swap3A_306 = arith.constant 32 : index
      %swap3A_307 = tpu.vector_load %arg12[%swap3A_305, %swap3A_306] {strides = array<i32>} : memref<2x256xf32, #tpu.memory_space<vmem>>, vector<1x16xf32>,
      %swap3A_308 = vector.shape_cast %swap3A_307 : vector<1x16xf32> to vector<16xf32>
      %swap3A_309 = vector.shape_cast %mul3A_303 : vector<16xf32> to vector<1x16xf32>
      tpu.vector_store %arg12[%swap3A_305, %swap3A_306], %swap3A_309 {strides = array<i32>} : memref<2x256xf32, #tpu.memory_space<vmem>>, vector<1x16xf32>,
      %swap3A_310 = arith.constant 0 : i32
      %swap3A_311 = arith.index_cast %swap3A_310 : i32 to index
      %swap3A_312 = arith.constant 48 : index
      %swap3A_313 = tpu.vector_load %arg11[%swap3A_311, %swap3A_312] {strides = array<i32>} : memref<2x256xf32, #tpu.memory_space<vmem>>, vector<1x16xf32>,
      %swap3A_314 = vector.shape_cast %swap3A_313 : vector<1x16xf32> to vector<16xf32>
      %swap3A_315 = vector.shape_cast %scan3A_263#3 : vector<16xf32> to vector<1x16xf32>
      tpu.vector_store %arg11[%swap3A_311, %swap3A_312], %swap3A_315 {strides = array<i32>} : memref<2x256xf32, #tpu.memory_space<vmem>>, vector<1x16xf32>,
      %mul3A_316 = arith.constant 5.000000e-03 : f32
      %mul3A_317 = vector.broadcast %mul3A_316 : f32 to vector<16xf32>
      %mul3A_318 = arith.mulf %scan3A_263#3, %mul3A_317 : vector<16xf32>
      %swap3A_319 = arith.constant 0 : i32
      %swap3A_320 = arith.index_cast %swap3A_319 : i32 to index
      %swap3A_321 = arith.constant 48 : index
      %swap3A_322 = tpu.vector_load %arg12[%swap3A_320, %swap3A_321] {strides = array<i32>} : memref<2x256xf32, #tpu.memory_space<vmem>>, vector<1x16xf32>,
      %swap3A_323 = vector.shape_cast %swap3A_322 : vector<1x16xf32> to vector<16xf32>
      %swap3A_324 = vector.shape_cast %mul3A_318 : vector<16xf32> to vector<1x16xf32>
      tpu.vector_store %arg12[%swap3A_320, %swap3A_321], %swap3A_324 {strides = array<i32>} : memref<2x256xf32, #tpu.memory_space<vmem>>, vector<1x16xf32>,
      %swap3A_325 = arith.constant 0 : i32
      %swap3A_326 = arith.index_cast %swap3A_325 : i32 to index
      %swap3A_327 = arith.constant 64 : index
      %swap3A_328 = tpu.vector_load %arg11[%swap3A_326, %swap3A_327] {strides = array<i32>} : memref<2x256xf32, #tpu.memory_space<vmem>>, vector<1x16xf32>,
      %swap3A_329 = vector.shape_cast %swap3A_328 : vector<1x16xf32> to vector<16xf32>
      %swap3A_330 = vector.shape_cast %scan3A_263#4 : vector<16xf32> to vector<1x16xf32>
      tpu.vector_store %arg11[%swap3A_326, %swap3A_327], %swap3A_330 {strides = array<i32>} : memref<2x256xf32, #tpu.memory_space<vmem>>, vector<1x16xf32>,
      %mul3A_331 = arith.constant 5.000000e-03 : f32
      %mul3A_332 = vector.broadcast %mul3A_331 : f32 to vector<16xf32>
      %mul3A_333 = arith.mulf %scan3A_263#4, %mul3A_332 : vector<16xf32>
      %swap3A_334 = arith.constant 0 : i32
      %swap3A_335 = arith.index_cast %swap3A_334 : i32 to index
      %swap3A_336 = arith.constant 64 : index
      %swap3A_337 = tpu.vector_load %arg12[%swap3A_335, %swap3A_336] {strides = array<i32>} : memref<2x256xf32, #tpu.memory_space<vmem>>, vector<1x16xf32>,
      %swap3A_338 = vector.shape_cast %swap3A_337 : vector<1x16xf32> to vector<16xf32>
      %swap3A_339 = vector.shape_cast %mul3A_333 : vector<16xf32> to vector<1x16xf32>
      tpu.vector_store %arg12[%swap3A_335, %swap3A_336], %swap3A_339 {strides = array<i32>} : memref<2x256xf32, #tpu.memory_space<vmem>>, vector<1x16xf32>,
      %swap3A_340 = arith.constant 0 : i32
      %swap3A_341 = arith.index_cast %swap3A_340 : i32 to index
      %swap3A_342 = arith.constant 80 : index
      %swap3A_343 = tpu.vector_load %arg11[%swap3A_341, %swap3A_342] {strides = array<i32>} : memref<2x256xf32, #tpu.memory_space<vmem>>, vector<1x16xf32>,
      %swap3A_344 = vector.shape_cast %swap3A_343 : vector<1x16xf32> to vector<16xf32>
      %swap3A_345 = vector.shape_cast %scan3A_263#5 : vector<16xf32> to vector<1x16xf32>
      tpu.vector_store %arg11[%swap3A_341, %swap3A_342], %swap3A_345 {strides = array<i32>} : memref<2x256xf32, #tpu.memory_space<vmem>>, vector<1x16xf32>,
      %mul3A_346 = arith.constant 5.000000e-03 : f32
      %mul3A_347 = vector.broadcast %mul3A_346 : f32 to vector<16xf32>
      %mul3A_348 = arith.mulf %scan3A_263#5, %mul3A_347 : vector<16xf32>
      %swap3A_349 = arith.constant 0 : i32
      %swap3A_350 = arith.index_cast %swap3A_349 : i32 to index
      %swap3A_351 = arith.constant 80 : index
      %swap3A_352 = tpu.vector_load %arg12[%swap3A_350, %swap3A_351] {strides = array<i32>} : memref<2x256xf32, #tpu.memory_space<vmem>>, vector<1x16xf32>,
      %swap3A_353 = vector.shape_cast %swap3A_352 : vector<1x16xf32> to vector<16xf32>
      %swap3A_354 = vector.shape_cast %mul3A_348 : vector<16xf32> to vector<1x16xf32>
      tpu.vector_store %arg12[%swap3A_350, %swap3A_351], %swap3A_354 {strides = array<i32>} : memref<2x256xf32, #tpu.memory_space<vmem>>, vector<1x16xf32>,
      %swap3A_355 = arith.constant 0 : i32
      %swap3A_356 = arith.index_cast %swap3A_355 : i32 to index
      %swap3A_357 = arith.constant 96 : index
      %swap3A_358 = tpu.vector_load %arg11[%swap3A_356, %swap3A_357] {strides = array<i32>} : memref<2x256xf32, #tpu.memory_space<vmem>>, vector<1x16xf32>,
      %swap3A_359 = vector.shape_cast %swap3A_358 : vector<1x16xf32> to vector<16xf32>
      %swap3A_360 = vector.shape_cast %scan3A_263#6 : vector<16xf32> to vector<1x16xf32>
      tpu.vector_store %arg11[%swap3A_356, %swap3A_357], %swap3A_360 {strides = array<i32>} : memref<2x256xf32, #tpu.memory_space<vmem>>, vector<1x16xf32>,
      %mul3A_361 = arith.constant 5.000000e-03 : f32
      %mul3A_362 = vector.broadcast %mul3A_361 : f32 to vector<16xf32>
      %mul3A_363 = arith.mulf %scan3A_263#6, %mul3A_362 : vector<16xf32>
      %swap3A_364 = arith.constant 0 : i32
      %swap3A_365 = arith.index_cast %swap3A_364 : i32 to index
      %swap3A_366 = arith.constant 96 : index
      %swap3A_367 = tpu.vector_load %arg12[%swap3A_365, %swap3A_366] {strides = array<i32>} : memref<2x256xf32, #tpu.memory_space<vmem>>, vector<1x16xf32>,
      %swap3A_368 = vector.shape_cast %swap3A_367 : vector<1x16xf32> to vector<16xf32>
      %swap3A_369 = vector.shape_cast %mul3A_363 : vector<16xf32> to vector<1x16xf32>
      tpu.vector_store %arg12[%swap3A_365, %swap3A_366], %swap3A_369 {strides = array<i32>} : memref<2x256xf32, #tpu.memory_space<vmem>>, vector<1x16xf32>,
      %swap3A_370 = arith.constant 0 : i32
      %swap3A_371 = arith.index_cast %swap3A_370 : i32 to index
      %swap3A_372 = arith.constant 112 : index
      %swap3A_373 = tpu.vector_load %arg11[%swap3A_371, %swap3A_372] {strides = array<i32>} : memref<2x256xf32, #tpu.memory_space<vmem>>, vector<1x16xf32>,
      %swap3A_374 = vector.shape_cast %swap3A_373 : vector<1x16xf32> to vector<16xf32>
      %swap3A_375 = vector.shape_cast %scan3A_263#7 : vector<16xf32> to vector<1x16xf32>
      tpu.vector_store %arg11[%swap3A_371, %swap3A_372], %swap3A_375 {strides = array<i32>} : memref<2x256xf32, #tpu.memory_space<vmem>>, vector<1x16xf32>,
      %mul3A_376 = arith.constant 5.000000e-03 : f32
      %mul3A_377 = vector.broadcast %mul3A_376 : f32 to vector<16xf32>
      %mul3A_378 = arith.mulf %scan3A_263#7, %mul3A_377 : vector<16xf32>
      %swap3A_379 = arith.constant 0 : i32
      %swap3A_380 = arith.index_cast %swap3A_379 : i32 to index
      %swap3A_381 = arith.constant 112 : index
      %swap3A_382 = tpu.vector_load %arg12[%swap3A_380, %swap3A_381] {strides = array<i32>} : memref<2x256xf32, #tpu.memory_space<vmem>>, vector<1x16xf32>,
      %swap3A_383 = vector.shape_cast %swap3A_382 : vector<1x16xf32> to vector<16xf32>
      %swap3A_384 = vector.shape_cast %mul3A_378 : vector<16xf32> to vector<1x16xf32>
      tpu.vector_store %arg12[%swap3A_380, %swap3A_381], %swap3A_384 {strides = array<i32>} : memref<2x256xf32, #tpu.memory_space<vmem>>, vector<1x16xf32>,
      %swap3A_385 = arith.constant 0 : i32
      %swap3A_386 = arith.index_cast %swap3A_385 : i32 to index
      %swap3A_387 = arith.constant 128 : index
      %swap3A_388 = tpu.vector_load %arg11[%swap3A_386, %swap3A_387] {strides = array<i32>} : memref<2x256xf32, #tpu.memory_space<vmem>>, vector<1x16xf32>,
      %swap3A_389 = vector.shape_cast %swap3A_388 : vector<1x16xf32> to vector<16xf32>
      %swap3A_390 = vector.shape_cast %scan3A_263#8 : vector<16xf32> to vector<1x16xf32>
      tpu.vector_store %arg11[%swap3A_386, %swap3A_387], %swap3A_390 {strides = array<i32>} : memref<2x256xf32, #tpu.memory_space<vmem>>, vector<1x16xf32>,
      %mul3A_391 = arith.constant 5.000000e-03 : f32
      %mul3A_392 = vector.broadcast %mul3A_391 : f32 to vector<16xf32>
      %mul3A_393 = arith.mulf %scan3A_263#8, %mul3A_392 : vector<16xf32>
      %swap3A_394 = arith.constant 0 : i32
      %swap3A_395 = arith.index_cast %swap3A_394 : i32 to index
      %swap3A_396 = arith.constant 128 : index
      %swap3A_397 = tpu.vector_load %arg12[%swap3A_395, %swap3A_396] {strides = array<i32>} : memref<2x256xf32, #tpu.memory_space<vmem>>, vector<1x16xf32>,
      %swap3A_398 = vector.shape_cast %swap3A_397 : vector<1x16xf32> to vector<16xf32>
      %swap3A_399 = vector.shape_cast %mul3A_393 : vector<16xf32> to vector<1x16xf32>
      tpu.vector_store %arg12[%swap3A_395, %swap3A_396], %swap3A_399 {strides = array<i32>} : memref<2x256xf32, #tpu.memory_space<vmem>>, vector<1x16xf32>,
      %swap3A_400 = arith.constant 0 : i32
      %swap3A_401 = arith.index_cast %swap3A_400 : i32 to index
      %swap3A_402 = arith.constant 144 : index
      %swap3A_403 = tpu.vector_load %arg11[%swap3A_401, %swap3A_402] {strides = array<i32>} : memref<2x256xf32, #tpu.memory_space<vmem>>, vector<1x16xf32>,
      %swap3A_404 = vector.shape_cast %swap3A_403 : vector<1x16xf32> to vector<16xf32>
      %swap3A_405 = vector.shape_cast %scan3A_263#9 : vector<16xf32> to vector<1x16xf32>
      tpu.vector_store %arg11[%swap3A_401, %swap3A_402], %swap3A_405 {strides = array<i32>} : memref<2x256xf32, #tpu.memory_space<vmem>>, vector<1x16xf32>,
      %mul3A_406 = arith.constant 5.000000e-03 : f32
      %mul3A_407 = vector.broadcast %mul3A_406 : f32 to vector<16xf32>
      %mul3A_408 = arith.mulf %scan3A_263#9, %mul3A_407 : vector<16xf32>
      %swap3A_409 = arith.constant 0 : i32
      %swap3A_410 = arith.index_cast %swap3A_409 : i32 to index
      %swap3A_411 = arith.constant 144 : index
      %swap3A_412 = tpu.vector_load %arg12[%swap3A_410, %swap3A_411] {strides = array<i32>} : memref<2x256xf32, #tpu.memory_space<vmem>>, vector<1x16xf32>,
      %swap3A_413 = vector.shape_cast %swap3A_412 : vector<1x16xf32> to vector<16xf32>
      %swap3A_414 = vector.shape_cast %mul3A_408 : vector<16xf32> to vector<1x16xf32>
      tpu.vector_store %arg12[%swap3A_410, %swap3A_411], %swap3A_414 {strides = array<i32>} : memref<2x256xf32, #tpu.memory_space<vmem>>, vector<1x16xf32>,
      %swap3A_415 = arith.constant 0 : i32
      %swap3A_416 = arith.index_cast %swap3A_415 : i32 to index
      %swap3A_417 = arith.constant 160 : index
      %swap3A_418 = tpu.vector_load %arg11[%swap3A_416, %swap3A_417] {strides = array<i32>} : memref<2x256xf32, #tpu.memory_space<vmem>>, vector<1x16xf32>,
      %swap3A_419 = vector.shape_cast %swap3A_418 : vector<1x16xf32> to vector<16xf32>
      %swap3A_420 = vector.shape_cast %scan3A_263#10 : vector<16xf32> to vector<1x16xf32>
      tpu.vector_store %arg11[%swap3A_416, %swap3A_417], %swap3A_420 {strides = array<i32>} : memref<2x256xf32, #tpu.memory_space<vmem>>, vector<1x16xf32>,
      %mul3A_421 = arith.constant 5.000000e-03 : f32
      %mul3A_422 = vector.broadcast %mul3A_421 : f32 to vector<16xf32>
      %mul3A_423 = arith.mulf %scan3A_263#10, %mul3A_422 : vector<16xf32>
      %swap3A_424 = arith.constant 0 : i32
      %swap3A_425 = arith.index_cast %swap3A_424 : i32 to index
      %swap3A_426 = arith.constant 160 : index
      %swap3A_427 = tpu.vector_load %arg12[%swap3A_425, %swap3A_426] {strides = array<i32>} : memref<2x256xf32, #tpu.memory_space<vmem>>, vector<1x16xf32>,
      %swap3A_428 = vector.shape_cast %swap3A_427 : vector<1x16xf32> to vector<16xf32>
      %swap3A_429 = vector.shape_cast %mul3A_423 : vector<16xf32> to vector<1x16xf32>
      tpu.vector_store %arg12[%swap3A_425, %swap3A_426], %swap3A_429 {strides = array<i32>} : memref<2x256xf32, #tpu.memory_space<vmem>>, vector<1x16xf32>,
      %swap3A_430 = arith.constant 0 : i32
      %swap3A_431 = arith.index_cast %swap3A_430 : i32 to index
      %swap3A_432 = arith.constant 176 : index
      %swap3A_433 = tpu.vector_load %arg11[%swap3A_431, %swap3A_432] {strides = array<i32>} : memref<2x256xf32, #tpu.memory_space<vmem>>, vector<1x16xf32>,
      %swap3A_434 = vector.shape_cast %swap3A_433 : vector<1x16xf32> to vector<16xf32>
      %swap3A_435 = vector.shape_cast %scan3A_263#11 : vector<16xf32> to vector<1x16xf32>
      tpu.vector_store %arg11[%swap3A_431, %swap3A_432], %swap3A_435 {strides = array<i32>} : memref<2x256xf32, #tpu.memory_space<vmem>>, vector<1x16xf32>,
      %mul3A_436 = arith.constant 5.000000e-03 : f32
      %mul3A_437 = vector.broadcast %mul3A_436 : f32 to vector<16xf32>
      %mul3A_438 = arith.mulf %scan3A_263#11, %mul3A_437 : vector<16xf32>
      %swap3A_439 = arith.constant 0 : i32
      %swap3A_440 = arith.index_cast %swap3A_439 : i32 to index
      %swap3A_441 = arith.constant 176 : index
      %swap3A_442 = tpu.vector_load %arg12[%swap3A_440, %swap3A_441] {strides = array<i32>} : memref<2x256xf32, #tpu.memory_space<vmem>>, vector<1x16xf32>,
      %swap3A_443 = vector.shape_cast %swap3A_442 : vector<1x16xf32> to vector<16xf32>
      %swap3A_444 = vector.shape_cast %mul3A_438 : vector<16xf32> to vector<1x16xf32>
      tpu.vector_store %arg12[%swap3A_440, %swap3A_441], %swap3A_444 {strides = array<i32>} : memref<2x256xf32, #tpu.memory_space<vmem>>, vector<1x16xf32>,
      %swap3A_445 = arith.constant 0 : i32
      %swap3A_446 = arith.index_cast %swap3A_445 : i32 to index
      %swap3A_447 = arith.constant 192 : index
      %swap3A_448 = tpu.vector_load %arg11[%swap3A_446, %swap3A_447] {strides = array<i32>} : memref<2x256xf32, #tpu.memory_space<vmem>>, vector<1x16xf32>,
      %swap3A_449 = vector.shape_cast %swap3A_448 : vector<1x16xf32> to vector<16xf32>
      %swap3A_450 = vector.shape_cast %scan3A_263#12 : vector<16xf32> to vector<1x16xf32>
      tpu.vector_store %arg11[%swap3A_446, %swap3A_447], %swap3A_450 {strides = array<i32>} : memref<2x256xf32, #tpu.memory_space<vmem>>, vector<1x16xf32>,
      %mul3A_451 = arith.constant 5.000000e-03 : f32
      %mul3A_452 = vector.broadcast %mul3A_451 : f32 to vector<16xf32>
      %mul3A_453 = arith.mulf %scan3A_263#12, %mul3A_452 : vector<16xf32>
      %swap3A_454 = arith.constant 0 : i32
      %swap3A_455 = arith.index_cast %swap3A_454 : i32 to index
      %swap3A_456 = arith.constant 192 : index
      %swap3A_457 = tpu.vector_load %arg12[%swap3A_455, %swap3A_456] {strides = array<i32>} : memref<2x256xf32, #tpu.memory_space<vmem>>, vector<1x16xf32>,
      %swap3A_458 = vector.shape_cast %swap3A_457 : vector<1x16xf32> to vector<16xf32>
      %swap3A_459 = vector.shape_cast %mul3A_453 : vector<16xf32> to vector<1x16xf32>
      tpu.vector_store %arg12[%swap3A_455, %swap3A_456], %swap3A_459 {strides = array<i32>} : memref<2x256xf32, #tpu.memory_space<vmem>>, vector<1x16xf32>,
      %swap3A_460 = arith.constant 0 : i32
      %swap3A_461 = arith.index_cast %swap3A_460 : i32 to index
      %swap3A_462 = arith.constant 208 : index
      %swap3A_463 = tpu.vector_load %arg11[%swap3A_461, %swap3A_462] {strides = array<i32>} : memref<2x256xf32, #tpu.memory_space<vmem>>, vector<1x16xf32>,
      %swap3A_464 = vector.shape_cast %swap3A_463 : vector<1x16xf32> to vector<16xf32>
      %swap3A_465 = vector.shape_cast %scan3A_263#13 : vector<16xf32> to vector<1x16xf32>
      tpu.vector_store %arg11[%swap3A_461, %swap3A_462], %swap3A_465 {strides = array<i32>} : memref<2x256xf32, #tpu.memory_space<vmem>>, vector<1x16xf32>,
      %mul3A_466 = arith.constant 5.000000e-03 : f32
      %mul3A_467 = vector.broadcast %mul3A_466 : f32 to vector<16xf32>
      %mul3A_468 = arith.mulf %scan3A_263#13, %mul3A_467 : vector<16xf32>
      %swap3A_469 = arith.constant 0 : i32
      %swap3A_470 = arith.index_cast %swap3A_469 : i32 to index
      %swap3A_471 = arith.constant 208 : index
      %swap3A_472 = tpu.vector_load %arg12[%swap3A_470, %swap3A_471] {strides = array<i32>} : memref<2x256xf32, #tpu.memory_space<vmem>>, vector<1x16xf32>,
      %swap3A_473 = vector.shape_cast %swap3A_472 : vector<1x16xf32> to vector<16xf32>
      %swap3A_474 = vector.shape_cast %mul3A_468 : vector<16xf32> to vector<1x16xf32>
      tpu.vector_store %arg12[%swap3A_470, %swap3A_471], %swap3A_474 {strides = array<i32>} : memref<2x256xf32, #tpu.memory_space<vmem>>, vector<1x16xf32>,
      %swap3A_475 = arith.constant 0 : i32
      %swap3A_476 = arith.index_cast %swap3A_475 : i32 to index
      %swap3A_477 = arith.constant 224 : index
      %swap3A_478 = tpu.vector_load %arg11[%swap3A_476, %swap3A_477] {strides = array<i32>} : memref<2x256xf32, #tpu.memory_space<vmem>>, vector<1x16xf32>,
      %swap3A_479 = vector.shape_cast %swap3A_478 : vector<1x16xf32> to vector<16xf32>
      %swap3A_480 = vector.shape_cast %scan3A_263#14 : vector<16xf32> to vector<1x16xf32>
      tpu.vector_store %arg11[%swap3A_476, %swap3A_477], %swap3A_480 {strides = array<i32>} : memref<2x256xf32, #tpu.memory_space<vmem>>, vector<1x16xf32>,
      %mul3A_481 = arith.constant 5.000000e-03 : f32
      %mul3A_482 = vector.broadcast %mul3A_481 : f32 to vector<16xf32>
      %mul3A_483 = arith.mulf %scan3A_263#14, %mul3A_482 : vector<16xf32>
      %swap3A_484 = arith.constant 0 : i32
      %swap3A_485 = arith.index_cast %swap3A_484 : i32 to index
      %swap3A_486 = arith.constant 224 : index
      %swap3A_487 = tpu.vector_load %arg12[%swap3A_485, %swap3A_486] {strides = array<i32>} : memref<2x256xf32, #tpu.memory_space<vmem>>, vector<1x16xf32>,
      %swap3A_488 = vector.shape_cast %swap3A_487 : vector<1x16xf32> to vector<16xf32>
      %swap3A_489 = vector.shape_cast %mul3A_483 : vector<16xf32> to vector<1x16xf32>
      tpu.vector_store %arg12[%swap3A_485, %swap3A_486], %swap3A_489 {strides = array<i32>} : memref<2x256xf32, #tpu.memory_space<vmem>>, vector<1x16xf32>,
      %swap3A_490 = arith.constant 0 : i32
      %swap3A_491 = arith.index_cast %swap3A_490 : i32 to index
      %swap3A_492 = arith.constant 240 : index
      %swap3A_493 = tpu.vector_load %arg11[%swap3A_491, %swap3A_492] {strides = array<i32>} : memref<2x256xf32, #tpu.memory_space<vmem>>, vector<1x16xf32>,
      %swap3A_494 = vector.shape_cast %swap3A_493 : vector<1x16xf32> to vector<16xf32>
      %swap3A_495 = vector.shape_cast %scan3A_263#15 : vector<16xf32> to vector<1x16xf32>
      tpu.vector_store %arg11[%swap3A_491, %swap3A_492], %swap3A_495 {strides = array<i32>} : memref<2x256xf32, #tpu.memory_space<vmem>>, vector<1x16xf32>,
      %mul3A_496 = arith.constant 5.000000e-03 : f32
      %mul3A_497 = vector.broadcast %mul3A_496 : f32 to vector<16xf32>
      %mul3A_498 = arith.mulf %scan3A_263#15, %mul3A_497 : vector<16xf32>
      %swap3A_499 = arith.constant 0 : i32
      %swap3A_500 = arith.index_cast %swap3A_499 : i32 to index
      %swap3A_501 = arith.constant 240 : index
      %swap3A_502 = tpu.vector_load %arg12[%swap3A_500, %swap3A_501] {strides = array<i32>} : memref<2x256xf32, #tpu.memory_space<vmem>>, vector<1x16xf32>,
      %swap3A_503 = vector.shape_cast %swap3A_502 : vector<1x16xf32> to vector<16xf32>
      %swap3A_504 = vector.shape_cast %mul3A_498 : vector<16xf32> to vector<1x16xf32>
      tpu.vector_store %arg12[%swap3A_500, %swap3A_501], %swap3A_504 {strides = array<i32>} : memref<2x256xf32, #tpu.memory_space<vmem>>, vector<1x16xf32>,
      %convert_element_type3A_505 = arith.extui %lt3A_71 : i1 to i32
      %cond3A_506 = arith.constant 0 : i32
      %cond3A_507 = arith.cmpi ne, %convert_element_type3A_505, %cond3A_506 : i32
      scf.if %cond3A_507 {
        %dma_wait3A_931 = arith.constant 0 : i32
        %dma_wait3A_932 = tpu.memref_slice %arg7[%dma_wait3A_931] : memref<208xi32, #tpu.memory_space<vmem>> -> memref<200xi32, #tpu.memory_space<vmem>>
        %dma_wait3A_933 = arith.constant 0 : i32
        %dma_wait3A_934 = tpu.memref_slice %arg2[%dma_wait3A_933] : memref<614400xi32, #tpu.memory_space<hbm>> -> memref<200xi32, #tpu.memory_space<hbm>>
        %dma_wait3A_935 = arith.constant 0 : i32
        %dma_wait3A_936 = tpu.memref_slice %arg7[%dma_wait3A_935] : memref<208xi32, #tpu.memory_space<vmem>> -> memref<200xi32, #tpu.memory_space<vmem>>
        %dma_wait3A_937 = arith.constant 0 : i32
        %dma_wait3A_938 = tpu.memref_slice %arg2[%dma_wait3A_937] : memref<614400xi32, #tpu.memory_space<hbm>> -> memref<200xi32, #tpu.memory_space<hbm>>
        tpu.wait_dma2 semaphore(%arg16 : memref<!tpu.dma_semaphore, #tpu.memory_space<semaphore_mem>>) src(%dma_wait3A_938 : memref<200xi32, #tpu.memory_space<hbm>>) dst(%dma_wait3A_936 : memref<200xi32, #tpu.memory_space<vmem>>)
        %dma_start3A_939 = arith.constant 0 : i32
        %dma_start3A_940 = arith.constant 0 : i32
        %dma_start3A_941 = tpu.memref_slice %arg9[%dma_start3A_939, %dma_start3A_940] : memref<200x256xf32, #tpu.memory_space<vmem>> -> memref<128x256xf32, #tpu.memory_space<vmem>>
        %dma_start3A_942 = arith.constant 0 : i32
        %dma_start3A_943 = tpu.memref_slice %arg7[%dma_start3A_942] : memref<208xi32, #tpu.memory_space<vmem>> -> memref<128xi32, #tpu.memory_space<vmem>>
        %dma_start3A_944 = arith.constant 0 : i32
        %dma_start3A_945 = arith.constant 0 : i32
        %dma_start3A_946 = tpu.memref_slice %arg3[%dma_start3A_944, %dma_start3A_945] : memref<100000x256xf32, #tpu.memory_space<hbm>> -> memref<100000x256xf32, #tpu.memory_space<hbm>>
        tpu.enqueue_indirect_dma source(%dma_start3A_946 : memref<100000x256xf32, #tpu.memory_space<hbm>>) target(%dma_start3A_941 : memref<128x256xf32, #tpu.memory_space<vmem>>) offsets(%dma_start3A_943 : memref<128xi32, #tpu.memory_space<vmem>>) semaphore(%arg14 : memref<!tpu.dma_semaphore, #tpu.memory_space<semaphore_mem>>)
        %dma_start3A_947 = arith.constant 128 : i32
        %dma_start3A_948 = arith.constant 0 : i32
        %dma_start3A_949 = tpu.memref_slice %arg9[%dma_start3A_947, %dma_start3A_948] : memref<200x256xf32, #tpu.memory_space<vmem>> -> memref<72x256xf32, #tpu.memory_space<vmem>>
        %dma_start3A_950 = arith.constant 128 : i32
        %dma_start3A_951 = tpu.memref_slice %arg7[%dma_start3A_950] : memref<208xi32, #tpu.memory_space<vmem>> -> memref<72xi32, #tpu.memory_space<vmem>>
        %dma_start3A_952 = arith.constant 0 : i32
        %dma_start3A_953 = arith.constant 0 : i32
        %dma_start3A_954 = tpu.memref_slice %arg3[%dma_start3A_952, %dma_start3A_953] : memref<100000x256xf32, #tpu.memory_space<hbm>> -> memref<100000x256xf32, #tpu.memory_space<hbm>>
        tpu.enqueue_indirect_dma source(%dma_start3A_954 : memref<100000x256xf32, #tpu.memory_space<hbm>>) target(%dma_start3A_949 : memref<72x256xf32, #tpu.memory_space<vmem>>) offsets(%dma_start3A_951 : memref<72xi32, #tpu.memory_space<vmem>>) semaphore(%arg14 : memref<!tpu.dma_semaphore, #tpu.memory_space<semaphore_mem>>)
      } else {
      }
      %dma_wait3A_508 = arith.constant 0 : i32
      %dma_wait3A_509 = arith.constant 0 : i32
      %dma_wait3A_510 = tpu.memref_slice %arg10[%dma_wait3A_508, %dma_wait3A_509] : memref<200x256xf32, #tpu.memory_space<vmem>> -> memref<128x256xf32, #tpu.memory_space<vmem>>
      %dma_wait3A_511 = arith.constant 0 : i32
      %dma_wait3A_512 = tpu.memref_slice %arg7[%dma_wait3A_511] : memref<208xi32, #tpu.memory_space<vmem>> -> memref<128xi32, #tpu.memory_space<vmem>>
      %dma_wait3A_513 = arith.constant 0 : i32
      %dma_wait3A_514 = arith.constant 0 : i32
      %dma_wait3A_515 = tpu.memref_slice %arg3[%dma_wait3A_513, %dma_wait3A_514] : memref<100000x256xf32, #tpu.memory_space<hbm>> -> memref<100000x256xf32, #tpu.memory_space<hbm>>
      tpu.wait_indirect_dma semaphore(%arg15 : memref<!tpu.dma_semaphore, #tpu.memory_space<semaphore_mem>>) src(%dma_wait3A_515 : memref<100000x256xf32, #tpu.memory_space<hbm>>) dst(%dma_wait3A_510 : memref<128x256xf32, #tpu.memory_space<vmem>>)
      %dma_wait3A_516 = arith.constant 128 : i32
      %dma_wait3A_517 = arith.constant 0 : i32
      %dma_wait3A_518 = tpu.memref_slice %arg10[%dma_wait3A_516, %dma_wait3A_517] : memref<200x256xf32, #tpu.memory_space<vmem>> -> memref<72x256xf32, #tpu.memory_space<vmem>>
      %dma_wait3A_519 = arith.constant 128 : i32
      %dma_wait3A_520 = tpu.memref_slice %arg7[%dma_wait3A_519] : memref<208xi32, #tpu.memory_space<vmem>> -> memref<72xi32, #tpu.memory_space<vmem>>
      %dma_wait3A_521 = arith.constant 0 : i32
      %dma_wait3A_522 = arith.constant 0 : i32
      %dma_wait3A_523 = tpu.memref_slice %arg3[%dma_wait3A_521, %dma_wait3A_522] : memref<100000x256xf32, #tpu.memory_space<hbm>> -> memref<100000x256xf32, #tpu.memory_space<hbm>>
      tpu.wait_indirect_dma semaphore(%arg15 : memref<!tpu.dma_semaphore, #tpu.memory_space<semaphore_mem>>) src(%dma_wait3A_523 : memref<100000x256xf32, #tpu.memory_space<hbm>>) dst(%dma_wait3A_518 : memref<72x256xf32, #tpu.memory_space<vmem>>)
      %get3A_524 = arith.constant 0 : index
      %get3A_525 = tpu.vector_load %arg8[%get3A_524] {strides = array<i32>} : memref<208xi32, #tpu.memory_space<vmem>>, vector<16xi32>,
      %get3A_526 = vector.shape_cast %get3A_525 : vector<16xi32> to vector<16xi32>
      %eq3A_527 = arith.constant 0 : i32
      %eq3A_528 = vector.broadcast %eq3A_527 : i32 to vector<16xi32>
      %eq3A_529 = arith.cmpi eq, %get3A_526, %eq3A_528 : vector<16xi32>
      %select_n3A_530 = arith.select %eq3A_529, %broadcast_in_dim3A_7, %broadcast_in_dim3A_5 : vector<16xi1>, vector<16xf32>
      %add3A_531 = arith.addf %broadcast_in_dim3A_5, %select_n3A_530 : vector<16xf32>
      %get3A_532 = arith.constant 16 : index
      %get3A_533 = tpu.vector_load %arg8[%get3A_532] {strides = array<i32>} : memref<208xi32, #tpu.memory_space<vmem>>, vector<16xi32>,
      %get3A_534 = vector.shape_cast %get3A_533 : vector<16xi32> to vector<16xi32>
      %eq3A_535 = arith.constant 0 : i32
      %eq3A_536 = vector.broadcast %eq3A_535 : i32 to vector<16xi32>
      %eq3A_537 = arith.cmpi eq, %get3A_534, %eq3A_536 : vector<16xi32>
      %select_n3A_538 = arith.select %eq3A_537, %broadcast_in_dim3A_7, %broadcast_in_dim3A_5 : vector<16xi1>, vector<16xf32>
      %add3A_539 = arith.addf %add3A_531, %select_n3A_538 : vector<16xf32>
      %get3A_540 = arith.constant 32 : index
      %get3A_541 = tpu.vector_load %arg8[%get3A_540] {strides = array<i32>} : memref<208xi32, #tpu.memory_space<vmem>>, vector<16xi32>,
      %get3A_542 = vector.shape_cast %get3A_541 : vector<16xi32> to vector<16xi32>
      %eq3A_543 = arith.constant 0 : i32
      %eq3A_544 = vector.broadcast %eq3A_543 : i32 to vector<16xi32>
      %eq3A_545 = arith.cmpi eq, %get3A_542, %eq3A_544 : vector<16xi32>
      %select_n3A_546 = arith.select %eq3A_545, %broadcast_in_dim3A_7, %broadcast_in_dim3A_5 : vector<16xi1>, vector<16xf32>
      %add3A_547 = arith.addf %add3A_539, %select_n3A_546 : vector<16xf32>
      %get3A_548 = arith.constant 48 : index
      %get3A_549 = tpu.vector_load %arg8[%get3A_548] {strides = array<i32>} : memref<208xi32, #tpu.memory_space<vmem>>, vector<16xi32>,
      %get3A_550 = vector.shape_cast %get3A_549 : vector<16xi32> to vector<16xi32>
      %eq3A_551 = arith.constant 0 : i32
      %eq3A_552 = vector.broadcast %eq3A_551 : i32 to vector<16xi32>
      %eq3A_553 = arith.cmpi eq, %get3A_550, %eq3A_552 : vector<16xi32>
      %select_n3A_554 = arith.select %eq3A_553, %broadcast_in_dim3A_7, %broadcast_in_dim3A_5 : vector<16xi1>, vector<16xf32>
      %add3A_555 = arith.addf %add3A_547, %select_n3A_554 : vector<16xf32>
      %get3A_556 = arith.constant 64 : index
      %get3A_557 = tpu.vector_load %arg8[%get3A_556] {strides = array<i32>} : memref<208xi32, #tpu.memory_space<vmem>>, vector<16xi32>,
      %get3A_558 = vector.shape_cast %get3A_557 : vector<16xi32> to vector<16xi32>
      %eq3A_559 = arith.constant 0 : i32
      %eq3A_560 = vector.broadcast %eq3A_559 : i32 to vector<16xi32>
      %eq3A_561 = arith.cmpi eq, %get3A_558, %eq3A_560 : vector<16xi32>
      %select_n3A_562 = arith.select %eq3A_561, %broadcast_in_dim3A_7, %broadcast_in_dim3A_5 : vector<16xi1>, vector<16xf32>
      %add3A_563 = arith.addf %add3A_555, %select_n3A_562 : vector<16xf32>
      %get3A_564 = arith.constant 80 : index
      %get3A_565 = tpu.vector_load %arg8[%get3A_564] {strides = array<i32>} : memref<208xi32, #tpu.memory_space<vmem>>, vector<16xi32>,
      %get3A_566 = vector.shape_cast %get3A_565 : vector<16xi32> to vector<16xi32>
      %eq3A_567 = arith.constant 0 : i32
      %eq3A_568 = vector.broadcast %eq3A_567 : i32 to vector<16xi32>
      %eq3A_569 = arith.cmpi eq, %get3A_566, %eq3A_568 : vector<16xi32>
      %select_n3A_570 = arith.select %eq3A_569, %broadcast_in_dim3A_7, %broadcast_in_dim3A_5 : vector<16xi1>, vector<16xf32>
      %add3A_571 = arith.addf %add3A_563, %select_n3A_570 : vector<16xf32>
      %get3A_572 = arith.constant 96 : index
      %get3A_573 = tpu.vector_load %arg8[%get3A_572] {strides = array<i32>} : memref<208xi32, #tpu.memory_space<vmem>>, vector<16xi32>,
      %get3A_574 = vector.shape_cast %get3A_573 : vector<16xi32> to vector<16xi32>
      %eq3A_575 = arith.constant 0 : i32
      %eq3A_576 = vector.broadcast %eq3A_575 : i32 to vector<16xi32>
      %eq3A_577 = arith.cmpi eq, %get3A_574, %eq3A_576 : vector<16xi32>
      %select_n3A_578 = arith.select %eq3A_577, %broadcast_in_dim3A_7, %broadcast_in_dim3A_5 : vector<16xi1>, vector<16xf32>
      %add3A_579 = arith.addf %add3A_571, %select_n3A_578 : vector<16xf32>
      %get3A_580 = arith.constant 112 : index
      %get3A_581 = tpu.vector_load %arg8[%get3A_580] {strides = array<i32>} : memref<208xi32, #tpu.memory_space<vmem>>, vector<16xi32>,
      %get3A_582 = vector.shape_cast %get3A_581 : vector<16xi32> to vector<16xi32>
      %eq3A_583 = arith.constant 0 : i32
      %eq3A_584 = vector.broadcast %eq3A_583 : i32 to vector<16xi32>
      %eq3A_585 = arith.cmpi eq, %get3A_582, %eq3A_584 : vector<16xi32>
      %select_n3A_586 = arith.select %eq3A_585, %broadcast_in_dim3A_7, %broadcast_in_dim3A_5 : vector<16xi1>, vector<16xf32>
      %add3A_587 = arith.addf %add3A_579, %select_n3A_586 : vector<16xf32>
      %get3A_588 = arith.constant 128 : index
      %get3A_589 = tpu.vector_load %arg8[%get3A_588] {strides = array<i32>} : memref<208xi32, #tpu.memory_space<vmem>>, vector<16xi32>,
      %get3A_590 = vector.shape_cast %get3A_589 : vector<16xi32> to vector<16xi32>
      %eq3A_591 = arith.constant 0 : i32
      %eq3A_592 = vector.broadcast %eq3A_591 : i32 to vector<16xi32>
      %eq3A_593 = arith.cmpi eq, %get3A_590, %eq3A_592 : vector<16xi32>
      %select_n3A_594 = arith.select %eq3A_593, %broadcast_in_dim3A_7, %broadcast_in_dim3A_5 : vector<16xi1>, vector<16xf32>
      %add3A_595 = arith.addf %add3A_587, %select_n3A_594 : vector<16xf32>
      %get3A_596 = arith.constant 144 : index
      %get3A_597 = tpu.vector_load %arg8[%get3A_596] {strides = array<i32>} : memref<208xi32, #tpu.memory_space<vmem>>, vector<16xi32>,
      %get3A_598 = vector.shape_cast %get3A_597 : vector<16xi32> to vector<16xi32>
      %eq3A_599 = arith.constant 0 : i32
      %eq3A_600 = vector.broadcast %eq3A_599 : i32 to vector<16xi32>
      %eq3A_601 = arith.cmpi eq, %get3A_598, %eq3A_600 : vector<16xi32>
      %select_n3A_602 = arith.select %eq3A_601, %broadcast_in_dim3A_7, %broadcast_in_dim3A_5 : vector<16xi1>, vector<16xf32>
      %add3A_603 = arith.addf %add3A_595, %select_n3A_602 : vector<16xf32>
      %get3A_604 = arith.constant 160 : index
      %get3A_605 = tpu.vector_load %arg8[%get3A_604] {strides = array<i32>} : memref<208xi32, #tpu.memory_space<vmem>>, vector<16xi32>,
      %get3A_606 = vector.shape_cast %get3A_605 : vector<16xi32> to vector<16xi32>
      %eq3A_607 = arith.constant 0 : i32
      %eq3A_608 = vector.broadcast %eq3A_607 : i32 to vector<16xi32>
      %eq3A_609 = arith.cmpi eq, %get3A_606, %eq3A_608 : vector<16xi32>
      %select_n3A_610 = arith.select %eq3A_609, %broadcast_in_dim3A_7, %broadcast_in_dim3A_5 : vector<16xi1>, vector<16xf32>
      %add3A_611 = arith.addf %add3A_603, %select_n3A_610 : vector<16xf32>
      %get3A_612 = arith.constant 176 : index
      %get3A_613 = tpu.vector_load %arg8[%get3A_612] {strides = array<i32>} : memref<208xi32, #tpu.memory_space<vmem>>, vector<16xi32>,
      %get3A_614 = vector.shape_cast %get3A_613 : vector<16xi32> to vector<16xi32>
      %eq3A_615 = arith.constant 0 : i32
      %eq3A_616 = vector.broadcast %eq3A_615 : i32 to vector<16xi32>
      %eq3A_617 = arith.cmpi eq, %get3A_614, %eq3A_616 : vector<16xi32>
      %select_n3A_618 = arith.select %eq3A_617, %broadcast_in_dim3A_7, %broadcast_in_dim3A_5 : vector<16xi1>, vector<16xf32>
      %add3A_619 = arith.addf %add3A_611, %select_n3A_618 : vector<16xf32>
      %get3A_620 = arith.constant 192 : index
      %get3A_621 = tpu.vector_load %arg8[%get3A_620] {strides = array<i32>} : memref<208xi32, #tpu.memory_space<vmem>>, vector<16xi32>,
      %get3A_622 = vector.shape_cast %get3A_621 : vector<16xi32> to vector<16xi32>
      %eq3A_623 = arith.constant 0 : i32
      %eq3A_624 = vector.broadcast %eq3A_623 : i32 to vector<16xi32>
      %eq3A_625 = arith.cmpi eq, %get3A_622, %eq3A_624 : vector<16xi32>
      %select_n3A_626 = arith.select %eq3A_625, %broadcast_in_dim3A_7, %broadcast_in_dim3A_5 : vector<16xi1>, vector<16xf32>
      %lt3A_627 = arith.constant 8 : i32
      %lt3A_628 = vector.broadcast %lt3A_627 : i32 to vector<16xi32>
      %lt3A_629 = arith.cmpi slt, %iota3A, %lt3A_628 : vector<16xi32>
      %select_n3A_630 = arith.select %lt3A_629, %broadcast_in_dim3A_7, %broadcast_in_dim3A_5 : vector<16xi1>, vector<16xf32>
      %mul3A_631 = arith.mulf %select_n3A_626, %select_n3A_630 : vector<16xf32>
      %add3A_632 = arith.addf %add3A_619, %mul3A_631 : vector<16xf32>
      %add3A_633 = arith.constant 1 : i32
      %add3A_634 = arith.addi %mul3A_70, %add3A_633 : i32
      %swap3A_635 = arith.index_cast %add3A_634 : i32 to index
      %swap3A_636 = arith.constant 0 : index
      %swap3A_637 = tpu.vector_load %arg13[%swap3A_635, %swap3A_636] {strides = array<i32>} : memref<96x16xf32, #tpu.memory_space<vmem>>, vector<1x16xf32>,
      %swap3A_638 = vector.shape_cast %swap3A_637 : vector<1x16xf32> to vector<16xf32>
      %swap3A_639 = vector.shape_cast %add3A_632 : vector<16xf32> to vector<1x16xf32>
      tpu.vector_store %arg13[%swap3A_635, %swap3A_636], %swap3A_639 {strides = array<i32>} : memref<96x16xf32, #tpu.memory_space<vmem>>, vector<1x16xf32>,
      %convert_element_type3A_640 = arith.extui %lt3A_71 : i1 to i32
      %cond3A_641 = arith.constant 0 : i32
      %cond3A_642 = arith.cmpi ne, %convert_element_type3A_640, %cond3A_641 : i32
      scf.if %cond3A_642 {
        %add3A_931 = arith.constant 3 : i32
        %add3A_932 = arith.addi %mul3A_70, %add3A_931 : i32
        %add3A_933 = arith.addi %add3A_4, %add3A_932 : i32
        %mul3A_934 = arith.constant 200 : i32
        %mul3A_935 = arith.muli %add3A_933, %mul3A_934 : i32
        %multiple_of3A_936 = tpu.assume_multiple %mul3A_935, 8 : i32
        %dma_start3A_937 = arith.constant 0 : i32
        %dma_start3A_938 = tpu.memref_slice %arg8[%dma_start3A_937] : memref<208xi32, #tpu.memory_space<vmem>> -> memref<200xi32, #tpu.memory_space<vmem>>
        %dma_start3A_939 = tpu.memref_slice %arg2[%multiple_of3A_936] : memref<614400xi32, #tpu.memory_space<hbm>> -> memref<200xi32, #tpu.memory_space<hbm>>
        %dma_start3A_940 = arith.constant 0 : i32
        %dma_start3A_941 = tpu.memref_slice %arg8[%dma_start3A_940] : memref<208xi32, #tpu.memory_space<vmem>> -> memref<200xi32, #tpu.memory_space<vmem>>
        %dma_start3A_942 = tpu.memref_slice %arg2[%multiple_of3A_936] : memref<614400xi32, #tpu.memory_space<hbm>> -> memref<200xi32, #tpu.memory_space<hbm>>
        tpu.enqueue_dma source(%dma_start3A_942 : memref<200xi32, #tpu.memory_space<hbm>>) target(%dma_start3A_941 : memref<200xi32, #tpu.memory_space<vmem>>) target_semaphore(%arg17 : memref<!tpu.dma_semaphore, #tpu.memory_space<semaphore_mem>>)
      } else {
      }
      %broadcast_in_dim3A_643 = arith.constant 0.000000e+00 : f32
      %broadcast_in_dim3A_644 = vector.broadcast %broadcast_in_dim3A_643 : f32 to vector<16xf32>
      %broadcast_in_dim3A_645 = arith.constant 0.000000e+00 : f32
      %broadcast_in_dim3A_646 = vector.broadcast %broadcast_in_dim3A_645 : f32 to vector<16xf32>
      %broadcast_in_dim3A_647 = arith.constant 0.000000e+00 : f32
      %broadcast_in_dim3A_648 = vector.broadcast %broadcast_in_dim3A_647 : f32 to vector<16xf32>
      %broadcast_in_dim3A_649 = arith.constant 0.000000e+00 : f32
      %broadcast_in_dim3A_650 = vector.broadcast %broadcast_in_dim3A_649 : f32 to vector<16xf32>
      %broadcast_in_dim3A_651 = arith.constant 0.000000e+00 : f32
      %broadcast_in_dim3A_652 = vector.broadcast %broadcast_in_dim3A_651 : f32 to vector<16xf32>
      %broadcast_in_dim3A_653 = arith.constant 0.000000e+00 : f32
      %broadcast_in_dim3A_654 = vector.broadcast %broadcast_in_dim3A_653 : f32 to vector<16xf32>
      %broadcast_in_dim3A_655 = arith.constant 0.000000e+00 : f32
      %broadcast_in_dim3A_656 = vector.broadcast %broadcast_in_dim3A_655 : f32 to vector<16xf32>
      %broadcast_in_dim3A_657 = arith.constant 0.000000e+00 : f32
      %broadcast_in_dim3A_658 = vector.broadcast %broadcast_in_dim3A_657 : f32 to vector<16xf32>
      %broadcast_in_dim3A_659 = arith.constant 0.000000e+00 : f32
      %broadcast_in_dim3A_660 = vector.broadcast %broadcast_in_dim3A_659 : f32 to vector<16xf32>
      %broadcast_in_dim3A_661 = arith.constant 0.000000e+00 : f32
      %broadcast_in_dim3A_662 = vector.broadcast %broadcast_in_dim3A_661 : f32 to vector<16xf32>
      %broadcast_in_dim3A_663 = arith.constant 0.000000e+00 : f32
      %broadcast_in_dim3A_664 = vector.broadcast %broadcast_in_dim3A_663 : f32 to vector<16xf32>
      %broadcast_in_dim3A_665 = arith.constant 0.000000e+00 : f32
      %broadcast_in_dim3A_666 = vector.broadcast %broadcast_in_dim3A_665 : f32 to vector<16xf32>
      %broadcast_in_dim3A_667 = arith.constant 0.000000e+00 : f32
      %broadcast_in_dim3A_668 = vector.broadcast %broadcast_in_dim3A_667 : f32 to vector<16xf32>
      %broadcast_in_dim3A_669 = arith.constant 0.000000e+00 : f32
      %broadcast_in_dim3A_670 = vector.broadcast %broadcast_in_dim3A_669 : f32 to vector<16xf32>
      %broadcast_in_dim3A_671 = arith.constant 0.000000e+00 : f32
      %broadcast_in_dim3A_672 = vector.broadcast %broadcast_in_dim3A_671 : f32 to vector<16xf32>
      %broadcast_in_dim3A_673 = arith.constant 0.000000e+00 : f32
      %broadcast_in_dim3A_674 = vector.broadcast %broadcast_in_dim3A_673 : f32 to vector<16xf32>
      %scan3A_675 = arith.constant 0 : i32
      %scan3A_676 = arith.constant 100 : i32
      %scan3A_677 = arith.addi %scan3A_675, %scan3A_676 : i32
      %scan3A_678 = arith.constant 1 : i32
      %scan3A_679:16 = scf.for %scan3A_931 = %scan3A_675 to %scan3A_677 step %scan3A_678 iter_args(%scan3A_932 = %broadcast_in_dim3A_644, %scan3A_933 = %broadcast_in_dim3A_646, %scan3A_934 = %broadcast_in_dim3A_648, %scan3A_935 = %broadcast_in_dim3A_650, %scan3A_936 = %broadcast_in_dim3A_652, %scan3A_937 = %broadcast_in_dim3A_654, %scan3A_938 = %broadcast_in_dim3A_656, %scan3A_939 = %broadcast_in_dim3A_658, %scan3A_940 = %broadcast_in_dim3A_660, %scan3A_941 = %broadcast_in_dim3A_662, %scan3A_942 = %broadcast_in_dim3A_664, %scan3A_943 = %broadcast_in_dim3A_666, %scan3A_944 = %broadcast_in_dim3A_668, %scan3A_945 = %broadcast_in_dim3A_670, %scan3A_946 = %broadcast_in_dim3A_672, %scan3A_947 = %broadcast_in_dim3A_674) -> (vector<16xf32>, vector<16xf32>, vector<16xf32>, vector<16xf32>, vector<16xf32>, vector<16xf32>, vector<16xf32>, vector<16xf32>, vector<16xf32>, vector<16xf32>, vector<16xf32>, vector<16xf32>, vector<16xf32>, vector<16xf32>, vector<16xf32>, vector<16xf32>)  : i32 {
        %mul3A_948 = arith.constant 2 : i32
        %mul3A_949 = arith.muli %scan3A_931, %mul3A_948 : i32
        %get3A_950 = arith.index_cast %mul3A_949 : i32 to index
        %get3A_951 = arith.constant 0 : index
        %get3A_952 = tpu.vector_load %arg10[%get3A_950, %get3A_951] {strides = array<i32>} : memref<200x256xf32, #tpu.memory_space<vmem>>, vector<1x16xf32>,
        %get3A_953 = vector.shape_cast %get3A_952 : vector<1x16xf32> to vector<16xf32>
        %add3A_954 = arith.addf %scan3A_932, %get3A_953 : vector<16xf32>
        %get3A_955 = arith.index_cast %mul3A_949 : i32 to index
        %get3A_956 = arith.constant 16 : index
        %get3A_957 = tpu.vector_load %arg10[%get3A_955, %get3A_956] {strides = array<i32>} : memref<200x256xf32, #tpu.memory_space<vmem>>, vector<1x16xf32>,
        %get3A_958 = vector.shape_cast %get3A_957 : vector<1x16xf32> to vector<16xf32>
        %add3A_959 = arith.addf %scan3A_933, %get3A_958 : vector<16xf32>
        %get3A_960 = arith.index_cast %mul3A_949 : i32 to index
        %get3A_961 = arith.constant 32 : index
        %get3A_962 = tpu.vector_load %arg10[%get3A_960, %get3A_961] {strides = array<i32>} : memref<200x256xf32, #tpu.memory_space<vmem>>, vector<1x16xf32>,
        %get3A_963 = vector.shape_cast %get3A_962 : vector<1x16xf32> to vector<16xf32>
        %add3A_964 = arith.addf %scan3A_934, %get3A_963 : vector<16xf32>
        %get3A_965 = arith.index_cast %mul3A_949 : i32 to index
        %get3A_966 = arith.constant 48 : index
        %get3A_967 = tpu.vector_load %arg10[%get3A_965, %get3A_966] {strides = array<i32>} : memref<200x256xf32, #tpu.memory_space<vmem>>, vector<1x16xf32>,
        %get3A_968 = vector.shape_cast %get3A_967 : vector<1x16xf32> to vector<16xf32>
        %add3A_969 = arith.addf %scan3A_935, %get3A_968 : vector<16xf32>
        %get3A_970 = arith.index_cast %mul3A_949 : i32 to index
        %get3A_971 = arith.constant 64 : index
        %get3A_972 = tpu.vector_load %arg10[%get3A_970, %get3A_971] {strides = array<i32>} : memref<200x256xf32, #tpu.memory_space<vmem>>, vector<1x16xf32>,
        %get3A_973 = vector.shape_cast %get3A_972 : vector<1x16xf32> to vector<16xf32>
        %add3A_974 = arith.addf %scan3A_936, %get3A_973 : vector<16xf32>
        %get3A_975 = arith.index_cast %mul3A_949 : i32 to index
        %get3A_976 = arith.constant 80 : index
        %get3A_977 = tpu.vector_load %arg10[%get3A_975, %get3A_976] {strides = array<i32>} : memref<200x256xf32, #tpu.memory_space<vmem>>, vector<1x16xf32>,
        %get3A_978 = vector.shape_cast %get3A_977 : vector<1x16xf32> to vector<16xf32>
        %add3A_979 = arith.addf %scan3A_937, %get3A_978 : vector<16xf32>
        %get3A_980 = arith.index_cast %mul3A_949 : i32 to index
        %get3A_981 = arith.constant 96 : index
        %get3A_982 = tpu.vector_load %arg10[%get3A_980, %get3A_981] {strides = array<i32>} : memref<200x256xf32, #tpu.memory_space<vmem>>, vector<1x16xf32>,
        %get3A_983 = vector.shape_cast %get3A_982 : vector<1x16xf32> to vector<16xf32>
        %add3A_984 = arith.addf %scan3A_938, %get3A_983 : vector<16xf32>
        %get3A_985 = arith.index_cast %mul3A_949 : i32 to index
        %get3A_986 = arith.constant 112 : index
        %get3A_987 = tpu.vector_load %arg10[%get3A_985, %get3A_986] {strides = array<i32>} : memref<200x256xf32, #tpu.memory_space<vmem>>, vector<1x16xf32>,
        %get3A_988 = vector.shape_cast %get3A_987 : vector<1x16xf32> to vector<16xf32>
        %add3A_989 = arith.addf %scan3A_939, %get3A_988 : vector<16xf32>
        %get3A_990 = arith.index_cast %mul3A_949 : i32 to index
        %get3A_991 = arith.constant 128 : index
        %get3A_992 = tpu.vector_load %arg10[%get3A_990, %get3A_991] {strides = array<i32>} : memref<200x256xf32, #tpu.memory_space<vmem>>, vector<1x16xf32>,
        %get3A_993 = vector.shape_cast %get3A_992 : vector<1x16xf32> to vector<16xf32>
        %add3A_994 = arith.addf %scan3A_940, %get3A_993 : vector<16xf32>
        %get3A_995 = arith.index_cast %mul3A_949 : i32 to index
        %get3A_996 = arith.constant 144 : index
        %get3A_997 = tpu.vector_load %arg10[%get3A_995, %get3A_996] {strides = array<i32>} : memref<200x256xf32, #tpu.memory_space<vmem>>, vector<1x16xf32>,
        %get3A_998 = vector.shape_cast %get3A_997 : vector<1x16xf32> to vector<16xf32>
        %add3A_999 = arith.addf %scan3A_941, %get3A_998 : vector<16xf32>
        %get3A_1000 = arith.index_cast %mul3A_949 : i32 to index
        %get3A_1001 = arith.constant 160 : index
        %get3A_1002 = tpu.vector_load %arg10[%get3A_1000, %get3A_1001] {strides = array<i32>} : memref<200x256xf32, #tpu.memory_space<vmem>>, vector<1x16xf32>,
        %get3A_1003 = vector.shape_cast %get3A_1002 : vector<1x16xf32> to vector<16xf32>
        %add3A_1004 = arith.addf %scan3A_942, %get3A_1003 : vector<16xf32>
        %get3A_1005 = arith.index_cast %mul3A_949 : i32 to index
        %get3A_1006 = arith.constant 176 : index
        %get3A_1007 = tpu.vector_load %arg10[%get3A_1005, %get3A_1006] {strides = array<i32>} : memref<200x256xf32, #tpu.memory_space<vmem>>, vector<1x16xf32>,
        %get3A_1008 = vector.shape_cast %get3A_1007 : vector<1x16xf32> to vector<16xf32>
        %add3A_1009 = arith.addf %scan3A_943, %get3A_1008 : vector<16xf32>
        %get3A_1010 = arith.index_cast %mul3A_949 : i32 to index
        %get3A_1011 = arith.constant 192 : index
        %get3A_1012 = tpu.vector_load %arg10[%get3A_1010, %get3A_1011] {strides = array<i32>} : memref<200x256xf32, #tpu.memory_space<vmem>>, vector<1x16xf32>,
        %get3A_1013 = vector.shape_cast %get3A_1012 : vector<1x16xf32> to vector<16xf32>
        %add3A_1014 = arith.addf %scan3A_944, %get3A_1013 : vector<16xf32>
        %get3A_1015 = arith.index_cast %mul3A_949 : i32 to index
        %get3A_1016 = arith.constant 208 : index
        %get3A_1017 = tpu.vector_load %arg10[%get3A_1015, %get3A_1016] {strides = array<i32>} : memref<200x256xf32, #tpu.memory_space<vmem>>, vector<1x16xf32>,
        %get3A_1018 = vector.shape_cast %get3A_1017 : vector<1x16xf32> to vector<16xf32>
        %add3A_1019 = arith.addf %scan3A_945, %get3A_1018 : vector<16xf32>
        %get3A_1020 = arith.index_cast %mul3A_949 : i32 to index
        %get3A_1021 = arith.constant 224 : index
        %get3A_1022 = tpu.vector_load %arg10[%get3A_1020, %get3A_1021] {strides = array<i32>} : memref<200x256xf32, #tpu.memory_space<vmem>>, vector<1x16xf32>,
        %get3A_1023 = vector.shape_cast %get3A_1022 : vector<1x16xf32> to vector<16xf32>
        %add3A_1024 = arith.addf %scan3A_946, %get3A_1023 : vector<16xf32>
        %get3A_1025 = arith.index_cast %mul3A_949 : i32 to index
        %get3A_1026 = arith.constant 240 : index
        %get3A_1027 = tpu.vector_load %arg10[%get3A_1025, %get3A_1026] {strides = array<i32>} : memref<200x256xf32, #tpu.memory_space<vmem>>, vector<1x16xf32>,
        %get3A_1028 = vector.shape_cast %get3A_1027 : vector<1x16xf32> to vector<16xf32>
        %add3A_1029 = arith.addf %scan3A_947, %get3A_1028 : vector<16xf32>
        %add3A_1030 = arith.constant 1 : i32
        %add3A_1031 = arith.addi %mul3A_949, %add3A_1030 : i32
        %get3A_1032 = arith.index_cast %add3A_1031 : i32 to index
        %get3A_1033 = arith.constant 0 : index
        %get3A_1034 = tpu.vector_load %arg10[%get3A_1032, %get3A_1033] {strides = array<i32>} : memref<200x256xf32, #tpu.memory_space<vmem>>, vector<1x16xf32>,
        %get3A_1035 = vector.shape_cast %get3A_1034 : vector<1x16xf32> to vector<16xf32>
        %add3A_1036 = arith.addf %add3A_954, %get3A_1035 : vector<16xf32>
        %add3A_1037 = arith.constant 1 : i32
        %add3A_1038 = arith.addi %mul3A_949, %add3A_1037 : i32
        %get3A_1039 = arith.index_cast %add3A_1038 : i32 to index
        %get3A_1040 = arith.constant 16 : index
        %get3A_1041 = tpu.vector_load %arg10[%get3A_1039, %get3A_1040] {strides = array<i32>} : memref<200x256xf32, #tpu.memory_space<vmem>>, vector<1x16xf32>,
        %get3A_1042 = vector.shape_cast %get3A_1041 : vector<1x16xf32> to vector<16xf32>
        %add3A_1043 = arith.addf %add3A_959, %get3A_1042 : vector<16xf32>
        %add3A_1044 = arith.constant 1 : i32
        %add3A_1045 = arith.addi %mul3A_949, %add3A_1044 : i32
        %get3A_1046 = arith.index_cast %add3A_1045 : i32 to index
        %get3A_1047 = arith.constant 32 : index
        %get3A_1048 = tpu.vector_load %arg10[%get3A_1046, %get3A_1047] {strides = array<i32>} : memref<200x256xf32, #tpu.memory_space<vmem>>, vector<1x16xf32>,
        %get3A_1049 = vector.shape_cast %get3A_1048 : vector<1x16xf32> to vector<16xf32>
        %add3A_1050 = arith.addf %add3A_964, %get3A_1049 : vector<16xf32>
        %add3A_1051 = arith.constant 1 : i32
        %add3A_1052 = arith.addi %mul3A_949, %add3A_1051 : i32
        %get3A_1053 = arith.index_cast %add3A_1052 : i32 to index
        %get3A_1054 = arith.constant 48 : index
        %get3A_1055 = tpu.vector_load %arg10[%get3A_1053, %get3A_1054] {strides = array<i32>} : memref<200x256xf32, #tpu.memory_space<vmem>>, vector<1x16xf32>,
        %get3A_1056 = vector.shape_cast %get3A_1055 : vector<1x16xf32> to vector<16xf32>
        %add3A_1057 = arith.addf %add3A_969, %get3A_1056 : vector<16xf32>
        %add3A_1058 = arith.constant 1 : i32
        %add3A_1059 = arith.addi %mul3A_949, %add3A_1058 : i32
        %get3A_1060 = arith.index_cast %add3A_1059 : i32 to index
        %get3A_1061 = arith.constant 64 : index
        %get3A_1062 = tpu.vector_load %arg10[%get3A_1060, %get3A_1061] {strides = array<i32>} : memref<200x256xf32, #tpu.memory_space<vmem>>, vector<1x16xf32>,
        %get3A_1063 = vector.shape_cast %get3A_1062 : vector<1x16xf32> to vector<16xf32>
        %add3A_1064 = arith.addf %add3A_974, %get3A_1063 : vector<16xf32>
        %add3A_1065 = arith.constant 1 : i32
        %add3A_1066 = arith.addi %mul3A_949, %add3A_1065 : i32
        %get3A_1067 = arith.index_cast %add3A_1066 : i32 to index
        %get3A_1068 = arith.constant 80 : index
        %get3A_1069 = tpu.vector_load %arg10[%get3A_1067, %get3A_1068] {strides = array<i32>} : memref<200x256xf32, #tpu.memory_space<vmem>>, vector<1x16xf32>,
        %get3A_1070 = vector.shape_cast %get3A_1069 : vector<1x16xf32> to vector<16xf32>
        %add3A_1071 = arith.addf %add3A_979, %get3A_1070 : vector<16xf32>
        %add3A_1072 = arith.constant 1 : i32
        %add3A_1073 = arith.addi %mul3A_949, %add3A_1072 : i32
        %get3A_1074 = arith.index_cast %add3A_1073 : i32 to index
        %get3A_1075 = arith.constant 96 : index
        %get3A_1076 = tpu.vector_load %arg10[%get3A_1074, %get3A_1075] {strides = array<i32>} : memref<200x256xf32, #tpu.memory_space<vmem>>, vector<1x16xf32>,
        %get3A_1077 = vector.shape_cast %get3A_1076 : vector<1x16xf32> to vector<16xf32>
        %add3A_1078 = arith.addf %add3A_984, %get3A_1077 : vector<16xf32>
        %add3A_1079 = arith.constant 1 : i32
        %add3A_1080 = arith.addi %mul3A_949, %add3A_1079 : i32
        %get3A_1081 = arith.index_cast %add3A_1080 : i32 to index
        %get3A_1082 = arith.constant 112 : index
        %get3A_1083 = tpu.vector_load %arg10[%get3A_1081, %get3A_1082] {strides = array<i32>} : memref<200x256xf32, #tpu.memory_space<vmem>>, vector<1x16xf32>,
        %get3A_1084 = vector.shape_cast %get3A_1083 : vector<1x16xf32> to vector<16xf32>
        %add3A_1085 = arith.addf %add3A_989, %get3A_1084 : vector<16xf32>
        %add3A_1086 = arith.constant 1 : i32
        %add3A_1087 = arith.addi %mul3A_949, %add3A_1086 : i32
        %get3A_1088 = arith.index_cast %add3A_1087 : i32 to index
        %get3A_1089 = arith.constant 128 : index
        %get3A_1090 = tpu.vector_load %arg10[%get3A_1088, %get3A_1089] {strides = array<i32>} : memref<200x256xf32, #tpu.memory_space<vmem>>, vector<1x16xf32>,
        %get3A_1091 = vector.shape_cast %get3A_1090 : vector<1x16xf32> to vector<16xf32>
        %add3A_1092 = arith.addf %add3A_994, %get3A_1091 : vector<16xf32>
        %add3A_1093 = arith.constant 1 : i32
        %add3A_1094 = arith.addi %mul3A_949, %add3A_1093 : i32
        %get3A_1095 = arith.index_cast %add3A_1094 : i32 to index
        %get3A_1096 = arith.constant 144 : index
        %get3A_1097 = tpu.vector_load %arg10[%get3A_1095, %get3A_1096] {strides = array<i32>} : memref<200x256xf32, #tpu.memory_space<vmem>>, vector<1x16xf32>,
        %get3A_1098 = vector.shape_cast %get3A_1097 : vector<1x16xf32> to vector<16xf32>
        %add3A_1099 = arith.addf %add3A_999, %get3A_1098 : vector<16xf32>
        %add3A_1100 = arith.constant 1 : i32
        %add3A_1101 = arith.addi %mul3A_949, %add3A_1100 : i32
        %get3A_1102 = arith.index_cast %add3A_1101 : i32 to index
        %get3A_1103 = arith.constant 160 : index
        %get3A_1104 = tpu.vector_load %arg10[%get3A_1102, %get3A_1103] {strides = array<i32>} : memref<200x256xf32, #tpu.memory_space<vmem>>, vector<1x16xf32>,
        %get3A_1105 = vector.shape_cast %get3A_1104 : vector<1x16xf32> to vector<16xf32>
        %add3A_1106 = arith.addf %add3A_1004, %get3A_1105 : vector<16xf32>
        %add3A_1107 = arith.constant 1 : i32
        %add3A_1108 = arith.addi %mul3A_949, %add3A_1107 : i32
        %get3A_1109 = arith.index_cast %add3A_1108 : i32 to index
        %get3A_1110 = arith.constant 176 : index
        %get3A_1111 = tpu.vector_load %arg10[%get3A_1109, %get3A_1110] {strides = array<i32>} : memref<200x256xf32, #tpu.memory_space<vmem>>, vector<1x16xf32>,
        %get3A_1112 = vector.shape_cast %get3A_1111 : vector<1x16xf32> to vector<16xf32>
        %add3A_1113 = arith.addf %add3A_1009, %get3A_1112 : vector<16xf32>
        %add3A_1114 = arith.constant 1 : i32
        %add3A_1115 = arith.addi %mul3A_949, %add3A_1114 : i32
        %get3A_1116 = arith.index_cast %add3A_1115 : i32 to index
        %get3A_1117 = arith.constant 192 : index
        %get3A_1118 = tpu.vector_load %arg10[%get3A_1116, %get3A_1117] {strides = array<i32>} : memref<200x256xf32, #tpu.memory_space<vmem>>, vector<1x16xf32>,
        %get3A_1119 = vector.shape_cast %get3A_1118 : vector<1x16xf32> to vector<16xf32>
        %add3A_1120 = arith.addf %add3A_1014, %get3A_1119 : vector<16xf32>
        %add3A_1121 = arith.constant 1 : i32
        %add3A_1122 = arith.addi %mul3A_949, %add3A_1121 : i32
        %get3A_1123 = arith.index_cast %add3A_1122 : i32 to index
        %get3A_1124 = arith.constant 208 : index
        %get3A_1125 = tpu.vector_load %arg10[%get3A_1123, %get3A_1124] {strides = array<i32>} : memref<200x256xf32, #tpu.memory_space<vmem>>, vector<1x16xf32>,
        %get3A_1126 = vector.shape_cast %get3A_1125 : vector<1x16xf32> to vector<16xf32>
        %add3A_1127 = arith.addf %add3A_1019, %get3A_1126 : vector<16xf32>
        %add3A_1128 = arith.constant 1 : i32
        %add3A_1129 = arith.addi %mul3A_949, %add3A_1128 : i32
        %get3A_1130 = arith.index_cast %add3A_1129 : i32 to index
        %get3A_1131 = arith.constant 224 : index
        %get3A_1132 = tpu.vector_load %arg10[%get3A_1130, %get3A_1131] {strides = array<i32>} : memref<200x256xf32, #tpu.memory_space<vmem>>, vector<1x16xf32>,
        %get3A_1133 = vector.shape_cast %get3A_1132 : vector<1x16xf32> to vector<16xf32>
        %add3A_1134 = arith.addf %add3A_1024, %get3A_1133 : vector<16xf32>
        %add3A_1135 = arith.constant 1 : i32
        %add3A_1136 = arith.addi %mul3A_949, %add3A_1135 : i32
        %get3A_1137 = arith.index_cast %add3A_1136 : i32 to index
        %get3A_1138 = arith.constant 240 : index
        %get3A_1139 = tpu.vector_load %arg10[%get3A_1137, %get3A_1138] {strides = array<i32>} : memref<200x256xf32, #tpu.memory_space<vmem>>, vector<1x16xf32>,
        %get3A_1140 = vector.shape_cast %get3A_1139 : vector<1x16xf32> to vector<16xf32>
        %add3A_1141 = arith.addf %add3A_1029, %get3A_1140 : vector<16xf32>
        scf.yield %add3A_1036, %add3A_1043, %add3A_1050, %add3A_1057, %add3A_1064, %add3A_1071, %add3A_1078, %add3A_1085, %add3A_1092, %add3A_1099, %add3A_1106, %add3A_1113, %add3A_1120, %add3A_1127, %add3A_1134, %add3A_1141 : vector<16xf32>, vector<16xf32>, vector<16xf32>, vector<16xf32>, vector<16xf32>, vector<16xf32>, vector<16xf32>, vector<16xf32>, vector<16xf32>, vector<16xf32>, vector<16xf32>, vector<16xf32>, vector<16xf32>, vector<16xf32>, vector<16xf32>, vector<16xf32>
      }
      %scan3A_680 = arith.constant 100 : i32
      %swap3A_681 = arith.constant 1 : i32
      %swap3A_682 = arith.index_cast %swap3A_681 : i32 to index
      %swap3A_683 = arith.constant 0 : index
      %swap3A_684 = tpu.vector_load %arg11[%swap3A_682, %swap3A_683] {strides = array<i32>} : memref<2x256xf32, #tpu.memory_space<vmem>>, vector<1x16xf32>,
      %swap3A_685 = vector.shape_cast %swap3A_684 : vector<1x16xf32> to vector<16xf32>
      %swap3A_686 = vector.shape_cast %scan3A_679#0 : vector<16xf32> to vector<1x16xf32>
      tpu.vector_store %arg11[%swap3A_682, %swap3A_683], %swap3A_686 {strides = array<i32>} : memref<2x256xf32, #tpu.memory_space<vmem>>, vector<1x16xf32>,
      %mul3A_687 = arith.constant 5.000000e-03 : f32
      %mul3A_688 = vector.broadcast %mul3A_687 : f32 to vector<16xf32>
      %mul3A_689 = arith.mulf %scan3A_679#0, %mul3A_688 : vector<16xf32>
      %swap3A_690 = arith.constant 1 : i32
      %swap3A_691 = arith.index_cast %swap3A_690 : i32 to index
      %swap3A_692 = arith.constant 0 : index
      %swap3A_693 = tpu.vector_load %arg12[%swap3A_691, %swap3A_692] {strides = array<i32>} : memref<2x256xf32, #tpu.memory_space<vmem>>, vector<1x16xf32>,
      %swap3A_694 = vector.shape_cast %swap3A_693 : vector<1x16xf32> to vector<16xf32>
      %swap3A_695 = vector.shape_cast %mul3A_689 : vector<16xf32> to vector<1x16xf32>
      tpu.vector_store %arg12[%swap3A_691, %swap3A_692], %swap3A_695 {strides = array<i32>} : memref<2x256xf32, #tpu.memory_space<vmem>>, vector<1x16xf32>,
      %swap3A_696 = arith.constant 1 : i32
      %swap3A_697 = arith.index_cast %swap3A_696 : i32 to index
      %swap3A_698 = arith.constant 16 : index
      %swap3A_699 = tpu.vector_load %arg11[%swap3A_697, %swap3A_698] {strides = array<i32>} : memref<2x256xf32, #tpu.memory_space<vmem>>, vector<1x16xf32>,
      %swap3A_700 = vector.shape_cast %swap3A_699 : vector<1x16xf32> to vector<16xf32>
      %swap3A_701 = vector.shape_cast %scan3A_679#1 : vector<16xf32> to vector<1x16xf32>
      tpu.vector_store %arg11[%swap3A_697, %swap3A_698], %swap3A_701 {strides = array<i32>} : memref<2x256xf32, #tpu.memory_space<vmem>>, vector<1x16xf32>,
      %mul3A_702 = arith.constant 5.000000e-03 : f32
      %mul3A_703 = vector.broadcast %mul3A_702 : f32 to vector<16xf32>
      %mul3A_704 = arith.mulf %scan3A_679#1, %mul3A_703 : vector<16xf32>
      %swap3A_705 = arith.constant 1 : i32
      %swap3A_706 = arith.index_cast %swap3A_705 : i32 to index
      %swap3A_707 = arith.constant 16 : index
      %swap3A_708 = tpu.vector_load %arg12[%swap3A_706, %swap3A_707] {strides = array<i32>} : memref<2x256xf32, #tpu.memory_space<vmem>>, vector<1x16xf32>,
      %swap3A_709 = vector.shape_cast %swap3A_708 : vector<1x16xf32> to vector<16xf32>
      %swap3A_710 = vector.shape_cast %mul3A_704 : vector<16xf32> to vector<1x16xf32>
      tpu.vector_store %arg12[%swap3A_706, %swap3A_707], %swap3A_710 {strides = array<i32>} : memref<2x256xf32, #tpu.memory_space<vmem>>, vector<1x16xf32>,
      %swap3A_711 = arith.constant 1 : i32
      %swap3A_712 = arith.index_cast %swap3A_711 : i32 to index
      %swap3A_713 = arith.constant 32 : index
      %swap3A_714 = tpu.vector_load %arg11[%swap3A_712, %swap3A_713] {strides = array<i32>} : memref<2x256xf32, #tpu.memory_space<vmem>>, vector<1x16xf32>,
      %swap3A_715 = vector.shape_cast %swap3A_714 : vector<1x16xf32> to vector<16xf32>
      %swap3A_716 = vector.shape_cast %scan3A_679#2 : vector<16xf32> to vector<1x16xf32>
      tpu.vector_store %arg11[%swap3A_712, %swap3A_713], %swap3A_716 {strides = array<i32>} : memref<2x256xf32, #tpu.memory_space<vmem>>, vector<1x16xf32>,
      %mul3A_717 = arith.constant 5.000000e-03 : f32
      %mul3A_718 = vector.broadcast %mul3A_717 : f32 to vector<16xf32>
      %mul3A_719 = arith.mulf %scan3A_679#2, %mul3A_718 : vector<16xf32>
      %swap3A_720 = arith.constant 1 : i32
      %swap3A_721 = arith.index_cast %swap3A_720 : i32 to index
      %swap3A_722 = arith.constant 32 : index
      %swap3A_723 = tpu.vector_load %arg12[%swap3A_721, %swap3A_722] {strides = array<i32>} : memref<2x256xf32, #tpu.memory_space<vmem>>, vector<1x16xf32>,
      %swap3A_724 = vector.shape_cast %swap3A_723 : vector<1x16xf32> to vector<16xf32>
      %swap3A_725 = vector.shape_cast %mul3A_719 : vector<16xf32> to vector<1x16xf32>
      tpu.vector_store %arg12[%swap3A_721, %swap3A_722], %swap3A_725 {strides = array<i32>} : memref<2x256xf32, #tpu.memory_space<vmem>>, vector<1x16xf32>,
      %swap3A_726 = arith.constant 1 : i32
      %swap3A_727 = arith.index_cast %swap3A_726 : i32 to index
      %swap3A_728 = arith.constant 48 : index
      %swap3A_729 = tpu.vector_load %arg11[%swap3A_727, %swap3A_728] {strides = array<i32>} : memref<2x256xf32, #tpu.memory_space<vmem>>, vector<1x16xf32>,
      %swap3A_730 = vector.shape_cast %swap3A_729 : vector<1x16xf32> to vector<16xf32>
      %swap3A_731 = vector.shape_cast %scan3A_679#3 : vector<16xf32> to vector<1x16xf32>
      tpu.vector_store %arg11[%swap3A_727, %swap3A_728], %swap3A_731 {strides = array<i32>} : memref<2x256xf32, #tpu.memory_space<vmem>>, vector<1x16xf32>,
      %mul3A_732 = arith.constant 5.000000e-03 : f32
      %mul3A_733 = vector.broadcast %mul3A_732 : f32 to vector<16xf32>
      %mul3A_734 = arith.mulf %scan3A_679#3, %mul3A_733 : vector<16xf32>
      %swap3A_735 = arith.constant 1 : i32
      %swap3A_736 = arith.index_cast %swap3A_735 : i32 to index
      %swap3A_737 = arith.constant 48 : index
      %swap3A_738 = tpu.vector_load %arg12[%swap3A_736, %swap3A_737] {strides = array<i32>} : memref<2x256xf32, #tpu.memory_space<vmem>>, vector<1x16xf32>,
      %swap3A_739 = vector.shape_cast %swap3A_738 : vector<1x16xf32> to vector<16xf32>
      %swap3A_740 = vector.shape_cast %mul3A_734 : vector<16xf32> to vector<1x16xf32>
      tpu.vector_store %arg12[%swap3A_736, %swap3A_737], %swap3A_740 {strides = array<i32>} : memref<2x256xf32, #tpu.memory_space<vmem>>, vector<1x16xf32>,
      %swap3A_741 = arith.constant 1 : i32
      %swap3A_742 = arith.index_cast %swap3A_741 : i32 to index
      %swap3A_743 = arith.constant 64 : index
      %swap3A_744 = tpu.vector_load %arg11[%swap3A_742, %swap3A_743] {strides = array<i32>} : memref<2x256xf32, #tpu.memory_space<vmem>>, vector<1x16xf32>,
      %swap3A_745 = vector.shape_cast %swap3A_744 : vector<1x16xf32> to vector<16xf32>
      %swap3A_746 = vector.shape_cast %scan3A_679#4 : vector<16xf32> to vector<1x16xf32>
      tpu.vector_store %arg11[%swap3A_742, %swap3A_743], %swap3A_746 {strides = array<i32>} : memref<2x256xf32, #tpu.memory_space<vmem>>, vector<1x16xf32>,
      %mul3A_747 = arith.constant 5.000000e-03 : f32
      %mul3A_748 = vector.broadcast %mul3A_747 : f32 to vector<16xf32>
      %mul3A_749 = arith.mulf %scan3A_679#4, %mul3A_748 : vector<16xf32>
      %swap3A_750 = arith.constant 1 : i32
      %swap3A_751 = arith.index_cast %swap3A_750 : i32 to index
      %swap3A_752 = arith.constant 64 : index
      %swap3A_753 = tpu.vector_load %arg12[%swap3A_751, %swap3A_752] {strides = array<i32>} : memref<2x256xf32, #tpu.memory_space<vmem>>, vector<1x16xf32>,
      %swap3A_754 = vector.shape_cast %swap3A_753 : vector<1x16xf32> to vector<16xf32>
      %swap3A_755 = vector.shape_cast %mul3A_749 : vector<16xf32> to vector<1x16xf32>
      tpu.vector_store %arg12[%swap3A_751, %swap3A_752], %swap3A_755 {strides = array<i32>} : memref<2x256xf32, #tpu.memory_space<vmem>>, vector<1x16xf32>,
      %swap3A_756 = arith.constant 1 : i32
      %swap3A_757 = arith.index_cast %swap3A_756 : i32 to index
      %swap3A_758 = arith.constant 80 : index
      %swap3A_759 = tpu.vector_load %arg11[%swap3A_757, %swap3A_758] {strides = array<i32>} : memref<2x256xf32, #tpu.memory_space<vmem>>, vector<1x16xf32>,
      %swap3A_760 = vector.shape_cast %swap3A_759 : vector<1x16xf32> to vector<16xf32>
      %swap3A_761 = vector.shape_cast %scan3A_679#5 : vector<16xf32> to vector<1x16xf32>
      tpu.vector_store %arg11[%swap3A_757, %swap3A_758], %swap3A_761 {strides = array<i32>} : memref<2x256xf32, #tpu.memory_space<vmem>>, vector<1x16xf32>,
      %mul3A_762 = arith.constant 5.000000e-03 : f32
      %mul3A_763 = vector.broadcast %mul3A_762 : f32 to vector<16xf32>
      %mul3A_764 = arith.mulf %scan3A_679#5, %mul3A_763 : vector<16xf32>
      %swap3A_765 = arith.constant 1 : i32
      %swap3A_766 = arith.index_cast %swap3A_765 : i32 to index
      %swap3A_767 = arith.constant 80 : index
      %swap3A_768 = tpu.vector_load %arg12[%swap3A_766, %swap3A_767] {strides = array<i32>} : memref<2x256xf32, #tpu.memory_space<vmem>>, vector<1x16xf32>,
      %swap3A_769 = vector.shape_cast %swap3A_768 : vector<1x16xf32> to vector<16xf32>
      %swap3A_770 = vector.shape_cast %mul3A_764 : vector<16xf32> to vector<1x16xf32>
      tpu.vector_store %arg12[%swap3A_766, %swap3A_767], %swap3A_770 {strides = array<i32>} : memref<2x256xf32, #tpu.memory_space<vmem>>, vector<1x16xf32>,
      %swap3A_771 = arith.constant 1 : i32
      %swap3A_772 = arith.index_cast %swap3A_771 : i32 to index
      %swap3A_773 = arith.constant 96 : index
      %swap3A_774 = tpu.vector_load %arg11[%swap3A_772, %swap3A_773] {strides = array<i32>} : memref<2x256xf32, #tpu.memory_space<vmem>>, vector<1x16xf32>,
      %swap3A_775 = vector.shape_cast %swap3A_774 : vector<1x16xf32> to vector<16xf32>
      %swap3A_776 = vector.shape_cast %scan3A_679#6 : vector<16xf32> to vector<1x16xf32>
      tpu.vector_store %arg11[%swap3A_772, %swap3A_773], %swap3A_776 {strides = array<i32>} : memref<2x256xf32, #tpu.memory_space<vmem>>, vector<1x16xf32>,
      %mul3A_777 = arith.constant 5.000000e-03 : f32
      %mul3A_778 = vector.broadcast %mul3A_777 : f32 to vector<16xf32>
      %mul3A_779 = arith.mulf %scan3A_679#6, %mul3A_778 : vector<16xf32>
      %swap3A_780 = arith.constant 1 : i32
      %swap3A_781 = arith.index_cast %swap3A_780 : i32 to index
      %swap3A_782 = arith.constant 96 : index
      %swap3A_783 = tpu.vector_load %arg12[%swap3A_781, %swap3A_782] {strides = array<i32>} : memref<2x256xf32, #tpu.memory_space<vmem>>, vector<1x16xf32>,
      %swap3A_784 = vector.shape_cast %swap3A_783 : vector<1x16xf32> to vector<16xf32>
      %swap3A_785 = vector.shape_cast %mul3A_779 : vector<16xf32> to vector<1x16xf32>
      tpu.vector_store %arg12[%swap3A_781, %swap3A_782], %swap3A_785 {strides = array<i32>} : memref<2x256xf32, #tpu.memory_space<vmem>>, vector<1x16xf32>,
      %swap3A_786 = arith.constant 1 : i32
      %swap3A_787 = arith.index_cast %swap3A_786 : i32 to index
      %swap3A_788 = arith.constant 112 : index
      %swap3A_789 = tpu.vector_load %arg11[%swap3A_787, %swap3A_788] {strides = array<i32>} : memref<2x256xf32, #tpu.memory_space<vmem>>, vector<1x16xf32>,
      %swap3A_790 = vector.shape_cast %swap3A_789 : vector<1x16xf32> to vector<16xf32>
      %swap3A_791 = vector.shape_cast %scan3A_679#7 : vector<16xf32> to vector<1x16xf32>
      tpu.vector_store %arg11[%swap3A_787, %swap3A_788], %swap3A_791 {strides = array<i32>} : memref<2x256xf32, #tpu.memory_space<vmem>>, vector<1x16xf32>,
      %mul3A_792 = arith.constant 5.000000e-03 : f32
      %mul3A_793 = vector.broadcast %mul3A_792 : f32 to vector<16xf32>
      %mul3A_794 = arith.mulf %scan3A_679#7, %mul3A_793 : vector<16xf32>
      %swap3A_795 = arith.constant 1 : i32
      %swap3A_796 = arith.index_cast %swap3A_795 : i32 to index
      %swap3A_797 = arith.constant 112 : index
      %swap3A_798 = tpu.vector_load %arg12[%swap3A_796, %swap3A_797] {strides = array<i32>} : memref<2x256xf32, #tpu.memory_space<vmem>>, vector<1x16xf32>,
      %swap3A_799 = vector.shape_cast %swap3A_798 : vector<1x16xf32> to vector<16xf32>
      %swap3A_800 = vector.shape_cast %mul3A_794 : vector<16xf32> to vector<1x16xf32>
      tpu.vector_store %arg12[%swap3A_796, %swap3A_797], %swap3A_800 {strides = array<i32>} : memref<2x256xf32, #tpu.memory_space<vmem>>, vector<1x16xf32>,
      %swap3A_801 = arith.constant 1 : i32
      %swap3A_802 = arith.index_cast %swap3A_801 : i32 to index
      %swap3A_803 = arith.constant 128 : index
      %swap3A_804 = tpu.vector_load %arg11[%swap3A_802, %swap3A_803] {strides = array<i32>} : memref<2x256xf32, #tpu.memory_space<vmem>>, vector<1x16xf32>,
      %swap3A_805 = vector.shape_cast %swap3A_804 : vector<1x16xf32> to vector<16xf32>
      %swap3A_806 = vector.shape_cast %scan3A_679#8 : vector<16xf32> to vector<1x16xf32>
      tpu.vector_store %arg11[%swap3A_802, %swap3A_803], %swap3A_806 {strides = array<i32>} : memref<2x256xf32, #tpu.memory_space<vmem>>, vector<1x16xf32>,
      %mul3A_807 = arith.constant 5.000000e-03 : f32
      %mul3A_808 = vector.broadcast %mul3A_807 : f32 to vector<16xf32>
      %mul3A_809 = arith.mulf %scan3A_679#8, %mul3A_808 : vector<16xf32>
      %swap3A_810 = arith.constant 1 : i32
      %swap3A_811 = arith.index_cast %swap3A_810 : i32 to index
      %swap3A_812 = arith.constant 128 : index
      %swap3A_813 = tpu.vector_load %arg12[%swap3A_811, %swap3A_812] {strides = array<i32>} : memref<2x256xf32, #tpu.memory_space<vmem>>, vector<1x16xf32>,
      %swap3A_814 = vector.shape_cast %swap3A_813 : vector<1x16xf32> to vector<16xf32>
      %swap3A_815 = vector.shape_cast %mul3A_809 : vector<16xf32> to vector<1x16xf32>
      tpu.vector_store %arg12[%swap3A_811, %swap3A_812], %swap3A_815 {strides = array<i32>} : memref<2x256xf32, #tpu.memory_space<vmem>>, vector<1x16xf32>,
      %swap3A_816 = arith.constant 1 : i32
      %swap3A_817 = arith.index_cast %swap3A_816 : i32 to index
      %swap3A_818 = arith.constant 144 : index
      %swap3A_819 = tpu.vector_load %arg11[%swap3A_817, %swap3A_818] {strides = array<i32>} : memref<2x256xf32, #tpu.memory_space<vmem>>, vector<1x16xf32>,
      %swap3A_820 = vector.shape_cast %swap3A_819 : vector<1x16xf32> to vector<16xf32>
      %swap3A_821 = vector.shape_cast %scan3A_679#9 : vector<16xf32> to vector<1x16xf32>
      tpu.vector_store %arg11[%swap3A_817, %swap3A_818], %swap3A_821 {strides = array<i32>} : memref<2x256xf32, #tpu.memory_space<vmem>>, vector<1x16xf32>,
      %mul3A_822 = arith.constant 5.000000e-03 : f32
      %mul3A_823 = vector.broadcast %mul3A_822 : f32 to vector<16xf32>
      %mul3A_824 = arith.mulf %scan3A_679#9, %mul3A_823 : vector<16xf32>
      %swap3A_825 = arith.constant 1 : i32
      %swap3A_826 = arith.index_cast %swap3A_825 : i32 to index
      %swap3A_827 = arith.constant 144 : index
      %swap3A_828 = tpu.vector_load %arg12[%swap3A_826, %swap3A_827] {strides = array<i32>} : memref<2x256xf32, #tpu.memory_space<vmem>>, vector<1x16xf32>,
      %swap3A_829 = vector.shape_cast %swap3A_828 : vector<1x16xf32> to vector<16xf32>
      %swap3A_830 = vector.shape_cast %mul3A_824 : vector<16xf32> to vector<1x16xf32>
      tpu.vector_store %arg12[%swap3A_826, %swap3A_827], %swap3A_830 {strides = array<i32>} : memref<2x256xf32, #tpu.memory_space<vmem>>, vector<1x16xf32>,
      %swap3A_831 = arith.constant 1 : i32
      %swap3A_832 = arith.index_cast %swap3A_831 : i32 to index
      %swap3A_833 = arith.constant 160 : index
      %swap3A_834 = tpu.vector_load %arg11[%swap3A_832, %swap3A_833] {strides = array<i32>} : memref<2x256xf32, #tpu.memory_space<vmem>>, vector<1x16xf32>,
      %swap3A_835 = vector.shape_cast %swap3A_834 : vector<1x16xf32> to vector<16xf32>
      %swap3A_836 = vector.shape_cast %scan3A_679#10 : vector<16xf32> to vector<1x16xf32>
      tpu.vector_store %arg11[%swap3A_832, %swap3A_833], %swap3A_836 {strides = array<i32>} : memref<2x256xf32, #tpu.memory_space<vmem>>, vector<1x16xf32>,
      %mul3A_837 = arith.constant 5.000000e-03 : f32
      %mul3A_838 = vector.broadcast %mul3A_837 : f32 to vector<16xf32>
      %mul3A_839 = arith.mulf %scan3A_679#10, %mul3A_838 : vector<16xf32>
      %swap3A_840 = arith.constant 1 : i32
      %swap3A_841 = arith.index_cast %swap3A_840 : i32 to index
      %swap3A_842 = arith.constant 160 : index
      %swap3A_843 = tpu.vector_load %arg12[%swap3A_841, %swap3A_842] {strides = array<i32>} : memref<2x256xf32, #tpu.memory_space<vmem>>, vector<1x16xf32>,
      %swap3A_844 = vector.shape_cast %swap3A_843 : vector<1x16xf32> to vector<16xf32>
      %swap3A_845 = vector.shape_cast %mul3A_839 : vector<16xf32> to vector<1x16xf32>
      tpu.vector_store %arg12[%swap3A_841, %swap3A_842], %swap3A_845 {strides = array<i32>} : memref<2x256xf32, #tpu.memory_space<vmem>>, vector<1x16xf32>,
      %swap3A_846 = arith.constant 1 : i32
      %swap3A_847 = arith.index_cast %swap3A_846 : i32 to index
      %swap3A_848 = arith.constant 176 : index
      %swap3A_849 = tpu.vector_load %arg11[%swap3A_847, %swap3A_848] {strides = array<i32>} : memref<2x256xf32, #tpu.memory_space<vmem>>, vector<1x16xf32>,
      %swap3A_850 = vector.shape_cast %swap3A_849 : vector<1x16xf32> to vector<16xf32>
      %swap3A_851 = vector.shape_cast %scan3A_679#11 : vector<16xf32> to vector<1x16xf32>
      tpu.vector_store %arg11[%swap3A_847, %swap3A_848], %swap3A_851 {strides = array<i32>} : memref<2x256xf32, #tpu.memory_space<vmem>>, vector<1x16xf32>,
      %mul3A_852 = arith.constant 5.000000e-03 : f32
      %mul3A_853 = vector.broadcast %mul3A_852 : f32 to vector<16xf32>
      %mul3A_854 = arith.mulf %scan3A_679#11, %mul3A_853 : vector<16xf32>
      %swap3A_855 = arith.constant 1 : i32
      %swap3A_856 = arith.index_cast %swap3A_855 : i32 to index
      %swap3A_857 = arith.constant 176 : index
      %swap3A_858 = tpu.vector_load %arg12[%swap3A_856, %swap3A_857] {strides = array<i32>} : memref<2x256xf32, #tpu.memory_space<vmem>>, vector<1x16xf32>,
      %swap3A_859 = vector.shape_cast %swap3A_858 : vector<1x16xf32> to vector<16xf32>
      %swap3A_860 = vector.shape_cast %mul3A_854 : vector<16xf32> to vector<1x16xf32>
      tpu.vector_store %arg12[%swap3A_856, %swap3A_857], %swap3A_860 {strides = array<i32>} : memref<2x256xf32, #tpu.memory_space<vmem>>, vector<1x16xf32>,
      %swap3A_861 = arith.constant 1 : i32
      %swap3A_862 = arith.index_cast %swap3A_861 : i32 to index
      %swap3A_863 = arith.constant 192 : index
      %swap3A_864 = tpu.vector_load %arg11[%swap3A_862, %swap3A_863] {strides = array<i32>} : memref<2x256xf32, #tpu.memory_space<vmem>>, vector<1x16xf32>,
      %swap3A_865 = vector.shape_cast %swap3A_864 : vector<1x16xf32> to vector<16xf32>
      %swap3A_866 = vector.shape_cast %scan3A_679#12 : vector<16xf32> to vector<1x16xf32>
      tpu.vector_store %arg11[%swap3A_862, %swap3A_863], %swap3A_866 {strides = array<i32>} : memref<2x256xf32, #tpu.memory_space<vmem>>, vector<1x16xf32>,
      %mul3A_867 = arith.constant 5.000000e-03 : f32
      %mul3A_868 = vector.broadcast %mul3A_867 : f32 to vector<16xf32>
      %mul3A_869 = arith.mulf %scan3A_679#12, %mul3A_868 : vector<16xf32>
      %swap3A_870 = arith.constant 1 : i32
      %swap3A_871 = arith.index_cast %swap3A_870 : i32 to index
      %swap3A_872 = arith.constant 192 : index
      %swap3A_873 = tpu.vector_load %arg12[%swap3A_871, %swap3A_872] {strides = array<i32>} : memref<2x256xf32, #tpu.memory_space<vmem>>, vector<1x16xf32>,
      %swap3A_874 = vector.shape_cast %swap3A_873 : vector<1x16xf32> to vector<16xf32>
      %swap3A_875 = vector.shape_cast %mul3A_869 : vector<16xf32> to vector<1x16xf32>
      tpu.vector_store %arg12[%swap3A_871, %swap3A_872], %swap3A_875 {strides = array<i32>} : memref<2x256xf32, #tpu.memory_space<vmem>>, vector<1x16xf32>,
      %swap3A_876 = arith.constant 1 : i32
      %swap3A_877 = arith.index_cast %swap3A_876 : i32 to index
      %swap3A_878 = arith.constant 208 : index
      %swap3A_879 = tpu.vector_load %arg11[%swap3A_877, %swap3A_878] {strides = array<i32>} : memref<2x256xf32, #tpu.memory_space<vmem>>, vector<1x16xf32>,
      %swap3A_880 = vector.shape_cast %swap3A_879 : vector<1x16xf32> to vector<16xf32>
      %swap3A_881 = vector.shape_cast %scan3A_679#13 : vector<16xf32> to vector<1x16xf32>
      tpu.vector_store %arg11[%swap3A_877, %swap3A_878], %swap3A_881 {strides = array<i32>} : memref<2x256xf32, #tpu.memory_space<vmem>>, vector<1x16xf32>,
      %mul3A_882 = arith.constant 5.000000e-03 : f32
      %mul3A_883 = vector.broadcast %mul3A_882 : f32 to vector<16xf32>
      %mul3A_884 = arith.mulf %scan3A_679#13, %mul3A_883 : vector<16xf32>
      %swap3A_885 = arith.constant 1 : i32
      %swap3A_886 = arith.index_cast %swap3A_885 : i32 to index
      %swap3A_887 = arith.constant 208 : index
      %swap3A_888 = tpu.vector_load %arg12[%swap3A_886, %swap3A_887] {strides = array<i32>} : memref<2x256xf32, #tpu.memory_space<vmem>>, vector<1x16xf32>,
      %swap3A_889 = vector.shape_cast %swap3A_888 : vector<1x16xf32> to vector<16xf32>
      %swap3A_890 = vector.shape_cast %mul3A_884 : vector<16xf32> to vector<1x16xf32>
      tpu.vector_store %arg12[%swap3A_886, %swap3A_887], %swap3A_890 {strides = array<i32>} : memref<2x256xf32, #tpu.memory_space<vmem>>, vector<1x16xf32>,
      %swap3A_891 = arith.constant 1 : i32
      %swap3A_892 = arith.index_cast %swap3A_891 : i32 to index
      %swap3A_893 = arith.constant 224 : index
      %swap3A_894 = tpu.vector_load %arg11[%swap3A_892, %swap3A_893] {strides = array<i32>} : memref<2x256xf32, #tpu.memory_space<vmem>>, vector<1x16xf32>,
      %swap3A_895 = vector.shape_cast %swap3A_894 : vector<1x16xf32> to vector<16xf32>
      %swap3A_896 = vector.shape_cast %scan3A_679#14 : vector<16xf32> to vector<1x16xf32>
      tpu.vector_store %arg11[%swap3A_892, %swap3A_893], %swap3A_896 {strides = array<i32>} : memref<2x256xf32, #tpu.memory_space<vmem>>, vector<1x16xf32>,
      %mul3A_897 = arith.constant 5.000000e-03 : f32
      %mul3A_898 = vector.broadcast %mul3A_897 : f32 to vector<16xf32>
      %mul3A_899 = arith.mulf %scan3A_679#14, %mul3A_898 : vector<16xf32>
      %swap3A_900 = arith.constant 1 : i32
      %swap3A_901 = arith.index_cast %swap3A_900 : i32 to index
      %swap3A_902 = arith.constant 224 : index
      %swap3A_903 = tpu.vector_load %arg12[%swap3A_901, %swap3A_902] {strides = array<i32>} : memref<2x256xf32, #tpu.memory_space<vmem>>, vector<1x16xf32>,
      %swap3A_904 = vector.shape_cast %swap3A_903 : vector<1x16xf32> to vector<16xf32>
      %swap3A_905 = vector.shape_cast %mul3A_899 : vector<16xf32> to vector<1x16xf32>
      tpu.vector_store %arg12[%swap3A_901, %swap3A_902], %swap3A_905 {strides = array<i32>} : memref<2x256xf32, #tpu.memory_space<vmem>>, vector<1x16xf32>,
      %swap3A_906 = arith.constant 1 : i32
      %swap3A_907 = arith.index_cast %swap3A_906 : i32 to index
      %swap3A_908 = arith.constant 240 : index
      %swap3A_909 = tpu.vector_load %arg11[%swap3A_907, %swap3A_908] {strides = array<i32>} : memref<2x256xf32, #tpu.memory_space<vmem>>, vector<1x16xf32>,
      %swap3A_910 = vector.shape_cast %swap3A_909 : vector<1x16xf32> to vector<16xf32>
      %swap3A_911 = vector.shape_cast %scan3A_679#15 : vector<16xf32> to vector<1x16xf32>
      tpu.vector_store %arg11[%swap3A_907, %swap3A_908], %swap3A_911 {strides = array<i32>} : memref<2x256xf32, #tpu.memory_space<vmem>>, vector<1x16xf32>,
      %mul3A_912 = arith.constant 5.000000e-03 : f32
      %mul3A_913 = vector.broadcast %mul3A_912 : f32 to vector<16xf32>
      %mul3A_914 = arith.mulf %scan3A_679#15, %mul3A_913 : vector<16xf32>
      %swap3A_915 = arith.constant 1 : i32
      %swap3A_916 = arith.index_cast %swap3A_915 : i32 to index
      %swap3A_917 = arith.constant 240 : index
      %swap3A_918 = tpu.vector_load %arg12[%swap3A_916, %swap3A_917] {strides = array<i32>} : memref<2x256xf32, #tpu.memory_space<vmem>>, vector<1x16xf32>,
      %swap3A_919 = vector.shape_cast %swap3A_918 : vector<1x16xf32> to vector<16xf32>
      %swap3A_920 = vector.shape_cast %mul3A_914 : vector<16xf32> to vector<1x16xf32>
      tpu.vector_store %arg12[%swap3A_916, %swap3A_917], %swap3A_920 {strides = array<i32>} : memref<2x256xf32, #tpu.memory_space<vmem>>, vector<1x16xf32>,
      %add3A_921 = arith.addi %mul3A_2, %mul3A_70 : i32
      %dma_start3A_922 = arith.constant 0 : i32
      %dma_start3A_923 = tpu.memref_slice %arg4[%add3A_921, %dma_start3A_922] : memref<3072x256xf32, #tpu.memory_space<hbm>> -> memref<2x256xf32, #tpu.memory_space<hbm>>
      %dma_start3A_924 = arith.constant 0 : i32
      %dma_start3A_925 = tpu.memref_slice %arg4[%add3A_921, %dma_start3A_924] : memref<3072x256xf32, #tpu.memory_space<hbm>> -> memref<2x256xf32, #tpu.memory_space<hbm>>
      tpu.enqueue_dma source(%arg11 : memref<2x256xf32, #tpu.memory_space<vmem>>) target(%dma_start3A_925 : memref<2x256xf32, #tpu.memory_space<hbm>>) target_semaphore(%arg18 : memref<!tpu.dma_semaphore, #tpu.memory_space<semaphore_mem>>)
      %add3A_926 = arith.addi %mul3A_2, %mul3A_70 : i32
      %dma_start3A_927 = arith.constant 0 : i32
      %dma_start3A_928 = tpu.memref_slice %arg5[%add3A_926, %dma_start3A_927] : memref<3072x256xf32, #tpu.memory_space<hbm>> -> memref<2x256xf32, #tpu.memory_space<hbm>>
      %dma_start3A_929 = arith.constant 0 : i32
      %dma_start3A_930 = tpu.memref_slice %arg5[%add3A_926, %dma_start3A_929] : memref<3072x256xf32, #tpu.memory_space<hbm>> -> memref<2x256xf32, #tpu.memory_space<hbm>>
      tpu.enqueue_dma source(%arg12 : memref<2x256xf32, #tpu.memory_space<vmem>>) target(%dma_start3A_930 : memref<2x256xf32, #tpu.memory_space<hbm>>) target_semaphore(%arg19 : memref<!tpu.dma_semaphore, #tpu.memory_space<semaphore_mem>>)
    }
    %scan3A_55 = arith.constant 48 : i32
    %dma_wait3A_56 = arith.constant 0 : i32
    %dma_wait3A_57 = arith.constant 0 : i32
    %dma_wait3A_58 = tpu.memref_slice %arg4[%dma_wait3A_56, %dma_wait3A_57] : memref<3072x256xf32, #tpu.memory_space<hbm>> -> memref<2x256xf32, #tpu.memory_space<hbm>>
    %dma_wait3A_59 = arith.constant 0 : i32
    %dma_wait3A_60 = arith.constant 0 : i32
    %dma_wait3A_61 = tpu.memref_slice %arg4[%dma_wait3A_59, %dma_wait3A_60] : memref<3072x256xf32, #tpu.memory_space<hbm>> -> memref<2x256xf32, #tpu.memory_space<hbm>>
    tpu.wait_dma2 semaphore(%arg18 : memref<!tpu.dma_semaphore, #tpu.memory_space<semaphore_mem>>) src(%arg11 : memref<2x256xf32, #tpu.memory_space<vmem>>) dst(%dma_wait3A_61 : memref<2x256xf32, #tpu.memory_space<hbm>>)
    %dma_wait3A_62 = arith.constant 0 : i32
    %dma_wait3A_63 = arith.constant 0 : i32
    %dma_wait3A_64 = tpu.memref_slice %arg5[%dma_wait3A_62, %dma_wait3A_63] : memref<3072x256xf32, #tpu.memory_space<hbm>> -> memref<2x256xf32, #tpu.memory_space<hbm>>
    %dma_wait3A_65 = arith.constant 0 : i32
    %dma_wait3A_66 = arith.constant 0 : i32
    %dma_wait3A_67 = tpu.memref_slice %arg5[%dma_wait3A_65, %dma_wait3A_66] : memref<3072x256xf32, #tpu.memory_space<hbm>> -> memref<2x256xf32, #tpu.memory_space<hbm>>
    tpu.wait_dma2 semaphore(%arg19 : memref<!tpu.dma_semaphore, #tpu.memory_space<semaphore_mem>>) src(%arg12 : memref<2x256xf32, #tpu.memory_space<vmem>>) dst(%dma_wait3A_67 : memref<2x256xf32, #tpu.memory_space<hbm>>)
    "tpu.region"() ({
      %run_scoped3A = tpu.sem_alloc : memref<!tpu.dma_semaphore, #tpu.memory_space<semaphore_mem>>
      %dma_start3A_68 = arith.constant 0 : i32
      %dma_start3A_69 = tpu.memref_slice %arg6[%mul3A_2, %dma_start3A_68] : memref<3072x16xf32, #tpu.memory_space<hbm>> -> memref<96x16xf32, #tpu.memory_space<hbm>>
      %dma_start3A_70 = arith.constant 0 : i32
      %dma_start3A_71 = tpu.memref_slice %arg6[%mul3A_2, %dma_start3A_70] : memref<3072x16xf32, #tpu.memory_space<hbm>> -> memref<96x16xf32, #tpu.memory_space<hbm>>
      tpu.enqueue_dma source(%arg13 : memref<96x16xf32, #tpu.memory_space<vmem>>) target(%dma_start3A_71 : memref<96x16xf32, #tpu.memory_space<hbm>>) target_semaphore(%run_scoped3A : memref<!tpu.dma_semaphore, #tpu.memory_space<semaphore_mem>>)
      %dma_wait3A_72 = arith.constant 0 : i32
      %dma_wait3A_73 = tpu.memref_slice %arg6[%mul3A_2, %dma_wait3A_72] : memref<3072x16xf32, #tpu.memory_space<hbm>> -> memref<96x16xf32, #tpu.memory_space<hbm>>
      %dma_wait3A_74 = arith.constant 0 : i32
      %dma_wait3A_75 = tpu.memref_slice %arg6[%mul3A_2, %dma_wait3A_74] : memref<3072x16xf32, #tpu.memory_space<hbm>> -> memref<96x16xf32, #tpu.memory_space<hbm>>
      tpu.wait_dma2 semaphore(%run_scoped3A : memref<!tpu.dma_semaphore, #tpu.memory_space<semaphore_mem>>) src(%arg13 : memref<96x16xf32, #tpu.memory_space<vmem>>) dst(%dma_wait3A_75 : memref<96x16xf32, #tpu.memory_space<hbm>>)
      tpu.yield
    }) : () -> ()
    return
  }
}

module attributes {stable_mosaic.version = 14 : i64} {
  func.func @post_kernel(%arg0: i32, %arg1: memref<512x256xf32, #tpu.memory_space<vmem>>, %arg2: memref<512x16xf32, #tpu.memory_space<vmem>>, %arg3: memref<1x256xf32, #tpu.memory_space<vmem>>, %arg4: memref<512x128xf32, #tpu.memory_space<vmem>>, %arg5: memref<512x128xf32, #tpu.memory_space<vmem>>, %arg6: memref<512x128xf32, #tpu.memory_space<vmem>>, %arg7: memref<512x128xf32, #tpu.memory_space<vmem>>) attributes {dimension_semantics = [#tpu.dimension_semantics<arbitrary>], iteration_bounds = array<i64: 6>, scalar_prefetch = 0 : i64, scratch_operands = 0 : i64, tpu.core_type = #tpu.core_type<tc>, window_params = [{transform_indices = @transform_0, window_bounds = array<i64: 512, 256>}, {transform_indices = @transform_1, window_bounds = array<i64: 512, 16>}, {pipeline_mode = #tpu.pipeline_mode<synchronous>, transform_indices = @transform_2, window_bounds = array<i64: 1, 256>}, {transform_indices = @transform_3, window_bounds = array<i64: 512, 128>}, {transform_indices = @transform_4, window_bounds = array<i64: 512, 128>}, {transform_indices = @transform_5, window_bounds = array<i64: 512, 128>}, {transform_indices = @transform_6, window_bounds = array<i64: 512, 128>}]} {
    %get3A = arith.constant 0 : index
    %get3A_0 = arith.constant 0 : index
    %get3A_1 = vector.load %arg2[%get3A, %get3A_0] : memref<512x16xf32, #tpu.memory_space<vmem>>, vector<512x16xf32>
    %reduce_sum3A = arith.constant dense<0.000000e+00> : vector<512xf32>
    %reduce_sum3A_2 = vector.multi_reduction <add>, %get3A_1, %reduce_sum3A [1] : vector<512x16xf32> to vector<512xf32>
    %broadcast_in_dim3A = vector.shape_cast %reduce_sum3A_2 : vector<512xf32> to vector<512x1xf32>
    %sub3A = arith.constant 2.000000e+02 : f32
    %sub3A_3 = vector.broadcast %sub3A : f32 to vector<512x1xf32>
    %sub3A_4 = arith.subf %sub3A_3, %broadcast_in_dim3A : vector<512x1xf32>
    %get3A_5 = arith.constant 0 : index
    %get3A_6 = arith.constant 0 : index
    %get3A_7 = vector.load %arg1[%get3A_5, %get3A_6] : memref<512x256xf32, #tpu.memory_space<vmem>>, vector<512x256xf32>
    %slice3A = vector.extract_strided_slice %get3A_7 {offsets = [0, 0], sizes = [512, 128], strides = [1, 1]} : vector<512x256xf32> to vector<512x128xf32>
    %slice3A_8 = vector.extract_strided_slice %get3A_7 {offsets = [0, 128], sizes = [512, 128], strides = [1, 1]} : vector<512x256xf32> to vector<512x128xf32>
    %get3A_9 = arith.constant 0 : index
    %get3A_10 = arith.constant 0 : index
    %get3A_11 = vector.load %arg3[%get3A_9, %get3A_10] : memref<1x256xf32, #tpu.memory_space<vmem>>, vector<1x256xf32>
    %slice3A_12 = vector.extract_strided_slice %get3A_11 {offsets = [0, 0], sizes = [1, 128], strides = [1, 1]} : vector<1x256xf32> to vector<1x128xf32>
    %slice3A_13 = vector.extract_strided_slice %get3A_11 {offsets = [0, 128], sizes = [1, 128], strides = [1, 1]} : vector<1x256xf32> to vector<1x128xf32>
    %gt3A = arith.constant 0.000000e+00 : f32
    %gt3A_14 = vector.broadcast %gt3A : f32 to vector<512x1xf32>
    %gt3A_15 = arith.cmpf ogt, %sub3A_4, %gt3A_14 : vector<512x1xf32>
    %convert_element_type3A = arith.extui %gt3A_15 : vector<512x1xi1> to vector<512x1xi32>
    %convert_element_type3A_16 = arith.sitofp %convert_element_type3A : vector<512x1xi32> to vector<512x1xf32>
    %add3A = arith.constant 9.99999971E-10 : f32
    %add3A_17 = vector.broadcast %add3A : f32 to vector<512x1xf32>
    %add3A_18 = arith.addf %sub3A_4, %add3A_17 : vector<512x1xf32>
    %div3A = arith.divf %convert_element_type3A_16, %add3A_18 : vector<512x1xf32>
    %mul3A = vector.broadcast %broadcast_in_dim3A : vector<512x1xf32> to vector<512x128xf32>
    %mul3A_19 = vector.broadcast %slice3A_12 : vector<1x128xf32> to vector<512x128xf32>
    %mul3A_20 = arith.mulf %mul3A, %mul3A_19 : vector<512x128xf32>
    %sub3A_21 = arith.subf %slice3A, %mul3A_20 : vector<512x128xf32>
    %mul3A_22 = vector.broadcast %div3A : vector<512x1xf32> to vector<512x128xf32>
    %mul3A_23 = arith.mulf %sub3A_21, %mul3A_22 : vector<512x128xf32>
    %mul3A_24 = vector.broadcast %broadcast_in_dim3A : vector<512x1xf32> to vector<512x128xf32>
    %mul3A_25 = vector.broadcast %slice3A_13 : vector<1x128xf32> to vector<512x128xf32>
    %mul3A_26 = arith.mulf %mul3A_24, %mul3A_25 : vector<512x128xf32>
    %sub3A_27 = arith.subf %slice3A_8, %mul3A_26 : vector<512x128xf32>
    %mul3A_28 = vector.broadcast %div3A : vector<512x1xf32> to vector<512x128xf32>
    %mul3A_29 = arith.mulf %sub3A_27, %mul3A_28 : vector<512x128xf32>
    %mul3A_30 = arith.mulf %mul3A_23, %mul3A_23 : vector<512x128xf32>
    %mul3A_31 = arith.mulf %mul3A_29, %mul3A_29 : vector<512x128xf32>
    %add3A_32 = arith.addf %mul3A_30, %mul3A_31 : vector<512x128xf32>
    %reduce_sum3A_33 = arith.constant dense<0.000000e+00> : vector<512xf32>
    %reduce_sum3A_34 = vector.multi_reduction <add>, %add3A_32, %reduce_sum3A_33 [1] : vector<512x128xf32> to vector<512xf32>
    %broadcast_in_dim3A_35 = vector.shape_cast %reduce_sum3A_34 : vector<512xf32> to vector<512x1xf32>
    %sqrt3A = math.sqrt %broadcast_in_dim3A_35 : vector<512x1xf32>
    %add3A_36 = arith.constant 9.99999971E-10 : f32
    %add3A_37 = vector.broadcast %add3A_36 : f32 to vector<512x1xf32>
    %add3A_38 = arith.addf %sqrt3A, %add3A_37 : vector<512x1xf32>
    %div3A_39 = vector.broadcast %add3A_38 : vector<512x1xf32> to vector<512x128xf32>
    %div3A_40 = arith.divf %mul3A_23, %div3A_39 : vector<512x128xf32>
    %div3A_41 = vector.broadcast %add3A_38 : vector<512x1xf32> to vector<512x128xf32>
    %div3A_42 = arith.divf %mul3A_29, %div3A_41 : vector<512x128xf32>
    %swap3A = arith.constant 0 : index
    %swap3A_43 = arith.constant 0 : index
    %swap3A_44 = vector.load %arg4[%swap3A, %swap3A_43] : memref<512x128xf32, #tpu.memory_space<vmem>>, vector<512x128xf32>
    tpu.vector_store %arg4[%swap3A, %swap3A_43], %div3A_40 {strides = array<i32>} : memref<512x128xf32, #tpu.memory_space<vmem>>, vector<512x128xf32>,
    %swap3A_45 = arith.constant 0 : index
    %swap3A_46 = arith.constant 0 : index
    %swap3A_47 = vector.load %arg5[%swap3A_45, %swap3A_46] : memref<512x128xf32, #tpu.memory_space<vmem>>, vector<512x128xf32>
    tpu.vector_store %arg5[%swap3A_45, %swap3A_46], %div3A_42 {strides = array<i32>} : memref<512x128xf32, #tpu.memory_space<vmem>>, vector<512x128xf32>,
    %mul3A_48 = arith.mulf %div3A_40, %div3A_40 : vector<512x128xf32>
    %mul3A_49 = arith.mulf %div3A_42, %div3A_42 : vector<512x128xf32>
    %add3A_50 = arith.addf %mul3A_48, %mul3A_49 : vector<512x128xf32>
    %swap3A_51 = arith.constant 0 : index
    %swap3A_52 = arith.constant 0 : index
    %swap3A_53 = vector.load %arg6[%swap3A_51, %swap3A_52] : memref<512x128xf32, #tpu.memory_space<vmem>>, vector<512x128xf32>
    tpu.vector_store %arg6[%swap3A_51, %swap3A_52], %add3A_50 {strides = array<i32>} : memref<512x128xf32, #tpu.memory_space<vmem>>, vector<512x128xf32>,
    %atan23A = math.atan2 %div3A_42, %div3A_40 : vector<512x128xf32>
    %swap3A_54 = arith.constant 0 : index
    %swap3A_55 = arith.constant 0 : index
    %swap3A_56 = vector.load %arg7[%swap3A_54, %swap3A_55] : memref<512x128xf32, #tpu.memory_space<vmem>>, vector<512x128xf32>
    tpu.vector_store %arg7[%swap3A_54, %swap3A_55], %atan23A {strides = array<i32>} : memref<512x128xf32, #tpu.memory_space<vmem>>, vector<512x128xf32>,
    return
  }
  func.func @transform_0(%arg0: i32) -> (i32, i32) {
    %c0_i32 = arith.constant 0 : i32
    %c0_i32_0 = arith.constant 0 : i32
    return %arg0, %c0_i32 : i32, i32
  }
  func.func @transform_1(%arg0: i32) -> (i32, i32) {
    %c0_i32 = arith.constant 0 : i32
    %c0_i32_0 = arith.constant 0 : i32
    return %arg0, %c0_i32 : i32, i32
  }
  func.func @transform_2(%arg0: i32) -> (i32, i32) {
    %c0_i32 = arith.constant 0 : i32
    %c0_i32_0 = arith.constant 0 : i32
    %c0_i32_1 = arith.constant 0 : i32
    return %c0_i32, %c0_i32_0 : i32, i32
  }
  func.func @transform_3(%arg0: i32) -> (i32, i32) {
    %c0_i32 = arith.constant 0 : i32
    %c0_i32_0 = arith.constant 0 : i32
    return %arg0, %c0_i32 : i32, i32
  }
  func.func @transform_4(%arg0: i32) -> (i32, i32) {
    %c0_i32 = arith.constant 0 : i32
    %c0_i32_0 = arith.constant 0 : i32
    return %arg0, %c0_i32 : i32, i32
  }
  func.func @transform_5(%arg0: i32) -> (i32, i32) {
    %c0_i32 = arith.constant 0 : i32
    %c0_i32_0 = arith.constant 0 : i32
    return %arg0, %c0_i32 : i32, i32
  }
  func.func @transform_6(%arg0: i32) -> (i32, i32) {
    %c0_i32 = arith.constant 0 : i32
    %c0_i32_0 = arith.constant 0 : i32
    return %arg0, %c0_i32 : i32, i32
  }
}

module attributes {stable_mosaic.version = 14 : i64} {
  func.func @post_kernel(%arg0: i32, %arg1: memref<512x256xf32, #tpu.memory_space<vmem>>, %arg2: memref<512x16xf32, #tpu.memory_space<vmem>>, %arg3: memref<1x256xf32, #tpu.memory_space<vmem>>, %arg4: memref<512x128xf32, #tpu.memory_space<vmem>>, %arg5: memref<512x128xf32, #tpu.memory_space<vmem>>, %arg6: memref<512x128xf32, #tpu.memory_space<vmem>>, %arg7: memref<512x128xf32, #tpu.memory_space<vmem>>) attributes {dimension_semantics = [#tpu.dimension_semantics<arbitrary>], iteration_bounds = array<i64: 2>, scalar_prefetch = 0 : i64, scratch_operands = 0 : i64, tpu.core_type = #tpu.core_type<tc>, window_params = [{transform_indices = @transform_0, window_bounds = array<i64: 512, 256>}, {transform_indices = @transform_1, window_bounds = array<i64: 512, 16>}, {pipeline_mode = #tpu.pipeline_mode<synchronous>, transform_indices = @transform_2, window_bounds = array<i64: 1, 256>}, {transform_indices = @transform_3, window_bounds = array<i64: 512, 128>}, {transform_indices = @transform_4, window_bounds = array<i64: 512, 128>}, {transform_indices = @transform_5, window_bounds = array<i64: 512, 128>}, {transform_indices = @transform_6, window_bounds = array<i64: 512, 128>}]} {
    %get3A = arith.constant 0 : index
    %get3A_0 = arith.constant 0 : index
    %get3A_1 = vector.load %arg2[%get3A, %get3A_0] : memref<512x16xf32, #tpu.memory_space<vmem>>, vector<512x16xf32>
    %reduce_sum3A = arith.constant dense<0.000000e+00> : vector<512xf32>
    %reduce_sum3A_2 = vector.multi_reduction <add>, %get3A_1, %reduce_sum3A [1] : vector<512x16xf32> to vector<512xf32>
    %broadcast_in_dim3A = vector.shape_cast %reduce_sum3A_2 : vector<512xf32> to vector<512x1xf32>
    %sub3A = arith.constant 2.000000e+02 : f32
    %sub3A_3 = vector.broadcast %sub3A : f32 to vector<512x1xf32>
    %sub3A_4 = arith.subf %sub3A_3, %broadcast_in_dim3A : vector<512x1xf32>
    %get3A_5 = arith.constant 0 : index
    %get3A_6 = arith.constant 0 : index
    %get3A_7 = vector.load %arg1[%get3A_5, %get3A_6] : memref<512x256xf32, #tpu.memory_space<vmem>>, vector<512x256xf32>
    %slice3A = vector.extract_strided_slice %get3A_7 {offsets = [0, 0], sizes = [512, 128], strides = [1, 1]} : vector<512x256xf32> to vector<512x128xf32>
    %slice3A_8 = vector.extract_strided_slice %get3A_7 {offsets = [0, 128], sizes = [512, 128], strides = [1, 1]} : vector<512x256xf32> to vector<512x128xf32>
    %get3A_9 = arith.constant 0 : index
    %get3A_10 = arith.constant 0 : index
    %get3A_11 = vector.load %arg3[%get3A_9, %get3A_10] : memref<1x256xf32, #tpu.memory_space<vmem>>, vector<1x256xf32>
    %slice3A_12 = vector.extract_strided_slice %get3A_11 {offsets = [0, 0], sizes = [1, 128], strides = [1, 1]} : vector<1x256xf32> to vector<1x128xf32>
    %slice3A_13 = vector.extract_strided_slice %get3A_11 {offsets = [0, 128], sizes = [1, 128], strides = [1, 1]} : vector<1x256xf32> to vector<1x128xf32>
    %gt3A = arith.constant 0.000000e+00 : f32
    %gt3A_14 = vector.broadcast %gt3A : f32 to vector<512x1xf32>
    %gt3A_15 = arith.cmpf ogt, %sub3A_4, %gt3A_14 : vector<512x1xf32>
    %convert_element_type3A = arith.extui %gt3A_15 : vector<512x1xi1> to vector<512x1xi32>
    %convert_element_type3A_16 = arith.sitofp %convert_element_type3A : vector<512x1xi32> to vector<512x1xf32>
    %add3A = arith.constant 9.99999971E-10 : f32
    %add3A_17 = vector.broadcast %add3A : f32 to vector<512x1xf32>
    %add3A_18 = arith.addf %sub3A_4, %add3A_17 : vector<512x1xf32>
    %div3A = arith.divf %convert_element_type3A_16, %add3A_18 : vector<512x1xf32>
    %mul3A = vector.broadcast %broadcast_in_dim3A : vector<512x1xf32> to vector<512x128xf32>
    %mul3A_19 = vector.broadcast %slice3A_12 : vector<1x128xf32> to vector<512x128xf32>
    %mul3A_20 = arith.mulf %mul3A, %mul3A_19 : vector<512x128xf32>
    %sub3A_21 = arith.subf %slice3A, %mul3A_20 : vector<512x128xf32>
    %mul3A_22 = vector.broadcast %div3A : vector<512x1xf32> to vector<512x128xf32>
    %mul3A_23 = arith.mulf %sub3A_21, %mul3A_22 : vector<512x128xf32>
    %mul3A_24 = vector.broadcast %broadcast_in_dim3A : vector<512x1xf32> to vector<512x128xf32>
    %mul3A_25 = vector.broadcast %slice3A_13 : vector<1x128xf32> to vector<512x128xf32>
    %mul3A_26 = arith.mulf %mul3A_24, %mul3A_25 : vector<512x128xf32>
    %sub3A_27 = arith.subf %slice3A_8, %mul3A_26 : vector<512x128xf32>
    %mul3A_28 = vector.broadcast %div3A : vector<512x1xf32> to vector<512x128xf32>
    %mul3A_29 = arith.mulf %sub3A_27, %mul3A_28 : vector<512x128xf32>
    %mul3A_30 = arith.mulf %mul3A_23, %mul3A_23 : vector<512x128xf32>
    %mul3A_31 = arith.mulf %mul3A_29, %mul3A_29 : vector<512x128xf32>
    %add3A_32 = arith.addf %mul3A_30, %mul3A_31 : vector<512x128xf32>
    %reduce_sum3A_33 = arith.constant dense<0.000000e+00> : vector<512xf32>
    %reduce_sum3A_34 = vector.multi_reduction <add>, %add3A_32, %reduce_sum3A_33 [1] : vector<512x128xf32> to vector<512xf32>
    %broadcast_in_dim3A_35 = vector.shape_cast %reduce_sum3A_34 : vector<512xf32> to vector<512x1xf32>
    %sqrt3A = math.sqrt %broadcast_in_dim3A_35 : vector<512x1xf32>
    %add3A_36 = arith.constant 9.99999971E-10 : f32
    %add3A_37 = vector.broadcast %add3A_36 : f32 to vector<512x1xf32>
    %add3A_38 = arith.addf %sqrt3A, %add3A_37 : vector<512x1xf32>
    %div3A_39 = vector.broadcast %add3A_38 : vector<512x1xf32> to vector<512x128xf32>
    %div3A_40 = arith.divf %mul3A_23, %div3A_39 : vector<512x128xf32>
    %div3A_41 = vector.broadcast %add3A_38 : vector<512x1xf32> to vector<512x128xf32>
    %div3A_42 = arith.divf %mul3A_29, %div3A_41 : vector<512x128xf32>
    %swap3A = arith.constant 0 : index
    %swap3A_43 = arith.constant 0 : index
    %swap3A_44 = vector.load %arg4[%swap3A, %swap3A_43] : memref<512x128xf32, #tpu.memory_space<vmem>>, vector<512x128xf32>
    tpu.vector_store %arg4[%swap3A, %swap3A_43], %div3A_40 {strides = array<i32>} : memref<512x128xf32, #tpu.memory_space<vmem>>, vector<512x128xf32>,
    %swap3A_45 = arith.constant 0 : index
    %swap3A_46 = arith.constant 0 : index
    %swap3A_47 = vector.load %arg5[%swap3A_45, %swap3A_46] : memref<512x128xf32, #tpu.memory_space<vmem>>, vector<512x128xf32>
    tpu.vector_store %arg5[%swap3A_45, %swap3A_46], %div3A_42 {strides = array<i32>} : memref<512x128xf32, #tpu.memory_space<vmem>>, vector<512x128xf32>,
    %mul3A_48 = arith.mulf %div3A_40, %div3A_40 : vector<512x128xf32>
    %mul3A_49 = arith.mulf %div3A_42, %div3A_42 : vector<512x128xf32>
    %add3A_50 = arith.addf %mul3A_48, %mul3A_49 : vector<512x128xf32>
    %swap3A_51 = arith.constant 0 : index
    %swap3A_52 = arith.constant 0 : index
    %swap3A_53 = vector.load %arg6[%swap3A_51, %swap3A_52] : memref<512x128xf32, #tpu.memory_space<vmem>>, vector<512x128xf32>
    tpu.vector_store %arg6[%swap3A_51, %swap3A_52], %add3A_50 {strides = array<i32>} : memref<512x128xf32, #tpu.memory_space<vmem>>, vector<512x128xf32>,
    %atan23A = math.atan2 %div3A_42, %div3A_40 : vector<512x128xf32>
    %swap3A_54 = arith.constant 0 : index
    %swap3A_55 = arith.constant 0 : index
    %swap3A_56 = vector.load %arg7[%swap3A_54, %swap3A_55] : memref<512x128xf32, #tpu.memory_space<vmem>>, vector<512x128xf32>
    tpu.vector_store %arg7[%swap3A_54, %swap3A_55], %atan23A {strides = array<i32>} : memref<512x128xf32, #tpu.memory_space<vmem>>, vector<512x128xf32>,
    return
  }
  func.func @transform_0(%arg0: i32) -> (i32, i32) {
    %c0_i32 = arith.constant 0 : i32
    %c0_i32_0 = arith.constant 0 : i32
    return %arg0, %c0_i32 : i32, i32
  }
  func.func @transform_1(%arg0: i32) -> (i32, i32) {
    %c0_i32 = arith.constant 0 : i32
    %c0_i32_0 = arith.constant 0 : i32
    return %arg0, %c0_i32 : i32, i32
  }
  func.func @transform_2(%arg0: i32) -> (i32, i32) {
    %c0_i32 = arith.constant 0 : i32
    %c0_i32_0 = arith.constant 0 : i32
    %c0_i32_1 = arith.constant 0 : i32
    return %c0_i32, %c0_i32_0 : i32, i32
  }
  func.func @transform_3(%arg0: i32) -> (i32, i32) {
    %c0_i32 = arith.constant 0 : i32
    %c0_i32_0 = arith.constant 0 : i32
    return %arg0, %c0_i32 : i32, i32
  }
  func.func @transform_4(%arg0: i32) -> (i32, i32) {
    %c0_i32 = arith.constant 0 : i32
    %c0_i32_0 = arith.constant 0 : i32
    return %arg0, %c0_i32 : i32, i32
  }
  func.func @transform_5(%arg0: i32) -> (i32, i32) {
    %c0_i32 = arith.constant 0 : i32
    %c0_i32_0 = arith.constant 0 : i32
    return %arg0, %c0_i32 : i32, i32
  }
  func.func @transform_6(%arg0: i32) -> (i32, i32) {
    %c0_i32 = arith.constant 0 : i32
    %c0_i32_0 = arith.constant 0 : i32
    return %arg0, %c0_i32 : i32, i32
  }
}

</mosaic_0001>

<sc_bundles>
// kernel: kernel.6.cloned.1.call-start
scs
__scs_entry_jumppad:
0x0: {  	(pc) =	sbr.rel $0x88, $3  }
0x1: {  	(tag) =	ssettag $0x0;
	lr =	simm.s32 $0x1  }
0x2: {  	[smem:$0x3F9F] =	sst lr;
	_ =	strace $0xD0000000  }
0x3: {  	_ = 	snop  }
0x4: {  	_ = 	snop  }
0x5: {  	_ = 	snop  }
0x6: {  	_ = 	snop  }
0x7: {  	_ = 	snop  }
__scs_overlays_trampoline_lowered:
0x8: {  	[smem:$0x3FAE] =	sst s0  }
0x9: {  	[smem:$0x3FAF] =	sst s1  }
0xa: {  	[smem:$0x3FB0] =	sst s2  }
0xb: {  	[smem:$0x3FB1] =	sst s3  }
0xc: {  	[smem:$0x3FB2] =	sst s4  }
0xd: {  	[smem:$0x3FB3] =	sst s5  }
0xe: {  	[smem:$0x3FB4] =	sst s6  }
0xf: {  	[smem:$0x3FB5] =	sst s7  }
0x10: {  	[smem:$0x3FB6] =	sst s8  }
0x11: {  	[smem:$0x3FB7] =	sst s9;
	s0 =	simm.s32 @!p0 $0x0  }
0x12: {  	s1 =	sld [smem:$0x3F9D];
	s0 =	simm.s32 @p0 $0x1  }
0x13: {  	[smem:$0x3FB8] =	sst s0;
	s0 =	simm.s32 @!p1 $0x0  }
0x14: {  	s2 =	sld [smem:$0x3F9C];
	s0 =	simm.s32 @p1 $0x1  }
0x15: {  	[smem:$0x3FB9] =	sst s0;
	s0 =	simm.s32 @!p2 $0x0  }
0x16: {  	s3 =	sld [smem:$0x3FDB];
	s0 =	simm.s32 @p2 $0x1  }
0x17: {  	s4 =	simm.s32 $0x1BF5;
	[smem:$0x3FBB] =	sst s0  }
0x18: {  	s0 =	sld [smem:$0x3F9E];
	_ =	swait.ge [sflag:s4], $0x0  }
0x19: {  	s7 =	sld [smem:$0x3F9F]  }
0x1a: {  	s8 =	sadd.s32 $0xFFFFE003, lr  }
0x1b: {  	s9 =	sadd.s32 $0xFFFFFEF7, lr;
	s5 =	simm.s32 $0xFFFFFFFF;
	p2 =	slt.u32 s8, $0xFFFFF086  }
0x1c: {  	p1 =	slt.u32 s9, $0xF7A;
	s5 =	simm.s32 @!p2 $0x0  }
0x1d: {  	s5 =	simm.s32 @p1 $0x1;
	p0 =	seq.s32 s7, s2  }
0x1e: {  	s7 =	smul.u32 @!p0 $0xF7A, s2;
	p2 =	seq.s32 @!p0 s5, $0x0  }
0x1f: {  	s9 =	smul.u32 $0xF7A, s1;
	s8 =	simm.s32 @!p0 $0x1BF5;
	p2 =	por !p2, p0  }
0x20: {  	[sflag:s8] =	ssyncset.s32 @!p0 $0xFFFFF086;
	s6 =	sadd.s32 @!p0 s3, s7;
	s7 =	simm.s32 @!p0 $0x108  }
0x21: {  	s3 =	sadd.s32 s3, s9;
	s6 =	sadd.s32 @!p0 $0x88, s6;
	s7 =	simm.s32 @p2 $0x1082  }
0x22: {  	[simem:s7], [sflag:s8] =	dma.local @!p0 [hbm:s6], $0xF7A  }
0x23: {  	s9 =	sor.u32 $0xD0000000, s2;
	s6 =	simm.s32 $0x108;
	_ =	swait.ge @!p0 [sflag:s8], $0x0  }
0x24: {  	s3 =	sadd.s32 $0x88, s3;
	s6 =	simm.s32 @!p1 $0x1082;
	[sflag:s4] =	ssyncset.s32 $0xFFFFF086  }
0x25: {  	[simem:s6], [sflag:s4] =	dma.local [hbm:s3], $0xF7A  }
0x26: {  	[smem:$0x3F9F] =	sst s1;
	(tag) =	ssettag s2;
	_ =	strace s9  }
0x27: {  	s1 =	sld [smem:$0x3FAF]  }
0x28: {  	s2 =	sld [smem:$0x3FB0]  }
0x29: {  	s4 =	sld [smem:$0x3FB2]  }
0x2a: {  	p0 =	seq.s32 s5, $0x0;
	s5 =	sld [smem:$0x3FB3]  }
0x2b: {  	s6 =	sld [smem:$0x3FB4]  }
0x2c: {  	s7 =	sld [smem:$0x3FB5]  }
0x2d: {  	s3 =	simm.s32 $0x108;
	s8 =	sld [smem:$0x3FB6]  }
0x2e: {  	s3 =	simm.s32 @!p0 $0x1082;
	s9 =	sld [smem:$0x3FB7]  }
0x2f: {  	lr =	sadd.s32 s0, s3;
	s0 =	sld [smem:$0x3FAE]  }
0x30: {  	s3 =	sld [smem:$0x3FB1]  }
0x31: {  	[smem:$0x3FBA] =	sst s10  }
0x32: {  	s10 =	sld [smem:$0x3FB8];
	_ =	sdelay $0x3  }
0x33: {  	p0 =	seq.s32 s10, $0x1;
	s10 =	sld [smem:$0x3FBA];
	_ =	sdelay $0x3  }
0x34: {  	[smem:$0x3FBA] =	sst s10  }
0x35: {  	s10 =	sld [smem:$0x3FB9];
	_ =	sdelay $0x3  }
0x36: {  	p1 =	seq.s32 s10, $0x1;
	s10 =	sld [smem:$0x3FBA];
	_ =	sdelay $0x3  }
0x37: {  	[smem:$0x3FBA] =	sst s10  }
0x38: {  	s10 =	sld [smem:$0x3FBB]  }
0x39: {  	_ = 	snop;
	(pc) =	sbr.ind lr, $3  }
0x3a: {  	_ = 	snop  }
0x3b: {  	_ = 	snop  }
0x3c: {  	p2 =	seq.s32 s10, $0x1;
	s10 =	sld [smem:$0x3FBA]  }
0x3d: {  	_ =	shalt  }
0x3e: {  	_ =	shalt  }
0x3f: {  	_ =	shalt  }
0x40: {  	_ =	shalt  }
0x41: {  	_ =	shalt  }
0x42: {  	_ =	shalt  }
0x43: {  	_ =	shalt  }
0x44: {  	_ =	shalt  }
0x45: {  	_ =	shalt  }
0x46: {  	_ =	shalt  }
0x47: {  	_ =	shalt  }
0x48: {  	_ =	shalt  }
0x49: {  	_ =	shalt  }
0x4a: {  	_ =	shalt  }
0x4b: {  	_ =	shalt  }
0x4c: {  	_ =	shalt  }
0x4d: {  	_ =	shalt  }
0x4e: {  	_ =	shalt  }
0x4f: {  	_ =	shalt  }
0x50: {  	_ =	shalt  }
0x51: {  	_ =	shalt  }
0x52: {  	_ =	shalt  }
0x53: {  	_ =	shalt  }
0x54: {  	_ =	shalt  }
0x55: {  	_ =	shalt  }
0x56: {  	_ =	shalt  }
0x57: {  	_ =	shalt  }
0x58: {  	_ =	shalt  }
0x59: {  	_ =	shalt  }
0x5a: {  	_ =	shalt  }
0x5b: {  	_ =	shalt  }
0x5c: {  	_ =	shalt  }
0x5d: {  	_ =	shalt  }
0x5e: {  	_ =	shalt  }
0x5f: {  	_ =	shalt  }
0x60: {  	_ =	shalt  }
0x61: {  	_ =	shalt  }
0x62: {  	_ =	shalt  }
0x63: {  	_ =	shalt  }
0x64: {  	_ =	shalt  }
0x65: {  	_ =	shalt  }
0x66: {  	_ =	shalt  }
0x67: {  	_ =	shalt  }
0x68: {  	_ =	shalt  }
0x69: {  	_ =	shalt  }
0x6a: {  	_ =	shalt  }
0x6b: {  	_ =	shalt  }
0x6c: {  	_ =	shalt  }
0x6d: {  	_ =	shalt  }
0x6e: {  	_ =	shalt  }
0x6f: {  	_ =	shalt  }
0x70: {  	_ =	shalt  }
0x71: {  	_ =	shalt  }
0x72: {  	_ =	shalt  }
0x73: {  	_ =	shalt  }
0x74: {  	_ =	shalt  }
0x75: {  	_ =	shalt  }
0x76: {  	_ =	shalt  }
0x77: {  	_ =	shalt  }
0x78: {  	_ =	shalt  }
0x79: {  	_ =	shalt  }
0x7a: {  	_ =	shalt  }
0x7b: {  	_ =	shalt  }
0x7c: {  	_ =	shalt  }
0x7d: {  	_ =	shalt  }
0x7e: {  	_ =	shalt  }
0x7f: {  	_ =	shalt  }
0x80: {  	_ =	shalt  }
0x81: {  	_ =	shalt  }
0x82: {  	_ =	shalt  }
0x83: {  	_ =	shalt  }
0x84: {  	_ =	shalt  }
0x85: {  	_ =	shalt  }
0x86: {  	_ =	shalt  }
0x87: {  	_ =	shalt  }
.Lfunc_end0:
.L_simem_size_0:
called_computation_lowered:
.L_overlay_start_0:
0x88: {  	s2 =	sld [smem:$0x3FD9]  }
0x89: {  	s3 =	sld [smem:$0x3FFE];
	_ =	sdelay $0x1  }
0x8a: {  	s1 =	srdreg.scid  }
0x8b: {  	s0 =	sand.u32 $0x1, s1  }
0x8c: {  	s14 =	sshll.u32 s0, $0xA;
	s2 =	sadd.s32 s3, s2  }
0x8d: {  	s2 =	sadd.s32 s2, s14  }
0x8e: {  	[smem:$0x3FC6] =	sst s2  }
0x8f: {  	_ = 	snop  }
0x90: {  	s2 =	sld [smem:$0x3FD0];
	_ =	sdelay $0x2  }
0x91: {  	s4 =	simm.s32 $0xB;
	s5 =	simm.s32 $0x10;
	s15 =	sld [smem:$0x3FC8]  }
0x92: {  	[smem:s5], [sflag:s4] =	dma.local [hbm:s2], $0x1  }
0x93: {  	_ =	swait.eq [sflag:s4], $0x1  }
0x94: {  	s16 =	sld [smem:$0x10];
	[sflag:s4] =	ssyncset.done $0x0  }
0x95: {  	s17 =	sld [smem:$0x11];
	[sflag:s4] =	ssyncadd.s32 $0xFFFFFFFF  }
0x96: {  	s18 =	sld [smem:$0x13];
	(tm) =	ssettm $0x1  }
0x97: {  	s6 =	sld [smem:$0x3FFB];
	_ =	sdelay $0x3  }
0x98: {  	_ =	strace s6  }
0x99: {  	s6 =	sld [smem:$0x3FFC];
	_ =	sdelay $0x3  }
0x9a: {  	_ =	strace s6  }
0x9b: {  	s6 =	sld [smem:$0x3FFD];
	_ =	sdelay $0x3  }
0x9c: {  	_ =	strace s6  }
0x9d: {  	_ =	strace $0x8FFFFFFF  }
0x9e: {  	s19 =	sld [smem:$0x3FDB];
	_ =	sdelay $0x1  }
0x9f: {  	s7 =	simm.s32 $_scs_section_size  }
0xa0: {  	s8 =	simm.s32 $_size__tile_overlayer_lowered;
	s9 =	simm.s32 $_tile_overlayer_lowered  }
0xa1: {  	s22 =	simm.s32 $0x1BFF;
	s21 =	sshll.u32 s9, $0x1;
	s6 =	sadd.s32 s7, s19  }
0xa2: {  	s10 =	simm.s32 $0x0;
	s20 =	sshll.u32 s8, $0x1;
	s8 =	sadd.s32 s21, s6  }
0xa3: {  	[timem:s10], [sflag:s22] =	dma.local [hbm:s8], s20  }
0xa4: {  	_ =	swait.ge [sflag:s22], s20  }
0xa5: {  	s7 =	ssub.s32 $0x0, s20;
	[sflag:s22] =	ssyncset.done $0x0  }
0xa6: {  	[sflag:s22] =	ssyncadd.s32 s7;
	_ =	sdelay $0x1  }
0xa7: {  	s23 =	simm.s32 $0x1B8B  }
0xa8: {  	_ =	swait.ge [sflag:s23], $0x1  }
0xa9: {  	[sflag:s23] =	ssyncset.done $0x0  }
0xaa: {  	s25 =	simm.s32 $0x1B8E;
	s24 =	sld [smem:$0x3FFE];
	[sflag:s23] =	ssyncadd.s32 $0xFFFFFFFF  }
0xab: {  	s26 =	simm.s32 $execute0_lowered;
	[smem:$0x3FD2] =	sst s25  }
0xac: {  	s8 =	sshll.u32 s26, $0x1;
	_ =	strace $0x80000046;
	[dreg:$0x1] =	wrdreg $0xFFFFFFFF  }
0xad: {  	s28 =	simm.s32 $_size_execute0_lowered;
	s6 =	sadd.s32 s6, s8;
	[dreg:$0x0] =	wrdreg $0x0  }
0xae: {  	s8 =	sshll.u32 s28, $0x1;
	[dreg:$0x2] =	wrdreg s6  }
0xaf: {  	[dreg:$0x3] =	wrdreg s8  }
0xb0: {  	[dreg:$0x4] =	wrdreg $0xC0  }
0xb1: {  	_ =	task [dreg:s10], $0x5FFFF  }
0xb2: {  	[dreg:$0x1] =	wrdreg $0xFFFFFFFF  }
0xb3: {  	[dreg:$0x0] =	wrdreg $0x60  }
0xb4: {  	[dreg:$0x2] =	wrdreg s24  }
0xb5: {  	[dreg:$0x3] =	wrdreg s15  }
0xb6: {  	[dreg:$0x4] =	wrdreg s16  }
0xb7: {  	[dreg:$0x5] =	wrdreg s17  }
0xb8: {  	[dreg:$0x6] =	wrdreg s18  }
0xb9: {  	[dreg:$0x7] =	wrdreg $0x9  }
0xba: {  	_ =	task.clear_ibuf [dreg:s10], $0x8FFFF;
	_ =	strace $0x90000046  }
0xbb: {  	s29 =	simm.s32 $0x9;
	_ =	strace $0x80000048  }
0xbc: {  	_ =	swait.ge [sflag:s29], $0x1  }
0xbd: {  	[sflag:s29] =	ssyncadd.s32 $0xFFFFFFFF  }
0xbe: {  	_ =	strace $0x90000048  }
0xbf: {  	_ =	sfence  }
0xc0: {  	s30 =	sld [smem:$0x0];
	_ =	sdelay $0x2  }
0xc1: {  	s31 =	sshll.u32 s1, $0xD;
	s1 =	sshrl.u32 s1, $0x2  }
0xc2: {  	s3 =	sand.u32 $0x4000, s31;
	s1 =	sadd.s32 s1, s30  }
0xc3: {  	s0 =	sor.u32 s3, s0;
	s1 =	sshll.u32 s1, $0x11  }
0xc4: {  	s0 =	sor.u32 s1, s0  }
0xc5: {  	s0 =	sadd.s32 $0x8F2B, s0  }
0xc6: {  	[sflag:s0] =	ssyncadd.remote.s32 $0x1  }
0xc7: {  	_ =	sfence.sel $0xFFFF  }
0xc8: {  	[dreg:$0x0] =	wrdreg $0xFFFFFFFF;
	(pc) =	sbr.abs _section_cstart, $3  }
0xc9: {  	[dreg:$0x1] =	wrdreg $0xFFFFFFFF  }
0xca: {  	_ =	task.clear_ibuf [dreg:s10], $0x2FFFF;
	_ =	strace $0x9FFFFFFF  }
0xcb: {  	(tm) =	ssettm $0x7FFFFFFF  }
tec
execute0_lowered:
.L_overlay_start_1:
0x0: {  	(tag) =	ssettag $0x1  }
0x1: {  	s0 =	rddreg [dreg:$0x0]  }
0x2: {  	s1 =	rddreg [dreg:$0x1]  }
0x3: {  	s2 =	rddreg [dreg:$0x4];
	s3 =	srdreg.scid  }
0x4: {  	s4 =	stileid.u32;
	s5 =	simm.s32 $0x0;
	s14 =	simm.s32 $0x3  }
0x5: {  	s18 =	simm.s32 $0x100;
	s19 =	simm.s32 $0x4;
	s16 =	simm.s32 $0x15A00  }
0x6: {  	s17 =	simm.s32 $0x16200;
	s20 =	simm.s32 $0x17A00;
	s21 =	simm.s32 $0x18200  }
0x7: {  	s22 =	simm.s32 $0x18A00;
	s23 =	simm.s32 $0x1;
	s24 =	simm.s32 $0x2  }
0x8: {  	s25 =	simm.s32 $0x400;
	s3 =	sand.u32 $0x1, s3;
	s4 =	sshll.u32 s4, $0x1  }
0x9: {  	s28 =	simm.s32 $0x19400;
	s29 =	simm.s32 $0x5;
	s4 =	sor.u32 s3, s4  }
0xa: {  	s30 =	simm.s32 $0x6;
	[smem:$0x7FF] =	sst s5;
	s8 =	smul.u32 $0x960, s4  }
0xb: {  	s6 =	sadd.s32 $0x2800, s0;
	s26 =	ssub.s32 $0x2, s3;
	s7 =	smul.u32 $0x60, s4  }
0xc: {  	_ =	strace $0x80000047;
	s3 =	sshrl.u32 s26, $0x1;
	s4 =	smul.u32 $0x600, s4  }
0xd: {  	s0 =	ssub.s32 s26, s3;
	s26 =	simm.s32 $0x19200;
	s8 =	sadd.s32 s6, s8  }
0xe: {  	s10 =	sor.u32 $0x2, s7;
	s2 =	sadd.s32 s2, s4;
	[dreg:$0x6] =	wrdreg s8  }
0xf: {  	v3 =	vlaneseq.u32;
	v2 =	vimm.f32 $0.0e+00;
	vm1 =	vcmask $0x1F00;
	s11 =	sor.u32 $0x3, s7;
	s0 =	smax.u32 s0, $0x1;
	[dreg:$0x8] =	wrdreg s2  }
0x10: {  	vm0 =	vmmov $0xffff;
	v0 =	vand.u32 $0x7, v3;
	v1 =	vshrl.u32 v3, $0x3;
	s4 =	simm.s32 $0x17200;
	s31 =	sadd.s32 $0x19, s8;
	[dreg:$0x9] =	wrdreg s0  }
0x11: {  	v3 =	vor.u32 $0x8, v3;
	v4 =	vsel vm1, $0x3F800000, v2;
	v1 =	vmul.u32 $0x8, v1;
	s2 =	simm.s32 $0x16A00;
	s8 =	simm.s32 $0x0;
	[dreg:$0x7] =	wrdreg s31  }
.LBB2_1:
0x12: {  	[dreg:$0xa] =	wrdreg s8  }
0x13: {  	s0 =	rddreg [dreg:$0x6]  }
0x14: {  	[tilespmem:s5], [sflag:$0x3] =	stream.linear.gather [hbm4b:s0+s5], $0xC8, $0x38;
	[tilespmem:$0x1C600] =	vst v63  }
0x15: {  	_ =	swait.ge [sflag:s14], $0xC8  }
0x16: {  	[sflag:s14] =	ssyncset.done $0x0  }
0x17: {  	[sflag:s14] =	ssyncadd.s32 $0xFFFFFF38  }
0x18: {  	v5 =	vld [tilespmem:$0x0];
	_ =	sdelay $0x4  }
0x19: {  	v6 =	vshll.u32 v5, $0x1  }
0x1a: {  	v5 =	vand.u32 $0x7, v5;
	v6 =	vand.u32 $0xFFFFFFF0, v6  }
0x1b: {  	v5 =	vor.u32 v5, v6  }
0x1c: {  	v6 =	vperm.xlane v5, v0;
	_ =	sdelay $0x1  }
0x1d: {  	v5 =	vperm.xlane v5, v3;
	v6 =	vadd.s32 v1, v6;
	_ =	sdelay $0x1  }
0x1e: {  	v5 =	vadd.s32 v1, v5;
	_ =	sdelay $0x1  }
0x1f: {  	s13 =	simm.s32 $0x200  }
0x20: {  	[tilespmem:s13], [sflag:$0x1] =	stream.indirect_vreg.gather [hbm4b:s1+s5], $0x80, v6, vm0, $0xb8;
	[tilespmem:$0x1C600] =	vst v63  }
0x21: {  	s15 =	simm.s32 $0xA00  }
0x22: {  	[tilespmem:s15], [sflag:$0x1] =	stream.indirect_vreg.gather [hbm4b:s1+s5], $0x80, v5, vm0, $0xb8;
	[tilespmem:$0x1C600] =	vst v63  }
0x23: {  	v5 =	vld [tilespmem:$0x10];
	_ =	sdelay $0x4  }
0x24: {  	v6 =	vshll.u32 v5, $0x1  }
0x25: {  	v5 =	vand.u32 $0x7, v5;
	v6 =	vand.u32 $0xFFFFFFF0, v6  }
0x26: {  	v5 =	vor.u32 v5, v6  }
0x27: {  	v6 =	vperm.xlane v5, v0;
	_ =	sdelay $0x1  }
0x28: {  	v5 =	vperm.xlane v5, v3;
	v6 =	vadd.s32 v1, v6;
	_ =	sdelay $0x1  }
0x29: {  	v5 =	vadd.s32 v1, v5;
	_ =	sdelay $0x1  }
0x2a: {  	s3 =	simm.s32 $0x1200  }
0x2b: {  	[tilespmem:s3], [sflag:$0x1] =	stream.indirect_vreg.gather [hbm4b:s1+s5], $0x80, v6, vm0, $0xb8;
	[tilespmem:$0x1C600] =	vst v63  }
0x2c: {  	s8 =	simm.s32 $0x1A00  }
0x2d: {  	[tilespmem:s8], [sflag:$0x1] =	stream.indirect_vreg.gather [hbm4b:s1+s5], $0x80, v5, vm0, $0xb8;
	[tilespmem:$0x1C600] =	vst v63  }
0x2e: {  	v5 =	vld [tilespmem:$0x20];
	_ =	sdelay $0x4  }
0x2f: {  	v6 =	vshll.u32 v5, $0x1  }
0x30: {  	v5 =	vand.u32 $0x7, v5;
	v6 =	vand.u32 $0xFFFFFFF0, v6  }
0x31: {  	v5 =	vor.u32 v5, v6  }
0x32: {  	v6 =	vperm.xlane v5, v0;
	_ =	sdelay $0x1  }
0x33: {  	v5 =	vperm.xlane v5, v3;
	v6 =	vadd.s32 v1, v6;
	_ =	sdelay $0x1  }
0x34: {  	v5 =	vadd.s32 v1, v5;
	_ =	sdelay $0x1  }
0x35: {  	s9 =	simm.s32 $0x2200  }
0x36: {  	[tilespmem:s9], [sflag:$0x1] =	stream.indirect_vreg.gather [hbm4b:s1+s5], $0x80, v6, vm0, $0xb8;
	[tilespmem:$0x1C600] =	vst v63  }
0x37: {  	s12 =	simm.s32 $0x2A00  }
0x38: {  	[tilespmem:s12], [sflag:$0x1] =	stream.indirect_vreg.gather [hbm4b:s1+s5], $0x80, v5, vm0, $0xb8;
	[tilespmem:$0x1C600] =	vst v63  }
0x39: {  	v5 =	vld [tilespmem:$0x30];
	_ =	sdelay $0x4  }
0x3a: {  	v6 =	vshll.u32 v5, $0x1  }
0x3b: {  	v5 =	vand.u32 $0x7, v5;
	v6 =	vand.u32 $0xFFFFFFF0, v6  }
0x3c: {  	v5 =	vor.u32 v5, v6  }
0x3d: {  	v6 =	vperm.xlane v5, v0;
	_ =	sdelay $0x1  }
0x3e: {  	v5 =	vperm.xlane v5, v3;
	v6 =	vadd.s32 v1, v6;
	_ =	sdelay $0x1  }
0x3f: {  	v5 =	vadd.s32 v1, v5;
	_ =	sdelay $0x1  }
0x40: {  	s13 =	simm.s32 $0x3200  }
0x41: {  	[tilespmem:s13], [sflag:$0x1] =	stream.indirect_vreg.gather [hbm4b:s1+s5], $0x80, v6, vm0, $0xb8;
	[tilespmem:$0x1C600] =	vst v63  }
0x42: {  	s15 =	simm.s32 $0x3A00  }
0x43: {  	[tilespmem:s15], [sflag:$0x1] =	stream.indirect_vreg.gather [hbm4b:s1+s5], $0x80, v5, vm0, $0xb8;
	[tilespmem:$0x1C600] =	vst v63  }
0x44: {  	v5 =	vld [tilespmem:$0x40];
	_ =	sdelay $0x4  }
0x45: {  	v6 =	vshll.u32 v5, $0x1  }
0x46: {  	v5 =	vand.u32 $0x7, v5;
	v6 =	vand.u32 $0xFFFFFFF0, v6  }
0x47: {  	v5 =	vor.u32 v5, v6  }
0x48: {  	v6 =	vperm.xlane v5, v0;
	_ =	sdelay $0x1  }
0x49: {  	v5 =	vperm.xlane v5, v3;
	v6 =	vadd.s32 v1, v6;
	_ =	sdelay $0x1  }
0x4a: {  	v5 =	vadd.s32 v1, v5;
	_ =	sdelay $0x1  }
0x4b: {  	s3 =	simm.s32 $0x4200  }
0x4c: {  	[tilespmem:s3], [sflag:$0x1] =	stream.indirect_vreg.gather [hbm4b:s1+s5], $0x80, v6, vm0, $0xb8;
	[tilespmem:$0x1C600] =	vst v63  }
0x4d: {  	s8 =	simm.s32 $0x4A00  }
0x4e: {  	[tilespmem:s8], [sflag:$0x1] =	stream.indirect_vreg.gather [hbm4b:s1+s5], $0x80, v5, vm0, $0xb8;
	[tilespmem:$0x1C600] =	vst v63  }
0x4f: {  	v5 =	vld [tilespmem:$0x50];
	_ =	sdelay $0x4  }
0x50: {  	v6 =	vshll.u32 v5, $0x1  }
0x51: {  	v5 =	vand.u32 $0x7, v5;
	v6 =	vand.u32 $0xFFFFFFF0, v6  }
0x52: {  	v5 =	vor.u32 v5, v6  }
0x53: {  	v6 =	vperm.xlane v5, v0;
	_ =	sdelay $0x1  }
0x54: {  	v5 =	vperm.xlane v5, v3;
	v6 =	vadd.s32 v1, v6;
	_ =	sdelay $0x1  }
0x55: {  	v5 =	vadd.s32 v1, v5;
	_ =	sdelay $0x1  }
0x56: {  	s9 =	simm.s32 $0x5200  }
0x57: {  	[tilespmem:s9], [sflag:$0x1] =	stream.indirect_vreg.gather [hbm4b:s1+s5], $0x80, v6, vm0, $0xb8;
	[tilespmem:$0x1C600] =	vst v63  }
0x58: {  	s12 =	simm.s32 $0x5A00  }
0x59: {  	[tilespmem:s12], [sflag:$0x1] =	stream.indirect_vreg.gather [hbm4b:s1+s5], $0x80, v5, vm0, $0xb8;
	[tilespmem:$0x1C600] =	vst v63  }
0x5a: {  	v5 =	vld [tilespmem:$0x60];
	_ =	sdelay $0x4  }
0x5b: {  	v6 =	vshll.u32 v5, $0x1  }
0x5c: {  	v5 =	vand.u32 $0x7, v5;
	v6 =	vand.u32 $0xFFFFFFF0, v6  }
0x5d: {  	v5 =	vor.u32 v5, v6  }
0x5e: {  	v6 =	vperm.xlane v5, v0;
	_ =	sdelay $0x1  }
0x5f: {  	v5 =	vperm.xlane v5, v3;
	v6 =	vadd.s32 v1, v6;
	_ =	sdelay $0x1  }
0x60: {  	v5 =	vadd.s32 v1, v5;
	_ =	sdelay $0x1  }
0x61: {  	s13 =	simm.s32 $0x6200  }
0x62: {  	[tilespmem:s13], [sflag:$0x1] =	stream.indirect_vreg.gather [hbm4b:s1+s5], $0x80, v6, vm0, $0xb8;
	[tilespmem:$0x1C600] =	vst v63  }
0x63: {  	s15 =	simm.s32 $0x6A00  }
0x64: {  	[tilespmem:s15], [sflag:$0x1] =	stream.indirect_vreg.gather [hbm4b:s1+s5], $0x80, v5, vm0, $0xb8;
	[tilespmem:$0x1C600] =	vst v63  }
0x65: {  	v5 =	vld [tilespmem:$0x70];
	_ =	sdelay $0x4  }
0x66: {  	v6 =	vshll.u32 v5, $0x1  }
0x67: {  	v5 =	vand.u32 $0x7, v5;
	v6 =	vand.u32 $0xFFFFFFF0, v6  }
0x68: {  	v5 =	vor.u32 v5, v6  }
0x69: {  	v6 =	vperm.xlane v5, v0;
	_ =	sdelay $0x1  }
0x6a: {  	v5 =	vperm.xlane v5, v3;
	v6 =	vadd.s32 v1, v6;
	_ =	sdelay $0x1  }
0x6b: {  	v5 =	vadd.s32 v1, v5;
	_ =	sdelay $0x1  }
0x6c: {  	s3 =	simm.s32 $0x7200  }
0x6d: {  	[tilespmem:s3], [sflag:$0x1] =	stream.indirect_vreg.gather [hbm4b:s1+s5], $0x80, v6, vm0, $0xb8;
	[tilespmem:$0x1C600] =	vst v63  }
0x6e: {  	s8 =	simm.s32 $0x7A00  }
0x6f: {  	[tilespmem:s8], [sflag:$0x1] =	stream.indirect_vreg.gather [hbm4b:s1+s5], $0x80, v5, vm0, $0xb8;
	[tilespmem:$0x1C600] =	vst v63  }
0x70: {  	v5 =	vld [tilespmem:$0x80];
	_ =	sdelay $0x4  }
0x71: {  	v6 =	vshll.u32 v5, $0x1  }
0x72: {  	v5 =	vand.u32 $0x7, v5;
	v6 =	vand.u32 $0xFFFFFFF0, v6  }
0x73: {  	v5 =	vor.u32 v5, v6  }
0x74: {  	v6 =	vperm.xlane v5, v0;
	_ =	sdelay $0x1  }
0x75: {  	v5 =	vperm.xlane v5, v3;
	v6 =	vadd.s32 v1, v6;
	_ =	sdelay $0x1  }
0x76: {  	v5 =	vadd.s32 v1, v5;
	_ =	sdelay $0x1  }
0x77: {  	s9 =	simm.s32 $0x8200  }
0x78: {  	[tilespmem:s9], [sflag:$0x1] =	stream.indirect_vreg.gather [hbm4b:s1+s5], $0x80, v6, vm0, $0xb8;
	[tilespmem:$0x1C600] =	vst v63  }
0x79: {  	s12 =	simm.s32 $0x8A00  }
0x7a: {  	[tilespmem:s12], [sflag:$0x1] =	stream.indirect_vreg.gather [hbm4b:s1+s5], $0x80, v5, vm0, $0xb8;
	[tilespmem:$0x1C600] =	vst v63  }
0x7b: {  	v5 =	vld [tilespmem:$0x90];
	_ =	sdelay $0x4  }
0x7c: {  	v6 =	vshll.u32 v5, $0x1  }
0x7d: {  	v5 =	vand.u32 $0x7, v5;
	v6 =	vand.u32 $0xFFFFFFF0, v6  }
0x7e: {  	v5 =	vor.u32 v5, v6  }
0x7f: {  	v6 =	vperm.xlane v5, v0;
	_ =	sdelay $0x1  }
0x80: {  	v5 =	vperm.xlane v5, v3;
	v6 =	vadd.s32 v1, v6;
	_ =	sdelay $0x1  }
0x81: {  	v5 =	vadd.s32 v1, v5;
	_ =	sdelay $0x1  }
0x82: {  	s13 =	simm.s32 $0x9200  }
0x83: {  	[tilespmem:s13], [sflag:$0x1] =	stream.indirect_vreg.gather [hbm4b:s1+s5], $0x80, v6, vm0, $0xb8;
	[tilespmem:$0x1C600] =	vst v63  }
0x84: {  	s15 =	simm.s32 $0x9A00  }
0x85: {  	[tilespmem:s15], [sflag:$0x1] =	stream.indirect_vreg.gather [hbm4b:s1+s5], $0x80, v5, vm0, $0xb8;
	[tilespmem:$0x1C600] =	vst v63  }
0x86: {  	v5 =	vld [tilespmem:$0xA0];
	_ =	sdelay $0x4  }
0x87: {  	v6 =	vshll.u32 v5, $0x1  }
0x88: {  	v5 =	vand.u32 $0x7, v5;
	v6 =	vand.u32 $0xFFFFFFF0, v6  }
0x89: {  	v5 =	vor.u32 v5, v6  }
0x8a: {  	v6 =	vperm.xlane v5, v0;
	_ =	sdelay $0x1  }
0x8b: {  	v5 =	vperm.xlane v5, v3;
	v6 =	vadd.s32 v1, v6;
	_ =	sdelay $0x1  }
0x8c: {  	v5 =	vadd.s32 v1, v5;
	_ =	sdelay $0x1  }
0x8d: {  	s3 =	simm.s32 $0xA200  }
0x8e: {  	[tilespmem:s3], [sflag:$0x1] =	stream.indirect_vreg.gather [hbm4b:s1+s5], $0x80, v6, vm0, $0xb8;
	[tilespmem:$0x1C600] =	vst v63  }
0x8f: {  	s8 =	simm.s32 $0xAA00  }
0x90: {  	[tilespmem:s8], [sflag:$0x1] =	stream.indirect_vreg.gather [hbm4b:s1+s5], $0x80, v5, vm0, $0xb8;
	[tilespmem:$0x1C600] =	vst v63  }
0x91: {  	v5 =	vld [tilespmem:$0xB0];
	_ =	sdelay $0x4  }
0x92: {  	v6 =	vshll.u32 v5, $0x1  }
0x93: {  	v5 =	vand.u32 $0x7, v5;
	v6 =	vand.u32 $0xFFFFFFF0, v6  }
0x94: {  	v5 =	vor.u32 v5, v6  }
0x95: {  	v6 =	vperm.xlane v5, v0;
	_ =	sdelay $0x1  }
0x96: {  	v5 =	vperm.xlane v5, v3;
	v6 =	vadd.s32 v1, v6;
	_ =	sdelay $0x1  }
0x97: {  	v5 =	vadd.s32 v1, v5;
	_ =	sdelay $0x1  }
0x98: {  	s9 =	simm.s32 $0xB200  }
0x99: {  	[tilespmem:s9], [sflag:$0x1] =	stream.indirect_vreg.gather [hbm4b:s1+s5], $0x80, v6, vm0, $0xb8;
	[tilespmem:$0x1C600] =	vst v63  }
0x9a: {  	s12 =	simm.s32 $0xBA00  }
0x9b: {  	[tilespmem:s12], [sflag:$0x1] =	stream.indirect_vreg.gather [hbm4b:s1+s5], $0x80, v5, vm0, $0xb8;
	[tilespmem:$0x1C600] =	vst v63  }
0x9c: {  	v5 =	vld.msk [tilespmem:$0xC0], $0xff;
	_ =	sdelay $0x4  }
0x9d: {  	v6 =	vshll.u32 v5, $0x1  }
0x9e: {  	v5 =	vand.u32 $0x7, v5;
	v6 =	vand.u32 $0xFFFFFFF0, v6  }
0x9f: {  	v5 =	vor.u32 v5, v6  }
0xa0: {  	v5 =	vperm.xlane v5, v0;
	_ =	sdelay $0x1  }
0xa1: {  	v5 =	vadd.s32 v1, v5;
	_ =	sdelay $0x3  }
0xa2: {  	s13 =	simm.s32 $0xC200  }
0xa3: {  	[tilespmem:s13], [sflag:$0x1] =	stream.indirect_vreg.gather [hbm4b:s1+s5], $0x80, v5, vm0, $0xb8;
	[tilespmem:$0x1C600] =	vst v63  }
0xa4: {  	s31 =	simm.s32 $0x0;
	s15 =	rddreg [dreg:$0x7]  }
0xa5: {  	[tilespmem:s18], [sflag:$0x4] =	stream.linear.gather [hbm4b:s15+s5], $0xC8, $0x38;
	[tilespmem:$0x1C600] =	vst v63  }
.LBB2_2:
0xa6: {  	_ =	swait.ge [sflag:s19], $0xC8  }
0xa7: {  	[sflag:s19] =	ssyncset.done $0x0  }
0xa8: {  	[sflag:s19] =	ssyncadd.s32 $0xFFFFFF38  }
0xa9: {  	v5 =	vld [tilespmem:$0x100];
	_ =	sdelay $0x4  }
0xaa: {  	v6 =	vshll.u32 v5, $0x1  }
0xab: {  	v5 =	vand.u32 $0x7, v5;
	v6 =	vand.u32 $0xFFFFFFF0, v6  }
0xac: {  	v5 =	vor.u32 v5, v6  }
0xad: {  	v6 =	vperm.xlane v5, v0;
	_ =	sdelay $0x1  }
0xae: {  	v5 =	vperm.xlane v5, v3;
	v6 =	vadd.s32 v1, v6;
	_ =	sdelay $0x1  }
0xaf: {  	v5 =	vadd.s32 v1, v5;
	_ =	sdelay $0x1  }
0xb0: {  	s0 =	simm.s32 $0xCA00  }
0xb1: {  	[tilespmem:s0], [sflag:$0x2] =	stream.indirect_vreg.gather [hbm4b:s1+s5], $0x80, v6, vm0, $0xb8;
	[tilespmem:$0x1C600] =	vst v63  }
0xb2: {  	s3 =	simm.s32 $0xD200  }
0xb3: {  	[tilespmem:s3], [sflag:$0x2] =	stream.indirect_vreg.gather [hbm4b:s1+s5], $0x80, v5, vm0, $0xb8;
	[tilespmem:$0x1C600] =	vst v63  }
0xb4: {  	v5 =	vld [tilespmem:$0x110];
	_ =	sdelay $0x4  }
0xb5: {  	v6 =	vshll.u32 v5, $0x1  }
0xb6: {  	v5 =	vand.u32 $0x7, v5;
	v6 =	vand.u32 $0xFFFFFFF0, v6  }
0xb7: {  	v5 =	vor.u32 v5, v6  }
0xb8: {  	v6 =	vperm.xlane v5, v0;
	_ =	sdelay $0x1  }
0xb9: {  	v5 =	vperm.xlane v5, v3;
	v6 =	vadd.s32 v1, v6;
	_ =	sdelay $0x1  }
0xba: {  	v5 =	vadd.s32 v1, v5;
	_ =	sdelay $0x1  }
0xbb: {  	s8 =	simm.s32 $0xDA00  }
0xbc: {  	[tilespmem:s8], [sflag:$0x2] =	stream.indirect_vreg.gather [hbm4b:s1+s5], $0x80, v6, vm0, $0xb8;
	[tilespmem:$0x1C600] =	vst v63  }
0xbd: {  	s9 =	simm.s32 $0xE200  }
0xbe: {  	[tilespmem:s9], [sflag:$0x2] =	stream.indirect_vreg.gather [hbm4b:s1+s5], $0x80, v5, vm0, $0xb8;
	[tilespmem:$0x1C600] =	vst v63  }
0xbf: {  	v5 =	vld [tilespmem:$0x120];
	_ =	sdelay $0x4  }
0xc0: {  	v6 =	vshll.u32 v5, $0x1  }
0xc1: {  	v5 =	vand.u32 $0x7, v5;
	v6 =	vand.u32 $0xFFFFFFF0, v6  }
0xc2: {  	v5 =	vor.u32 v5, v6  }
0xc3: {  	v6 =	vperm.xlane v5, v0;
	_ =	sdelay $0x1  }
0xc4: {  	v5 =	vperm.xlane v5, v3;
	v6 =	vadd.s32 v1, v6;
	_ =	sdelay $0x1  }
0xc5: {  	v5 =	vadd.s32 v1, v5;
	_ =	sdelay $0x1  }
0xc6: {  	s12 =	simm.s32 $0xEA00  }
0xc7: {  	[tilespmem:s12], [sflag:$0x2] =	stream.indirect_vreg.gather [hbm4b:s1+s5], $0x80, v6, vm0, $0xb8;
	[tilespmem:$0x1C600] =	vst v63  }
0xc8: {  	s13 =	simm.s32 $0xF200  }
0xc9: {  	[tilespmem:s13], [sflag:$0x2] =	stream.indirect_vreg.gather [hbm4b:s1+s5], $0x80, v5, vm0, $0xb8;
	[tilespmem:$0x1C600] =	vst v63  }
0xca: {  	v5 =	vld [tilespmem:$0x130];
	_ =	sdelay $0x4  }
0xcb: {  	v6 =	vshll.u32 v5, $0x1  }
0xcc: {  	v5 =	vand.u32 $0x7, v5;
	v6 =	vand.u32 $0xFFFFFFF0, v6  }
0xcd: {  	v5 =	vor.u32 v5, v6  }
0xce: {  	v6 =	vperm.xlane v5, v0;
	_ =	sdelay $0x1  }
0xcf: {  	v5 =	vperm.xlane v5, v3;
	v6 =	vadd.s32 v1, v6;
	_ =	sdelay $0x1  }
0xd0: {  	v5 =	vadd.s32 v1, v5;
	_ =	sdelay $0x1  }
0xd1: {  	s15 =	simm.s32 $0xFA00  }
0xd2: {  	[tilespmem:s15], [sflag:$0x2] =	stream.indirect_vreg.gather [hbm4b:s1+s5], $0x80, v6, vm0, $0xb8;
	[tilespmem:$0x1C600] =	vst v63  }
0xd3: {  	s3 =	simm.s32 $0x10200  }
0xd4: {  	[tilespmem:s3], [sflag:$0x2] =	stream.indirect_vreg.gather [hbm4b:s1+s5], $0x80, v5, vm0, $0xb8;
	[tilespmem:$0x1C600] =	vst v63  }
0xd5: {  	v5 =	vld [tilespmem:$0x140];
	_ =	sdelay $0x4  }
0xd6: {  	v6 =	vshll.u32 v5, $0x1  }
0xd7: {  	v5 =	vand.u32 $0x7, v5;
	v6 =	vand.u32 $0xFFFFFFF0, v6  }
0xd8: {  	v5 =	vor.u32 v5, v6  }
0xd9: {  	v6 =	vperm.xlane v5, v0;
	_ =	sdelay $0x1  }
0xda: {  	v5 =	vperm.xlane v5, v3;
	v6 =	vadd.s32 v1, v6;
	_ =	sdelay $0x1  }
0xdb: {  	v5 =	vadd.s32 v1, v5;
	_ =	sdelay $0x1  }
0xdc: {  	s8 =	simm.s32 $0x10A00  }
0xdd: {  	[tilespmem:s8], [sflag:$0x2] =	stream.indirect_vreg.gather [hbm4b:s1+s5], $0x80, v6, vm0, $0xb8;
	[tilespmem:$0x1C600] =	vst v63  }
0xde: {  	s9 =	simm.s32 $0x11200  }
0xdf: {  	[tilespmem:s9], [sflag:$0x2] =	stream.indirect_vreg.gather [hbm4b:s1+s5], $0x80, v5, vm0, $0xb8;
	[tilespmem:$0x1C600] =	vst v63  }
0xe0: {  	v5 =	vld [tilespmem:$0x150];
	_ =	sdelay $0x4  }
0xe1: {  	v6 =	vshll.u32 v5, $0x1  }
0xe2: {  	v5 =	vand.u32 $0x7, v5;
	v6 =	vand.u32 $0xFFFFFFF0, v6  }
0xe3: {  	v5 =	vor.u32 v5, v6  }
0xe4: {  	v6 =	vperm.xlane v5, v0;
	_ =	sdelay $0x1  }
0xe5: {  	v5 =	vperm.xlane v5, v3;
	v6 =	vadd.s32 v1, v6;
	_ =	sdelay $0x1  }
0xe6: {  	v5 =	vadd.s32 v1, v5;
	_ =	sdelay $0x1  }
0xe7: {  	s12 =	simm.s32 $0x11A00  }
0xe8: {  	[tilespmem:s12], [sflag:$0x2] =	stream.indirect_vreg.gather [hbm4b:s1+s5], $0x80, v6, vm0, $0xb8;
	[tilespmem:$0x1C600] =	vst v63  }
0xe9: {  	s13 =	simm.s32 $0x12200  }
0xea: {  	[tilespmem:s13], [sflag:$0x2] =	stream.indirect_vreg.gather [hbm4b:s1+s5], $0x80, v5, vm0, $0xb8;
	[tilespmem:$0x1C600] =	vst v63  }
0xeb: {  	v5 =	vld [tilespmem:$0x160];
	_ =	sdelay $0x4  }
0xec: {  	v6 =	vshll.u32 v5, $0x1  }
0xed: {  	v5 =	vand.u32 $0x7, v5;
	v6 =	vand.u32 $0xFFFFFFF0, v6  }
0xee: {  	v5 =	vor.u32 v5, v6  }
0xef: {  	v6 =	vperm.xlane v5, v0;
	_ =	sdelay $0x1  }
0xf0: {  	v5 =	vperm.xlane v5, v3;
	v6 =	vadd.s32 v1, v6;
	_ =	sdelay $0x1  }
0xf1: {  	v5 =	vadd.s32 v1, v5;
	_ =	sdelay $0x1  }
0xf2: {  	s15 =	simm.s32 $0x12A00  }
0xf3: {  	[tilespmem:s15], [sflag:$0x2] =	stream.indirect_vreg.gather [hbm4b:s1+s5], $0x80, v6, vm0, $0xb8;
	[tilespmem:$0x1C600] =	vst v63  }
0xf4: {  	s3 =	simm.s32 $0x13200  }
0xf5: {  	[tilespmem:s3], [sflag:$0x2] =	stream.indirect_vreg.gather [hbm4b:s1+s5], $0x80, v5, vm0, $0xb8;
	[tilespmem:$0x1C600] =	vst v63  }
0xf6: {  	v5 =	vld [tilespmem:$0x170];
	_ =	sdelay $0x4  }
0xf7: {  	v6 =	vshll.u32 v5, $0x1  }
0xf8: {  	v5 =	vand.u32 $0x7, v5;
	v6 =	vand.u32 $0xFFFFFFF0, v6  }
0xf9: {  	v5 =	vor.u32 v5, v6  }
0xfa: {  	v6 =	vperm.xlane v5, v0;
	_ =	sdelay $0x1  }
0xfb: {  	v5 =	vperm.xlane v5, v3;
	v6 =	vadd.s32 v1, v6;
	_ =	sdelay $0x1  }
0xfc: {  	v5 =	vadd.s32 v1, v5;
	_ =	sdelay $0x1  }
0xfd: {  	s8 =	simm.s32 $0x13A00  }
0xfe: {  	[tilespmem:s8], [sflag:$0x2] =	stream.indirect_vreg.gather [hbm4b:s1+s5], $0x80, v6, vm0, $0xb8;
	[tilespmem:$0x1C600] =	vst v63  }
0xff: {  	s9 =	simm.s32 $0x14200  }
0x100: {  	[tilespmem:s9], [sflag:$0x2] =	stream.indirect_vreg.gather [hbm4b:s1+s5], $0x80, v5, vm0, $0xb8;
	[tilespmem:$0x1C600] =	vst v63  }
0x101: {  	v5 =	vld [tilespmem:$0x180];
	_ =	sdelay $0x4  }
0x102: {  	v6 =	vshll.u32 v5, $0x1  }
0x103: {  	v5 =	vand.u32 $0x7, v5;
	v6 =	vand.u32 $0xFFFFFFF0, v6  }
0x104: {  	v5 =	vor.u32 v5, v6  }
0x105: {  	v6 =	vperm.xlane v5, v0;
	_ =	sdelay $0x1  }
0x106: {  	v5 =	vperm.xlane v5, v3;
	v6 =	vadd.s32 v1, v6;
	_ =	sdelay $0x1  }
0x107: {  	v5 =	vadd.s32 v1, v5;
	_ =	sdelay $0x1  }
0x108: {  	s12 =	simm.s32 $0x14A00  }
0x109: {  	[tilespmem:s12], [sflag:$0x2] =	stream.indirect_vreg.gather [hbm4b:s1+s5], $0x80, v6, vm0, $0xb8;
	[tilespmem:$0x1C600] =	vst v63  }
0x10a: {  	s13 =	simm.s32 $0x15200  }
0x10b: {  	[tilespmem:s13], [sflag:$0x2] =	stream.indirect_vreg.gather [hbm4b:s1+s5], $0x80, v5, vm0, $0xb8;
	[tilespmem:$0x1C600] =	vst v63  }
0x10c: {  	v5 =	vld [tilespmem:$0x190];
	_ =	sdelay $0x4  }
0x10d: {  	v6 =	vshll.u32 v5, $0x1  }
0x10e: {  	v5 =	vand.u32 $0x7, v5;
	v6 =	vand.u32 $0xFFFFFFF0, v6  }
0x10f: {  	v5 =	vor.u32 v5, v6  }
0x110: {  	v6 =	vperm.xlane v5, v0;
	_ =	sdelay $0x1  }
0x111: {  	v5 =	vperm.xlane v5, v3;
	v6 =	vadd.s32 v1, v6;
	_ =	sdelay $0x1  }
0x112: {  	v5 =	vadd.s32 v1, v5;
	_ =	sdelay $0x2  }
0x113: {  	[tilespmem:s16], [sflag:$0x2] =	stream.indirect_vreg.gather [hbm4b:s1+s5], $0x80, v6, vm0, $0xb8;
	[tilespmem:$0x1C600] =	vst v63  }
0x114: {  	_ = 	snop  }
0x115: {  	[tilespmem:s17], [sflag:$0x2] =	stream.indirect_vreg.gather [hbm4b:s1+s5], $0x80, v5, vm0, $0xb8;
	[tilespmem:$0x1C600] =	vst v63  }
0x116: {  	v5 =	vld [tilespmem:$0x1A0];
	_ =	sdelay $0x4  }
0x117: {  	v6 =	vshll.u32 v5, $0x1  }
0x118: {  	v5 =	vand.u32 $0x7, v5;
	v6 =	vand.u32 $0xFFFFFFF0, v6  }
0x119: {  	v5 =	vor.u32 v5, v6  }
0x11a: {  	v6 =	vperm.xlane v5, v0;
	_ =	sdelay $0x1  }
0x11b: {  	v5 =	vperm.xlane v5, v3;
	v6 =	vadd.s32 v1, v6;
	_ =	sdelay $0x1  }
0x11c: {  	v5 =	vadd.s32 v1, v5;
	_ =	sdelay $0x2  }
0x11d: {  	[tilespmem:s2], [sflag:$0x2] =	stream.indirect_vreg.gather [hbm4b:s1+s5], $0x80, v6, vm0, $0xb8;
	[tilespmem:$0x1C600] =	vst v63  }
0x11e: {  	_ = 	snop  }
0x11f: {  	[tilespmem:s4], [sflag:$0x2] =	stream.indirect_vreg.gather [hbm4b:s1+s5], $0x80, v5, vm0, $0xb8;
	[tilespmem:$0x1C600] =	vst v63  }
0x120: {  	v5 =	vld [tilespmem:$0x1B0];
	_ =	sdelay $0x4  }
0x121: {  	v6 =	vshll.u32 v5, $0x1  }
0x122: {  	v5 =	vand.u32 $0x7, v5;
	v6 =	vand.u32 $0xFFFFFFF0, v6  }
0x123: {  	v5 =	vor.u32 v5, v6  }
0x124: {  	v6 =	vperm.xlane v5, v0;
	_ =	sdelay $0x1  }
0x125: {  	v5 =	vperm.xlane v5, v3;
	v6 =	vadd.s32 v1, v6;
	_ =	sdelay $0x1  }
0x126: {  	v5 =	vadd.s32 v1, v5;
	_ =	sdelay $0x2  }
0x127: {  	[tilespmem:s20], [sflag:$0x2] =	stream.indirect_vreg.gather [hbm4b:s1+s5], $0x80, v6, vm0, $0xb8;
	[tilespmem:$0x1C600] =	vst v63  }
0x128: {  	_ = 	snop  }
0x129: {  	[tilespmem:s21], [sflag:$0x2] =	stream.indirect_vreg.gather [hbm4b:s1+s5], $0x80, v5, vm0, $0xb8;
	[tilespmem:$0x1C600] =	vst v63  }
0x12a: {  	v5 =	vld.msk [tilespmem:$0x1C0], $0xff;
	_ =	sdelay $0x4  }
0x12b: {  	v6 =	vshll.u32 v5, $0x1  }
0x12c: {  	v5 =	vand.u32 $0x7, v5;
	v6 =	vand.u32 $0xFFFFFFF0, v6  }
0x12d: {  	v5 =	vor.u32 v5, v6  }
0x12e: {  	v5 =	vperm.xlane v5, v0;
	_ =	sdelay $0x1  }
0x12f: {  	v5 =	vadd.s32 v1, v5;
	_ =	sdelay $0x4  }
0x130: {  	[tilespmem:s22], [sflag:$0x2] =	stream.indirect_vreg.gather [hbm4b:s1+s5], $0x80, v5, vm0, $0xb8;
	[tilespmem:$0x1C600] =	vst v63  }
0x131: {  	_ =	swait.ge [sflag:s23], $0x8000  }
0x132: {  	[sflag:s23] =	ssyncset.done $0x0  }
0x133: {  	[sflag:s23] =	ssyncadd.s32 $0xFFFF8000  }
0x134: {  	_ =	swait.ge [sflag:s23], $0x4800  }
0x135: {  	[sflag:s23] =	ssyncset.done $0x0  }
0x136: {  	[sflag:s23] =	ssyncadd.s32 $0xFFFFB800  }
0x137: {  	v5 =	vld [tilespmem:$0x0]  }
0x138: {  	v6 =	vld [tilespmem:$0x10];
	_ =	sdelay $0x1  }
0x139: {  	v7 =	vld [tilespmem:$0x20];
	_ =	sdelay $0x1  }
0x13a: {  	v8 =	vld [tilespmem:$0x30]  }
0x13b: {  	vm1 =	veq.s32 v5, $0x0;
	vm2 =	veq.s32 v6, $0x0  }
0x13c: {  	v9 =	vld [tilespmem:$0x40];
	v5 =	vsel vm1, $0x3F800000, v2;
	v6 =	vsel vm2, $0x3F800000, v2  }
0x13d: {  	vm1 =	veq.s32 v7, $0x0;
	v5 =	vadd.f32 v6, v5  }
0x13e: {  	v7 =	vld [tilespmem:$0x50];
	v6 =	vsel vm1, $0x3F800000, v2  }
0x13f: {  	vm1 =	veq.s32 v8, $0x0;
	v5 =	vadd.f32 v6, v5  }
0x140: {  	v8 =	vld [tilespmem:$0x60];
	v6 =	vsel vm1, $0x3F800000, v2  }
0x141: {  	vm1 =	veq.s32 v9, $0x0;
	v5 =	vadd.f32 v6, v5  }
0x142: {  	v9 =	vld [tilespmem:$0x70];
	v6 =	vsel vm1, $0x3F800000, v2  }
0x143: {  	vm1 =	veq.s32 v7, $0x0;
	v5 =	vadd.f32 v6, v5  }
0x144: {  	v7 =	vld [tilespmem:$0x80];
	v6 =	vsel vm1, $0x3F800000, v2  }
0x145: {  	vm1 =	veq.s32 v8, $0x0;
	v5 =	vadd.f32 v6, v5  }
0x146: {  	v8 =	vld [tilespmem:$0x90];
	v6 =	vsel vm1, $0x3F800000, v2  }
0x147: {  	vm1 =	veq.s32 v9, $0x0;
	v5 =	vadd.f32 v6, v5  }
0x148: {  	v9 =	vld [tilespmem:$0xA0];
	v6 =	vsel vm1, $0x3F800000, v2  }
0x149: {  	vm1 =	veq.s32 v7, $0x0;
	v5 =	vadd.f32 v6, v5  }
0x14a: {  	v7 =	vld [tilespmem:$0xB0];
	v6 =	vsel vm1, $0x3F800000, v2  }
0x14b: {  	vm1 =	veq.s32 v8, $0x0;
	v5 =	vadd.f32 v6, v5  }
0x14c: {  	v8 =	vld [tilespmem:$0xC0];
	v6 =	vsel vm1, $0x3F800000, v2  }
0x14d: {  	vm1 =	veq.s32 v9, $0x0;
	v5 =	vadd.f32 v6, v5  }
0x14e: {  	v6 =	vsel vm1, $0x3F800000, v2  }
0x14f: {  	vm1 =	veq.s32 v7, $0x0;
	v5 =	vadd.f32 v6, v5  }
0x150: {  	v6 =	vsel vm1, $0x3F800000, v2  }
0x151: {  	p0 =	seq.s32 s31, $0x2F;
	s0 =	sshll.u32 s31, $0x1;
	vm1 =	veq.s32 v8, $0x0;
	v5 =	vadd.f32 v6, v5  }
0x152: {  	s3 =	sadd.s32 @!p0 s0, s10;
	v6 =	vnsel vm1, $0x0, v4  }
0x153: {  	s9 =	sshll.u32 s31, $0x8;
	s12 =	smul.u32 @!p0 $0x19, s3;
	v5 =	vadd.f32 v6, v5  }
0x154: {  	p1 =	seq.s32 @!p0 s31, $0x0;
	s3 =	sand.u32 $0x3FFFFF00, s9  }
0x155: {  	p1 =	por p0, !p1;
	s9 =	sadd.s32 @!p0 s6, s12;
	s12 =	simm.s32 @!p0 $0x0;
	[tilespmem:s3+$0x19600] =	vst v5  }
0x156: {  	[tilespmem:s12], [sflag:$0x3] =	stream.linear.gather @!p0 [hbm4b:s9+s12], $0xC8, $0x38;
	[tilespmem:$0x1C600] =	vst v63  }
0x157: {  	_ =	swait.ge @p1 [sflag:s29], $0x200  }
0x158: {  	[sflag:s29] =	ssyncset.done @p1 $0x0  }
0x159: {  	[sflag:s29] =	ssyncadd.s32 @p1 $0xFFFFFE00  }
0x15a: {  	s12 =	simm.s32 $0x0;
	_ =	swait.ge @p1 [sflag:s30], $0x200  }
0x15b: {  	s15 =	sand.u32 $0xF800, s12;
	s13 =	sand.u32 $0x300, s12;
	[sflag:s30] =	ssyncset.done @p1 $0x0  }
0x15c: {  	s9 =	sor.u32 s13, s15;
	[sflag:s30] =	ssyncadd.s32 @p1 $0xFFFFFE00  }
0x15d: {  	v9 =	vld [tilespmem:s9+$0x280]  }
0x15e: {  	v10 =	vld [tilespmem:s9+$0x290]  }
0x15f: {  	v13 =	vld [tilespmem:s9+$0x2A0]  }
0x160: {  	v14 =	vld [tilespmem:s9+$0x2B0]  }
0x161: {  	v16 =	vld [tilespmem:s9+$0x2C0]  }
0x162: {  	v17 =	vld [tilespmem:s9+$0x2D0]  }
0x163: {  	v23 =	vld [tilespmem:s9+$0x2E0]  }
0x164: {  	v20 =	vld [tilespmem:s9+$0x2F0]  }
0x165: {  	v15 =	vld [tilespmem:s9+$0x680]  }
0x166: {  	v12 =	vld [tilespmem:s9+$0x690]  }
0x167: {  	v8 =	vld [tilespmem:s9+$0x6A0]  }
0x168: {  	v5 =	vld [tilespmem:s9+$0x200]  }
0x169: {  	v6 =	vld [tilespmem:s9+$0x210]  }
0x16a: {  	v18 =	vld [tilespmem:s9+$0x220]  }
0x16b: {  	v19 =	vld [tilespmem:s9+$0x230]  }
0x16c: {  	v27 =	vld [tilespmem:s9+$0x260]  }
0x16d: {  	v28 =	vld [tilespmem:s9+$0x270]  }
0x16e: {  	v7 =	vld [tilespmem:s9+$0x6B0]  }
0x16f: {  	v11 =	vimm.f32 $0.0e+00;
	v22 =	vld [tilespmem:s9+$0x240]  }
0x170: {  	v26 =	vld [tilespmem:s9+$0x250];
	v21 =	vadd.f32 v5, v11;
	v24 =	vadd.f32 v6, v11  }
0x171: {  	v31 =	vld [tilespmem:s9+$0x600];
	v18 =	vadd.f32 v18, v11;
	v19 =	vadd.f32 v19, v11  }
0x172: {  	v32 =	vld [tilespmem:s9+$0x610];
	v34 =	vadd.f32 v27, v11;
	v33 =	vadd.f32 v28, v11  }
0x173: {  	v29 =	vld [tilespmem:s9+$0x620];
	v25 =	vadd.f32 v9, v21;
	v24 =	vadd.f32 v10, v24  }
0x174: {  	v30 =	vld [tilespmem:s9+$0x630];
	v21 =	vadd.f32 v13, v18;
	v19 =	vadd.f32 v14, v19  }
0x175: {  	v6 =	vld [tilespmem:s9+$0x6C0];
	v9 =	vadd.f32 v22, v11;
	v10 =	vadd.f32 v26, v11  }
0x176: {  	v5 =	vld [tilespmem:s9+$0x6D0];
	v18 =	vimm.f32 $0.0e+00;
	v14 =	vimm.f32 $0.0e+00;
	v13 =	vimm.f32 $0.0e+00  }
0x177: {  	v27 =	vld [tilespmem:s9+$0x640];
	v26 =	vadd.f32 v16, v9;
	v22 =	vadd.f32 v17, v10;
	v17 =	vimm.f32 $0.0e+00  }
0x178: {  	s13 =	simm.s32 $0x100;
	v28 =	vld [tilespmem:s9+$0x650];
	v16 =	vimm.f32 $0.0e+00;
	v10 =	vimm.f32 $0.0e+00;
	v9 =	vimm.f32 $0.0e+00  }
.LBB2_3:
0x179: {  	p1 =	sne.s32 s13, $0x6300;
	v35 =	vld [tilespmem:s9+$0x660];
	v34 =	vadd.f32 v23, v34;
	v33 =	vadd.f32 v20, v33  }
0x17a: {  	v11 =	vadd.f32 v31, v11;
	v18 =	vadd.f32 v32, v18;
	s12 =	sadd.s32 $0x200, s12;
	v20 =	vld [tilespmem:s9+$0x670]  }
0x17b: {  	s15 =	sand.u32 $0x300, s13;
	s8 =	sand.u32 $0xF800, s12;
	v17 =	vadd.f32 v29, v17;
	v16 =	vadd.f32 v30, v16;
	v23 =	vld [tilespmem:s9+$0x6E0]  }
0x17c: {  	v11 =	vadd.f32 v15, v11;
	v18 =	vadd.f32 v12, v18;
	v12 =	vld [tilespmem:s9+$0x6F0];
	s9 =	sor.u32 s15, s8  }
0x17d: {  	v17 =	vadd.f32 v8, v17;
	v29 =	vld [tilespmem:s9+$0x280];
	v16 =	vadd.f32 v7, v16  }
0x17e: {  	v7 =	vadd.f32 v27, v14;
	v8 =	vadd.f32 v28, v13;
	v30 =	vld [tilespmem:s9+$0x290]  }
0x17f: {  	v10 =	vadd.f32 v35, v10;
	v27 =	vld [tilespmem:s9+$0x2A0];
	v9 =	vadd.f32 v20, v9  }
0x180: {  	v14 =	vadd.f32 v6, v7;
	v13 =	vadd.f32 v5, v8;
	v28 =	vld [tilespmem:s9+$0x2B0]  }
0x181: {  	v10 =	vadd.f32 v23, v10;
	v35 =	vld [tilespmem:s9+$0x2C0];
	v9 =	vadd.f32 v12, v9  }
0x182: {  	v36 =	vld [tilespmem:s9+$0x2D0]  }
0x183: {  	v23 =	vld [tilespmem:s9+$0x2E0]  }
0x184: {  	v20 =	vld [tilespmem:s9+$0x2F0]  }
0x185: {  	v15 =	vld [tilespmem:s9+$0x680]  }
0x186: {  	v12 =	vld [tilespmem:s9+$0x690]  }
0x187: {  	v8 =	vld [tilespmem:s9+$0x6A0]  }
0x188: {  	v7 =	vld [tilespmem:s9+$0x6B0]  }
0x189: {  	v6 =	vld [tilespmem:s9+$0x6C0]  }
0x18a: {  	v5 =	vld [tilespmem:s9+$0x6D0]  }
0x18b: {  	v31 =	vld [tilespmem:s9+$0x200]  }
0x18c: {  	v32 =	vld [tilespmem:s9+$0x210]  }
0x18d: {  	v37 =	vld [tilespmem:s9+$0x220]  }
0x18e: {  	v38 =	vld [tilespmem:s9+$0x230]  }
0x18f: {  	v39 =	vld [tilespmem:s9+$0x240]  }
0x190: {  	v40 =	vld [tilespmem:s9+$0x250]  }
0x191: {  	v41 =	vld [tilespmem:s9+$0x260]  }
0x192: {  	v25 =	vadd.f32 v31, v25;
	v24 =	vadd.f32 v32, v24;
	v42 =	vld [tilespmem:s9+$0x270]  }
0x193: {  	v21 =	vadd.f32 v37, v21;
	v19 =	vadd.f32 v38, v19;
	v31 =	vld [tilespmem:s9+$0x600]  }
.Ltmp0:
0x194: {  	v25 =	vadd.f32 v29, v25;
	v24 =	vadd.f32 v30, v24;
	v32 =	vld [tilespmem:s9+$0x610];
	(pc) =	sbr.rel @p1 .LBB2_3-.Ltmp0, $4  }
0x195: {  	v21 =	vadd.f32 v27, v21;
	v29 =	vld [tilespmem:s9+$0x620];
	v19 =	vadd.f32 v28, v19  }
0x196: {  	v26 =	vadd.f32 v39, v26;
	v22 =	vadd.f32 v40, v22;
	v30 =	vld [tilespmem:s9+$0x630]  }
0x197: {  	v34 =	vadd.f32 v41, v34;
	v33 =	vadd.f32 v42, v33;
	v27 =	vld [tilespmem:s9+$0x640]  }
0x198: {  	s13 =	sadd.s32 $0x100, s13;
	v26 =	vadd.f32 v35, v26;
	v22 =	vadd.f32 v36, v22;
	v28 =	vld [tilespmem:s9+$0x650]  }
0x199: {  	v35 =	vld [tilespmem:s9+$0x660]  }
0x19a: {  	v36 =	vld [tilespmem:s9+$0x670]  }
0x19b: {  	v37 =	vld [tilespmem:s9+$0x6E0]  }
0x19c: {  	v38 =	vld [tilespmem:s9+$0x6F0];
	[tilespmem:$0x19200] =	vst v25  }
0x19d: {  	[tilespmem:$0x19210] =	vst v24  }
0x19e: {  	[tilespmem:$0x19220] =	vst v21  }
0x19f: {  	[tilespmem:$0x19230] =	vst v19  }
0x1a0: {  	v39 =	vmul.f32 $4.999999890e-03, v25;
	[tilespmem:$0x19240] =	vst v26  }
0x1a1: {  	v47 =	vmul.f32 $4.999999890e-03, v24;
	[tilespmem:$0x19250] =	vst v22  }
0x1a2: {  	v48 =	vmul.f32 $4.999999890e-03, v21;
	[tilespmem:$0x19400] =	vst v39  }
0x1a3: {  	v49 =	vmul.f32 $4.999999890e-03, v19;
	[tilespmem:$0x19410] =	vst v47  }
0x1a4: {  	v51 =	vadd.f32 v23, v34;
	[tilespmem:$0x19420] =	vst v48  }
0x1a5: {  	v20 =	vadd.f32 v20, v33;
	[tilespmem:$0x19430] =	vst v49  }
0x1a6: {  	v50 =	vmul.f32 $4.999999890e-03, v26;
	[tilespmem:$0x19260] =	vst v51  }
0x1a7: {  	v52 =	vmul.f32 $4.999999890e-03, v22;
	[tilespmem:$0x19270] =	vst v20  }
0x1a8: {  	v11 =	vadd.f32 v31, v11;
	v53 =	vmul.f32 $4.999999890e-03, v51;
	[tilespmem:$0x19440] =	vst v50  }
0x1a9: {  	v18 =	vadd.f32 v32, v18;
	v54 =	vmul.f32 $4.999999890e-03, v20;
	[tilespmem:$0x19450] =	vst v52  }
0x1aa: {  	v17 =	vadd.f32 v29, v17;
	v11 =	vadd.f32 v15, v11;
	[tilespmem:$0x19460] =	vst v53  }
0x1ab: {  	v12 =	vadd.f32 v12, v18;
	[tilespmem:$0x19470] =	vst v54  }
0x1ac: {  	v8 =	vadd.f32 v8, v17;
	[tilespmem:$0x19300] =	vst v11  }
0x1ad: {  	v56 =	vadd.f32 v30, v16;
	v55 =	vmul.f32 $4.999999890e-03, v11;
	[tilespmem:$0x19310] =	vst v12  }
0x1ae: {  	v57 =	vmul.f32 $4.999999890e-03, v12;
	[tilespmem:$0x19320] =	vst v8  }
0x1af: {  	v58 =	vadd.f32 v27, v14;
	v7 =	vadd.f32 v7, v56;
	[tilespmem:$0x19500] =	vst v55  }
0x1b0: {  	v59 =	vmul.f32 $4.999999890e-03, v8;
	[tilespmem:$0x19510] =	vst v57  }
0x1b1: {  	v60 =	vadd.f32 v28, v13;
	v6 =	vadd.f32 v6, v58;
	[tilespmem:$0x19330] =	vst v7  }
0x1b2: {  	v61 =	vmul.f32 $4.999999890e-03, v7;
	[tilespmem:$0x19520] =	vst v59  }
0x1b3: {  	v7 =	vadd.f32 v35, v10;
	v5 =	vadd.f32 v5, v60;
	[tilespmem:$0x19340] =	vst v6  }
0x1b4: {  	v62 =	vmul.f32 $4.999999890e-03, v6;
	[tilespmem:$0x19530] =	vst v61  }
0x1b5: {  	v6 =	vadd.f32 v36, v9;
	v7 =	vadd.f32 v37, v7;
	v63 =	vmul.f32 $4.999999890e-03, v5;
	[tilespmem:$0x19350] =	vst v5  }
0x1b6: {  	[tilespmem:$0x19540] =	vst v62  }
.Ltmp1:
0x1b7: {  	v5 =	vadd.f32 v38, v6;
	[tilespmem:$0x19550] =	vst v63;
	v6 =	vmul.f32 $4.999999890e-03, v7;
	(pc) =	sbr.rel @p0 .LBB2_6-.Ltmp1, $4  }
0x1b8: {  	[tilespmem:$0x19360] =	vst v7  }
0x1b9: {  	[tilespmem:$0x19560] =	vst v6;
	v6 =	vmul.f32 $4.999999890e-03, v5  }
0x1ba: {  	[tilespmem:$0x19370] =	vst v5  }
0x1bb: {  	[tilespmem:$0x19570] =	vst v6  }
0x1bc: {  	_ =	swait.ge [sflag:s14], $0xC8  }
0x1bd: {  	[sflag:s14] =	ssyncset.done $0x0  }
0x1be: {  	[sflag:s14] =	ssyncadd.s32 $0xFFFFFF38  }
0x1bf: {  	v5 =	vld [tilespmem:$0x0];
	_ =	sdelay $0x4  }
0x1c0: {  	v6 =	vshll.u32 v5, $0x1  }
0x1c1: {  	v5 =	vand.u32 $0x7, v5;
	v6 =	vand.u32 $0xFFFFFFF0, v6  }
0x1c2: {  	v5 =	vor.u32 v5, v6  }
0x1c3: {  	v6 =	vperm.xlane v5, v0;
	_ =	sdelay $0x1  }
0x1c4: {  	v5 =	vperm.xlane v5, v3;
	v6 =	vadd.s32 v1, v6;
	_ =	sdelay $0x1  }
0x1c5: {  	v5 =	vadd.s32 v1, v5;
	_ =	sdelay $0x1  }
0x1c6: {  	s8 =	simm.s32 $0x200  }
0x1c7: {  	[tilespmem:s8], [sflag:$0x1] =	stream.indirect_vreg.gather [hbm4b:s1+s5], $0x80, v6, vm0, $0xb8;
	[tilespmem:$0x1C600] =	vst v63  }
0x1c8: {  	s9 =	simm.s32 $0xA00  }
0x1c9: {  	[tilespmem:s9], [sflag:$0x1] =	stream.indirect_vreg.gather [hbm4b:s1+s5], $0x80, v5, vm0, $0xb8;
	[tilespmem:$0x1C600] =	vst v63  }
0x1ca: {  	v5 =	vld [tilespmem:$0x10];
	_ =	sdelay $0x4  }
0x1cb: {  	v6 =	vshll.u32 v5, $0x1  }
0x1cc: {  	v5 =	vand.u32 $0x7, v5;
	v6 =	vand.u32 $0xFFFFFFF0, v6  }
0x1cd: {  	v5 =	vor.u32 v5, v6  }
0x1ce: {  	v6 =	vperm.xlane v5, v0;
	_ =	sdelay $0x1  }
0x1cf: {  	v5 =	vperm.xlane v5, v3;
	v6 =	vadd.s32 v1, v6;
	_ =	sdelay $0x1  }
0x1d0: {  	v5 =	vadd.s32 v1, v5;
	_ =	sdelay $0x1  }
0x1d1: {  	s12 =	simm.s32 $0x1200  }
0x1d2: {  	[tilespmem:s12], [sflag:$0x1] =	stream.indirect_vreg.gather [hbm4b:s1+s5], $0x80, v6, vm0, $0xb8;
	[tilespmem:$0x1C600] =	vst v63  }
0x1d3: {  	s13 =	simm.s32 $0x1A00  }
0x1d4: {  	[tilespmem:s13], [sflag:$0x1] =	stream.indirect_vreg.gather [hbm4b:s1+s5], $0x80, v5, vm0, $0xb8;
	[tilespmem:$0x1C600] =	vst v63  }
0x1d5: {  	v5 =	vld [tilespmem:$0x20];
	_ =	sdelay $0x4  }
0x1d6: {  	v6 =	vshll.u32 v5, $0x1  }
0x1d7: {  	v5 =	vand.u32 $0x7, v5;
	v6 =	vand.u32 $0xFFFFFFF0, v6  }
0x1d8: {  	v5 =	vor.u32 v5, v6  }
0x1d9: {  	v6 =	vperm.xlane v5, v0;
	_ =	sdelay $0x1  }
0x1da: {  	v5 =	vperm.xlane v5, v3;
	v6 =	vadd.s32 v1, v6;
	_ =	sdelay $0x1  }
0x1db: {  	v5 =	vadd.s32 v1, v5;
	_ =	sdelay $0x1  }
0x1dc: {  	s15 =	simm.s32 $0x2200  }
0x1dd: {  	[tilespmem:s15], [sflag:$0x1] =	stream.indirect_vreg.gather [hbm4b:s1+s5], $0x80, v6, vm0, $0xb8;
	[tilespmem:$0x1C600] =	vst v63  }
0x1de: {  	s9 =	simm.s32 $0x2A00  }
0x1df: {  	[tilespmem:s9], [sflag:$0x1] =	stream.indirect_vreg.gather [hbm4b:s1+s5], $0x80, v5, vm0, $0xb8;
	[tilespmem:$0x1C600] =	vst v63  }
0x1e0: {  	v5 =	vld [tilespmem:$0x30];
	_ =	sdelay $0x4  }
0x1e1: {  	v6 =	vshll.u32 v5, $0x1  }
0x1e2: {  	v5 =	vand.u32 $0x7, v5;
	v6 =	vand.u32 $0xFFFFFFF0, v6  }
0x1e3: {  	v5 =	vor.u32 v5, v6  }
0x1e4: {  	v6 =	vperm.xlane v5, v0;
	_ =	sdelay $0x1  }
0x1e5: {  	v5 =	vperm.xlane v5, v3;
	v6 =	vadd.s32 v1, v6;
	_ =	sdelay $0x1  }
0x1e6: {  	v5 =	vadd.s32 v1, v5;
	_ =	sdelay $0x1  }
0x1e7: {  	s12 =	simm.s32 $0x3200  }
0x1e8: {  	[tilespmem:s12], [sflag:$0x1] =	stream.indirect_vreg.gather [hbm4b:s1+s5], $0x80, v6, vm0, $0xb8;
	[tilespmem:$0x1C600] =	vst v63  }
0x1e9: {  	s13 =	simm.s32 $0x3A00  }
0x1ea: {  	[tilespmem:s13], [sflag:$0x1] =	stream.indirect_vreg.gather [hbm4b:s1+s5], $0x80, v5, vm0, $0xb8;
	[tilespmem:$0x1C600] =	vst v63  }
0x1eb: {  	v5 =	vld [tilespmem:$0x40];
	_ =	sdelay $0x4  }
0x1ec: {  	v6 =	vshll.u32 v5, $0x1  }
0x1ed: {  	v5 =	vand.u32 $0x7, v5;
	v6 =	vand.u32 $0xFFFFFFF0, v6  }
0x1ee: {  	v5 =	vor.u32 v5, v6  }
0x1ef: {  	v6 =	vperm.xlane v5, v0;
	_ =	sdelay $0x1  }
0x1f0: {  	v5 =	vperm.xlane v5, v3;
	v6 =	vadd.s32 v1, v6;
	_ =	sdelay $0x1  }
0x1f1: {  	v5 =	vadd.s32 v1, v5;
	_ =	sdelay $0x1  }
0x1f2: {  	s15 =	simm.s32 $0x4200  }
0x1f3: {  	[tilespmem:s15], [sflag:$0x1] =	stream.indirect_vreg.gather [hbm4b:s1+s5], $0x80, v6, vm0, $0xb8;
	[tilespmem:$0x1C600] =	vst v63  }
0x1f4: {  	s9 =	simm.s32 $0x4A00  }
0x1f5: {  	[tilespmem:s9], [sflag:$0x1] =	stream.indirect_vreg.gather [hbm4b:s1+s5], $0x80, v5, vm0, $0xb8;
	[tilespmem:$0x1C600] =	vst v63  }
0x1f6: {  	v5 =	vld [tilespmem:$0x50];
	_ =	sdelay $0x4  }
0x1f7: {  	v6 =	vshll.u32 v5, $0x1  }
0x1f8: {  	v5 =	vand.u32 $0x7, v5;
	v6 =	vand.u32 $0xFFFFFFF0, v6  }
0x1f9: {  	v5 =	vor.u32 v5, v6  }
0x1fa: {  	v6 =	vperm.xlane v5, v0;
	_ =	sdelay $0x1  }
0x1fb: {  	v5 =	vperm.xlane v5, v3;
	v6 =	vadd.s32 v1, v6;
	_ =	sdelay $0x1  }
0x1fc: {  	v5 =	vadd.s32 v1, v5;
	_ =	sdelay $0x1  }
0x1fd: {  	s12 =	simm.s32 $0x5200  }
0x1fe: {  	[tilespmem:s12], [sflag:$0x1] =	stream.indirect_vreg.gather [hbm4b:s1+s5], $0x80, v6, vm0, $0xb8;
	[tilespmem:$0x1C600] =	vst v63  }
0x1ff: {  	s13 =	simm.s32 $0x5A00  }
0x200: {  	[tilespmem:s13], [sflag:$0x1] =	stream.indirect_vreg.gather [hbm4b:s1+s5], $0x80, v5, vm0, $0xb8;
	[tilespmem:$0x1C600] =	vst v63  }
0x201: {  	v5 =	vld [tilespmem:$0x60];
	_ =	sdelay $0x4  }
0x202: {  	v6 =	vshll.u32 v5, $0x1  }
0x203: {  	v5 =	vand.u32 $0x7, v5;
	v6 =	vand.u32 $0xFFFFFFF0, v6  }
0x204: {  	v5 =	vor.u32 v5, v6  }
0x205: {  	v6 =	vperm.xlane v5, v0;
	_ =	sdelay $0x1  }
0x206: {  	v5 =	vperm.xlane v5, v3;
	v6 =	vadd.s32 v1, v6;
	_ =	sdelay $0x1  }
0x207: {  	v5 =	vadd.s32 v1, v5;
	_ =	sdelay $0x1  }
0x208: {  	s15 =	simm.s32 $0x6200  }
0x209: {  	[tilespmem:s15], [sflag:$0x1] =	stream.indirect_vreg.gather [hbm4b:s1+s5], $0x80, v6, vm0, $0xb8;
	[tilespmem:$0x1C600] =	vst v63  }
0x20a: {  	s9 =	simm.s32 $0x6A00  }
0x20b: {  	[tilespmem:s9], [sflag:$0x1] =	stream.indirect_vreg.gather [hbm4b:s1+s5], $0x80, v5, vm0, $0xb8;
	[tilespmem:$0x1C600] =	vst v63  }
0x20c: {  	v5 =	vld [tilespmem:$0x70];
	_ =	sdelay $0x4  }
0x20d: {  	v6 =	vshll.u32 v5, $0x1  }
0x20e: {  	v5 =	vand.u32 $0x7, v5;
	v6 =	vand.u32 $0xFFFFFFF0, v6  }
0x20f: {  	v5 =	vor.u32 v5, v6  }
0x210: {  	v6 =	vperm.xlane v5, v0;
	_ =	sdelay $0x1  }
0x211: {  	v5 =	vperm.xlane v5, v3;
	v6 =	vadd.s32 v1, v6;
	_ =	sdelay $0x1  }
0x212: {  	v5 =	vadd.s32 v1, v5;
	_ =	sdelay $0x1  }
0x213: {  	s12 =	simm.s32 $0x7200  }
0x214: {  	[tilespmem:s12], [sflag:$0x1] =	stream.indirect_vreg.gather [hbm4b:s1+s5], $0x80, v6, vm0, $0xb8;
	[tilespmem:$0x1C600] =	vst v63  }
0x215: {  	s13 =	simm.s32 $0x7A00  }
0x216: {  	[tilespmem:s13], [sflag:$0x1] =	stream.indirect_vreg.gather [hbm4b:s1+s5], $0x80, v5, vm0, $0xb8;
	[tilespmem:$0x1C600] =	vst v63  }
0x217: {  	v5 =	vld [tilespmem:$0x80];
	_ =	sdelay $0x4  }
0x218: {  	v6 =	vshll.u32 v5, $0x1  }
0x219: {  	v5 =	vand.u32 $0x7, v5;
	v6 =	vand.u32 $0xFFFFFFF0, v6  }
0x21a: {  	v5 =	vor.u32 v5, v6  }
0x21b: {  	v6 =	vperm.xlane v5, v0;
	_ =	sdelay $0x1  }
0x21c: {  	v5 =	vperm.xlane v5, v3;
	v6 =	vadd.s32 v1, v6;
	_ =	sdelay $0x1  }
0x21d: {  	v5 =	vadd.s32 v1, v5;
	_ =	sdelay $0x1  }
0x21e: {  	s15 =	simm.s32 $0x8200  }
0x21f: {  	[tilespmem:s15], [sflag:$0x1] =	stream.indirect_vreg.gather [hbm4b:s1+s5], $0x80, v6, vm0, $0xb8;
	[tilespmem:$0x1C600] =	vst v63  }
0x220: {  	s9 =	simm.s32 $0x8A00  }
0x221: {  	[tilespmem:s9], [sflag:$0x1] =	stream.indirect_vreg.gather [hbm4b:s1+s5], $0x80, v5, vm0, $0xb8;
	[tilespmem:$0x1C600] =	vst v63  }
0x222: {  	v5 =	vld [tilespmem:$0x90];
	_ =	sdelay $0x4  }
0x223: {  	v6 =	vshll.u32 v5, $0x1  }
0x224: {  	v5 =	vand.u32 $0x7, v5;
	v6 =	vand.u32 $0xFFFFFFF0, v6  }
0x225: {  	v5 =	vor.u32 v5, v6  }
0x226: {  	v6 =	vperm.xlane v5, v0;
	_ =	sdelay $0x1  }
0x227: {  	v5 =	vperm.xlane v5, v3;
	v6 =	vadd.s32 v1, v6;
	_ =	sdelay $0x1  }
0x228: {  	v5 =	vadd.s32 v1, v5;
	_ =	sdelay $0x1  }
0x229: {  	s12 =	simm.s32 $0x9200  }
0x22a: {  	[tilespmem:s12], [sflag:$0x1] =	stream.indirect_vreg.gather [hbm4b:s1+s5], $0x80, v6, vm0, $0xb8;
	[tilespmem:$0x1C600] =	vst v63  }
0x22b: {  	s13 =	simm.s32 $0x9A00  }
0x22c: {  	[tilespmem:s13], [sflag:$0x1] =	stream.indirect_vreg.gather [hbm4b:s1+s5], $0x80, v5, vm0, $0xb8;
	[tilespmem:$0x1C600] =	vst v63  }
0x22d: {  	v5 =	vld [tilespmem:$0xA0];
	_ =	sdelay $0x4  }
0x22e: {  	v6 =	vshll.u32 v5, $0x1  }
0x22f: {  	v5 =	vand.u32 $0x7, v5;
	v6 =	vand.u32 $0xFFFFFFF0, v6  }
0x230: {  	v5 =	vor.u32 v5, v6  }
0x231: {  	v6 =	vperm.xlane v5, v0;
	_ =	sdelay $0x1  }
0x232: {  	v5 =	vperm.xlane v5, v3;
	v6 =	vadd.s32 v1, v6;
	_ =	sdelay $0x1  }
0x233: {  	v5 =	vadd.s32 v1, v5;
	_ =	sdelay $0x1  }
0x234: {  	s15 =	simm.s32 $0xA200  }
0x235: {  	[tilespmem:s15], [sflag:$0x1] =	stream.indirect_vreg.gather [hbm4b:s1+s5], $0x80, v6, vm0, $0xb8;
	[tilespmem:$0x1C600] =	vst v63  }
0x236: {  	s9 =	simm.s32 $0xAA00  }
0x237: {  	[tilespmem:s9], [sflag:$0x1] =	stream.indirect_vreg.gather [hbm4b:s1+s5], $0x80, v5, vm0, $0xb8;
	[tilespmem:$0x1C600] =	vst v63  }
0x238: {  	v5 =	vld [tilespmem:$0xB0];
	_ =	sdelay $0x4  }
0x239: {  	v6 =	vshll.u32 v5, $0x1  }
0x23a: {  	v5 =	vand.u32 $0x7, v5;
	v6 =	vand.u32 $0xFFFFFFF0, v6  }
0x23b: {  	v5 =	vor.u32 v5, v6  }
0x23c: {  	v6 =	vperm.xlane v5, v0;
	_ =	sdelay $0x1  }
0x23d: {  	v5 =	vperm.xlane v5, v3;
	v6 =	vadd.s32 v1, v6;
	_ =	sdelay $0x1  }
0x23e: {  	v5 =	vadd.s32 v1, v5;
	_ =	sdelay $0x1  }
0x23f: {  	s12 =	simm.s32 $0xB200  }
0x240: {  	[tilespmem:s12], [sflag:$0x1] =	stream.indirect_vreg.gather [hbm4b:s1+s5], $0x80, v6, vm0, $0xb8;
	[tilespmem:$0x1C600] =	vst v63  }
0x241: {  	s13 =	simm.s32 $0xBA00  }
0x242: {  	[tilespmem:s13], [sflag:$0x1] =	stream.indirect_vreg.gather [hbm4b:s1+s5], $0x80, v5, vm0, $0xb8;
	[tilespmem:$0x1C600] =	vst v63  }
0x243: {  	v5 =	vld.msk [tilespmem:$0xC0], $0xff;
	_ =	sdelay $0x4  }
0x244: {  	v6 =	vshll.u32 v5, $0x1  }
0x245: {  	v5 =	vand.u32 $0x7, v5;
	v6 =	vand.u32 $0xFFFFFFF0, v6  }
0x246: {  	v5 =	vor.u32 v5, v6  }
0x247: {  	v5 =	vperm.xlane v5, v0;
	_ =	sdelay $0x1  }
0x248: {  	v5 =	vadd.s32 v1, v5;
	_ =	sdelay $0x3  }
0x249: {  	s15 =	simm.s32 $0xC200  }
0x24a: {  	[tilespmem:s15], [sflag:$0x1] =	stream.indirect_vreg.gather [hbm4b:s1+s5], $0x80, v5, vm0, $0xb8;
	[tilespmem:$0x1C600] =	vst v63  }
.LBB2_6:
0x24b: {  	_ =	swait.ge [sflag:s24], $0x8000  }
0x24c: {  	[sflag:s24] =	ssyncset.done $0x0  }
0x24d: {  	[sflag:s24] =	ssyncadd.s32 $0xFFFF8000  }
0x24e: {  	_ =	swait.ge [sflag:s24], $0x4800  }
0x24f: {  	[sflag:s24] =	ssyncset.done $0x0  }
0x250: {  	[sflag:s24] =	ssyncadd.s32 $0xFFFFB800  }
0x251: {  	v5 =	vld [tilespmem:$0x100]  }
0x252: {  	v6 =	vld [tilespmem:$0x110];
	_ =	sdelay $0x1  }
0x253: {  	v7 =	vld [tilespmem:$0x120];
	_ =	sdelay $0x1  }
0x254: {  	v8 =	vld [tilespmem:$0x130]  }
0x255: {  	vm1 =	veq.s32 v5, $0x0;
	vm2 =	veq.s32 v6, $0x0  }
0x256: {  	v9 =	vld [tilespmem:$0x140];
	v5 =	vsel vm1, $0x3F800000, v2;
	v6 =	vsel vm2, $0x3F800000, v2  }
0x257: {  	vm1 =	veq.s32 v7, $0x0;
	v5 =	vadd.f32 v6, v5  }
0x258: {  	v7 =	vld [tilespmem:$0x150];
	v6 =	vsel vm1, $0x3F800000, v2  }
0x259: {  	vm1 =	veq.s32 v8, $0x0;
	v5 =	vadd.f32 v6, v5  }
0x25a: {  	v8 =	vld [tilespmem:$0x160];
	v6 =	vsel vm1, $0x3F800000, v2  }
0x25b: {  	vm1 =	veq.s32 v9, $0x0;
	v5 =	vadd.f32 v6, v5  }
0x25c: {  	v9 =	vld [tilespmem:$0x170];
	v6 =	vsel vm1, $0x3F800000, v2  }
0x25d: {  	vm1 =	veq.s32 v7, $0x0;
	v5 =	vadd.f32 v6, v5  }
0x25e: {  	v7 =	vld [tilespmem:$0x180];
	v6 =	vsel vm1, $0x3F800000, v2  }
0x25f: {  	vm1 =	veq.s32 v8, $0x0;
	v5 =	vadd.f32 v6, v5  }
0x260: {  	v8 =	vld [tilespmem:$0x190];
	v6 =	vsel vm1, $0x3F800000, v2  }
0x261: {  	vm1 =	veq.s32 v9, $0x0;
	v5 =	vadd.f32 v6, v5  }
0x262: {  	v9 =	vld [tilespmem:$0x1A0];
	v6 =	vsel vm1, $0x3F800000, v2  }
0x263: {  	vm1 =	veq.s32 v7, $0x0;
	v5 =	vadd.f32 v6, v5  }
0x264: {  	v7 =	vld [tilespmem:$0x1B0];
	v6 =	vsel vm1, $0x3F800000, v2  }
0x265: {  	vm1 =	veq.s32 v8, $0x0;
	v5 =	vadd.f32 v6, v5  }
0x266: {  	v8 =	vld [tilespmem:$0x1C0];
	v6 =	vsel vm1, $0x3F800000, v2  }
0x267: {  	vm1 =	veq.s32 v9, $0x0;
	v5 =	vadd.f32 v6, v5  }
0x268: {  	v6 =	vsel vm1, $0x3F800000, v2  }
0x269: {  	vm1 =	veq.s32 v7, $0x0;
	v5 =	vadd.f32 v6, v5  }
0x26a: {  	v6 =	vsel vm1, $0x3F800000, v2  }
0x26b: {  	vm1 =	veq.s32 v8, $0x0;
	v5 =	vadd.f32 v6, v5  }
0x26c: {  	s8 =	sadd.s32 @!p0 s0, s11;
	v6 =	vnsel vm1, $0x0, v4  }
0x26d: {  	s8 =	smul.u32 @!p0 $0x19, s8;
	v5 =	vadd.f32 v6, v5;
	_ =	sdelay $0x1  }
0x26e: {  	s9 =	simm.s32 @!p0 $0x100;
	[tilespmem:s3+$0x19680] =	vst v5;
	s3 =	sadd.s32 @!p0 s6, s8;
	s8 =	simm.s32 @!p0 $0x0  }
0x26f: {  	[tilespmem:s9], [sflag:$0x4] =	stream.linear.gather @!p0 [hbm4b:s3+s8], $0xC8, $0x38;
	[tilespmem:$0x1C600] =	vst v63  }
0x270: {  	s9 =	simm.s32 $0x0  }
0x271: {  	s13 =	sand.u32 $0xF800, s9;
	s15 =	sand.u32 $0x300, s9  }
0x272: {  	s3 =	sor.u32 s15, s13  }
0x273: {  	v9 =	vld [tilespmem:s3+$0xCA80]  }
0x274: {  	v10 =	vld [tilespmem:s3+$0xCA90]  }
0x275: {  	v13 =	vld [tilespmem:s3+$0xCAA0]  }
0x276: {  	v14 =	vld [tilespmem:s3+$0xCAB0]  }
0x277: {  	v16 =	vld [tilespmem:s3+$0xCAC0]  }
0x278: {  	v17 =	vld [tilespmem:s3+$0xCAD0]  }
0x279: {  	v23 =	vld [tilespmem:s3+$0xCAE0]  }
0x27a: {  	v20 =	vld [tilespmem:s3+$0xCAF0]  }
0x27b: {  	v15 =	vld [tilespmem:s3+$0xCE80]  }
0x27c: {  	v12 =	vld [tilespmem:s3+$0xCE90]  }
0x27d: {  	v8 =	vld [tilespmem:s3+$0xCEA0]  }
0x27e: {  	v5 =	vld [tilespmem:s3+$0xCA00]  }
0x27f: {  	v6 =	vld [tilespmem:s3+$0xCA10]  }
0x280: {  	v18 =	vld [tilespmem:s3+$0xCA20]  }
0x281: {  	v19 =	vld [tilespmem:s3+$0xCA30]  }
0x282: {  	v27 =	vld [tilespmem:s3+$0xCA60]  }
0x283: {  	v28 =	vld [tilespmem:s3+$0xCA70]  }
0x284: {  	v7 =	vld [tilespmem:s3+$0xCEB0]  }
0x285: {  	v11 =	vimm.f32 $0.0e+00;
	v22 =	vld [tilespmem:s3+$0xCA40]  }
0x286: {  	v26 =	vld [tilespmem:s3+$0xCA50];
	v21 =	vadd.f32 v5, v11;
	v24 =	vadd.f32 v6, v11  }
0x287: {  	v31 =	vld [tilespmem:s3+$0xCE00];
	v18 =	vadd.f32 v18, v11;
	v19 =	vadd.f32 v19, v11  }
0x288: {  	v32 =	vld [tilespmem:s3+$0xCE10];
	v34 =	vadd.f32 v27, v11;
	v33 =	vadd.f32 v28, v11  }
0x289: {  	v29 =	vld [tilespmem:s3+$0xCE20];
	v25 =	vadd.f32 v9, v21;
	v24 =	vadd.f32 v10, v24  }
0x28a: {  	v30 =	vld [tilespmem:s3+$0xCE30];
	v21 =	vadd.f32 v13, v18;
	v19 =	vadd.f32 v14, v19  }
0x28b: {  	v6 =	vld [tilespmem:s3+$0xCEC0];
	v9 =	vadd.f32 v22, v11;
	v10 =	vadd.f32 v26, v11  }
0x28c: {  	v5 =	vld [tilespmem:s3+$0xCED0];
	v18 =	vimm.f32 $0.0e+00;
	v14 =	vimm.f32 $0.0e+00;
	v13 =	vimm.f32 $0.0e+00  }
0x28d: {  	v27 =	vld [tilespmem:s3+$0xCE40];
	v26 =	vadd.f32 v16, v9;
	v22 =	vadd.f32 v17, v10;
	v17 =	vimm.f32 $0.0e+00  }
0x28e: {  	s12 =	simm.s32 $0x100;
	v28 =	vld [tilespmem:s3+$0xCE50];
	v16 =	vimm.f32 $0.0e+00;
	v10 =	vimm.f32 $0.0e+00;
	v9 =	vimm.f32 $0.0e+00  }
.LBB2_7:
0x28f: {  	p0 =	sne.s32 s12, $0x6300;
	v35 =	vld [tilespmem:s3+$0xCE60];
	v34 =	vadd.f32 v23, v34;
	v33 =	vadd.f32 v20, v33  }
0x290: {  	v11 =	vadd.f32 v31, v11;
	v18 =	vadd.f32 v32, v18;
	s9 =	sadd.s32 $0x200, s9;
	v20 =	vld [tilespmem:s3+$0xCE70]  }
0x291: {  	s13 =	sand.u32 $0x300, s12;
	s8 =	sand.u32 $0xF800, s9;
	v17 =	vadd.f32 v29, v17;
	v16 =	vadd.f32 v30, v16;
	v23 =	vld [tilespmem:s3+$0xCEE0]  }
0x292: {  	v11 =	vadd.f32 v15, v11;
	v18 =	vadd.f32 v12, v18;
	v12 =	vld [tilespmem:s3+$0xCEF0];
	s3 =	sor.u32 s13, s8  }
0x293: {  	v17 =	vadd.f32 v8, v17;
	v29 =	vld [tilespmem:s3+$0xCA80];
	v16 =	vadd.f32 v7, v16  }
0x294: {  	v7 =	vadd.f32 v27, v14;
	v8 =	vadd.f32 v28, v13;
	v30 =	vld [tilespmem:s3+$0xCA90]  }
0x295: {  	v10 =	vadd.f32 v35, v10;
	v27 =	vld [tilespmem:s3+$0xCAA0];
	v9 =	vadd.f32 v20, v9  }
0x296: {  	v14 =	vadd.f32 v6, v7;
	v13 =	vadd.f32 v5, v8;
	v28 =	vld [tilespmem:s3+$0xCAB0]  }
0x297: {  	v10 =	vadd.f32 v23, v10;
	v35 =	vld [tilespmem:s3+$0xCAC0];
	v9 =	vadd.f32 v12, v9  }
0x298: {  	v36 =	vld [tilespmem:s3+$0xCAD0]  }
0x299: {  	v23 =	vld [tilespmem:s3+$0xCAE0]  }
0x29a: {  	v20 =	vld [tilespmem:s3+$0xCAF0]  }
0x29b: {  	v15 =	vld [tilespmem:s3+$0xCE80]  }
0x29c: {  	v12 =	vld [tilespmem:s3+$0xCE90]  }
0x29d: {  	v8 =	vld [tilespmem:s3+$0xCEA0]  }
0x29e: {  	v7 =	vld [tilespmem:s3+$0xCEB0]  }
0x29f: {  	v6 =	vld [tilespmem:s3+$0xCEC0]  }
0x2a0: {  	v5 =	vld [tilespmem:s3+$0xCED0]  }
0x2a1: {  	v31 =	vld [tilespmem:s3+$0xCA00]  }
0x2a2: {  	v32 =	vld [tilespmem:s3+$0xCA10]  }
0x2a3: {  	v37 =	vld [tilespmem:s3+$0xCA20]  }
0x2a4: {  	v38 =	vld [tilespmem:s3+$0xCA30]  }
0x2a5: {  	v39 =	vld [tilespmem:s3+$0xCA40]  }
0x2a6: {  	v40 =	vld [tilespmem:s3+$0xCA50]  }
0x2a7: {  	v41 =	vld [tilespmem:s3+$0xCA60]  }
0x2a8: {  	v25 =	vadd.f32 v31, v25;
	v24 =	vadd.f32 v32, v24;
	v42 =	vld [tilespmem:s3+$0xCA70]  }
0x2a9: {  	v21 =	vadd.f32 v37, v21;
	v19 =	vadd.f32 v38, v19;
	v31 =	vld [tilespmem:s3+$0xCE00]  }
.Ltmp2:
0x2aa: {  	v25 =	vadd.f32 v29, v25;
	v24 =	vadd.f32 v30, v24;
	v32 =	vld [tilespmem:s3+$0xCE10];
	(pc) =	sbr.rel @p0 .LBB2_7-.Ltmp2, $4  }
0x2ab: {  	v21 =	vadd.f32 v27, v21;
	v29 =	vld [tilespmem:s3+$0xCE20];
	v19 =	vadd.f32 v28, v19  }
0x2ac: {  	v26 =	vadd.f32 v39, v26;
	v22 =	vadd.f32 v40, v22;
	v30 =	vld [tilespmem:s3+$0xCE30]  }
0x2ad: {  	v34 =	vadd.f32 v41, v34;
	v33 =	vadd.f32 v42, v33;
	v27 =	vld [tilespmem:s3+$0xCE40]  }
0x2ae: {  	s12 =	sadd.s32 $0x100, s12;
	v26 =	vadd.f32 v35, v26;
	v22 =	vadd.f32 v36, v22;
	v28 =	vld [tilespmem:s3+$0xCE50]  }
0x2af: {  	v35 =	vld [tilespmem:s3+$0xCE60]  }
0x2b0: {  	v36 =	vld [tilespmem:s3+$0xCE70]  }
0x2b1: {  	v37 =	vld [tilespmem:s3+$0xCEE0]  }
0x2b2: {  	v38 =	vld [tilespmem:s3+$0xCEF0];
	[tilespmem:$0x19280] =	vst v25  }
0x2b3: {  	[tilespmem:$0x19290] =	vst v24  }
0x2b4: {  	[tilespmem:$0x192A0] =	vst v21  }
0x2b5: {  	[tilespmem:$0x192B0] =	vst v19  }
0x2b6: {  	v39 =	vmul.f32 $4.999999890e-03, v25;
	[tilespmem:$0x192C0] =	vst v26  }
0x2b7: {  	v47 =	vmul.f32 $4.999999890e-03, v24;
	[tilespmem:$0x192D0] =	vst v22  }
0x2b8: {  	v48 =	vmul.f32 $4.999999890e-03, v21;
	[tilespmem:$0x19480] =	vst v39  }
0x2b9: {  	v49 =	vmul.f32 $4.999999890e-03, v19;
	[tilespmem:$0x19490] =	vst v47  }
0x2ba: {  	v51 =	vadd.f32 v23, v34;
	[tilespmem:$0x194A0] =	vst v48  }
0x2bb: {  	v20 =	vadd.f32 v20, v33;
	[tilespmem:$0x194B0] =	vst v49  }
0x2bc: {  	v50 =	vmul.f32 $4.999999890e-03, v26;
	[tilespmem:$0x192E0] =	vst v51  }
0x2bd: {  	v52 =	vmul.f32 $4.999999890e-03, v22;
	[tilespmem:$0x192F0] =	vst v20  }
0x2be: {  	v11 =	vadd.f32 v31, v11;
	v53 =	vmul.f32 $4.999999890e-03, v51;
	[tilespmem:$0x194C0] =	vst v50  }
0x2bf: {  	v18 =	vadd.f32 v32, v18;
	v54 =	vmul.f32 $4.999999890e-03, v20;
	[tilespmem:$0x194D0] =	vst v52  }
0x2c0: {  	v17 =	vadd.f32 v29, v17;
	v11 =	vadd.f32 v15, v11;
	[tilespmem:$0x194E0] =	vst v53  }
0x2c1: {  	v12 =	vadd.f32 v12, v18;
	[tilespmem:$0x194F0] =	vst v54  }
0x2c2: {  	v8 =	vadd.f32 v8, v17;
	[tilespmem:$0x19380] =	vst v11  }
0x2c3: {  	v56 =	vadd.f32 v30, v16;
	v55 =	vmul.f32 $4.999999890e-03, v11;
	[tilespmem:$0x19390] =	vst v12  }
0x2c4: {  	v57 =	vmul.f32 $4.999999890e-03, v12;
	[tilespmem:$0x193A0] =	vst v8  }
0x2c5: {  	v58 =	vadd.f32 v27, v14;
	v7 =	vadd.f32 v7, v56;
	[tilespmem:$0x19580] =	vst v55  }
0x2c6: {  	v59 =	vmul.f32 $4.999999890e-03, v8;
	[tilespmem:$0x19590] =	vst v57  }
0x2c7: {  	v60 =	vadd.f32 v28, v13;
	v6 =	vadd.f32 v6, v58;
	[tilespmem:$0x193B0] =	vst v7  }
0x2c8: {  	v61 =	vmul.f32 $4.999999890e-03, v7;
	[tilespmem:$0x195A0] =	vst v59  }
0x2c9: {  	v7 =	vadd.f32 v35, v10;
	v5 =	vadd.f32 v5, v60;
	[tilespmem:$0x193C0] =	vst v6  }
0x2ca: {  	v62 =	vmul.f32 $4.999999890e-03, v6;
	[tilespmem:$0x195B0] =	vst v61  }
0x2cb: {  	v6 =	vadd.f32 v36, v9;
	v7 =	vadd.f32 v37, v7;
	v63 =	vmul.f32 $4.999999890e-03, v5;
	[tilespmem:$0x193D0] =	vst v5  }
0x2cc: {  	[tilespmem:$0x195C0] =	vst v62  }
0x2cd: {  	s0 =	sadd.s32 s7, s0;
	v5 =	vadd.f32 v38, v6;
	[tilespmem:$0x195D0] =	vst v63;
	v6 =	vmul.f32 $4.999999890e-03, v7  }
0x2ce: {  	s12 =	sshll.u32 s31, $0x5;
	s31 =	sadd.s32 $0x1, s31;
	s0 =	sshll.u32 s0, $0x5;
	[tilespmem:$0x193E0] =	vst v7  }
0x2cf: {  	s3 =	sand.u32 $0x60, s12;
	p0 =	sne.s32 s31, $0x30;
	s0 =	sand.u32 $0xFFFFF00, s0;
	[tilespmem:$0x195E0] =	vst v6;
	v6 =	vmul.f32 $4.999999890e-03, v5  }
.Ltmp3:
0x2d0: {  	s13 =	rddreg [dreg:$0x2];
	s0 =	sor.u32 s3, s0;
	[tilespmem:$0x193F0] =	vst v5;
	(pc) =	sbr.rel @p0 .LBB2_2-.Ltmp3, $4  }
0x2d1: {  	s15 =	rddreg [dreg:$0x3];
	s3 =	sadd.s32 s13, s0;
	[tilespmem:$0x195F0] =	vst v6  }
0x2d2: {  	[hbm4b:s3+s18] =	stream.strided.scatter [tilespmem:s26], [sflag:$0x5], $0x200, s25, s18, $0x38;
	[tilespmem:$0x1C600] =	vst v63  }
0x2d3: {  	s0 =	sadd.s32 s15, s0  }
0x2d4: {  	[hbm4b:s0+s18] =	stream.strided.scatter [tilespmem:s28], [sflag:$0x6], $0x200, s25, s18, $0x38;
	[tilespmem:$0x1C600] =	vst v63  }
0x2d5: {  	_ =	swait.ge [sflag:s29], $0x200  }
0x2d6: {  	[sflag:s29] =	ssyncset.done $0x0  }
0x2d7: {  	[sflag:s29] =	ssyncadd.s32 $0xFFFFFE00  }
0x2d8: {  	_ =	swait.ge [sflag:s30], $0x200  }
0x2d9: {  	s3 =	simm.s32 $0x19600;
	[sflag:s30] =	ssyncset.done $0x0  }
0x2da: {  	s15 =	simm.s32 $0x7;
	s0 =	rddreg [dreg:$0x8];
	[sflag:s30] =	ssyncadd.s32 $0xFFFFFE00  }
0x2db: {  	[hbm4b:s0+s5] =	stream.linear.scatter [tilespmem:s3], [sflag:$0x7], $0x3000, $0x38;
	[tilespmem:$0x1C600] =	vst v63  }
0x2dc: {  	_ =	swait.ge [sflag:s15], $0x3000  }
0x2dd: {  	s8 =	rddreg [dreg:$0xa]  }
0x2de: {  	s31 =	rddreg [dreg:$0x9];
	s8 =	sadd.s32 $0x1, s8  }
0x2df: {  	p0 =	sne.s32 s8, s31  }
.Ltmp4:
0x2e0: {  	_ = 	snop;
	(pc) =	sbr.rel @p0 .LBB2_1-.Ltmp4, $3  }
0x2e1: {  	_ =	sdelay $0x1  }
0x2e2: {  	[sflag:s15] =	ssyncset.done $0x0  }
0x2e3: {  	[sflag:s15] =	ssyncadd.s32 $0xFFFFD000  }
0x2e4: {  	_ =	sfence.sel $0x180000  }
0x2e5: {  	[bflag:$0x0] =	sbarrier.arrive $0xFFFF  }
0x2e6: {  	_ =	strace $0x90000047  }
0x2e7: {  	s0 =	stileid.u32;
	[bflag:$0x2] =	sbarrier.arrive $0xFFFF  }
0x2e8: {  	p0 =	sne.s32 s0, $0x0;
	s0 =	rddreg [dreg:$0x5]  }
0x2e9: {  	s0 =	sadd.s32 @!p0 $0x100000, s0  }
0x2ea: {  	[sflag:s0] =	ssyncadd.tile.s32 @!p0 $0x1;
	_ =	shalt  }
.Lfunc_end2:
_tile_overlayer_lowered:
.L_overlay_start_2:
0x2eb: {  	(tag) =	ssettag $0x2  }
0x2ec: {  	s0 =	rddreg [dreg:$0x0];
	s2 =	stileid.u32  }
0x2ed: {  	s1 =	rddreg [dreg:$0x1];
	p0 =	sne.s32 s2, $0x0  }
0x2ee: {  	s3 =	rddreg [dreg:$0x2];
	[bflag:$0x3] =	sbarrier.arrive $0xFFFF;
	s2 =	simm.s32 @!p0 $0x1C07  }
0x2ef: {  	[timem:s3], [sflag:s2] =	dma.local @!p0 [hbm:s0], s1  }
0x2f0: {  	s0 =	simm.s32 @!p0 $0x7  }
0x2f1: {  	_ =	swait.ge @!p0 [sflag:s0], s1  }
0x2f2: {  	s1 =	ssub.s32 @!p0 $0x0, s1;
	[sflag:s0] =	ssyncset.done @!p0 $0x0  }
0x2f3: {  	[sflag:s0] =	ssyncadd.s32 @!p0 s1  }
0x2f4: {  	[bflag:$0x3] =	sbarrier.arrive $0xFFFF  }
0x2f5: {  	_ =	shalt  }

// kernel: kernel.9.cloned.1.call-start
scs
__scs_entry_jumppad:
0x0: {  	(pc) =	sbr.rel $0x88, $3  }
0x1: {  	(tag) =	ssettag $0x0;
	lr =	simm.s32 $0x1  }
0x2: {  	[smem:$0x3F9F] =	sst lr;
	_ =	strace $0xD0000000  }
0x3: {  	_ = 	snop  }
0x4: {  	_ = 	snop  }
0x5: {  	_ = 	snop  }
0x6: {  	_ = 	snop  }
0x7: {  	_ = 	snop  }
__scs_overlays_trampoline_lowered:
0x8: {  	[smem:$0x3FAE] =	sst s0  }
0x9: {  	[smem:$0x3FAF] =	sst s1  }
0xa: {  	[smem:$0x3FB0] =	sst s2  }
0xb: {  	[smem:$0x3FB1] =	sst s3  }
0xc: {  	[smem:$0x3FB2] =	sst s4  }
0xd: {  	[smem:$0x3FB3] =	sst s5  }
0xe: {  	[smem:$0x3FB4] =	sst s6  }
0xf: {  	[smem:$0x3FB5] =	sst s7  }
0x10: {  	[smem:$0x3FB6] =	sst s8  }
0x11: {  	[smem:$0x3FB7] =	sst s9;
	s0 =	simm.s32 @!p0 $0x0  }
0x12: {  	s1 =	sld [smem:$0x3F9D];
	s0 =	simm.s32 @p0 $0x1  }
0x13: {  	[smem:$0x3FB8] =	sst s0;
	s0 =	simm.s32 @!p1 $0x0  }
0x14: {  	s2 =	sld [smem:$0x3F9C];
	s0 =	simm.s32 @p1 $0x1  }
0x15: {  	[smem:$0x3FB9] =	sst s0;
	s0 =	simm.s32 @!p2 $0x0  }
0x16: {  	s3 =	sld [smem:$0x3FDB];
	s0 =	simm.s32 @p2 $0x1  }
0x17: {  	s4 =	simm.s32 $0x1BF5;
	[smem:$0x3FBB] =	sst s0  }
0x18: {  	s0 =	sld [smem:$0x3F9E];
	_ =	swait.ge [sflag:s4], $0x0  }
0x19: {  	s7 =	sld [smem:$0x3F9F]  }
0x1a: {  	s8 =	sadd.s32 $0xFFFFE003, lr  }
0x1b: {  	s9 =	sadd.s32 $0xFFFFFEF7, lr;
	s5 =	simm.s32 $0xFFFFFFFF;
	p2 =	slt.u32 s8, $0xFFFFF086  }
0x1c: {  	p1 =	slt.u32 s9, $0xF7A;
	s5 =	simm.s32 @!p2 $0x0  }
0x1d: {  	s5 =	simm.s32 @p1 $0x1;
	p0 =	seq.s32 s7, s2  }
0x1e: {  	s7 =	smul.u32 @!p0 $0xF7A, s2;
	p2 =	seq.s32 @!p0 s5, $0x0  }
0x1f: {  	s9 =	smul.u32 $0xF7A, s1;
	s8 =	simm.s32 @!p0 $0x1BF5;
	p2 =	por !p2, p0  }
0x20: {  	[sflag:s8] =	ssyncset.s32 @!p0 $0xFFFFF086;
	s6 =	sadd.s32 @!p0 s3, s7;
	s7 =	simm.s32 @!p0 $0x108  }
0x21: {  	s3 =	sadd.s32 s3, s9;
	s6 =	sadd.s32 @!p0 $0x88, s6;
	s7 =	simm.s32 @p2 $0x1082  }
0x22: {  	[simem:s7], [sflag:s8] =	dma.local @!p0 [hbm:s6], $0xF7A  }
0x23: {  	s9 =	sor.u32 $0xD0000000, s2;
	s6 =	simm.s32 $0x108;
	_ =	swait.ge @!p0 [sflag:s8], $0x0  }
0x24: {  	s3 =	sadd.s32 $0x88, s3;
	s6 =	simm.s32 @!p1 $0x1082;
	[sflag:s4] =	ssyncset.s32 $0xFFFFF086  }
0x25: {  	[simem:s6], [sflag:s4] =	dma.local [hbm:s3], $0xF7A  }
0x26: {  	[smem:$0x3F9F] =	sst s1;
	(tag) =	ssettag s2;
	_ =	strace s9  }
0x27: {  	s1 =	sld [smem:$0x3FAF]  }
0x28: {  	s2 =	sld [smem:$0x3FB0]  }
0x29: {  	s4 =	sld [smem:$0x3FB2]  }
0x2a: {  	p0 =	seq.s32 s5, $0x0;
	s5 =	sld [smem:$0x3FB3]  }
0x2b: {  	s6 =	sld [smem:$0x3FB4]  }
0x2c: {  	s7 =	sld [smem:$0x3FB5]  }
0x2d: {  	s3 =	simm.s32 $0x108;
	s8 =	sld [smem:$0x3FB6]  }
0x2e: {  	s3 =	simm.s32 @!p0 $0x1082;
	s9 =	sld [smem:$0x3FB7]  }
0x2f: {  	lr =	sadd.s32 s0, s3;
	s0 =	sld [smem:$0x3FAE]  }
0x30: {  	s3 =	sld [smem:$0x3FB1]  }
0x31: {  	[smem:$0x3FBA] =	sst s10  }
0x32: {  	s10 =	sld [smem:$0x3FB8];
	_ =	sdelay $0x3  }
0x33: {  	p0 =	seq.s32 s10, $0x1;
	s10 =	sld [smem:$0x3FBA];
	_ =	sdelay $0x3  }
0x34: {  	[smem:$0x3FBA] =	sst s10  }
0x35: {  	s10 =	sld [smem:$0x3FB9];
	_ =	sdelay $0x3  }
0x36: {  	p1 =	seq.s32 s10, $0x1;
	s10 =	sld [smem:$0x3FBA];
	_ =	sdelay $0x3  }
0x37: {  	[smem:$0x3FBA] =	sst s10  }
0x38: {  	s10 =	sld [smem:$0x3FBB]  }
0x39: {  	_ = 	snop;
	(pc) =	sbr.ind lr, $3  }
0x3a: {  	_ = 	snop  }
0x3b: {  	_ = 	snop  }
0x3c: {  	p2 =	seq.s32 s10, $0x1;
	s10 =	sld [smem:$0x3FBA]  }
0x3d: {  	_ =	shalt  }
0x3e: {  	_ =	shalt  }
0x3f: {  	_ =	shalt  }
0x40: {  	_ =	shalt  }
0x41: {  	_ =	shalt  }
0x42: {  	_ =	shalt  }
0x43: {  	_ =	shalt  }
0x44: {  	_ =	shalt  }
0x45: {  	_ =	shalt  }
0x46: {  	_ =	shalt  }
0x47: {  	_ =	shalt  }
0x48: {  	_ =	shalt  }
0x49: {  	_ =	shalt  }
0x4a: {  	_ =	shalt  }
0x4b: {  	_ =	shalt  }
0x4c: {  	_ =	shalt  }
0x4d: {  	_ =	shalt  }
0x4e: {  	_ =	shalt  }
0x4f: {  	_ =	shalt  }
0x50: {  	_ =	shalt  }
0x51: {  	_ =	shalt  }
0x52: {  	_ =	shalt  }
0x53: {  	_ =	shalt  }
0x54: {  	_ =	shalt  }
0x55: {  	_ =	shalt  }
0x56: {  	_ =	shalt  }
0x57: {  	_ =	shalt  }
0x58: {  	_ =	shalt  }
0x59: {  	_ =	shalt  }
0x5a: {  	_ =	shalt  }
0x5b: {  	_ =	shalt  }
0x5c: {  	_ =	shalt  }
0x5d: {  	_ =	shalt  }
0x5e: {  	_ =	shalt  }
0x5f: {  	_ =	shalt  }
0x60: {  	_ =	shalt  }
0x61: {  	_ =	shalt  }
0x62: {  	_ =	shalt  }
0x63: {  	_ =	shalt  }
0x64: {  	_ =	shalt  }
0x65: {  	_ =	shalt  }
0x66: {  	_ =	shalt  }
0x67: {  	_ =	shalt  }
0x68: {  	_ =	shalt  }
0x69: {  	_ =	shalt  }
0x6a: {  	_ =	shalt  }
0x6b: {  	_ =	shalt  }
0x6c: {  	_ =	shalt  }
0x6d: {  	_ =	shalt  }
0x6e: {  	_ =	shalt  }
0x6f: {  	_ =	shalt  }
0x70: {  	_ =	shalt  }
0x71: {  	_ =	shalt  }
0x72: {  	_ =	shalt  }
0x73: {  	_ =	shalt  }
0x74: {  	_ =	shalt  }
0x75: {  	_ =	shalt  }
0x76: {  	_ =	shalt  }
0x77: {  	_ =	shalt  }
0x78: {  	_ =	shalt  }
0x79: {  	_ =	shalt  }
0x7a: {  	_ =	shalt  }
0x7b: {  	_ =	shalt  }
0x7c: {  	_ =	shalt  }
0x7d: {  	_ =	shalt  }
0x7e: {  	_ =	shalt  }
0x7f: {  	_ =	shalt  }
0x80: {  	_ =	shalt  }
0x81: {  	_ =	shalt  }
0x82: {  	_ =	shalt  }
0x83: {  	_ =	shalt  }
0x84: {  	_ =	shalt  }
0x85: {  	_ =	shalt  }
0x86: {  	_ =	shalt  }
0x87: {  	_ =	shalt  }
.Lfunc_end0:
.L_simem_size_0:
called_computation.1_lowered:
.L_overlay_start_0:
0x88: {  	s2 =	sld [smem:$0x3FD9]  }
0x89: {  	s3 =	sld [smem:$0x3FFE];
	_ =	sdelay $0x1  }
0x8a: {  	s1 =	srdreg.scid  }
0x8b: {  	s0 =	sand.u32 $0x1, s1  }
0x8c: {  	s15 =	sshll.u32 s0, $0xA;
	s2 =	sadd.s32 s3, s2  }
0x8d: {  	s2 =	sadd.s32 s2, s15  }
0x8e: {  	[smem:$0x3FC6] =	sst s2  }
0x8f: {  	_ = 	snop  }
0x90: {  	s16 =	sld [smem:$0x3FD0];
	_ =	sdelay $0x2  }
0x91: {  	s4 =	simm.s32 $0xB;
	s5 =	simm.s32 $0x10;
	s2 =	sld [smem:$0x3FC8]  }
0x92: {  	[smem:s5], [sflag:s4] =	dma.local [hbm:s16], $0x1  }
0x93: {  	_ =	swait.eq [sflag:s4], $0x1  }
0x94: {  	[sflag:s4] =	ssyncset.done $0x0  }
0x95: {  	[sflag:s4] =	ssyncadd.s32 $0xFFFFFFFF  }
0x96: {  	s17 =	sld [smem:$0x12];
	(tm) =	ssettm $0x1  }
0x97: {  	s18 =	sld [smem:$0x3FFB];
	_ =	sdelay $0x3  }
0x98: {  	_ =	strace s18  }
0x99: {  	s3 =	sld [smem:$0x3FFC];
	_ =	sdelay $0x3  }
0x9a: {  	_ =	strace s3  }
0x9b: {  	s3 =	sld [smem:$0x3FFD];
	_ =	sdelay $0x3  }
0x9c: {  	_ =	strace s3  }
0x9d: {  	_ =	strace $0x8FFFFFFF  }
0x9e: {  	s19 =	sld [smem:$0x3FDB];
	_ =	sdelay $0x1  }
0x9f: {  	s20 =	simm.s32 $_scs_section_size  }
0xa0: {  	s6 =	simm.s32 $_size__tile_overlayer_lowered;
	s7 =	simm.s32 $_tile_overlayer_lowered  }
0xa1: {  	s8 =	simm.s32 $0x1BFF;
	s21 =	sshll.u32 s7, $0x1;
	s5 =	sadd.s32 s20, s19  }
0xa2: {  	s22 =	simm.s32 $0x0;
	s6 =	sshll.u32 s6, $0x1;
	s7 =	sadd.s32 s21, s5  }
0xa3: {  	[timem:s22], [sflag:s8] =	dma.local [hbm:s7], s6  }
0xa4: {  	_ =	swait.ge [sflag:s8], s6  }
0xa5: {  	s6 =	ssub.s32 $0x0, s6;
	[sflag:s8] =	ssyncset.done $0x0  }
0xa6: {  	[sflag:s8] =	ssyncadd.s32 s6;
	_ =	sdelay $0x1  }
0xa7: {  	s23 =	simm.s32 $0x1B8B  }
0xa8: {  	_ =	swait.ge [sflag:s23], $0x1  }
0xa9: {  	[sflag:s23] =	ssyncset.done $0x0  }
0xaa: {  	[sflag:s23] =	ssyncadd.s32 $0xFFFFFFFF  }
0xab: {  	s6 =	sld [smem:$0x0]  }
0xac: {  	s7 =	sand.u32 $0xFFFFFFFE, s1  }
0xad: {  	p0 =	sne.s32 s1, s7  }
0xae: {  	s7 =	sshll.u32 @p0 s7, $0xE  }
0xaf: {  	s7 =	sadd.s32 @p0 $0x11B8D, s7;
	s8 =	sshll.u32 @p0 s6, $0x11  }
0xb0: {  	s7 =	sor.u32 @p0 s8, s7  }
0xb1: {  	[sflag:s7] =	ssyncadd.remote.s32 @p0 $0x1;
	_ =	sdelay $0x1  }
0xb2: {  	s7 =	simm.s32 @p0 $0x1B8D  }
0xb3: {  	_ =	swait.eq @p0 [sflag:s7], $0x1  }
0xb4: {  	[sflag:s7] =	ssyncadd.s32 @p0 $0xFFFFFFFF  }
0xb5: {  	s8 =	sshll.u32 @!p0 s1, $0xE  }
0xb6: {  	s8 =	sor.u32 @!p0 $0x4000, s8;
	s7 =	simm.s32 @!p0 $0x1B8D  }
0xb7: {  	s6 =	sshll.u32 @!p0 s6, $0x11;
	s8 =	sadd.s32 @!p0 $0x11B8D, s8;
	_ =	swait.eq @!p0 [sflag:s7], $0x1  }
0xb8: {  	s6 =	sor.u32 @!p0 s6, s8;
	[sflag:s7] =	ssyncadd.s32 @!p0 $0xFFFFFFFF  }
0xb9: {  	s25 =	simm.s32 $0x1B8E;
	s24 =	sld [smem:$0x3FFE];
	[sflag:s6] =	ssyncadd.remote.s32 @!p0 $0x1  }
0xba: {  	s26 =	simm.s32 $execute0_lowered;
	[smem:$0x3FD2] =	sst s25  }
0xbb: {  	s7 =	sshll.u32 s26, $0x1;
	_ =	strace $0x80000049;
	[dreg:$0x1] =	wrdreg $0xFFFFFFFF  }
0xbc: {  	s28 =	simm.s32 $_size_execute0_lowered;
	s5 =	sadd.s32 s5, s7;
	[dreg:$0x0] =	wrdreg $0x0  }
0xbd: {  	s7 =	sshll.u32 s28, $0x1;
	[dreg:$0x2] =	wrdreg s5  }
0xbe: {  	[dreg:$0x3] =	wrdreg s7  }
0xbf: {  	[dreg:$0x4] =	wrdreg $0xC0  }
0xc0: {  	_ =	task [dreg:s22], $0x5FFFF  }
0xc1: {  	[dreg:$0x1] =	wrdreg $0xFFFFFFFF  }
0xc2: {  	[dreg:$0x0] =	wrdreg $0x60  }
0xc3: {  	[dreg:$0x2] =	wrdreg s24  }
0xc4: {  	[dreg:$0x3] =	wrdreg s2  }
0xc5: {  	[dreg:$0x4] =	wrdreg s17  }
0xc6: {  	[dreg:$0x5] =	wrdreg $0xA  }
0xc7: {  	_ =	task.clear_ibuf [dreg:s22], $0x6FFFF;
	_ =	strace $0x90000049  }
0xc8: {  	s29 =	simm.s32 $0xA;
	_ =	strace $0x8000004B  }
0xc9: {  	_ =	swait.ge [sflag:s29], $0x1  }
0xca: {  	[sflag:s29] =	ssyncadd.s32 $0xFFFFFFFF  }
0xcb: {  	_ =	strace $0x9000004B  }
0xcc: {  	_ =	sfence  }
0xcd: {  	s30 =	sld [smem:$0x0];
	_ =	sdelay $0x2  }
0xce: {  	s31 =	sshll.u32 s1, $0xD;
	s1 =	sshrl.u32 s1, $0x2  }
0xcf: {  	s4 =	sand.u32 $0x4000, s31;
	s1 =	sadd.s32 s1, s30  }
0xd0: {  	s0 =	sor.u32 s4, s0;
	s1 =	sshll.u32 s1, $0x11  }
0xd1: {  	s0 =	sor.u32 s1, s0  }
0xd2: {  	s0 =	sadd.s32 $0x8F2B, s0  }
0xd3: {  	[sflag:s0] =	ssyncadd.remote.s32 $0x1  }
0xd4: {  	_ =	sfence.sel $0xFFFF  }
0xd5: {  	[dreg:$0x0] =	wrdreg $0xFFFFFFFF;
	(pc) =	sbr.abs _section_cstart, $3  }
0xd6: {  	[dreg:$0x1] =	wrdreg $0xFFFFFFFF  }
0xd7: {  	_ =	task.clear_ibuf [dreg:s22], $0x2FFFF;
	_ =	strace $0x9FFFFFFF  }
0xd8: {  	(tm) =	ssettm $0x7FFFFFFF  }
0xd9: {  	_ =	shalt  }
tec
execute0_lowered:
.L_overlay_start_1:
0x0: {  	(tag) =	ssettag $0x1  }
0x1: {  	s0 =	rddreg [dreg:$0x0]  }
0x2: {  	s1 =	rddreg [dreg:$0x1];
	s4 =	simm.s32 $0x0;
	s2 =	srdreg.scid  }
0x3: {  	s3 =	stileid.u32;
	s14 =	simm.s32 $0x3;
	s18 =	simm.s32 $0x100  }
0x4: {  	s19 =	simm.s32 $0x4;
	s17 =	simm.s32 $0x16200;
	s20 =	simm.s32 $0x17200  }
0x5: {  	s21 =	simm.s32 $0x17A00;
	s22 =	simm.s32 $0x18200;
	s23 =	simm.s32 $0x18A00  }
0x6: {  	s24 =	simm.s32 $0x1;
	s28 =	simm.s32 $0x19200;
	s29 =	simm.s32 $0x19400  }
0x7: {  	s30 =	simm.s32 $0x5;
	s31 =	simm.s32 $0x6;
	[smem:$0x7FF] =	sst s4  }
0x8: {  	s2 =	sand.u32 $0x1, s2;
	s3 =	sshll.u32 s3, $0x1;
	s5 =	sadd.s32 $0x15400, s0  }
0x9: {  	s6 =	sadd.s32 $0x1B800, s0;
	_ =	strace $0x8000004A;
	s3 =	sor.u32 s2, s3  }
0xa: {  	s2 =	ssub.s32 $0x2, s2;
	s7 =	sshll.u32 s3, $0x9;
	s8 =	smul.u32 $0x320, s3  }
0xb: {  	s9 =	sshrl.u32 s2, $0x1;
	s0 =	sadd.s32 s7, s0;
	s7 =	sshll.u32 s3, $0x5  }
0xc: {  	s2 =	ssub.s32 s2, s9;
	s25 =	sadd.s32 s5, s8;
	s10 =	sor.u32 $0x2, s7  }
0xd: {  	s11 =	sor.u32 $0x3, s7;
	s0 =	sadd.s32 $0x23800, s0;
	[dreg:$0x4] =	wrdreg s25  }
0xe: {  	v3 =	vlaneseq.u32;
	v2 =	vimm.f32 $0.0e+00;
	vm1 =	vcmask $0x1F00;
	s26 =	smax.u32 s2, $0x1;
	s8 =	simm.s32 $0x0;
	[dreg:$0x6] =	wrdreg s0  }
0xf: {  	vm0 =	vmmov $0xffff;
	v0 =	vand.u32 $0x7, v3;
	v1 =	vshrl.u32 v3, $0x3;
	s3 =	sadd.s32 $0x19, s25;
	[dreg:$0x7] =	wrdreg s26;
	s25 =	simm.s32 $0x2  }
0x10: {  	v3 =	vor.u32 $0x8, v3;
	v4 =	vsel vm1, $0x3F800000, v2;
	v1 =	vmul.u32 $0x8, v1;
	s26 =	simm.s32 $0x400;
	[dreg:$0x5] =	wrdreg s3;
	s3 =	simm.s32 $0x16A00  }
.LBB2_1:
0x11: {  	[dreg:$0x8] =	wrdreg s8  }
0x12: {  	s0 =	rddreg [dreg:$0x4]  }
0x13: {  	[tilespmem:s4], [sflag:$0x3] =	stream.linear.gather [hbm4b:s0+s4], $0xC8, $0x38;
	[tilespmem:$0x1A600] =	vst v63  }
0x14: {  	_ =	swait.ge [sflag:s14], $0xC8  }
0x15: {  	[sflag:s14] =	ssyncset.done $0x0  }
0x16: {  	[sflag:s14] =	ssyncadd.s32 $0xFFFFFF38  }
0x17: {  	v5 =	vld [tilespmem:$0x0];
	_ =	sdelay $0x4  }
0x18: {  	v6 =	vshll.u32 v5, $0x1  }
0x19: {  	v5 =	vand.u32 $0x7, v5;
	v6 =	vand.u32 $0xFFFFFFF0, v6  }
0x1a: {  	v5 =	vor.u32 v5, v6  }
0x1b: {  	v6 =	vperm.xlane v5, v0;
	_ =	sdelay $0x1  }
0x1c: {  	v5 =	vperm.xlane v5, v3;
	v6 =	vadd.s32 v1, v6;
	_ =	sdelay $0x1  }
0x1d: {  	v5 =	vadd.s32 v1, v5;
	_ =	sdelay $0x1  }
0x1e: {  	s9 =	simm.s32 $0x200  }
0x1f: {  	[tilespmem:s9], [sflag:$0x1] =	stream.indirect_vreg.gather [hbm4b:s1+s4], $0x80, v6, vm0, $0xb8;
	[tilespmem:$0x1A600] =	vst v63  }
0x20: {  	s12 =	simm.s32 $0xA00  }
0x21: {  	[tilespmem:s12], [sflag:$0x1] =	stream.indirect_vreg.gather [hbm4b:s1+s4], $0x80, v5, vm0, $0xb8;
	[tilespmem:$0x1A600] =	vst v63  }
0x22: {  	v5 =	vld [tilespmem:$0x10];
	_ =	sdelay $0x4  }
0x23: {  	v6 =	vshll.u32 v5, $0x1  }
0x24: {  	v5 =	vand.u32 $0x7, v5;
	v6 =	vand.u32 $0xFFFFFFF0, v6  }
0x25: {  	v5 =	vor.u32 v5, v6  }
0x26: {  	v6 =	vperm.xlane v5, v0;
	_ =	sdelay $0x1  }
0x27: {  	v5 =	vperm.xlane v5, v3;
	v6 =	vadd.s32 v1, v6;
	_ =	sdelay $0x1  }
0x28: {  	v5 =	vadd.s32 v1, v5;
	_ =	sdelay $0x1  }
0x29: {  	s13 =	simm.s32 $0x1200  }
0x2a: {  	[tilespmem:s13], [sflag:$0x1] =	stream.indirect_vreg.gather [hbm4b:s1+s4], $0x80, v6, vm0, $0xb8;
	[tilespmem:$0x1A600] =	vst v63  }
0x2b: {  	s15 =	simm.s32 $0x1A00  }
0x2c: {  	[tilespmem:s15], [sflag:$0x1] =	stream.indirect_vreg.gather [hbm4b:s1+s4], $0x80, v5, vm0, $0xb8;
	[tilespmem:$0x1A600] =	vst v63  }
0x2d: {  	v5 =	vld [tilespmem:$0x20];
	_ =	sdelay $0x4  }
0x2e: {  	v6 =	vshll.u32 v5, $0x1  }
0x2f: {  	v5 =	vand.u32 $0x7, v5;
	v6 =	vand.u32 $0xFFFFFFF0, v6  }
0x30: {  	v5 =	vor.u32 v5, v6  }
0x31: {  	v6 =	vperm.xlane v5, v0;
	_ =	sdelay $0x1  }
0x32: {  	v5 =	vperm.xlane v5, v3;
	v6 =	vadd.s32 v1, v6;
	_ =	sdelay $0x1  }
0x33: {  	v5 =	vadd.s32 v1, v5;
	_ =	sdelay $0x1  }
0x34: {  	s16 =	simm.s32 $0x2200  }
0x35: {  	[tilespmem:s16], [sflag:$0x1] =	stream.indirect_vreg.gather [hbm4b:s1+s4], $0x80, v6, vm0, $0xb8;
	[tilespmem:$0x1A600] =	vst v63  }
0x36: {  	s2 =	simm.s32 $0x2A00  }
0x37: {  	[tilespmem:s2], [sflag:$0x1] =	stream.indirect_vreg.gather [hbm4b:s1+s4], $0x80, v5, vm0, $0xb8;
	[tilespmem:$0x1A600] =	vst v63  }
0x38: {  	v5 =	vld [tilespmem:$0x30];
	_ =	sdelay $0x4  }
0x39: {  	v6 =	vshll.u32 v5, $0x1  }
0x3a: {  	v5 =	vand.u32 $0x7, v5;
	v6 =	vand.u32 $0xFFFFFFF0, v6  }
0x3b: {  	v5 =	vor.u32 v5, v6  }
0x3c: {  	v6 =	vperm.xlane v5, v0;
	_ =	sdelay $0x1  }
0x3d: {  	v5 =	vperm.xlane v5, v3;
	v6 =	vadd.s32 v1, v6;
	_ =	sdelay $0x1  }
0x3e: {  	v5 =	vadd.s32 v1, v5;
	_ =	sdelay $0x1  }
0x3f: {  	s8 =	simm.s32 $0x3200  }
0x40: {  	[tilespmem:s8], [sflag:$0x1] =	stream.indirect_vreg.gather [hbm4b:s1+s4], $0x80, v6, vm0, $0xb8;
	[tilespmem:$0x1A600] =	vst v63  }
0x41: {  	s9 =	simm.s32 $0x3A00  }
0x42: {  	[tilespmem:s9], [sflag:$0x1] =	stream.indirect_vreg.gather [hbm4b:s1+s4], $0x80, v5, vm0, $0xb8;
	[tilespmem:$0x1A600] =	vst v63  }
0x43: {  	v5 =	vld [tilespmem:$0x40];
	_ =	sdelay $0x4  }
0x44: {  	v6 =	vshll.u32 v5, $0x1  }
0x45: {  	v5 =	vand.u32 $0x7, v5;
	v6 =	vand.u32 $0xFFFFFFF0, v6  }
0x46: {  	v5 =	vor.u32 v5, v6  }
0x47: {  	v6 =	vperm.xlane v5, v0;
	_ =	sdelay $0x1  }
0x48: {  	v5 =	vperm.xlane v5, v3;
	v6 =	vadd.s32 v1, v6;
	_ =	sdelay $0x1  }
0x49: {  	v5 =	vadd.s32 v1, v5;
	_ =	sdelay $0x1  }
0x4a: {  	s12 =	simm.s32 $0x4200  }
0x4b: {  	[tilespmem:s12], [sflag:$0x1] =	stream.indirect_vreg.gather [hbm4b:s1+s4], $0x80, v6, vm0, $0xb8;
	[tilespmem:$0x1A600] =	vst v63  }
0x4c: {  	s13 =	simm.s32 $0x4A00  }
0x4d: {  	[tilespmem:s13], [sflag:$0x1] =	stream.indirect_vreg.gather [hbm4b:s1+s4], $0x80, v5, vm0, $0xb8;
	[tilespmem:$0x1A600] =	vst v63  }
0x4e: {  	v5 =	vld [tilespmem:$0x50];
	_ =	sdelay $0x4  }
0x4f: {  	v6 =	vshll.u32 v5, $0x1  }
0x50: {  	v5 =	vand.u32 $0x7, v5;
	v6 =	vand.u32 $0xFFFFFFF0, v6  }
0x51: {  	v5 =	vor.u32 v5, v6  }
0x52: {  	v6 =	vperm.xlane v5, v0;
	_ =	sdelay $0x1  }
0x53: {  	v5 =	vperm.xlane v5, v3;
	v6 =	vadd.s32 v1, v6;
	_ =	sdelay $0x1  }
0x54: {  	v5 =	vadd.s32 v1, v5;
	_ =	sdelay $0x1  }
0x55: {  	s15 =	simm.s32 $0x5200  }
0x56: {  	[tilespmem:s15], [sflag:$0x1] =	stream.indirect_vreg.gather [hbm4b:s1+s4], $0x80, v6, vm0, $0xb8;
	[tilespmem:$0x1A600] =	vst v63  }
0x57: {  	s16 =	simm.s32 $0x5A00  }
0x58: {  	[tilespmem:s16], [sflag:$0x1] =	stream.indirect_vreg.gather [hbm4b:s1+s4], $0x80, v5, vm0, $0xb8;
	[tilespmem:$0x1A600] =	vst v63  }
0x59: {  	v5 =	vld [tilespmem:$0x60];
	_ =	sdelay $0x4  }
0x5a: {  	v6 =	vshll.u32 v5, $0x1  }
0x5b: {  	v5 =	vand.u32 $0x7, v5;
	v6 =	vand.u32 $0xFFFFFFF0, v6  }
0x5c: {  	v5 =	vor.u32 v5, v6  }
0x5d: {  	v6 =	vperm.xlane v5, v0;
	_ =	sdelay $0x1  }
0x5e: {  	v5 =	vperm.xlane v5, v3;
	v6 =	vadd.s32 v1, v6;
	_ =	sdelay $0x1  }
0x5f: {  	v5 =	vadd.s32 v1, v5;
	_ =	sdelay $0x1  }
0x60: {  	s2 =	simm.s32 $0x6200  }
0x61: {  	[tilespmem:s2], [sflag:$0x1] =	stream.indirect_vreg.gather [hbm4b:s1+s4], $0x80, v6, vm0, $0xb8;
	[tilespmem:$0x1A600] =	vst v63  }
0x62: {  	s8 =	simm.s32 $0x6A00  }
0x63: {  	[tilespmem:s8], [sflag:$0x1] =	stream.indirect_vreg.gather [hbm4b:s1+s4], $0x80, v5, vm0, $0xb8;
	[tilespmem:$0x1A600] =	vst v63  }
0x64: {  	v5 =	vld [tilespmem:$0x70];
	_ =	sdelay $0x4  }
0x65: {  	v6 =	vshll.u32 v5, $0x1  }
0x66: {  	v5 =	vand.u32 $0x7, v5;
	v6 =	vand.u32 $0xFFFFFFF0, v6  }
0x67: {  	v5 =	vor.u32 v5, v6  }
0x68: {  	v6 =	vperm.xlane v5, v0;
	_ =	sdelay $0x1  }
0x69: {  	v5 =	vperm.xlane v5, v3;
	v6 =	vadd.s32 v1, v6;
	_ =	sdelay $0x1  }
0x6a: {  	v5 =	vadd.s32 v1, v5;
	_ =	sdelay $0x1  }
0x6b: {  	s9 =	simm.s32 $0x7200  }
0x6c: {  	[tilespmem:s9], [sflag:$0x1] =	stream.indirect_vreg.gather [hbm4b:s1+s4], $0x80, v6, vm0, $0xb8;
	[tilespmem:$0x1A600] =	vst v63  }
0x6d: {  	s12 =	simm.s32 $0x7A00  }
0x6e: {  	[tilespmem:s12], [sflag:$0x1] =	stream.indirect_vreg.gather [hbm4b:s1+s4], $0x80, v5, vm0, $0xb8;
	[tilespmem:$0x1A600] =	vst v63  }
0x6f: {  	v5 =	vld [tilespmem:$0x80];
	_ =	sdelay $0x4  }
0x70: {  	v6 =	vshll.u32 v5, $0x1  }
0x71: {  	v5 =	vand.u32 $0x7, v5;
	v6 =	vand.u32 $0xFFFFFFF0, v6  }
0x72: {  	v5 =	vor.u32 v5, v6  }
0x73: {  	v6 =	vperm.xlane v5, v0;
	_ =	sdelay $0x1  }
0x74: {  	v5 =	vperm.xlane v5, v3;
	v6 =	vadd.s32 v1, v6;
	_ =	sdelay $0x1  }
0x75: {  	v5 =	vadd.s32 v1, v5;
	_ =	sdelay $0x1  }
0x76: {  	s13 =	simm.s32 $0x8200  }
0x77: {  	[tilespmem:s13], [sflag:$0x1] =	stream.indirect_vreg.gather [hbm4b:s1+s4], $0x80, v6, vm0, $0xb8;
	[tilespmem:$0x1A600] =	vst v63  }
0x78: {  	s15 =	simm.s32 $0x8A00  }
0x79: {  	[tilespmem:s15], [sflag:$0x1] =	stream.indirect_vreg.gather [hbm4b:s1+s4], $0x80, v5, vm0, $0xb8;
	[tilespmem:$0x1A600] =	vst v63  }
0x7a: {  	v5 =	vld [tilespmem:$0x90];
	_ =	sdelay $0x4  }
0x7b: {  	v6 =	vshll.u32 v5, $0x1  }
0x7c: {  	v5 =	vand.u32 $0x7, v5;
	v6 =	vand.u32 $0xFFFFFFF0, v6  }
0x7d: {  	v5 =	vor.u32 v5, v6  }
0x7e: {  	v6 =	vperm.xlane v5, v0;
	_ =	sdelay $0x1  }
0x7f: {  	v5 =	vperm.xlane v5, v3;
	v6 =	vadd.s32 v1, v6;
	_ =	sdelay $0x1  }
0x80: {  	v5 =	vadd.s32 v1, v5;
	_ =	sdelay $0x1  }
0x81: {  	s16 =	simm.s32 $0x9200  }
0x82: {  	[tilespmem:s16], [sflag:$0x1] =	stream.indirect_vreg.gather [hbm4b:s1+s4], $0x80, v6, vm0, $0xb8;
	[tilespmem:$0x1A600] =	vst v63  }
0x83: {  	s2 =	simm.s32 $0x9A00  }
0x84: {  	[tilespmem:s2], [sflag:$0x1] =	stream.indirect_vreg.gather [hbm4b:s1+s4], $0x80, v5, vm0, $0xb8;
	[tilespmem:$0x1A600] =	vst v63  }
0x85: {  	v5 =	vld [tilespmem:$0xA0];
	_ =	sdelay $0x4  }
0x86: {  	v6 =	vshll.u32 v5, $0x1  }
0x87: {  	v5 =	vand.u32 $0x7, v5;
	v6 =	vand.u32 $0xFFFFFFF0, v6  }
0x88: {  	v5 =	vor.u32 v5, v6  }
0x89: {  	v6 =	vperm.xlane v5, v0;
	_ =	sdelay $0x1  }
0x8a: {  	v5 =	vperm.xlane v5, v3;
	v6 =	vadd.s32 v1, v6;
	_ =	sdelay $0x1  }
0x8b: {  	v5 =	vadd.s32 v1, v5;
	_ =	sdelay $0x1  }
0x8c: {  	s8 =	simm.s32 $0xA200  }
0x8d: {  	[tilespmem:s8], [sflag:$0x1] =	stream.indirect_vreg.gather [hbm4b:s1+s4], $0x80, v6, vm0, $0xb8;
	[tilespmem:$0x1A600] =	vst v63  }
0x8e: {  	s9 =	simm.s32 $0xAA00  }
0x8f: {  	[tilespmem:s9], [sflag:$0x1] =	stream.indirect_vreg.gather [hbm4b:s1+s4], $0x80, v5, vm0, $0xb8;
	[tilespmem:$0x1A600] =	vst v63  }
0x90: {  	v5 =	vld [tilespmem:$0xB0];
	_ =	sdelay $0x4  }
0x91: {  	v6 =	vshll.u32 v5, $0x1  }
0x92: {  	v5 =	vand.u32 $0x7, v5;
	v6 =	vand.u32 $0xFFFFFFF0, v6  }
0x93: {  	v5 =	vor.u32 v5, v6  }
0x94: {  	v6 =	vperm.xlane v5, v0;
	_ =	sdelay $0x1  }
0x95: {  	v5 =	vperm.xlane v5, v3;
	v6 =	vadd.s32 v1, v6;
	_ =	sdelay $0x1  }
0x96: {  	v5 =	vadd.s32 v1, v5;
	_ =	sdelay $0x1  }
0x97: {  	s12 =	simm.s32 $0xB200  }
0x98: {  	[tilespmem:s12], [sflag:$0x1] =	stream.indirect_vreg.gather [hbm4b:s1+s4], $0x80, v6, vm0, $0xb8;
	[tilespmem:$0x1A600] =	vst v63  }
0x99: {  	s13 =	simm.s32 $0xBA00  }
0x9a: {  	[tilespmem:s13], [sflag:$0x1] =	stream.indirect_vreg.gather [hbm4b:s1+s4], $0x80, v5, vm0, $0xb8;
	[tilespmem:$0x1A600] =	vst v63  }
0x9b: {  	v5 =	vld.msk [tilespmem:$0xC0], $0xff;
	_ =	sdelay $0x4  }
0x9c: {  	v6 =	vshll.u32 v5, $0x1  }
0x9d: {  	v5 =	vand.u32 $0x7, v5;
	v6 =	vand.u32 $0xFFFFFFF0, v6  }
0x9e: {  	v5 =	vor.u32 v5, v6  }
0x9f: {  	v5 =	vperm.xlane v5, v0;
	_ =	sdelay $0x1  }
0xa0: {  	v5 =	vadd.s32 v1, v5;
	_ =	sdelay $0x3  }
0xa1: {  	s15 =	simm.s32 $0xC200  }
0xa2: {  	[tilespmem:s15], [sflag:$0x1] =	stream.indirect_vreg.gather [hbm4b:s1+s4], $0x80, v5, vm0, $0xb8;
	[tilespmem:$0x1A600] =	vst v63  }
0xa3: {  	s0 =	simm.s32 $0x0;
	s16 =	rddreg [dreg:$0x5]  }
0xa4: {  	[tilespmem:s18], [sflag:$0x4] =	stream.linear.gather [hbm4b:s16+s4], $0xC8, $0x38;
	[tilespmem:$0x1A600] =	vst v63  }
.LBB2_2:
0xa5: {  	_ =	swait.ge [sflag:s19], $0xC8  }
0xa6: {  	[sflag:s19] =	ssyncset.done $0x0  }
0xa7: {  	[sflag:s19] =	ssyncadd.s32 $0xFFFFFF38  }
0xa8: {  	v5 =	vld [tilespmem:$0x100];
	_ =	sdelay $0x4  }
0xa9: {  	v6 =	vshll.u32 v5, $0x1  }
0xaa: {  	v5 =	vand.u32 $0x7, v5;
	v6 =	vand.u32 $0xFFFFFFF0, v6  }
0xab: {  	v5 =	vor.u32 v5, v6  }
0xac: {  	v6 =	vperm.xlane v5, v0;
	_ =	sdelay $0x1  }
0xad: {  	v5 =	vperm.xlane v5, v3;
	v6 =	vadd.s32 v1, v6;
	_ =	sdelay $0x1  }
0xae: {  	v5 =	vadd.s32 v1, v5;
	_ =	sdelay $0x1  }
0xaf: {  	s2 =	simm.s32 $0xCA00  }
0xb0: {  	[tilespmem:s2], [sflag:$0x2] =	stream.indirect_vreg.gather [hbm4b:s1+s4], $0x80, v6, vm0, $0xb8;
	[tilespmem:$0x1A600] =	vst v63  }
0xb1: {  	s15 =	simm.s32 $0xD200  }
0xb2: {  	[tilespmem:s15], [sflag:$0x2] =	stream.indirect_vreg.gather [hbm4b:s1+s4], $0x80, v5, vm0, $0xb8;
	[tilespmem:$0x1A600] =	vst v63  }
0xb3: {  	v5 =	vld [tilespmem:$0x110];
	_ =	sdelay $0x4  }
0xb4: {  	v6 =	vshll.u32 v5, $0x1  }
0xb5: {  	v5 =	vand.u32 $0x7, v5;
	v6 =	vand.u32 $0xFFFFFFF0, v6  }
0xb6: {  	v5 =	vor.u32 v5, v6  }
0xb7: {  	v6 =	vperm.xlane v5, v0;
	_ =	sdelay $0x1  }
0xb8: {  	v5 =	vperm.xlane v5, v3;
	v6 =	vadd.s32 v1, v6;
	_ =	sdelay $0x1  }
0xb9: {  	v5 =	vadd.s32 v1, v5;
	_ =	sdelay $0x1  }
0xba: {  	s16 =	simm.s32 $0xDA00  }
0xbb: {  	[tilespmem:s16], [sflag:$0x2] =	stream.indirect_vreg.gather [hbm4b:s1+s4], $0x80, v6, vm0, $0xb8;
	[tilespmem:$0x1A600] =	vst v63  }
0xbc: {  	s8 =	simm.s32 $0xE200  }
0xbd: {  	[tilespmem:s8], [sflag:$0x2] =	stream.indirect_vreg.gather [hbm4b:s1+s4], $0x80, v5, vm0, $0xb8;
	[tilespmem:$0x1A600] =	vst v63  }
0xbe: {  	v5 =	vld [tilespmem:$0x120];
	_ =	sdelay $0x4  }
0xbf: {  	v6 =	vshll.u32 v5, $0x1  }
0xc0: {  	v5 =	vand.u32 $0x7, v5;
	v6 =	vand.u32 $0xFFFFFFF0, v6  }
0xc1: {  	v5 =	vor.u32 v5, v6  }
0xc2: {  	v6 =	vperm.xlane v5, v0;
	_ =	sdelay $0x1  }
0xc3: {  	v5 =	vperm.xlane v5, v3;
	v6 =	vadd.s32 v1, v6;
	_ =	sdelay $0x1  }
0xc4: {  	v5 =	vadd.s32 v1, v5;
	_ =	sdelay $0x1  }
0xc5: {  	s9 =	simm.s32 $0xEA00  }
0xc6: {  	[tilespmem:s9], [sflag:$0x2] =	stream.indirect_vreg.gather [hbm4b:s1+s4], $0x80, v6, vm0, $0xb8;
	[tilespmem:$0x1A600] =	vst v63  }
0xc7: {  	s12 =	simm.s32 $0xF200  }
0xc8: {  	[tilespmem:s12], [sflag:$0x2] =	stream.indirect_vreg.gather [hbm4b:s1+s4], $0x80, v5, vm0, $0xb8;
	[tilespmem:$0x1A600] =	vst v63  }
0xc9: {  	v5 =	vld [tilespmem:$0x130];
	_ =	sdelay $0x4  }
0xca: {  	v6 =	vshll.u32 v5, $0x1  }
0xcb: {  	v5 =	vand.u32 $0x7, v5;
	v6 =	vand.u32 $0xFFFFFFF0, v6  }
0xcc: {  	v5 =	vor.u32 v5, v6  }
0xcd: {  	v6 =	vperm.xlane v5, v0;
	_ =	sdelay $0x1  }
0xce: {  	v5 =	vperm.xlane v5, v3;
	v6 =	vadd.s32 v1, v6;
	_ =	sdelay $0x1  }
0xcf: {  	v5 =	vadd.s32 v1, v5;
	_ =	sdelay $0x1  }
0xd0: {  	s13 =	simm.s32 $0xFA00  }
0xd1: {  	[tilespmem:s13], [sflag:$0x2] =	stream.indirect_vreg.gather [hbm4b:s1+s4], $0x80, v6, vm0, $0xb8;
	[tilespmem:$0x1A600] =	vst v63  }
0xd2: {  	s15 =	simm.s32 $0x10200  }
0xd3: {  	[tilespmem:s15], [sflag:$0x2] =	stream.indirect_vreg.gather [hbm4b:s1+s4], $0x80, v5, vm0, $0xb8;
	[tilespmem:$0x1A600] =	vst v63  }
0xd4: {  	v5 =	vld [tilespmem:$0x140];
	_ =	sdelay $0x4  }
0xd5: {  	v6 =	vshll.u32 v5, $0x1  }
0xd6: {  	v5 =	vand.u32 $0x7, v5;
	v6 =	vand.u32 $0xFFFFFFF0, v6  }
0xd7: {  	v5 =	vor.u32 v5, v6  }
0xd8: {  	v6 =	vperm.xlane v5, v0;
	_ =	sdelay $0x1  }
0xd9: {  	v5 =	vperm.xlane v5, v3;
	v6 =	vadd.s32 v1, v6;
	_ =	sdelay $0x1  }
0xda: {  	v5 =	vadd.s32 v1, v5;
	_ =	sdelay $0x1  }
0xdb: {  	s16 =	simm.s32 $0x10A00  }
0xdc: {  	[tilespmem:s16], [sflag:$0x2] =	stream.indirect_vreg.gather [hbm4b:s1+s4], $0x80, v6, vm0, $0xb8;
	[tilespmem:$0x1A600] =	vst v63  }
0xdd: {  	s8 =	simm.s32 $0x11200  }
0xde: {  	[tilespmem:s8], [sflag:$0x2] =	stream.indirect_vreg.gather [hbm4b:s1+s4], $0x80, v5, vm0, $0xb8;
	[tilespmem:$0x1A600] =	vst v63  }
0xdf: {  	v5 =	vld [tilespmem:$0x150];
	_ =	sdelay $0x4  }
0xe0: {  	v6 =	vshll.u32 v5, $0x1  }
0xe1: {  	v5 =	vand.u32 $0x7, v5;
	v6 =	vand.u32 $0xFFFFFFF0, v6  }
0xe2: {  	v5 =	vor.u32 v5, v6  }
0xe3: {  	v6 =	vperm.xlane v5, v0;
	_ =	sdelay $0x1  }
0xe4: {  	v5 =	vperm.xlane v5, v3;
	v6 =	vadd.s32 v1, v6;
	_ =	sdelay $0x1  }
0xe5: {  	v5 =	vadd.s32 v1, v5;
	_ =	sdelay $0x1  }
0xe6: {  	s9 =	simm.s32 $0x11A00  }
0xe7: {  	[tilespmem:s9], [sflag:$0x2] =	stream.indirect_vreg.gather [hbm4b:s1+s4], $0x80, v6, vm0, $0xb8;
	[tilespmem:$0x1A600] =	vst v63  }
0xe8: {  	s12 =	simm.s32 $0x12200  }
0xe9: {  	[tilespmem:s12], [sflag:$0x2] =	stream.indirect_vreg.gather [hbm4b:s1+s4], $0x80, v5, vm0, $0xb8;
	[tilespmem:$0x1A600] =	vst v63  }
0xea: {  	v5 =	vld [tilespmem:$0x160];
	_ =	sdelay $0x4  }
0xeb: {  	v6 =	vshll.u32 v5, $0x1  }
0xec: {  	v5 =	vand.u32 $0x7, v5;
	v6 =	vand.u32 $0xFFFFFFF0, v6  }
0xed: {  	v5 =	vor.u32 v5, v6  }
0xee: {  	v6 =	vperm.xlane v5, v0;
	_ =	sdelay $0x1  }
0xef: {  	v5 =	vperm.xlane v5, v3;
	v6 =	vadd.s32 v1, v6;
	_ =	sdelay $0x1  }
0xf0: {  	v5 =	vadd.s32 v1, v5;
	_ =	sdelay $0x1  }
0xf1: {  	s13 =	simm.s32 $0x12A00  }
0xf2: {  	[tilespmem:s13], [sflag:$0x2] =	stream.indirect_vreg.gather [hbm4b:s1+s4], $0x80, v6, vm0, $0xb8;
	[tilespmem:$0x1A600] =	vst v63  }
0xf3: {  	s15 =	simm.s32 $0x13200  }
0xf4: {  	[tilespmem:s15], [sflag:$0x2] =	stream.indirect_vreg.gather [hbm4b:s1+s4], $0x80, v5, vm0, $0xb8;
	[tilespmem:$0x1A600] =	vst v63  }
0xf5: {  	v5 =	vld [tilespmem:$0x170];
	_ =	sdelay $0x4  }
0xf6: {  	v6 =	vshll.u32 v5, $0x1  }
0xf7: {  	v5 =	vand.u32 $0x7, v5;
	v6 =	vand.u32 $0xFFFFFFF0, v6  }
0xf8: {  	v5 =	vor.u32 v5, v6  }
0xf9: {  	v6 =	vperm.xlane v5, v0;
	_ =	sdelay $0x1  }
0xfa: {  	v5 =	vperm.xlane v5, v3;
	v6 =	vadd.s32 v1, v6;
	_ =	sdelay $0x1  }
0xfb: {  	v5 =	vadd.s32 v1, v5;
	_ =	sdelay $0x1  }
0xfc: {  	s16 =	simm.s32 $0x13A00  }
0xfd: {  	[tilespmem:s16], [sflag:$0x2] =	stream.indirect_vreg.gather [hbm4b:s1+s4], $0x80, v6, vm0, $0xb8;
	[tilespmem:$0x1A600] =	vst v63  }
0xfe: {  	s8 =	simm.s32 $0x14200  }
0xff: {  	[tilespmem:s8], [sflag:$0x2] =	stream.indirect_vreg.gather [hbm4b:s1+s4], $0x80, v5, vm0, $0xb8;
	[tilespmem:$0x1A600] =	vst v63  }
0x100: {  	v5 =	vld [tilespmem:$0x180];
	_ =	sdelay $0x4  }
0x101: {  	v6 =	vshll.u32 v5, $0x1  }
0x102: {  	v5 =	vand.u32 $0x7, v5;
	v6 =	vand.u32 $0xFFFFFFF0, v6  }
0x103: {  	v5 =	vor.u32 v5, v6  }
0x104: {  	v6 =	vperm.xlane v5, v0;
	_ =	sdelay $0x1  }
0x105: {  	v5 =	vperm.xlane v5, v3;
	v6 =	vadd.s32 v1, v6;
	_ =	sdelay $0x1  }
0x106: {  	v5 =	vadd.s32 v1, v5;
	_ =	sdelay $0x1  }
0x107: {  	s9 =	simm.s32 $0x14A00  }
0x108: {  	[tilespmem:s9], [sflag:$0x2] =	stream.indirect_vreg.gather [hbm4b:s1+s4], $0x80, v6, vm0, $0xb8;
	[tilespmem:$0x1A600] =	vst v63  }
0x109: {  	s12 =	simm.s32 $0x15200  }
0x10a: {  	[tilespmem:s12], [sflag:$0x2] =	stream.indirect_vreg.gather [hbm4b:s1+s4], $0x80, v5, vm0, $0xb8;
	[tilespmem:$0x1A600] =	vst v63  }
0x10b: {  	v5 =	vld [tilespmem:$0x190];
	_ =	sdelay $0x4  }
0x10c: {  	v6 =	vshll.u32 v5, $0x1  }
0x10d: {  	v5 =	vand.u32 $0x7, v5;
	v6 =	vand.u32 $0xFFFFFFF0, v6  }
0x10e: {  	v5 =	vor.u32 v5, v6  }
0x10f: {  	v6 =	vperm.xlane v5, v0;
	_ =	sdelay $0x1  }
0x110: {  	v5 =	vperm.xlane v5, v3;
	v6 =	vadd.s32 v1, v6;
	_ =	sdelay $0x1  }
0x111: {  	v5 =	vadd.s32 v1, v5;
	_ =	sdelay $0x1  }
0x112: {  	s13 =	simm.s32 $0x15A00  }
0x113: {  	[tilespmem:s13], [sflag:$0x2] =	stream.indirect_vreg.gather [hbm4b:s1+s4], $0x80, v6, vm0, $0xb8;
	[tilespmem:$0x1A600] =	vst v63  }
0x114: {  	_ = 	snop  }
0x115: {  	[tilespmem:s17], [sflag:$0x2] =	stream.indirect_vreg.gather [hbm4b:s1+s4], $0x80, v5, vm0, $0xb8;
	[tilespmem:$0x1A600] =	vst v63  }
0x116: {  	v5 =	vld [tilespmem:$0x1A0];
	_ =	sdelay $0x4  }
0x117: {  	v6 =	vshll.u32 v5, $0x1  }
0x118: {  	v5 =	vand.u32 $0x7, v5;
	v6 =	vand.u32 $0xFFFFFFF0, v6  }
0x119: {  	v5 =	vor.u32 v5, v6  }
0x11a: {  	v6 =	vperm.xlane v5, v0;
	_ =	sdelay $0x1  }
0x11b: {  	v5 =	vperm.xlane v5, v3;
	v6 =	vadd.s32 v1, v6;
	_ =	sdelay $0x1  }
0x11c: {  	v5 =	vadd.s32 v1, v5;
	_ =	sdelay $0x2  }
0x11d: {  	[tilespmem:s3], [sflag:$0x2] =	stream.indirect_vreg.gather [hbm4b:s1+s4], $0x80, v6, vm0, $0xb8;
	[tilespmem:$0x1A600] =	vst v63  }
0x11e: {  	_ = 	snop  }
0x11f: {  	[tilespmem:s20], [sflag:$0x2] =	stream.indirect_vreg.gather [hbm4b:s1+s4], $0x80, v5, vm0, $0xb8;
	[tilespmem:$0x1A600] =	vst v63  }
0x120: {  	v5 =	vld [tilespmem:$0x1B0];
	_ =	sdelay $0x4  }
0x121: {  	v6 =	vshll.u32 v5, $0x1  }
0x122: {  	v5 =	vand.u32 $0x7, v5;
	v6 =	vand.u32 $0xFFFFFFF0, v6  }
0x123: {  	v5 =	vor.u32 v5, v6  }
0x124: {  	v6 =	vperm.xlane v5, v0;
	_ =	sdelay $0x1  }
0x125: {  	v5 =	vperm.xlane v5, v3;
	v6 =	vadd.s32 v1, v6;
	_ =	sdelay $0x1  }
0x126: {  	v5 =	vadd.s32 v1, v5;
	_ =	sdelay $0x2  }
0x127: {  	[tilespmem:s21], [sflag:$0x2] =	stream.indirect_vreg.gather [hbm4b:s1+s4], $0x80, v6, vm0, $0xb8;
	[tilespmem:$0x1A600] =	vst v63  }
0x128: {  	_ = 	snop  }
0x129: {  	[tilespmem:s22], [sflag:$0x2] =	stream.indirect_vreg.gather [hbm4b:s1+s4], $0x80, v5, vm0, $0xb8;
	[tilespmem:$0x1A600] =	vst v63  }
0x12a: {  	v5 =	vld.msk [tilespmem:$0x1C0], $0xff;
	_ =	sdelay $0x4  }
0x12b: {  	v6 =	vshll.u32 v5, $0x1  }
0x12c: {  	v5 =	vand.u32 $0x7, v5;
	v6 =	vand.u32 $0xFFFFFFF0, v6  }
0x12d: {  	v5 =	vor.u32 v5, v6  }
0x12e: {  	v5 =	vperm.xlane v5, v0;
	_ =	sdelay $0x1  }
0x12f: {  	v5 =	vadd.s32 v1, v5;
	_ =	sdelay $0x4  }
0x130: {  	[tilespmem:s23], [sflag:$0x2] =	stream.indirect_vreg.gather [hbm4b:s1+s4], $0x80, v5, vm0, $0xb8;
	[tilespmem:$0x1A600] =	vst v63  }
0x131: {  	_ =	swait.ge [sflag:s24], $0x8000  }
0x132: {  	[sflag:s24] =	ssyncset.done $0x0  }
0x133: {  	[sflag:s24] =	ssyncadd.s32 $0xFFFF8000  }
0x134: {  	_ =	swait.ge [sflag:s24], $0x4800  }
0x135: {  	[sflag:s24] =	ssyncset.done $0x0  }
0x136: {  	[sflag:s24] =	ssyncadd.s32 $0xFFFFB800  }
0x137: {  	v5 =	vld [tilespmem:$0x0]  }
0x138: {  	v6 =	vld [tilespmem:$0x10];
	_ =	sdelay $0x1  }
0x139: {  	v7 =	vld [tilespmem:$0x20];
	_ =	sdelay $0x1  }
0x13a: {  	v8 =	vld [tilespmem:$0x30]  }
0x13b: {  	vm1 =	veq.s32 v5, $0x0;
	vm2 =	veq.s32 v6, $0x0  }
0x13c: {  	v9 =	vld [tilespmem:$0x40];
	v5 =	vsel vm1, $0x3F800000, v2;
	v6 =	vsel vm2, $0x3F800000, v2  }
0x13d: {  	vm1 =	veq.s32 v7, $0x0;
	v5 =	vadd.f32 v6, v5  }
0x13e: {  	v7 =	vld [tilespmem:$0x50];
	v6 =	vsel vm1, $0x3F800000, v2  }
0x13f: {  	vm1 =	veq.s32 v8, $0x0;
	v5 =	vadd.f32 v6, v5  }
0x140: {  	v8 =	vld [tilespmem:$0x60];
	v6 =	vsel vm1, $0x3F800000, v2  }
0x141: {  	vm1 =	veq.s32 v9, $0x0;
	v5 =	vadd.f32 v6, v5  }
0x142: {  	v9 =	vld [tilespmem:$0x70];
	v6 =	vsel vm1, $0x3F800000, v2  }
0x143: {  	vm1 =	veq.s32 v7, $0x0;
	v5 =	vadd.f32 v6, v5  }
0x144: {  	v7 =	vld [tilespmem:$0x80];
	v6 =	vsel vm1, $0x3F800000, v2  }
0x145: {  	vm1 =	veq.s32 v8, $0x0;
	v5 =	vadd.f32 v6, v5  }
0x146: {  	v8 =	vld [tilespmem:$0x90];
	v6 =	vsel vm1, $0x3F800000, v2  }
0x147: {  	vm1 =	veq.s32 v9, $0x0;
	v5 =	vadd.f32 v6, v5  }
0x148: {  	v9 =	vld [tilespmem:$0xA0];
	v6 =	vsel vm1, $0x3F800000, v2  }
0x149: {  	vm1 =	veq.s32 v7, $0x0;
	v5 =	vadd.f32 v6, v5  }
0x14a: {  	v7 =	vld [tilespmem:$0xB0];
	v6 =	vsel vm1, $0x3F800000, v2  }
0x14b: {  	vm1 =	veq.s32 v8, $0x0;
	v5 =	vadd.f32 v6, v5  }
0x14c: {  	v8 =	vld [tilespmem:$0xC0];
	v6 =	vsel vm1, $0x3F800000, v2  }
0x14d: {  	vm1 =	veq.s32 v9, $0x0;
	v5 =	vadd.f32 v6, v5  }
0x14e: {  	v6 =	vsel vm1, $0x3F800000, v2  }
0x14f: {  	vm1 =	veq.s32 v7, $0x0;
	v5 =	vadd.f32 v6, v5  }
0x150: {  	v6 =	vsel vm1, $0x3F800000, v2  }
0x151: {  	p0 =	seq.s32 s0, $0xF;
	s2 =	sshll.u32 s0, $0x1;
	vm1 =	veq.s32 v8, $0x0;
	v5 =	vadd.f32 v6, v5  }
0x152: {  	s8 =	sadd.s32 @!p0 s2, s10;
	v6 =	vnsel vm1, $0x0, v4  }
0x153: {  	s8 =	smul.u32 @!p0 $0x19, s8;
	s9 =	sshll.u32 s0, $0x8;
	v5 =	vadd.f32 v6, v5  }
0x154: {  	p1 =	seq.s32 @!p0 s0, $0x0;
	s9 =	sand.u32 $0x3FFFFF00, s9  }
0x155: {  	p1 =	por p0, !p1;
	s8 =	sadd.s32 @!p0 s5, s8;
	s12 =	simm.s32 @!p0 $0x0;
	[tilespmem:s9+$0x19600] =	vst v5  }
0x156: {  	[tilespmem:s12], [sflag:$0x3] =	stream.linear.gather @!p0 [hbm4b:s8+s12], $0xC8, $0x38;
	[tilespmem:$0x1A600] =	vst v63  }
0x157: {  	_ =	swait.ge @p1 [sflag:s30], $0x200  }
0x158: {  	[sflag:s30] =	ssyncset.done @p1 $0x0  }
0x159: {  	[sflag:s30] =	ssyncadd.s32 @p1 $0xFFFFFE00  }
0x15a: {  	s13 =	simm.s32 $0x0;
	_ =	swait.ge @p1 [sflag:s31], $0x200  }
0x15b: {  	s15 =	sand.u32 $0xF800, s13;
	s16 =	sand.u32 $0x300, s13;
	[sflag:s31] =	ssyncset.done @p1 $0x0  }
0x15c: {  	s12 =	sor.u32 s16, s15;
	[sflag:s31] =	ssyncadd.s32 @p1 $0xFFFFFE00  }
0x15d: {  	v9 =	vld [tilespmem:s12+$0x280]  }
0x15e: {  	v10 =	vld [tilespmem:s12+$0x290]  }
0x15f: {  	v13 =	vld [tilespmem:s12+$0x2A0]  }
0x160: {  	v14 =	vld [tilespmem:s12+$0x2B0]  }
0x161: {  	v16 =	vld [tilespmem:s12+$0x2C0]  }
0x162: {  	v17 =	vld [tilespmem:s12+$0x2D0]  }
0x163: {  	v23 =	vld [tilespmem:s12+$0x2E0]  }
0x164: {  	v20 =	vld [tilespmem:s12+$0x2F0]  }
0x165: {  	v15 =	vld [tilespmem:s12+$0x680]  }
0x166: {  	v12 =	vld [tilespmem:s12+$0x690]  }
0x167: {  	v8 =	vld [tilespmem:s12+$0x6A0]  }
0x168: {  	v5 =	vld [tilespmem:s12+$0x200]  }
0x169: {  	v6 =	vld [tilespmem:s12+$0x210]  }
0x16a: {  	v18 =	vld [tilespmem:s12+$0x220]  }
0x16b: {  	v19 =	vld [tilespmem:s12+$0x230]  }
0x16c: {  	v27 =	vld [tilespmem:s12+$0x260]  }
0x16d: {  	v28 =	vld [tilespmem:s12+$0x270]  }
0x16e: {  	v7 =	vld [tilespmem:s12+$0x6B0]  }
0x16f: {  	v11 =	vimm.f32 $0.0e+00;
	v22 =	vld [tilespmem:s12+$0x240]  }
0x170: {  	v26 =	vld [tilespmem:s12+$0x250];
	v21 =	vadd.f32 v5, v11;
	v24 =	vadd.f32 v6, v11  }
0x171: {  	v31 =	vld [tilespmem:s12+$0x600];
	v18 =	vadd.f32 v18, v11;
	v19 =	vadd.f32 v19, v11  }
0x172: {  	v32 =	vld [tilespmem:s12+$0x610];
	v34 =	vadd.f32 v27, v11;
	v33 =	vadd.f32 v28, v11  }
0x173: {  	v29 =	vld [tilespmem:s12+$0x620];
	v25 =	vadd.f32 v9, v21;
	v24 =	vadd.f32 v10, v24  }
0x174: {  	v30 =	vld [tilespmem:s12+$0x630];
	v21 =	vadd.f32 v13, v18;
	v19 =	vadd.f32 v14, v19  }
0x175: {  	v6 =	vld [tilespmem:s12+$0x6C0];
	v9 =	vadd.f32 v22, v11;
	v10 =	vadd.f32 v26, v11  }
0x176: {  	v5 =	vld [tilespmem:s12+$0x6D0];
	v18 =	vimm.f32 $0.0e+00;
	v14 =	vimm.f32 $0.0e+00;
	v13 =	vimm.f32 $0.0e+00  }
0x177: {  	v27 =	vld [tilespmem:s12+$0x640];
	v26 =	vadd.f32 v16, v9;
	v22 =	vadd.f32 v17, v10;
	v17 =	vimm.f32 $0.0e+00  }
0x178: {  	s8 =	simm.s32 $0x100;
	v28 =	vld [tilespmem:s12+$0x650];
	v16 =	vimm.f32 $0.0e+00;
	v10 =	vimm.f32 $0.0e+00;
	v9 =	vimm.f32 $0.0e+00  }
.LBB2_3:
0x179: {  	p1 =	sne.s32 s8, $0x6300;
	v35 =	vld [tilespmem:s12+$0x660];
	v34 =	vadd.f32 v23, v34;
	v33 =	vadd.f32 v20, v33  }
0x17a: {  	v11 =	vadd.f32 v31, v11;
	v18 =	vadd.f32 v32, v18;
	s13 =	sadd.s32 $0x200, s13;
	v20 =	vld [tilespmem:s12+$0x670]  }
0x17b: {  	s16 =	sand.u32 $0x300, s8;
	s15 =	sand.u32 $0xF800, s13;
	v17 =	vadd.f32 v29, v17;
	v16 =	vadd.f32 v30, v16;
	v23 =	vld [tilespmem:s12+$0x6E0]  }
0x17c: {  	v11 =	vadd.f32 v15, v11;
	v18 =	vadd.f32 v12, v18;
	v12 =	vld [tilespmem:s12+$0x6F0];
	s12 =	sor.u32 s16, s15  }
0x17d: {  	v17 =	vadd.f32 v8, v17;
	v29 =	vld [tilespmem:s12+$0x280];
	v16 =	vadd.f32 v7, v16  }
0x17e: {  	v7 =	vadd.f32 v27, v14;
	v8 =	vadd.f32 v28, v13;
	v30 =	vld [tilespmem:s12+$0x290]  }
0x17f: {  	v10 =	vadd.f32 v35, v10;
	v27 =	vld [tilespmem:s12+$0x2A0];
	v9 =	vadd.f32 v20, v9  }
0x180: {  	v14 =	vadd.f32 v6, v7;
	v13 =	vadd.f32 v5, v8;
	v28 =	vld [tilespmem:s12+$0x2B0]  }
0x181: {  	v10 =	vadd.f32 v23, v10;
	v35 =	vld [tilespmem:s12+$0x2C0];
	v9 =	vadd.f32 v12, v9  }
0x182: {  	v36 =	vld [tilespmem:s12+$0x2D0]  }
0x183: {  	v23 =	vld [tilespmem:s12+$0x2E0]  }
0x184: {  	v20 =	vld [tilespmem:s12+$0x2F0]  }
0x185: {  	v15 =	vld [tilespmem:s12+$0x680]  }
0x186: {  	v12 =	vld [tilespmem:s12+$0x690]  }
0x187: {  	v8 =	vld [tilespmem:s12+$0x6A0]  }
0x188: {  	v7 =	vld [tilespmem:s12+$0x6B0]  }
0x189: {  	v6 =	vld [tilespmem:s12+$0x6C0]  }
0x18a: {  	v5 =	vld [tilespmem:s12+$0x6D0]  }
0x18b: {  	v31 =	vld [tilespmem:s12+$0x200]  }
0x18c: {  	v32 =	vld [tilespmem:s12+$0x210]  }
0x18d: {  	v37 =	vld [tilespmem:s12+$0x220]  }
0x18e: {  	v38 =	vld [tilespmem:s12+$0x230]  }
0x18f: {  	v39 =	vld [tilespmem:s12+$0x240]  }
0x190: {  	v40 =	vld [tilespmem:s12+$0x250]  }
0x191: {  	v41 =	vld [tilespmem:s12+$0x260]  }
0x192: {  	v25 =	vadd.f32 v31, v25;
	v24 =	vadd.f32 v32, v24;
	v42 =	vld [tilespmem:s12+$0x270]  }
0x193: {  	v21 =	vadd.f32 v37, v21;
	v19 =	vadd.f32 v38, v19;
	v31 =	vld [tilespmem:s12+$0x600]  }
.Ltmp0:
0x194: {  	v25 =	vadd.f32 v29, v25;
	v24 =	vadd.f32 v30, v24;
	v32 =	vld [tilespmem:s12+$0x610];
	(pc) =	sbr.rel @p1 .LBB2_3-.Ltmp0, $4  }
0x195: {  	v21 =	vadd.f32 v27, v21;
	v29 =	vld [tilespmem:s12+$0x620];
	v19 =	vadd.f32 v28, v19  }
0x196: {  	v26 =	vadd.f32 v39, v26;
	v22 =	vadd.f32 v40, v22;
	v30 =	vld [tilespmem:s12+$0x630]  }
0x197: {  	v34 =	vadd.f32 v41, v34;
	v33 =	vadd.f32 v42, v33;
	v27 =	vld [tilespmem:s12+$0x640]  }
0x198: {  	s8 =	sadd.s32 $0x100, s8;
	v26 =	vadd.f32 v35, v26;
	v22 =	vadd.f32 v36, v22;
	v28 =	vld [tilespmem:s12+$0x650]  }
0x199: {  	v35 =	vld [tilespmem:s12+$0x660]  }
0x19a: {  	v36 =	vld [tilespmem:s12+$0x670]  }
0x19b: {  	v37 =	vld [tilespmem:s12+$0x6E0]  }
0x19c: {  	v38 =	vld [tilespmem:s12+$0x6F0];
	[tilespmem:$0x19200] =	vst v25  }
0x19d: {  	[tilespmem:$0x19210] =	vst v24  }
0x19e: {  	[tilespmem:$0x19220] =	vst v21  }
0x19f: {  	[tilespmem:$0x19230] =	vst v19  }
0x1a0: {  	v39 =	vmul.f32 $4.999999890e-03, v25;
	[tilespmem:$0x19240] =	vst v26  }
0x1a1: {  	v47 =	vmul.f32 $4.999999890e-03, v24;
	[tilespmem:$0x19250] =	vst v22  }
0x1a2: {  	v48 =	vmul.f32 $4.999999890e-03, v21;
	[tilespmem:$0x19400] =	vst v39  }
0x1a3: {  	v49 =	vmul.f32 $4.999999890e-03, v19;
	[tilespmem:$0x19410] =	vst v47  }
0x1a4: {  	v51 =	vadd.f32 v23, v34;
	[tilespmem:$0x19420] =	vst v48  }
0x1a5: {  	v20 =	vadd.f32 v20, v33;
	[tilespmem:$0x19430] =	vst v49  }
0x1a6: {  	v50 =	vmul.f32 $4.999999890e-03, v26;
	[tilespmem:$0x19260] =	vst v51  }
0x1a7: {  	v52 =	vmul.f32 $4.999999890e-03, v22;
	[tilespmem:$0x19270] =	vst v20  }
0x1a8: {  	v11 =	vadd.f32 v31, v11;
	v53 =	vmul.f32 $4.999999890e-03, v51;
	[tilespmem:$0x19440] =	vst v50  }
0x1a9: {  	v18 =	vadd.f32 v32, v18;
	v54 =	vmul.f32 $4.999999890e-03, v20;
	[tilespmem:$0x19450] =	vst v52  }
0x1aa: {  	v17 =	vadd.f32 v29, v17;
	v11 =	vadd.f32 v15, v11;
	[tilespmem:$0x19460] =	vst v53  }
0x1ab: {  	v12 =	vadd.f32 v12, v18;
	[tilespmem:$0x19470] =	vst v54  }
0x1ac: {  	v8 =	vadd.f32 v8, v17;
	[tilespmem:$0x19300] =	vst v11  }
0x1ad: {  	v56 =	vadd.f32 v30, v16;
	v55 =	vmul.f32 $4.999999890e-03, v11;
	[tilespmem:$0x19310] =	vst v12  }
0x1ae: {  	v57 =	vmul.f32 $4.999999890e-03, v12;
	[tilespmem:$0x19320] =	vst v8  }
0x1af: {  	v58 =	vadd.f32 v27, v14;
	v7 =	vadd.f32 v7, v56;
	[tilespmem:$0x19500] =	vst v55  }
0x1b0: {  	v59 =	vmul.f32 $4.999999890e-03, v8;
	[tilespmem:$0x19510] =	vst v57  }
0x1b1: {  	v60 =	vadd.f32 v28, v13;
	v6 =	vadd.f32 v6, v58;
	[tilespmem:$0x19330] =	vst v7  }
0x1b2: {  	v61 =	vmul.f32 $4.999999890e-03, v7;
	[tilespmem:$0x19520] =	vst v59  }
0x1b3: {  	v7 =	vadd.f32 v35, v10;
	v5 =	vadd.f32 v5, v60;
	[tilespmem:$0x19340] =	vst v6  }
0x1b4: {  	v62 =	vmul.f32 $4.999999890e-03, v6;
	[tilespmem:$0x19530] =	vst v61  }
0x1b5: {  	v6 =	vadd.f32 v36, v9;
	v7 =	vadd.f32 v37, v7;
	v63 =	vmul.f32 $4.999999890e-03, v5;
	[tilespmem:$0x19350] =	vst v5  }
0x1b6: {  	[tilespmem:$0x19540] =	vst v62  }
.Ltmp1:
0x1b7: {  	v5 =	vadd.f32 v38, v6;
	[tilespmem:$0x19550] =	vst v63;
	v6 =	vmul.f32 $4.999999890e-03, v7;
	(pc) =	sbr.rel @p0 .LBB2_6-.Ltmp1, $4  }
0x1b8: {  	[tilespmem:$0x19360] =	vst v7  }
0x1b9: {  	[tilespmem:$0x19560] =	vst v6;
	v6 =	vmul.f32 $4.999999890e-03, v5  }
0x1ba: {  	[tilespmem:$0x19370] =	vst v5  }
0x1bb: {  	[tilespmem:$0x19570] =	vst v6  }
0x1bc: {  	_ =	swait.ge [sflag:s14], $0xC8  }
0x1bd: {  	[sflag:s14] =	ssyncset.done $0x0  }
0x1be: {  	[sflag:s14] =	ssyncadd.s32 $0xFFFFFF38  }
0x1bf: {  	v5 =	vld [tilespmem:$0x0];
	_ =	sdelay $0x4  }
0x1c0: {  	v6 =	vshll.u32 v5, $0x1  }
0x1c1: {  	v5 =	vand.u32 $0x7, v5;
	v6 =	vand.u32 $0xFFFFFFF0, v6  }
0x1c2: {  	v5 =	vor.u32 v5, v6  }
0x1c3: {  	v6 =	vperm.xlane v5, v0;
	_ =	sdelay $0x1  }
0x1c4: {  	v5 =	vperm.xlane v5, v3;
	v6 =	vadd.s32 v1, v6;
	_ =	sdelay $0x1  }
0x1c5: {  	v5 =	vadd.s32 v1, v5;
	_ =	sdelay $0x1  }
0x1c6: {  	s8 =	simm.s32 $0x200  }
0x1c7: {  	[tilespmem:s8], [sflag:$0x1] =	stream.indirect_vreg.gather [hbm4b:s1+s4], $0x80, v6, vm0, $0xb8;
	[tilespmem:$0x1A600] =	vst v63  }
0x1c8: {  	s12 =	simm.s32 $0xA00  }
0x1c9: {  	[tilespmem:s12], [sflag:$0x1] =	stream.indirect_vreg.gather [hbm4b:s1+s4], $0x80, v5, vm0, $0xb8;
	[tilespmem:$0x1A600] =	vst v63  }
0x1ca: {  	v5 =	vld [tilespmem:$0x10];
	_ =	sdelay $0x4  }
0x1cb: {  	v6 =	vshll.u32 v5, $0x1  }
0x1cc: {  	v5 =	vand.u32 $0x7, v5;
	v6 =	vand.u32 $0xFFFFFFF0, v6  }
0x1cd: {  	v5 =	vor.u32 v5, v6  }
0x1ce: {  	v6 =	vperm.xlane v5, v0;
	_ =	sdelay $0x1  }
0x1cf: {  	v5 =	vperm.xlane v5, v3;
	v6 =	vadd.s32 v1, v6;
	_ =	sdelay $0x1  }
0x1d0: {  	v5 =	vadd.s32 v1, v5;
	_ =	sdelay $0x1  }
0x1d1: {  	s13 =	simm.s32 $0x1200  }
0x1d2: {  	[tilespmem:s13], [sflag:$0x1] =	stream.indirect_vreg.gather [hbm4b:s1+s4], $0x80, v6, vm0, $0xb8;
	[tilespmem:$0x1A600] =	vst v63  }
0x1d3: {  	s15 =	simm.s32 $0x1A00  }
0x1d4: {  	[tilespmem:s15], [sflag:$0x1] =	stream.indirect_vreg.gather [hbm4b:s1+s4], $0x80, v5, vm0, $0xb8;
	[tilespmem:$0x1A600] =	vst v63  }
0x1d5: {  	v5 =	vld [tilespmem:$0x20];
	_ =	sdelay $0x4  }
0x1d6: {  	v6 =	vshll.u32 v5, $0x1  }
0x1d7: {  	v5 =	vand.u32 $0x7, v5;
	v6 =	vand.u32 $0xFFFFFFF0, v6  }
0x1d8: {  	v5 =	vor.u32 v5, v6  }
0x1d9: {  	v6 =	vperm.xlane v5, v0;
	_ =	sdelay $0x1  }
0x1da: {  	v5 =	vperm.xlane v5, v3;
	v6 =	vadd.s32 v1, v6;
	_ =	sdelay $0x1  }
0x1db: {  	v5 =	vadd.s32 v1, v5;
	_ =	sdelay $0x1  }
0x1dc: {  	s16 =	simm.s32 $0x2200  }
0x1dd: {  	[tilespmem:s16], [sflag:$0x1] =	stream.indirect_vreg.gather [hbm4b:s1+s4], $0x80, v6, vm0, $0xb8;
	[tilespmem:$0x1A600] =	vst v63  }
0x1de: {  	s12 =	simm.s32 $0x2A00  }
0x1df: {  	[tilespmem:s12], [sflag:$0x1] =	stream.indirect_vreg.gather [hbm4b:s1+s4], $0x80, v5, vm0, $0xb8;
	[tilespmem:$0x1A600] =	vst v63  }
0x1e0: {  	v5 =	vld [tilespmem:$0x30];
	_ =	sdelay $0x4  }
0x1e1: {  	v6 =	vshll.u32 v5, $0x1  }
0x1e2: {  	v5 =	vand.u32 $0x7, v5;
	v6 =	vand.u32 $0xFFFFFFF0, v6  }
0x1e3: {  	v5 =	vor.u32 v5, v6  }
0x1e4: {  	v6 =	vperm.xlane v5, v0;
	_ =	sdelay $0x1  }
0x1e5: {  	v5 =	vperm.xlane v5, v3;
	v6 =	vadd.s32 v1, v6;
	_ =	sdelay $0x1  }
0x1e6: {  	v5 =	vadd.s32 v1, v5;
	_ =	sdelay $0x1  }
0x1e7: {  	s13 =	simm.s32 $0x3200  }
0x1e8: {  	[tilespmem:s13], [sflag:$0x1] =	stream.indirect_vreg.gather [hbm4b:s1+s4], $0x80, v6, vm0, $0xb8;
	[tilespmem:$0x1A600] =	vst v63  }
0x1e9: {  	s15 =	simm.s32 $0x3A00  }
0x1ea: {  	[tilespmem:s15], [sflag:$0x1] =	stream.indirect_vreg.gather [hbm4b:s1+s4], $0x80, v5, vm0, $0xb8;
	[tilespmem:$0x1A600] =	vst v63  }
0x1eb: {  	v5 =	vld [tilespmem:$0x40];
	_ =	sdelay $0x4  }
0x1ec: {  	v6 =	vshll.u32 v5, $0x1  }
0x1ed: {  	v5 =	vand.u32 $0x7, v5;
	v6 =	vand.u32 $0xFFFFFFF0, v6  }
0x1ee: {  	v5 =	vor.u32 v5, v6  }
0x1ef: {  	v6 =	vperm.xlane v5, v0;
	_ =	sdelay $0x1  }
0x1f0: {  	v5 =	vperm.xlane v5, v3;
	v6 =	vadd.s32 v1, v6;
	_ =	sdelay $0x1  }
0x1f1: {  	v5 =	vadd.s32 v1, v5;
	_ =	sdelay $0x1  }
0x1f2: {  	s16 =	simm.s32 $0x4200  }
0x1f3: {  	[tilespmem:s16], [sflag:$0x1] =	stream.indirect_vreg.gather [hbm4b:s1+s4], $0x80, v6, vm0, $0xb8;
	[tilespmem:$0x1A600] =	vst v63  }
0x1f4: {  	s12 =	simm.s32 $0x4A00  }
0x1f5: {  	[tilespmem:s12], [sflag:$0x1] =	stream.indirect_vreg.gather [hbm4b:s1+s4], $0x80, v5, vm0, $0xb8;
	[tilespmem:$0x1A600] =	vst v63  }
0x1f6: {  	v5 =	vld [tilespmem:$0x50];
	_ =	sdelay $0x4  }
0x1f7: {  	v6 =	vshll.u32 v5, $0x1  }
0x1f8: {  	v5 =	vand.u32 $0x7, v5;
	v6 =	vand.u32 $0xFFFFFFF0, v6  }
0x1f9: {  	v5 =	vor.u32 v5, v6  }
0x1fa: {  	v6 =	vperm.xlane v5, v0;
	_ =	sdelay $0x1  }
0x1fb: {  	v5 =	vperm.xlane v5, v3;
	v6 =	vadd.s32 v1, v6;
	_ =	sdelay $0x1  }
0x1fc: {  	v5 =	vadd.s32 v1, v5;
	_ =	sdelay $0x1  }
0x1fd: {  	s13 =	simm.s32 $0x5200  }
0x1fe: {  	[tilespmem:s13], [sflag:$0x1] =	stream.indirect_vreg.gather [hbm4b:s1+s4], $0x80, v6, vm0, $0xb8;
	[tilespmem:$0x1A600] =	vst v63  }
0x1ff: {  	s15 =	simm.s32 $0x5A00  }
0x200: {  	[tilespmem:s15], [sflag:$0x1] =	stream.indirect_vreg.gather [hbm4b:s1+s4], $0x80, v5, vm0, $0xb8;
	[tilespmem:$0x1A600] =	vst v63  }
0x201: {  	v5 =	vld [tilespmem:$0x60];
	_ =	sdelay $0x4  }
0x202: {  	v6 =	vshll.u32 v5, $0x1  }
0x203: {  	v5 =	vand.u32 $0x7, v5;
	v6 =	vand.u32 $0xFFFFFFF0, v6  }
0x204: {  	v5 =	vor.u32 v5, v6  }
0x205: {  	v6 =	vperm.xlane v5, v0;
	_ =	sdelay $0x1  }
0x206: {  	v5 =	vperm.xlane v5, v3;
	v6 =	vadd.s32 v1, v6;
	_ =	sdelay $0x1  }
0x207: {  	v5 =	vadd.s32 v1, v5;
	_ =	sdelay $0x1  }
0x208: {  	s16 =	simm.s32 $0x6200  }
0x209: {  	[tilespmem:s16], [sflag:$0x1] =	stream.indirect_vreg.gather [hbm4b:s1+s4], $0x80, v6, vm0, $0xb8;
	[tilespmem:$0x1A600] =	vst v63  }
0x20a: {  	s12 =	simm.s32 $0x6A00  }
0x20b: {  	[tilespmem:s12], [sflag:$0x1] =	stream.indirect_vreg.gather [hbm4b:s1+s4], $0x80, v5, vm0, $0xb8;
	[tilespmem:$0x1A600] =	vst v63  }
0x20c: {  	v5 =	vld [tilespmem:$0x70];
	_ =	sdelay $0x4  }
0x20d: {  	v6 =	vshll.u32 v5, $0x1  }
0x20e: {  	v5 =	vand.u32 $0x7, v5;
	v6 =	vand.u32 $0xFFFFFFF0, v6  }
0x20f: {  	v5 =	vor.u32 v5, v6  }
0x210: {  	v6 =	vperm.xlane v5, v0;
	_ =	sdelay $0x1  }
0x211: {  	v5 =	vperm.xlane v5, v3;
	v6 =	vadd.s32 v1, v6;
	_ =	sdelay $0x1  }
0x212: {  	v5 =	vadd.s32 v1, v5;
	_ =	sdelay $0x1  }
0x213: {  	s13 =	simm.s32 $0x7200  }
0x214: {  	[tilespmem:s13], [sflag:$0x1] =	stream.indirect_vreg.gather [hbm4b:s1+s4], $0x80, v6, vm0, $0xb8;
	[tilespmem:$0x1A600] =	vst v63  }
0x215: {  	s15 =	simm.s32 $0x7A00  }
0x216: {  	[tilespmem:s15], [sflag:$0x1] =	stream.indirect_vreg.gather [hbm4b:s1+s4], $0x80, v5, vm0, $0xb8;
	[tilespmem:$0x1A600] =	vst v63  }
0x217: {  	v5 =	vld [tilespmem:$0x80];
	_ =	sdelay $0x4  }
0x218: {  	v6 =	vshll.u32 v5, $0x1  }
0x219: {  	v5 =	vand.u32 $0x7, v5;
	v6 =	vand.u32 $0xFFFFFFF0, v6  }
0x21a: {  	v5 =	vor.u32 v5, v6  }
0x21b: {  	v6 =	vperm.xlane v5, v0;
	_ =	sdelay $0x1  }
0x21c: {  	v5 =	vperm.xlane v5, v3;
	v6 =	vadd.s32 v1, v6;
	_ =	sdelay $0x1  }
0x21d: {  	v5 =	vadd.s32 v1, v5;
	_ =	sdelay $0x1  }
0x21e: {  	s16 =	simm.s32 $0x8200  }
0x21f: {  	[tilespmem:s16], [sflag:$0x1] =	stream.indirect_vreg.gather [hbm4b:s1+s4], $0x80, v6, vm0, $0xb8;
	[tilespmem:$0x1A600] =	vst v63  }
0x220: {  	s12 =	simm.s32 $0x8A00  }
0x221: {  	[tilespmem:s12], [sflag:$0x1] =	stream.indirect_vreg.gather [hbm4b:s1+s4], $0x80, v5, vm0, $0xb8;
	[tilespmem:$0x1A600] =	vst v63  }
0x222: {  	v5 =	vld [tilespmem:$0x90];
	_ =	sdelay $0x4  }
0x223: {  	v6 =	vshll.u32 v5, $0x1  }
0x224: {  	v5 =	vand.u32 $0x7, v5;
	v6 =	vand.u32 $0xFFFFFFF0, v6  }
0x225: {  	v5 =	vor.u32 v5, v6  }
0x226: {  	v6 =	vperm.xlane v5, v0;
	_ =	sdelay $0x1  }
0x227: {  	v5 =	vperm.xlane v5, v3;
	v6 =	vadd.s32 v1, v6;
	_ =	sdelay $0x1  }
0x228: {  	v5 =	vadd.s32 v1, v5;
	_ =	sdelay $0x1  }
0x229: {  	s13 =	simm.s32 $0x9200  }
0x22a: {  	[tilespmem:s13], [sflag:$0x1] =	stream.indirect_vreg.gather [hbm4b:s1+s4], $0x80, v6, vm0, $0xb8;
	[tilespmem:$0x1A600] =	vst v63  }
0x22b: {  	s15 =	simm.s32 $0x9A00  }
0x22c: {  	[tilespmem:s15], [sflag:$0x1] =	stream.indirect_vreg.gather [hbm4b:s1+s4], $0x80, v5, vm0, $0xb8;
	[tilespmem:$0x1A600] =	vst v63  }
0x22d: {  	v5 =	vld [tilespmem:$0xA0];
	_ =	sdelay $0x4  }
0x22e: {  	v6 =	vshll.u32 v5, $0x1  }
0x22f: {  	v5 =	vand.u32 $0x7, v5;
	v6 =	vand.u32 $0xFFFFFFF0, v6  }
0x230: {  	v5 =	vor.u32 v5, v6  }
0x231: {  	v6 =	vperm.xlane v5, v0;
	_ =	sdelay $0x1  }
0x232: {  	v5 =	vperm.xlane v5, v3;
	v6 =	vadd.s32 v1, v6;
	_ =	sdelay $0x1  }
0x233: {  	v5 =	vadd.s32 v1, v5;
	_ =	sdelay $0x1  }
0x234: {  	s16 =	simm.s32 $0xA200  }
0x235: {  	[tilespmem:s16], [sflag:$0x1] =	stream.indirect_vreg.gather [hbm4b:s1+s4], $0x80, v6, vm0, $0xb8;
	[tilespmem:$0x1A600] =	vst v63  }
0x236: {  	s12 =	simm.s32 $0xAA00  }
0x237: {  	[tilespmem:s12], [sflag:$0x1] =	stream.indirect_vreg.gather [hbm4b:s1+s4], $0x80, v5, vm0, $0xb8;
	[tilespmem:$0x1A600] =	vst v63  }
0x238: {  	v5 =	vld [tilespmem:$0xB0];
	_ =	sdelay $0x4  }
0x239: {  	v6 =	vshll.u32 v5, $0x1  }
0x23a: {  	v5 =	vand.u32 $0x7, v5;
	v6 =	vand.u32 $0xFFFFFFF0, v6  }
0x23b: {  	v5 =	vor.u32 v5, v6  }
0x23c: {  	v6 =	vperm.xlane v5, v0;
	_ =	sdelay $0x1  }
0x23d: {  	v5 =	vperm.xlane v5, v3;
	v6 =	vadd.s32 v1, v6;
	_ =	sdelay $0x1  }
0x23e: {  	v5 =	vadd.s32 v1, v5;
	_ =	sdelay $0x1  }
0x23f: {  	s13 =	simm.s32 $0xB200  }
0x240: {  	[tilespmem:s13], [sflag:$0x1] =	stream.indirect_vreg.gather [hbm4b:s1+s4], $0x80, v6, vm0, $0xb8;
	[tilespmem:$0x1A600] =	vst v63  }
0x241: {  	s15 =	simm.s32 $0xBA00  }
0x242: {  	[tilespmem:s15], [sflag:$0x1] =	stream.indirect_vreg.gather [hbm4b:s1+s4], $0x80, v5, vm0, $0xb8;
	[tilespmem:$0x1A600] =	vst v63  }
0x243: {  	v5 =	vld.msk [tilespmem:$0xC0], $0xff;
	_ =	sdelay $0x4  }
0x244: {  	v6 =	vshll.u32 v5, $0x1  }
0x245: {  	v5 =	vand.u32 $0x7, v5;
	v6 =	vand.u32 $0xFFFFFFF0, v6  }
0x246: {  	v5 =	vor.u32 v5, v6  }
0x247: {  	v5 =	vperm.xlane v5, v0;
	_ =	sdelay $0x1  }
0x248: {  	v5 =	vadd.s32 v1, v5;
	_ =	sdelay $0x3  }
0x249: {  	s16 =	simm.s32 $0xC200  }
0x24a: {  	[tilespmem:s16], [sflag:$0x1] =	stream.indirect_vreg.gather [hbm4b:s1+s4], $0x80, v5, vm0, $0xb8;
	[tilespmem:$0x1A600] =	vst v63  }
.LBB2_6:
0x24b: {  	_ =	swait.ge [sflag:s25], $0x8000  }
0x24c: {  	[sflag:s25] =	ssyncset.done $0x0  }
0x24d: {  	[sflag:s25] =	ssyncadd.s32 $0xFFFF8000  }
0x24e: {  	_ =	swait.ge [sflag:s25], $0x4800  }
0x24f: {  	[sflag:s25] =	ssyncset.done $0x0  }
0x250: {  	[sflag:s25] =	ssyncadd.s32 $0xFFFFB800  }
0x251: {  	v5 =	vld [tilespmem:$0x100]  }
0x252: {  	v6 =	vld [tilespmem:$0x110];
	_ =	sdelay $0x1  }
0x253: {  	v7 =	vld [tilespmem:$0x120];
	_ =	sdelay $0x1  }
0x254: {  	v8 =	vld [tilespmem:$0x130]  }
0x255: {  	vm1 =	veq.s32 v5, $0x0;
	vm2 =	veq.s32 v6, $0x0  }
0x256: {  	v9 =	vld [tilespmem:$0x140];
	v5 =	vsel vm1, $0x3F800000, v2;
	v6 =	vsel vm2, $0x3F800000, v2  }
0x257: {  	vm1 =	veq.s32 v7, $0x0;
	v5 =	vadd.f32 v6, v5  }
0x258: {  	v7 =	vld [tilespmem:$0x150];
	v6 =	vsel vm1, $0x3F800000, v2  }
0x259: {  	vm1 =	veq.s32 v8, $0x0;
	v5 =	vadd.f32 v6, v5  }
0x25a: {  	v8 =	vld [tilespmem:$0x160];
	v6 =	vsel vm1, $0x3F800000, v2  }
0x25b: {  	vm1 =	veq.s32 v9, $0x0;
	v5 =	vadd.f32 v6, v5  }
0x25c: {  	v9 =	vld [tilespmem:$0x170];
	v6 =	vsel vm1, $0x3F800000, v2  }
0x25d: {  	vm1 =	veq.s32 v7, $0x0;
	v5 =	vadd.f32 v6, v5  }
0x25e: {  	v7 =	vld [tilespmem:$0x180];
	v6 =	vsel vm1, $0x3F800000, v2  }
0x25f: {  	vm1 =	veq.s32 v8, $0x0;
	v5 =	vadd.f32 v6, v5  }
0x260: {  	v8 =	vld [tilespmem:$0x190];
	v6 =	vsel vm1, $0x3F800000, v2  }
0x261: {  	vm1 =	veq.s32 v9, $0x0;
	v5 =	vadd.f32 v6, v5  }
0x262: {  	v9 =	vld [tilespmem:$0x1A0];
	v6 =	vsel vm1, $0x3F800000, v2  }
0x263: {  	vm1 =	veq.s32 v7, $0x0;
	v5 =	vadd.f32 v6, v5  }
0x264: {  	v7 =	vld [tilespmem:$0x1B0];
	v6 =	vsel vm1, $0x3F800000, v2  }
0x265: {  	vm1 =	veq.s32 v8, $0x0;
	v5 =	vadd.f32 v6, v5  }
0x266: {  	v8 =	vld [tilespmem:$0x1C0];
	v6 =	vsel vm1, $0x3F800000, v2  }
0x267: {  	vm1 =	veq.s32 v9, $0x0;
	v5 =	vadd.f32 v6, v5  }
0x268: {  	v6 =	vsel vm1, $0x3F800000, v2  }
0x269: {  	vm1 =	veq.s32 v7, $0x0;
	v5 =	vadd.f32 v6, v5  }
0x26a: {  	v6 =	vsel vm1, $0x3F800000, v2  }
0x26b: {  	vm1 =	veq.s32 v8, $0x0;
	v5 =	vadd.f32 v6, v5  }
0x26c: {  	s8 =	sadd.s32 @!p0 s2, s11;
	v6 =	vnsel vm1, $0x0, v4  }
0x26d: {  	s8 =	smul.u32 @!p0 $0x19, s8;
	v5 =	vadd.f32 v6, v5;
	_ =	sdelay $0x1  }
0x26e: {  	s12 =	simm.s32 @!p0 $0x100;
	s8 =	sadd.s32 @!p0 s5, s8;
	[tilespmem:s9+$0x19680] =	vst v5;
	s9 =	simm.s32 @!p0 $0x0  }
0x26f: {  	[tilespmem:s12], [sflag:$0x4] =	stream.linear.gather @!p0 [hbm4b:s8+s9], $0xC8, $0x38;
	[tilespmem:$0x1A600] =	vst v63  }
0x270: {  	s12 =	simm.s32 $0x0  }
0x271: {  	s15 =	sand.u32 $0xF800, s12;
	s16 =	sand.u32 $0x300, s12  }
0x272: {  	s9 =	sor.u32 s16, s15  }
0x273: {  	v9 =	vld [tilespmem:s9+$0xCA80]  }
0x274: {  	v10 =	vld [tilespmem:s9+$0xCA90]  }
0x275: {  	v13 =	vld [tilespmem:s9+$0xCAA0]  }
0x276: {  	v14 =	vld [tilespmem:s9+$0xCAB0]  }
0x277: {  	v16 =	vld [tilespmem:s9+$0xCAC0]  }
0x278: {  	v17 =	vld [tilespmem:s9+$0xCAD0]  }
0x279: {  	v23 =	vld [tilespmem:s9+$0xCAE0]  }
0x27a: {  	v20 =	vld [tilespmem:s9+$0xCAF0]  }
0x27b: {  	v15 =	vld [tilespmem:s9+$0xCE80]  }
0x27c: {  	v12 =	vld [tilespmem:s9+$0xCE90]  }
0x27d: {  	v8 =	vld [tilespmem:s9+$0xCEA0]  }
0x27e: {  	v5 =	vld [tilespmem:s9+$0xCA00]  }
0x27f: {  	v6 =	vld [tilespmem:s9+$0xCA10]  }
0x280: {  	v18 =	vld [tilespmem:s9+$0xCA20]  }
0x281: {  	v19 =	vld [tilespmem:s9+$0xCA30]  }
0x282: {  	v27 =	vld [tilespmem:s9+$0xCA60]  }
0x283: {  	v28 =	vld [tilespmem:s9+$0xCA70]  }
0x284: {  	v7 =	vld [tilespmem:s9+$0xCEB0]  }
0x285: {  	v11 =	vimm.f32 $0.0e+00;
	v22 =	vld [tilespmem:s9+$0xCA40]  }
0x286: {  	v26 =	vld [tilespmem:s9+$0xCA50];
	v21 =	vadd.f32 v5, v11;
	v24 =	vadd.f32 v6, v11  }
0x287: {  	v31 =	vld [tilespmem:s9+$0xCE00];
	v18 =	vadd.f32 v18, v11;
	v19 =	vadd.f32 v19, v11  }
0x288: {  	v32 =	vld [tilespmem:s9+$0xCE10];
	v34 =	vadd.f32 v27, v11;
	v33 =	vadd.f32 v28, v11  }
0x289: {  	v29 =	vld [tilespmem:s9+$0xCE20];
	v25 =	vadd.f32 v9, v21;
	v24 =	vadd.f32 v10, v24  }
0x28a: {  	v30 =	vld [tilespmem:s9+$0xCE30];
	v21 =	vadd.f32 v13, v18;
	v19 =	vadd.f32 v14, v19  }
0x28b: {  	v6 =	vld [tilespmem:s9+$0xCEC0];
	v9 =	vadd.f32 v22, v11;
	v10 =	vadd.f32 v26, v11  }
0x28c: {  	v5 =	vld [tilespmem:s9+$0xCED0];
	v18 =	vimm.f32 $0.0e+00;
	v14 =	vimm.f32 $0.0e+00;
	v13 =	vimm.f32 $0.0e+00  }
0x28d: {  	v27 =	vld [tilespmem:s9+$0xCE40];
	v26 =	vadd.f32 v16, v9;
	v22 =	vadd.f32 v17, v10;
	v17 =	vimm.f32 $0.0e+00  }
0x28e: {  	s8 =	simm.s32 $0x100;
	v28 =	vld [tilespmem:s9+$0xCE50];
	v16 =	vimm.f32 $0.0e+00;
	v10 =	vimm.f32 $0.0e+00;
	v9 =	vimm.f32 $0.0e+00  }
.LBB2_7:
0x28f: {  	p0 =	sne.s32 s8, $0x6300;
	v35 =	vld [tilespmem:s9+$0xCE60];
	v34 =	vadd.f32 v23, v34;
	v33 =	vadd.f32 v20, v33  }
0x290: {  	v11 =	vadd.f32 v31, v11;
	v18 =	vadd.f32 v32, v18;
	s12 =	sadd.s32 $0x200, s12;
	v20 =	vld [tilespmem:s9+$0xCE70]  }
0x291: {  	s15 =	sand.u32 $0x300, s8;
	s13 =	sand.u32 $0xF800, s12;
	v17 =	vadd.f32 v29, v17;
	v16 =	vadd.f32 v30, v16;
	v23 =	vld [tilespmem:s9+$0xCEE0]  }
0x292: {  	v11 =	vadd.f32 v15, v11;
	v18 =	vadd.f32 v12, v18;
	v12 =	vld [tilespmem:s9+$0xCEF0];
	s9 =	sor.u32 s15, s13  }
0x293: {  	v17 =	vadd.f32 v8, v17;
	v29 =	vld [tilespmem:s9+$0xCA80];
	v16 =	vadd.f32 v7, v16  }
0x294: {  	v7 =	vadd.f32 v27, v14;
	v8 =	vadd.f32 v28, v13;
	v30 =	vld [tilespmem:s9+$0xCA90]  }
0x295: {  	v10 =	vadd.f32 v35, v10;
	v27 =	vld [tilespmem:s9+$0xCAA0];
	v9 =	vadd.f32 v20, v9  }
0x296: {  	v14 =	vadd.f32 v6, v7;
	v13 =	vadd.f32 v5, v8;
	v28 =	vld [tilespmem:s9+$0xCAB0]  }
0x297: {  	v10 =	vadd.f32 v23, v10;
	v35 =	vld [tilespmem:s9+$0xCAC0];
	v9 =	vadd.f32 v12, v9  }
0x298: {  	v36 =	vld [tilespmem:s9+$0xCAD0]  }
0x299: {  	v23 =	vld [tilespmem:s9+$0xCAE0]  }
0x29a: {  	v20 =	vld [tilespmem:s9+$0xCAF0]  }
0x29b: {  	v15 =	vld [tilespmem:s9+$0xCE80]  }
0x29c: {  	v12 =	vld [tilespmem:s9+$0xCE90]  }
0x29d: {  	v8 =	vld [tilespmem:s9+$0xCEA0]  }
0x29e: {  	v7 =	vld [tilespmem:s9+$0xCEB0]  }
0x29f: {  	v6 =	vld [tilespmem:s9+$0xCEC0]  }
0x2a0: {  	v5 =	vld [tilespmem:s9+$0xCED0]  }
0x2a1: {  	v31 =	vld [tilespmem:s9+$0xCA00]  }
0x2a2: {  	v32 =	vld [tilespmem:s9+$0xCA10]  }
0x2a3: {  	v37 =	vld [tilespmem:s9+$0xCA20]  }
0x2a4: {  	v38 =	vld [tilespmem:s9+$0xCA30]  }
0x2a5: {  	v39 =	vld [tilespmem:s9+$0xCA40]  }
0x2a6: {  	v40 =	vld [tilespmem:s9+$0xCA50]  }
0x2a7: {  	v41 =	vld [tilespmem:s9+$0xCA60]  }
0x2a8: {  	v25 =	vadd.f32 v31, v25;
	v24 =	vadd.f32 v32, v24;
	v42 =	vld [tilespmem:s9+$0xCA70]  }
0x2a9: {  	v21 =	vadd.f32 v37, v21;
	v19 =	vadd.f32 v38, v19;
	v31 =	vld [tilespmem:s9+$0xCE00]  }
.Ltmp2:
0x2aa: {  	v25 =	vadd.f32 v29, v25;
	v24 =	vadd.f32 v30, v24;
	v32 =	vld [tilespmem:s9+$0xCE10];
	(pc) =	sbr.rel @p0 .LBB2_7-.Ltmp2, $4  }
0x2ab: {  	v21 =	vadd.f32 v27, v21;
	v29 =	vld [tilespmem:s9+$0xCE20];
	v19 =	vadd.f32 v28, v19  }
0x2ac: {  	v26 =	vadd.f32 v39, v26;
	v22 =	vadd.f32 v40, v22;
	v30 =	vld [tilespmem:s9+$0xCE30]  }
0x2ad: {  	v34 =	vadd.f32 v41, v34;
	v33 =	vadd.f32 v42, v33;
	v27 =	vld [tilespmem:s9+$0xCE40]  }
0x2ae: {  	s8 =	sadd.s32 $0x100, s8;
	v26 =	vadd.f32 v35, v26;
	v22 =	vadd.f32 v36, v22;
	v28 =	vld [tilespmem:s9+$0xCE50]  }
0x2af: {  	v35 =	vld [tilespmem:s9+$0xCE60]  }
0x2b0: {  	v36 =	vld [tilespmem:s9+$0xCE70]  }
0x2b1: {  	v37 =	vld [tilespmem:s9+$0xCEE0]  }
0x2b2: {  	v38 =	vld [tilespmem:s9+$0xCEF0];
	[tilespmem:$0x19280] =	vst v25  }
0x2b3: {  	[tilespmem:$0x19290] =	vst v24  }
0x2b4: {  	[tilespmem:$0x192A0] =	vst v21  }
0x2b5: {  	[tilespmem:$0x192B0] =	vst v19  }
0x2b6: {  	v39 =	vmul.f32 $4.999999890e-03, v25;
	[tilespmem:$0x192C0] =	vst v26  }
0x2b7: {  	v47 =	vmul.f32 $4.999999890e-03, v24;
	[tilespmem:$0x192D0] =	vst v22  }
0x2b8: {  	v48 =	vmul.f32 $4.999999890e-03, v21;
	[tilespmem:$0x19480] =	vst v39  }
0x2b9: {  	v49 =	vmul.f32 $4.999999890e-03, v19;
	[tilespmem:$0x19490] =	vst v47  }
0x2ba: {  	v51 =	vadd.f32 v23, v34;
	[tilespmem:$0x194A0] =	vst v48  }
0x2bb: {  	v20 =	vadd.f32 v20, v33;
	[tilespmem:$0x194B0] =	vst v49  }
0x2bc: {  	v50 =	vmul.f32 $4.999999890e-03, v26;
	[tilespmem:$0x192E0] =	vst v51  }
0x2bd: {  	v52 =	vmul.f32 $4.999999890e-03, v22;
	[tilespmem:$0x192F0] =	vst v20  }
0x2be: {  	v11 =	vadd.f32 v31, v11;
	v53 =	vmul.f32 $4.999999890e-03, v51;
	[tilespmem:$0x194C0] =	vst v50  }
0x2bf: {  	v18 =	vadd.f32 v32, v18;
	v54 =	vmul.f32 $4.999999890e-03, v20;
	[tilespmem:$0x194D0] =	vst v52  }
0x2c0: {  	v17 =	vadd.f32 v29, v17;
	v11 =	vadd.f32 v15, v11;
	[tilespmem:$0x194E0] =	vst v53  }
0x2c1: {  	v12 =	vadd.f32 v12, v18;
	[tilespmem:$0x194F0] =	vst v54  }
0x2c2: {  	v8 =	vadd.f32 v8, v17;
	[tilespmem:$0x19380] =	vst v11  }
0x2c3: {  	v56 =	vadd.f32 v30, v16;
	v55 =	vmul.f32 $4.999999890e-03, v11;
	[tilespmem:$0x19390] =	vst v12  }
0x2c4: {  	v57 =	vmul.f32 $4.999999890e-03, v12;
	[tilespmem:$0x193A0] =	vst v8  }
0x2c5: {  	v58 =	vadd.f32 v27, v14;
	v7 =	vadd.f32 v7, v56;
	[tilespmem:$0x19580] =	vst v55  }
0x2c6: {  	v59 =	vmul.f32 $4.999999890e-03, v8;
	[tilespmem:$0x19590] =	vst v57  }
0x2c7: {  	v60 =	vadd.f32 v28, v13;
	v6 =	vadd.f32 v6, v58;
	[tilespmem:$0x193B0] =	vst v7  }
0x2c8: {  	v61 =	vmul.f32 $4.999999890e-03, v7;
	[tilespmem:$0x195A0] =	vst v59  }
0x2c9: {  	v7 =	vadd.f32 v35, v10;
	v5 =	vadd.f32 v5, v60;
	[tilespmem:$0x193C0] =	vst v6  }
0x2ca: {  	v62 =	vmul.f32 $4.999999890e-03, v6;
	[tilespmem:$0x195B0] =	vst v61  }
0x2cb: {  	v6 =	vadd.f32 v36, v9;
	v7 =	vadd.f32 v37, v7;
	v63 =	vmul.f32 $4.999999890e-03, v5;
	[tilespmem:$0x193D0] =	vst v5  }
0x2cc: {  	[tilespmem:$0x195C0] =	vst v62  }
0x2cd: {  	s2 =	sadd.s32 s7, s2;
	v5 =	vadd.f32 v38, v6;
	[tilespmem:$0x195D0] =	vst v63;
	v6 =	vmul.f32 $4.999999890e-03, v7  }
0x2ce: {  	s8 =	sshll.u32 s0, $0x5;
	s0 =	sadd.s32 $0x1, s0;
	s2 =	sshll.u32 s2, $0x5;
	[tilespmem:$0x193E0] =	vst v7  }
0x2cf: {  	s8 =	sand.u32 $0x60, s8;
	p0 =	sne.s32 s0, $0x10;
	s2 =	sand.u32 $0xFFFFF00, s2;
	[tilespmem:$0x195E0] =	vst v6;
	v6 =	vmul.f32 $4.999999890e-03, v5  }
.Ltmp3:
0x2d0: {  	s16 =	rddreg [dreg:$0x2];
	s2 =	sor.u32 s8, s2;
	[tilespmem:$0x193F0] =	vst v5;
	(pc) =	sbr.rel @p0 .LBB2_2-.Ltmp3, $4  }
0x2d1: {  	s8 =	sadd.s32 s16, s2;
	[tilespmem:$0x195F0] =	vst v6  }
0x2d2: {  	[hbm4b:s8+s18] =	stream.strided.scatter [tilespmem:s28], [sflag:$0x5], $0x200, s26, s18, $0x38;
	[tilespmem:$0x1A600] =	vst v63  }
0x2d3: {  	s2 =	sadd.s32 s6, s2  }
0x2d4: {  	[hbm4b:s2+s18] =	stream.strided.scatter [tilespmem:s29], [sflag:$0x6], $0x200, s26, s18, $0x38;
	[tilespmem:$0x1A600] =	vst v63  }
0x2d5: {  	_ =	swait.ge [sflag:s30], $0x200  }
0x2d6: {  	[sflag:s30] =	ssyncset.done $0x0  }
0x2d7: {  	[sflag:s30] =	ssyncadd.s32 $0xFFFFFE00  }
0x2d8: {  	_ =	swait.ge [sflag:s31], $0x200  }
0x2d9: {  	s2 =	simm.s32 $0x19600;
	[sflag:s31] =	ssyncset.done $0x0  }
0x2da: {  	s15 =	simm.s32 $0x7;
	s0 =	rddreg [dreg:$0x6];
	[sflag:s31] =	ssyncadd.s32 $0xFFFFFE00  }
0x2db: {  	[hbm4b:s0+s4] =	stream.linear.scatter [tilespmem:s2], [sflag:$0x7], $0x1000, $0x38;
	[tilespmem:$0x1A600] =	vst v63  }
0x2dc: {  	_ =	swait.ge [sflag:s15], $0x1000  }
0x2dd: {  	s8 =	rddreg [dreg:$0x8]  }
0x2de: {  	s16 =	rddreg [dreg:$0x7];
	s8 =	sadd.s32 $0x1, s8  }
0x2df: {  	p0 =	sne.s32 s8, s16  }
.Ltmp4:
0x2e0: {  	_ = 	snop;
	(pc) =	sbr.rel @p0 .LBB2_1-.Ltmp4, $3  }
0x2e1: {  	_ =	sdelay $0x1  }
0x2e2: {  	[sflag:s15] =	ssyncset.done $0x0  }
0x2e3: {  	[sflag:s15] =	ssyncadd.s32 $0xFFFFF000  }
0x2e4: {  	_ =	sfence.sel $0x180000  }
0x2e5: {  	[bflag:$0x0] =	sbarrier.arrive $0xFFFF  }
0x2e6: {  	_ =	strace $0x9000004A  }
0x2e7: {  	s0 =	stileid.u32;
	[bflag:$0x2] =	sbarrier.arrive $0xFFFF  }
0x2e8: {  	p0 =	sne.s32 s0, $0x0;
	s0 =	rddreg [dreg:$0x3]  }
0x2e9: {  	s0 =	sadd.s32 @!p0 $0x100000, s0  }
0x2ea: {  	[sflag:s0] =	ssyncadd.tile.s32 @!p0 $0x1;
	_ =	shalt  }
.Lfunc_end2:
_tile_overlayer_lowered:
.L_overlay_start_2:
0x2eb: {  	(tag) =	ssettag $0x2  }
0x2ec: {  	s0 =	rddreg [dreg:$0x0];
	s2 =	stileid.u32  }
0x2ed: {  	s1 =	rddreg [dreg:$0x1];
	p0 =	sne.s32 s2, $0x0  }
0x2ee: {  	s3 =	rddreg [dreg:$0x2];
	[bflag:$0x3] =	sbarrier.arrive $0xFFFF;
	s2 =	simm.s32 @!p0 $0x1C07  }
0x2ef: {  	[timem:s3], [sflag:s2] =	dma.local @!p0 [hbm:s0], s1  }
0x2f0: {  	s0 =	simm.s32 @!p0 $0x7  }
0x2f1: {  	_ =	swait.ge @!p0 [sflag:s0], s1  }
0x2f2: {  	s1 =	ssub.s32 @!p0 $0x0, s1;
	[sflag:s0] =	ssyncset.done @!p0 $0x0  }
0x2f3: {  	[sflag:s0] =	ssyncadd.s32 @!p0 s1  }
0x2f4: {  	[bflag:$0x3] =	sbarrier.arrive $0xFFFF  }
0x2f5: {  	_ =	shalt  }

</sc_bundles>
